<compile_context>
chip_gen: v7x
topology: tpu7x:2x2x1
jax: 0.10.2.dev20260603
libtpu: 0.0.44.dev20260713+nightly
codegen_flags: <defaults>
</compile_context>

<pallas_src>
import dataclasses
import functools

import jax
import jax.numpy as jnp
from jax import lax
from jax.experimental import pallas as pl
from jax.experimental.pallas import tpu as pltpu
from jax.experimental.pallas import tpu_sc as plsc

_N = 10000
_E = 320000
_H = 128
_HEADS = 4
_C = 40
_EPS = 1e-5

_NACC = 10240
_NHALF = 5120
_HACC = 5248
_NQUART = 2560
_QACC = 2688
_NW = 32
_BLK = 128
_BPW = 81
_EPAD = _NW * _BLK * _BPW

_mesh = plsc.VectorSubcoreMesh(core_axis_name="c", subcore_axis_name="s")

_cp = pltpu.CompilerParams()
if "needs_layout_passes" in pltpu.CompilerParams.__dataclass_fields__:
    _cp = dataclasses.replace(_cp, needs_layout_passes=False)


def _worker_id():
    return lax.axis_index("s") * 2 + lax.axis_index("c")


def _zero_buf(buf):
    w = buf.shape[1]
    if buf.dtype == jnp.bfloat16:
        z = jnp.zeros((2, 16), jnp.bfloat16)

        @pl.loop(0, buf.shape[0] // 2)
        def _(rr):
            r2 = pl.multiple_of(rr * 2, 2)
            for c in range(w // 16):
                buf[pl.ds(r2, 2), pl.ds(c * 16, 16)] = z
    else:
        z = jnp.zeros((16,), jnp.float32)

        @pl.loop(0, buf.shape[0])
        def _(r):
            for c in range(w // 16):
                buf[r, pl.ds(c * 16, 16)] = z


def _init_acc(buf, acc, sid, rows):
    rpt = rows // 16

    @pl.loop(0, rpt // 8)
    def _(i):
        pltpu.sync_copy(buf.at[pl.ds(0, 8)], acc.at[pl.ds(sid * rpt + i * 8, 8)])


def _dump_acc(acc, buf, out_hbm, row0, sid, rows):
    rpt = rows // 16

    @pl.loop(0, rpt // 8)
    def _(i):
        off = sid * rpt + i * 8
        pltpu.sync_copy(acc.at[pl.ds(off, 8)], buf.at[pl.ds(0, 8)])
        pltpu.sync_copy(buf.at[pl.ds(0, 8)], out_hbm.at[pl.ds(row0 + off, 8)])


def _deg_body(dst_hbm, out_hbm, dstv, onesv, buf, acc, sems):
    cid = lax.axis_index("c")
    sid = lax.axis_index("s")
    wid = _worker_id()
    _zero_buf(buf)
    _init_acc(buf, acc, sid, _NACC)

    @pl.loop(0, _BLK)
    def _(r):
        onesv[r, pl.ds(0, 16)] = jnp.ones((16,), jnp.float32)

    plsc.subcore_barrier()

    @pl.loop(0, _BPW)
    def _(b):
        base = (wid * _BPW + b) * _BLK
        pltpu.sync_copy(dst_hbm.at[pl.ds(base, _BLK)], dstv)
        pltpu.async_copy(onesv, acc.at[dstv], sems, add=True).wait()

    plsc.subcore_barrier()
    _dump_acc(acc, buf, out_hbm, cid * _NACC, sid, _NACC)


def _deg_body_rev(dst_hbm, out_hbm, dstv, onesv, buf, acc, sems):
    cid = lax.axis_index("c")
    sid = lax.axis_index("s")
    wid = _worker_id()
    _zero_buf(buf)
    _init_acc(buf, acc, sid, _NACC)

    @pl.loop(0, _BLK)
    def _(r):
        onesv[r, pl.ds(0, 16)] = jnp.ones((16,), jnp.float32)

    plsc.subcore_barrier()

    @pl.loop(0, _BPW)
    def _(b):
        base = (wid * _BPW + (_BPW - 1 - b)) * _BLK
        pltpu.sync_copy(dst_hbm.at[pl.ds(base, _BLK)], dstv)
        pltpu.async_copy(onesv, acc.at[dstv], sems, add=True).wait()

    plsc.subcore_barrier()
    _dump_acc(acc, buf, out_hbm, cid * _NACC, sid, _NACC)


def _sc_degree(dst_pad, rev=False):
    k = pl.kernel(
        _deg_body_rev if rev else _deg_body,
        out_type=jax.ShapeDtypeStruct((2 * _NACC, 16), jnp.float32),
        mesh=_mesh,
        compiler_params=_cp,
        scratch_types=[
            pltpu.VMEM((_BLK,), jnp.int32),
            pltpu.VMEM((_BLK, 16), jnp.float32),
            pltpu.VMEM((_BLK, 16), jnp.float32),
            pltpu.VMEM_SHARED((_NACC, 16), jnp.float32),
            pltpu.SemaphoreType.DMA,
        ],
    )
    p = k(dst_pad)
    return p[:_N, 0] + p[_NACC:_NACC + _N, 0]


def _make_cagg_body(variant):
  def _cagg_body(table_hbm, src_hbm, dst_hbm, out_hbm,
                 srcv, dstv, rows, acc, semg, sems):
    cid = lax.axis_index("c")
    sid = lax.axis_index("s")
    for p in ((0, 1) if variant == 0 else (1, 0)):
          nbase = (2 * cid + p) * _NQUART
          _zero_buf(rows)
          _init_acc(rows, acc, sid, _QACC)
          plsc.subcore_barrier()

          @pl.loop(0, 2 * _BPW)
          def _(b):
              base = (sid * 2 * _BPW + b) * _BLK
              pltpu.sync_copy(src_hbm.at[pl.ds(base, _BLK)], srcv)
              pltpu.sync_copy(dst_hbm.at[pl.ds(base, _BLK)], dstv)

              @pl.loop(0, 8)
              def _(j):
                  d = dstv[pl.ds(j * 16, 16)]
                  local = d - nbase
                  ok = (local >= 0) & (local < _NQUART)
                  dstv[pl.ds(j * 16, 16)] = jnp.where(ok, local, _NQUART)

              pltpu.async_copy(table_hbm.at[srcv], rows, semg).wait()
              pltpu.async_copy(rows, acc.at[dstv], sems, add=True).wait()

          plsc.subcore_barrier()
          _dump_acc(acc, rows, out_hbm, (2 * cid + p) * _QACC, sid, _QACC)
          plsc.subcore_barrier()

  return _cagg_body


def _sc_seg_sum(table, src_pad, dst_pad, variant=0):
    k = pl.kernel(
        _make_cagg_body(variant),
        out_type=jax.ShapeDtypeStruct((4 * _QACC, _H), jnp.float32),
        mesh=_mesh,
        compiler_params=_cp,
        scratch_types=[
            pltpu.VMEM((_BLK,), jnp.int32),
            pltpu.VMEM((_BLK,), jnp.int32),
            pltpu.VMEM((_BLK, _H), jnp.float32),
            pltpu.VMEM_SHARED((_QACC, _H), jnp.float32),
            pltpu.SemaphoreType.DMA,
            pltpu.SemaphoreType.DMA,
        ],
    )
    p = k(table, src_pad, dst_pad)
    parts = [p[g * _QACC:g * _QACC + _NQUART] for g in range(4)]
    return jnp.concatenate(parts, axis=0)[:_N]


def _make_scat_body(variant):
  def _scat_body(msgs_hbm, dst_hbm, out_hbm, dstv, rows, acc, sems):
    cid = lax.axis_index("c")
    sid = lax.axis_index("s")
    wid = _worker_id()
    _zero_buf(rows)
    _init_acc(rows, acc, sid, _NACC)
    plsc.subcore_barrier()

    @pl.loop(0, _BPW)
    def _(b):
        bb = (_BPW - 1 - b) if variant else b
        base = (wid * _BPW + bb) * _BLK
        pltpu.sync_copy(dst_hbm.at[pl.ds(base, _BLK)], dstv)
        pltpu.sync_copy(msgs_hbm.at[pl.ds(base, _BLK)], rows)
        pltpu.async_copy(rows, acc.at[dstv], sems, add=True).wait()

    plsc.subcore_barrier()
    _dump_acc(acc, rows, out_hbm, cid * _NACC, sid, _NACC)

  return _scat_body


def _sc_scat_sum(msgs, dst_pad, variant=0):
    k = pl.kernel(
        _make_scat_body(variant),
        out_type=jax.ShapeDtypeStruct((2 * _NACC, _H), jnp.float32),
        mesh=_mesh,
        compiler_params=_cp,
        scratch_types=[
            pltpu.VMEM((_BLK,), jnp.int32),
            pltpu.VMEM((_BLK, _H), jnp.float32),
            pltpu.VMEM_SHARED((_NACC, _H), jnp.float32),
            pltpu.SemaphoreType.DMA,
        ],
    )
    p = k(msgs, dst_pad)
    return p[:_N] + p[_NACC:_NACC + _N]


def _den_body(exe_hbm, dst_hbm, out_hbm, dstv, exv, buf, acc, sems):
    cid = lax.axis_index("c")
    sid = lax.axis_index("s")
    wid = _worker_id()
    _zero_buf(buf)
    _init_acc(buf, acc, sid, _NACC)
    plsc.subcore_barrier()

    @pl.loop(0, _BPW)
    def _(b):
        base = (wid * _BPW + b) * _BLK
        pltpu.sync_copy(dst_hbm.at[pl.ds(base, _BLK)], dstv)
        pltpu.sync_copy(exe_hbm.at[pl.ds(base, _BLK)], exv)
        pltpu.async_copy(exv, acc.at[dstv], sems, add=True).wait()

    plsc.subcore_barrier()
    _dump_acc(acc, buf, out_hbm, cid * _NACC, sid, _NACC)


def _sc_den(exe, dst_pad):
    k = pl.kernel(
        _den_body,
        out_type=jax.ShapeDtypeStruct((2 * _NACC, 16), jnp.float32),
        mesh=_mesh,
        compiler_params=_cp,
        scratch_types=[
            pltpu.VMEM((_BLK,), jnp.int32),
            pltpu.VMEM((_BLK, 16), jnp.float32),
            pltpu.VMEM((_BLK, 16), jnp.float32),
            pltpu.VMEM_SHARED((_NACC, 16), jnp.float32),
            pltpu.SemaphoreType.DMA,
        ],
    )
    p = k(exe, dst_pad)
    return p[:_N, :_HEADS] + p[_NACC:_NACC + _N, :_HEADS]


def _ex_body(aS_hbm, aD_hbm, m_hbm, src_hbm, dst_hbm, exe_hbm, den_hbm,
             srcv, dstv, exv, s0, s1, s2, s3, d0, d1, d2, d3, mv, buf, acc,
             sems):
    cid = lax.axis_index("c")
    sid = lax.axis_index("s")
    wid = _worker_id()
    _zero_buf(buf)
    _init_acc(buf, acc, sid, _NACC)
    for h, (sv, dv) in enumerate(((s0, d0), (s1, d1), (s2, d2), (s3, d3))):
        pltpu.sync_copy(aS_hbm.at[h], sv)
        pltpu.sync_copy(aD_hbm.at[h], dv)
    pltpu.sync_copy(m_hbm, mv)
    plsc.subcore_barrier()
    iota16 = lax.iota(jnp.int32, 16)

    @pl.loop(0, _BPW)
    def _(b):
        base = (wid * _BPW + b) * _BLK
        pltpu.sync_copy(src_hbm.at[pl.ds(base, _BLK)], srcv)
        pltpu.sync_copy(dst_hbm.at[pl.ds(base, _BLK)], dstv)

        @pl.loop(0, 8)
        def _(j):
            src16 = srcv[pl.ds(j * 16, 16)]
            dst16 = dstv[pl.ds(j * 16, 16)]
            ridx = iota16 + j * 16
            for h, (sv, dv) in enumerate(((s0, d0), (s1, d1), (s2, d2), (s3, d3))):
                a = plsc.load_gather(sv, [src16]) + plsc.load_gather(dv, [dst16])
                e = jnp.where(a > 0.0, a, 0.2 * a)
                ex = jnp.exp(e - mv[h])
                plsc.store_scatter(exv, [ridx, jnp.full((16,), h, jnp.int32)], ex)

        pltpu.async_copy(exv, acc.at[dstv], sems, add=True).wait()
        pltpu.sync_copy(exv, exe_hbm.at[pl.ds(base, _BLK)])

    plsc.subcore_barrier()
    _dump_acc(acc, buf, den_hbm, cid * _NACC, sid, _NACC)


def _sc_gat_ex(aS, aD, m4x16, src_pad, dst_pad):
    k = pl.kernel(
        _ex_body,
        out_type=[
            jax.ShapeDtypeStruct((_EPAD, 16), jnp.float32),
            jax.ShapeDtypeStruct((2 * _NACC, 16), jnp.float32),
        ],
        mesh=_mesh,
        compiler_params=_cp,
        scratch_types=[
            pltpu.VMEM((_BLK,), jnp.int32),
            pltpu.VMEM((_BLK,), jnp.int32),
            pltpu.VMEM((_BLK, 16), jnp.float32),
            pltpu.VMEM((_NACC,), jnp.float32),
            pltpu.VMEM((_NACC,), jnp.float32),
            pltpu.VMEM((_NACC,), jnp.float32),
            pltpu.VMEM((_NACC,), jnp.float32),
            pltpu.VMEM((_NACC,), jnp.float32),
            pltpu.VMEM((_NACC,), jnp.float32),
            pltpu.VMEM((_NACC,), jnp.float32),
            pltpu.VMEM((_NACC,), jnp.float32),
            pltpu.VMEM((4, 16), jnp.float32),
            pltpu.VMEM((_BLK, 16), jnp.float32),
            pltpu.VMEM_SHARED((_NACC, 16), jnp.float32),
            pltpu.SemaphoreType.DMA,
        ],
    )
    exe, denp = k(aS, aD, m4x16, src_pad, dst_pad)
    den = denp[:_N, :_HEADS] + denp[_NACC:_NACC + _N, :_HEADS]
    return exe, den


def _gag_body(t0, t1, t2, t3, exe_hbm, src_hbm, dst_hbm, out_hbm,
              srcv, dstv, exv, rows, acc, semg, sems):
    cid = lax.axis_index("c")
    sid = lax.axis_index("s")
    wid = _worker_id()
    for t, tab in enumerate((t0, t1, t2, t3)):
        hidx = jnp.full((16,), t, jnp.int32)
        _zero_buf(rows)
        _init_acc(rows, acc, sid, _NACC)
        plsc.subcore_barrier()

        @pl.loop(0, _BPW)
        def _(b):
            base = (wid * _BPW + b) * _BLK
            pltpu.sync_copy(src_hbm.at[pl.ds(base, _BLK)], srcv)
            pltpu.sync_copy(dst_hbm.at[pl.ds(base, _BLK)], dstv)
            pltpu.sync_copy(exe_hbm.at[pl.ds(base, _BLK)], exv)
            pltpu.async_copy(tab.at[srcv], rows, semg).wait()

            @pl.loop(0, _BLK)
            def _(r):
                bc = exv[r].at[hidx].get(mode="promise_in_bounds")
                for c in range(8):
                    sl = pl.ds(c * 16, 16)
                    rows[r, sl] = rows[r, sl] * bc

            pltpu.async_copy(rows, acc.at[dstv], sems, add=True).wait()

        plsc.subcore_barrier()
        _dump_acc(acc, rows, out_hbm, (cid * 4 + t) * _NACC, sid, _NACC)
        plsc.subcore_barrier()


def _sc_gat_agg(hh, exe, src_pad, dst_pad):
    tabs = [hh[:, _H * t:_H * (t + 1)] for t in range(4)]
    k = pl.kernel(
        _gag_body,
        out_type=jax.ShapeDtypeStruct((8 * _NACC, _H), jnp.float32),
        mesh=_mesh,
        compiler_params=_cp,
        scratch_types=[
            pltpu.VMEM((_BLK,), jnp.int32),
            pltpu.VMEM((_BLK,), jnp.int32),
            pltpu.VMEM((_BLK, 16), jnp.float32),
            pltpu.VMEM((_BLK, _H), jnp.float32),
            pltpu.VMEM_SHARED((_NACC, _H), jnp.float32),
            pltpu.SemaphoreType.DMA,
            pltpu.SemaphoreType.DMA,
        ],
    )
    p = k(tabs[0], tabs[1], tabs[2], tabs[3], exe, src_pad, dst_pad)
    heads = []
    for h in range(_HEADS):
        lo = p[h * _NACC:h * _NACC + _N]
        hi = p[(4 + h) * _NACC:(4 + h) * _NACC + _N]
        heads.append(lo + hi)
    return jnp.concatenate(heads, axis=1)


def _final_head_body(x_ref, wl_ref, bl_ref, o_ref):
    logits = jnp.dot(x_ref[...], wl_ref[...], preferred_element_type=jnp.float32)
    logits = logits + bl_ref[...]
    m = jnp.max(logits, axis=1, keepdims=True)
    s = jnp.sum(jnp.exp(logits - m), axis=1, keepdims=True)
    o_ref[...] = logits - m - jnp.log(s)


def _final_head(x3, Wl, bl):
    nb = 10
    rows = _N // nb
    return pl.pallas_call(
        _final_head_body,
        grid=(nb,),
        in_specs=[
            pl.BlockSpec((rows, _H), lambda i: (i, 0)),
            pl.BlockSpec((_H, _C), lambda i: (0, 0)),
            pl.BlockSpec((1, _C), lambda i: (0, 0)),
        ],
        out_specs=pl.BlockSpec((rows, _C), lambda i: (i, 0)),
        out_shape=jax.ShapeDtypeStruct((_N, _C), jnp.float32),
    )(x3, Wl, bl.reshape(1, _C))


def kernel(x, W1, b1, g1, be1, Wg, asrc, adst, bg, W2, b2, g3, be3, Wl, bl, edge_index):
    n = _N
    loop = jnp.arange(n, dtype=edge_index.dtype)
    src = jnp.concatenate([edge_index[0], loop])
    dst = jnp.concatenate([edge_index[1], loop])
    npad = _EPAD - (_E + _N)
    src_pad = jnp.concatenate([src, jnp.zeros((npad,), src.dtype)]).astype(jnp.int32)
    dst_pad = jnp.concatenate([dst, jnp.full((npad,), _NACC - 1, dst.dtype)]).astype(jnp.int32)
    dst_pad_cl = jnp.minimum(dst_pad, _N - 1)

    def bn(v, gamma, beta):
        mu = v.mean(axis=0)
        var = v.var(axis=0)
        return (v - mu) / jnp.sqrt(var + _EPS) * gamma + beta

    deg = _sc_degree(dst_pad)
    dinv = lax.rsqrt(deg)

    h = x @ W1
    hs = h * dinv[:, None]
    msgs1 = jnp.take(hs, src_pad, axis=0)
    agg = _sc_scat_sum(msgs1, dst_pad, variant=0)
    x1 = jax.nn.relu(bn(agg * dinv[:, None] + b1, g1, be1))

    hh = x1 @ Wg
    hh3 = hh.reshape(n, _HEADS, _H)
    a_s = (hh3 * asrc[None, :, :]).sum(-1)
    a_d = (hh3 * adst[None, :, :]).sum(-1)
    m4 = jnp.max(a_s, axis=0) + jnp.max(a_d, axis=0)
    ea = jnp.take(a_s, src_pad, axis=0) + jnp.take(a_d, dst_pad_cl, axis=0)
    ex4 = jnp.exp(jnp.where(ea > 0.0, ea, 0.2 * ea) - m4[None, :])
    exe = jnp.pad(ex4, ((0, 0), (0, 12)))
    den = _sc_den(exe, dst_pad)
    recip = 1.0 / (den + 1e-16)
    gagg = _sc_gat_agg(hh, exe, src_pad, dst_pad)
    rec512 = jnp.repeat(recip, _H, axis=1)
    x2 = jax.nn.elu(gagg * rec512 + bg)

    h2 = x2 @ W2
    h2s = h2 * dinv[:, None]
    msgs2 = jnp.take(h2s, src_pad, axis=0)
    agg2 = _sc_scat_sum(msgs2, dst_pad, variant=1)
    x3 = jax.nn.relu(bn(agg2 * dinv[:, None] + b2, g3, be3)) + x1

    return _final_head(x3, Wl, bl)

# --- scband reference (transcript-rebuilt; emitter-appended) ---
"""Pipeline reference for scband-gcn1-22187801051340 (READ-ONLY COPY).

The authoritative reference and input builder live on the scoring server;
editing this copy changes nothing except your own understanding.
"""

import jax, jax.numpy as jnp
import numpy as np

N = 10000
E = 320000
D_IN = 128
H = 128
HEADS = 4
C = 40
EPS = 1e-5

def _add_self_loops(edge_index, n):
    loop = jnp.arange(n, dtype=edge_index.dtype)
    src = jnp.concatenate([edge_index[0], loop])
    dst = jnp.concatenate([edge_index[1], loop])
    return src, dst

def _gcn_conv(x, src, dst, W, b, n):
    h = x @ W
    deg = jnp.zeros((n,), dtype=x.dtype).at[dst].add(1.0)
    dinv = jnp.where(deg > 0, deg ** -0.5, 0.0)
    norm = dinv[src] * dinv[dst]
    msg = h[src] * norm[:, None]
    return jnp.zeros_like(h).at[dst].add(msg) + b

def _gat_conv(x, src, dst, W, att_src, att_dst, b, n, heads, dh):
    h = (x @ W).reshape(n, heads, dh)
    a_s = (h * att_src[None, :, :]).sum(-1)
    a_d = (h * att_dst[None, :, :]).sum(-1)
    e = jax.nn.leaky_relu(a_s[src] + a_d[dst], 0.2)
    m = jnp.full((n, heads), -jnp.inf, dtype=e.dtype).at[dst].max(e)
    m = jax.lax.stop_gradient(m)
    ex = jnp.exp(e - m[dst])
    denom = jnp.zeros((n, heads), dtype=e.dtype).at[dst].add(ex)
    alpha = ex / (denom[dst] + 1e-16)
    out = jnp.zeros((n, heads, dh), dtype=x.dtype).at[dst].add(h[src] * alpha[:, :, None])
    return out.reshape(n, heads * dh) + b

def _bn(x, gamma, beta):
    mu = x.mean(axis=0)
    var = x.var(axis=0)
    return (x - mu) / jnp.sqrt(var + EPS) * gamma + beta

def setup_inputs(seed: int = 0):
    key = jax.random.key(seed)
    ks = jax.random.split(key, 12)
    x = jax.random.normal(ks[0], (N, D_IN), dtype=jnp.float32)
    edge_index = jax.random.randint(ks[1], (2, E), 0, N)
    W1 = jax.random.normal(ks[2], (D_IN, H), dtype=jnp.float32) / np.sqrt(D_IN)
    b1 = jnp.zeros((H,), dtype=jnp.float32)
    g1 = jnp.ones((H,), dtype=jnp.float32)
    be1 = jnp.zeros((H,), dtype=jnp.float32)
    Wg = jax.random.normal(ks[3], (H, HEADS * H), dtype=jnp.float32) / np.sqrt(H)
    asrc = jax.random.normal(ks[4], (HEADS, H), dtype=jnp.float32) / np.sqrt(H)
    adst = jax.random.normal(ks[5], (HEADS, H), dtype=jnp.float32) / np.sqrt(H)
    bg = jnp.zeros((HEADS * H,), dtype=jnp.float32)
    W2 = jax.random.normal(ks[6], (HEADS * H, H), dtype=jnp.float32) / np.sqrt(HEADS * H)
    b2 = jnp.zeros((H,), dtype=jnp.float32)
    g3 = jnp.ones((H,), dtype=jnp.float32)
    be3 = jnp.zeros((H,), dtype=jnp.float32)
    Wl = jax.random.normal(ks[7], (H, C), dtype=jnp.float32) / np.sqrt(H)
    bl = jnp.zeros((C,), dtype=jnp.float32)
    return {"x": x, "W1": W1, "b1": b1, "g1": g1, "be1": be1, "Wg": Wg, "asrc": asrc, "adst": adst, "bg": bg, "W2": W2, "b2": b2, "g3": g3, "be3": be3, "Wl": Wl, "bl": bl, "edge_index": edge_index}

def reference(x, W1, b1, g1, be1, Wg, asrc, adst, bg, W2, b2, g3, be3, Wl, bl, edge_index):
    src, dst = _add_self_loops(edge_index, N)
    x1 = jax.nn.relu(_bn(_gcn_conv(x, src, dst, W1, b1, N), g1, be1))
    # dropout is identity in eval mode
    x2 = jax.nn.elu(_gat_conv(x1, src, dst, Wg, asrc, adst, bg, N, HEADS, H))
    x3 = jax.nn.relu(_bn(_gcn_conv(x2, src, dst, W2, b2, N), g3, be3))
    x3 = x3 + x1
    out = x3 @ Wl + bl
    return jax.nn.log_softmax(out, axis=1)

if __name__ == "__main__":
    import jax
    _d = setup_inputs()
    print(jax.jit(kernel)(*tuple(_d.values())))

</pallas_src>

<mosaic_0001>
#map = affine_map<(d0, d1) -> (0, 0)>
#map1 = affine_map<(d0, d1) -> (0)>
module attributes {stable_mosaic.version = 14 : i64} {
  func.func @_den_body(%arg0: i32, %arg1: i32, %arg2: memref<331776x16xf32, #tpu.memory_space<hbm>>, %arg3: memref<331776xi32, #tpu.memory_space<hbm>>, %arg4: memref<20480x16xf32, #tpu.memory_space<hbm>>, %arg5: memref<128xi32, #tpu.memory_space<vmem>>, %arg6: memref<128x16xf32, #tpu.memory_space<vmem>>, %arg7: memref<128x16xf32, #tpu.memory_space<vmem>>, %arg8: memref<10240x16xf32, #tpu.memory_space<vmem_shared>>, %arg9: memref<!tpu.dma_semaphore, #tpu.memory_space<semaphore_mem>>) attributes {dimension_semantics = [#tpu.dimension_semantics<core_parallel>, #tpu.dimension_semantics<subcore_parallel>], iteration_bounds = array<i64: 2, 16>, scalar_prefetch = 0 : i64, scratch_operands = 5 : i64, tpu.core_type = #tpu.core_type<sc_vector_subcore>, window_params = [{transform_indices = #map}, {transform_indices = #map1}, {transform_indices = #map}]} {
    %mul3A = arith.constant 2 : i32
    %mul3A_0 = arith.muli %arg1, %mul3A : i32
    %add3A = arith.addi %mul3A_0, %arg0 : i32
    %broadcast_in_dim3A = arith.constant 0.000000e+00 : f32
    %broadcast_in_dim3A_1 = vector.broadcast %broadcast_in_dim3A : f32 to vector<16xf32>
    %scan3A = arith.constant 0 : i32
    %scan3A_2 = arith.constant 128 : i32
    %scan3A_3 = arith.addi %scan3A, %scan3A_2 : i32
    %scan3A_4 = arith.constant 1 : i32
    scf.for %scan3A_24 = %scan3A to %scan3A_3 step %scan3A_4  : i32 {
      %mul3A_25 = arith.constant 1 : i32
      %mul3A_26 = arith.muli %scan3A_24, %mul3A_25 : i32
      %add3A_27 = arith.constant 0 : i32
      %add3A_28 = arith.addi %add3A_27, %mul3A_26 : i32
      %swap3A = arith.index_cast %add3A_28 : i32 to index
      %swap3A_29 = arith.constant 0 : index
      %swap3A_30 = tpu.vector_load %arg7[%swap3A, %swap3A_29] {strides = array<i32>} : memref<128x16xf32, #tpu.memory_space<vmem>>, vector<16xf32>,
      tpu.vector_store %arg7[%swap3A, %swap3A_29], %broadcast_in_dim3A_1 {strides = array<i32>} : memref<128x16xf32, #tpu.memory_space<vmem>>, vector<16xf32>,
    }
    %scan3A_5 = arith.constant 128 : i32
    %scan3A_6 = arith.constant 0 : i32
    %scan3A_7 = arith.constant 80 : i32
    %scan3A_8 = arith.addi %scan3A_6, %scan3A_7 : i32
    %scan3A_9 = arith.constant 1 : i32
    scf.for %scan3A_24 = %scan3A_6 to %scan3A_8 step %scan3A_9  : i32 {
      %mul3A_25 = arith.constant 1 : i32
      %mul3A_26 = arith.muli %scan3A_24, %mul3A_25 : i32
      %add3A_27 = arith.constant 0 : i32
      %add3A_28 = arith.addi %add3A_27, %mul3A_26 : i32
      %mul3A_29 = arith.constant 640 : i32
      %mul3A_30 = arith.muli %arg1, %mul3A_29 : i32
      %mul3A_31 = arith.constant 8 : i32
      %mul3A_32 = arith.muli %add3A_28, %mul3A_31 : i32
      %add3A_33 = arith.addi %mul3A_30, %mul3A_32 : i32
      "tpu.region"() ({
        %run_scoped3A = tpu.sem_alloc : memref<!tpu.dma_semaphore, #tpu.memory_space<semaphore_mem>>
        %dma_start3A = arith.constant 0 : i32
        %dma_start3A_34 = arith.constant 0 : i32
        %dma_start3A_35 = tpu.memref_slice %arg7[%dma_start3A, %dma_start3A_34] : memref<128x16xf32, #tpu.memory_space<vmem>> -> memref<8x16xf32, #tpu.memory_space<vmem>>
        %dma_start3A_36 = arith.constant 0 : i32
        %dma_start3A_37 = tpu.memref_slice %arg8[%add3A_33, %dma_start3A_36] : memref<10240x16xf32, #tpu.memory_space<vmem_shared>> -> memref<8x16xf32, #tpu.memory_space<vmem_shared>>
        %dma_start3A_38 = arith.constant 0 : i32
        %dma_start3A_39 = tpu.memref_slice %arg8[%add3A_33, %dma_start3A_38] : memref<10240x16xf32, #tpu.memory_space<vmem_shared>> -> memref<8x16xf32, #tpu.memory_space<vmem_shared>>
        %dma_start3A_40 = arith.constant 0 : i32
        %dma_start3A_41 = arith.constant 0 : i32
        %dma_start3A_42 = tpu.memref_slice %arg7[%dma_start3A_40, %dma_start3A_41] : memref<128x16xf32, #tpu.memory_space<vmem>> -> memref<8x16xf32, #tpu.memory_space<vmem>>
        tpu.enqueue_dma source(%dma_start3A_42 : memref<8x16xf32, #tpu.memory_space<vmem>>) target(%dma_start3A_39 : memref<8x16xf32, #tpu.memory_space<vmem_shared>>) target_semaphore(%run_scoped3A : memref<!tpu.dma_semaphore, #tpu.memory_space<semaphore_mem>>)
        %dma_wait3A = arith.constant 0 : i32
        %dma_wait3A_43 = arith.constant 0 : i32
        %dma_wait3A_44 = tpu.memref_slice %arg7[%dma_wait3A, %dma_wait3A_43] : memref<128x16xf32, #tpu.memory_space<vmem>> -> memref<8x16xf32, #tpu.memory_space<vmem>>
        %dma_wait3A_45 = arith.constant 0 : i32
        %dma_wait3A_46 = tpu.memref_slice %arg8[%add3A_33, %dma_wait3A_45] : memref<10240x16xf32, #tpu.memory_space<vmem_shared>> -> memref<8x16xf32, #tpu.memory_space<vmem_shared>>
        %dma_wait3A_47 = arith.constant 0 : i32
        %dma_wait3A_48 = tpu.memref_slice %arg8[%add3A_33, %dma_wait3A_47] : memref<10240x16xf32, #tpu.memory_space<vmem_shared>> -> memref<8x16xf32, #tpu.memory_space<vmem_shared>>
        %dma_wait3A_49 = arith.constant 0 : i32
        %dma_wait3A_50 = arith.constant 0 : i32
        %dma_wait3A_51 = tpu.memref_slice %arg7[%dma_wait3A_49, %dma_wait3A_50] : memref<128x16xf32, #tpu.memory_space<vmem>> -> memref<8x16xf32, #tpu.memory_space<vmem>>
        tpu.wait_dma2 semaphore(%run_scoped3A : memref<!tpu.dma_semaphore, #tpu.memory_space<semaphore_mem>>) src(%dma_wait3A_51 : memref<8x16xf32, #tpu.memory_space<vmem>>) dst(%dma_wait3A_48 : memref<8x16xf32, #tpu.memory_space<vmem_shared>>)
        tpu.yield
      }) : () -> ()
    }
    %scan3A_10 = arith.constant 80 : i32
    %barrier3A = arith.constant 0 : index
    tpu.barrier barrier_id(%barrier3A)
    %scan3A_11 = arith.constant 0 : i32
    %scan3A_12 = arith.constant 81 : i32
    %scan3A_13 = arith.addi %scan3A_11, %scan3A_12 : i32
    %scan3A_14 = arith.constant 1 : i32
    scf.for %scan3A_24 = %scan3A_11 to %scan3A_13 step %scan3A_14  : i32 {
      %mul3A_25 = arith.constant 1 : i32
      %mul3A_26 = arith.muli %scan3A_24, %mul3A_25 : i32
      %add3A_27 = arith.constant 0 : i32
      %add3A_28 = arith.addi %add3A_27, %mul3A_26 : i32
      %mul3A_29 = arith.constant 81 : i32
      %mul3A_30 = arith.muli %add3A, %mul3A_29 : i32
      %add3A_31 = arith.addi %mul3A_30, %add3A_28 : i32
      %mul3A_32 = arith.constant 128 : i32
      %mul3A_33 = arith.muli %add3A_31, %mul3A_32 : i32
      "tpu.region"() ({
        %run_scoped3A = tpu.sem_alloc : memref<!tpu.dma_semaphore, #tpu.memory_space<semaphore_mem>>
        %dma_start3A_38 = tpu.memref_slice %arg3[%mul3A_33] : memref<331776xi32, #tpu.memory_space<hbm>> -> memref<128xi32, #tpu.memory_space<hbm>>
        %dma_start3A_39 = tpu.memref_slice %arg3[%mul3A_33] : memref<331776xi32, #tpu.memory_space<hbm>> -> memref<128xi32, #tpu.memory_space<hbm>>
        tpu.enqueue_dma source(%dma_start3A_39 : memref<128xi32, #tpu.memory_space<hbm>>) target(%arg5 : memref<128xi32, #tpu.memory_space<vmem>>) target_semaphore(%run_scoped3A : memref<!tpu.dma_semaphore, #tpu.memory_space<semaphore_mem>>)
        %dma_wait3A_40 = tpu.memref_slice %arg3[%mul3A_33] : memref<331776xi32, #tpu.memory_space<hbm>> -> memref<128xi32, #tpu.memory_space<hbm>>
        %dma_wait3A_41 = tpu.memref_slice %arg3[%mul3A_33] : memref<331776xi32, #tpu.memory_space<hbm>> -> memref<128xi32, #tpu.memory_space<hbm>>
        tpu.wait_dma2 semaphore(%run_scoped3A : memref<!tpu.dma_semaphore, #tpu.memory_space<semaphore_mem>>) src(%dma_wait3A_41 : memref<128xi32, #tpu.memory_space<hbm>>) dst(%arg5 : memref<128xi32, #tpu.memory_space<vmem>>)
        tpu.yield
      }) : () -> ()
      "tpu.region"() ({
        %run_scoped3A = tpu.sem_alloc : memref<!tpu.dma_semaphore, #tpu.memory_space<semaphore_mem>>
        %dma_start3A_38 = arith.constant 0 : i32
        %dma_start3A_39 = tpu.memref_slice %arg2[%mul3A_33, %dma_start3A_38] : memref<331776x16xf32, #tpu.memory_space<hbm>> -> memref<128x16xf32, #tpu.memory_space<hbm>>
        %dma_start3A_40 = arith.constant 0 : i32
        %dma_start3A_41 = tpu.memref_slice %arg2[%mul3A_33, %dma_start3A_40] : memref<331776x16xf32, #tpu.memory_space<hbm>> -> memref<128x16xf32, #tpu.memory_space<hbm>>
        tpu.enqueue_dma source(%dma_start3A_41 : memref<128x16xf32, #tpu.memory_space<hbm>>) target(%arg6 : memref<128x16xf32, #tpu.memory_space<vmem>>) target_semaphore(%run_scoped3A : memref<!tpu.dma_semaphore, #tpu.memory_space<semaphore_mem>>)
        %dma_wait3A_42 = arith.constant 0 : i32
        %dma_wait3A_43 = tpu.memref_slice %arg2[%mul3A_33, %dma_wait3A_42] : memref<331776x16xf32, #tpu.memory_space<hbm>> -> memref<128x16xf32, #tpu.memory_space<hbm>>
        %dma_wait3A_44 = arith.constant 0 : i32
        %dma_wait3A_45 = tpu.memref_slice %arg2[%mul3A_33, %dma_wait3A_44] : memref<331776x16xf32, #tpu.memory_space<hbm>> -> memref<128x16xf32, #tpu.memory_space<hbm>>
        tpu.wait_dma2 semaphore(%run_scoped3A : memref<!tpu.dma_semaphore, #tpu.memory_space<semaphore_mem>>) src(%dma_wait3A_45 : memref<128x16xf32, #tpu.memory_space<hbm>>) dst(%arg6 : memref<128x16xf32, #tpu.memory_space<vmem>>)
        tpu.yield
      }) : () -> ()
      %dma_start3A = arith.constant 0 : i32
      %dma_start3A_34 = arith.constant 0 : i32
      %dma_start3A_35 = tpu.memref_slice %arg8[%dma_start3A, %dma_start3A_34] : memref<10240x16xf32, #tpu.memory_space<vmem_shared>> -> memref<10240x16xf32, #tpu.memory_space<vmem_shared>>
      tpu.enqueue_indirect_dma source(%arg6 : memref<128x16xf32, #tpu.memory_space<vmem>>) target(%dma_start3A_35 : memref<10240x16xf32, #tpu.memory_space<vmem_shared>>) offsets(%arg5 : memref<128xi32, #tpu.memory_space<vmem>>) semaphore(%arg9 : memref<!tpu.dma_semaphore, #tpu.memory_space<semaphore_mem>>) {add = true}
      %dma_wait3A = arith.constant 0 : i32
      %dma_wait3A_36 = arith.constant 0 : i32
      %dma_wait3A_37 = tpu.memref_slice %arg8[%dma_wait3A, %dma_wait3A_36] : memref<10240x16xf32, #tpu.memory_space<vmem_shared>> -> memref<10240x16xf32, #tpu.memory_space<vmem_shared>>
      tpu.wait_indirect_dma semaphore(%arg9 : memref<!tpu.dma_semaphore, #tpu.memory_space<semaphore_mem>>) src(%arg6 : memref<128x16xf32, #tpu.memory_space<vmem>>) dst(%dma_wait3A_37 : memref<10240x16xf32, #tpu.memory_space<vmem_shared>>)
    }
    %scan3A_15 = arith.constant 81 : i32
    %barrier3A_16 = arith.constant 0 : index
    tpu.barrier barrier_id(%barrier3A_16)
    %mul3A_17 = arith.constant 10240 : i32
    %mul3A_18 = arith.muli %arg0, %mul3A_17 : i32
    %scan3A_19 = arith.constant 0 : i32
    %scan3A_20 = arith.constant 80 : i32
    %scan3A_21 = arith.addi %scan3A_19, %scan3A_20 : i32
    %scan3A_22 = arith.constant 1 : i32
    scf.for %scan3A_24 = %scan3A_19 to %scan3A_21 step %scan3A_22  : i32 {
      %mul3A_25 = arith.constant 1 : i32
      %mul3A_26 = arith.muli %scan3A_24, %mul3A_25 : i32
      %add3A_27 = arith.constant 0 : i32
      %add3A_28 = arith.addi %add3A_27, %mul3A_26 : i32
      %mul3A_29 = arith.constant 640 : i32
      %mul3A_30 = arith.muli %arg1, %mul3A_29 : i32
      %mul3A_31 = arith.constant 8 : i32
      %mul3A_32 = arith.muli %add3A_28, %mul3A_31 : i32
      %add3A_33 = arith.addi %mul3A_30, %mul3A_32 : i32
      "tpu.region"() ({
        %run_scoped3A = tpu.sem_alloc : memref<!tpu.dma_semaphore, #tpu.memory_space<semaphore_mem>>
        %dma_start3A = arith.constant 0 : i32
        %dma_start3A_35 = arith.constant 0 : i32
        %dma_start3A_36 = tpu.memref_slice %arg7[%dma_start3A, %dma_start3A_35] : memref<128x16xf32, #tpu.memory_space<vmem>> -> memref<8x16xf32, #tpu.memory_space<vmem>>
        %dma_start3A_37 = arith.constant 0 : i32
        %dma_start3A_38 = tpu.memref_slice %arg8[%add3A_33, %dma_start3A_37] : memref<10240x16xf32, #tpu.memory_space<vmem_shared>> -> memref<8x16xf32, #tpu.memory_space<vmem_shared>>
        %dma_start3A_39 = arith.constant 0 : i32
        %dma_start3A_40 = arith.constant 0 : i32
        %dma_start3A_41 = tpu.memref_slice %arg7[%dma_start3A_39, %dma_start3A_40] : memref<128x16xf32, #tpu.memory_space<vmem>> -> memref<8x16xf32, #tpu.memory_space<vmem>>
        %dma_start3A_42 = arith.constant 0 : i32
        %dma_start3A_43 = tpu.memref_slice %arg8[%add3A_33, %dma_start3A_42] : memref<10240x16xf32, #tpu.memory_space<vmem_shared>> -> memref<8x16xf32, #tpu.memory_space<vmem_shared>>
        tpu.enqueue_dma source(%dma_start3A_43 : memref<8x16xf32, #tpu.memory_space<vmem_shared>>) target(%dma_start3A_41 : memref<8x16xf32, #tpu.memory_space<vmem>>) target_semaphore(%run_scoped3A : memref<!tpu.dma_semaphore, #tpu.memory_space<semaphore_mem>>)
        %dma_wait3A = arith.constant 0 : i32
        %dma_wait3A_44 = arith.constant 0 : i32
        %dma_wait3A_45 = tpu.memref_slice %arg7[%dma_wait3A, %dma_wait3A_44] : memref<128x16xf32, #tpu.memory_space<vmem>> -> memref<8x16xf32, #tpu.memory_space<vmem>>
        %dma_wait3A_46 = arith.constant 0 : i32
        %dma_wait3A_47 = tpu.memref_slice %arg8[%add3A_33, %dma_wait3A_46] : memref<10240x16xf32, #tpu.memory_space<vmem_shared>> -> memref<8x16xf32, #tpu.memory_space<vmem_shared>>
        %dma_wait3A_48 = arith.constant 0 : i32
        %dma_wait3A_49 = arith.constant 0 : i32
        %dma_wait3A_50 = tpu.memref_slice %arg7[%dma_wait3A_48, %dma_wait3A_49] : memref<128x16xf32, #tpu.memory_space<vmem>> -> memref<8x16xf32, #tpu.memory_space<vmem>>
        %dma_wait3A_51 = arith.constant 0 : i32
        %dma_wait3A_52 = tpu.memref_slice %arg8[%add3A_33, %dma_wait3A_51] : memref<10240x16xf32, #tpu.memory_space<vmem_shared>> -> memref<8x16xf32, #tpu.memory_space<vmem_shared>>
        tpu.wait_dma2 semaphore(%run_scoped3A : memref<!tpu.dma_semaphore, #tpu.memory_space<semaphore_mem>>) src(%dma_wait3A_52 : memref<8x16xf32, #tpu.memory_space<vmem_shared>>) dst(%dma_wait3A_50 : memref<8x16xf32, #tpu.memory_space<vmem>>)
        tpu.yield
      }) : () -> ()
      %add3A_34 = arith.addi %mul3A_18, %add3A_33 : i32
      "tpu.region"() ({
        %run_scoped3A = tpu.sem_alloc : memref<!tpu.dma_semaphore, #tpu.memory_space<semaphore_mem>>
        %dma_start3A = arith.constant 0 : i32
        %dma_start3A_35 = arith.constant 0 : i32
        %dma_start3A_36 = tpu.memref_slice %arg7[%dma_start3A, %dma_start3A_35] : memref<128x16xf32, #tpu.memory_space<vmem>> -> memref<8x16xf32, #tpu.memory_space<vmem>>
        %dma_start3A_37 = arith.constant 0 : i32
        %dma_start3A_38 = tpu.memref_slice %arg4[%add3A_34, %dma_start3A_37] : memref<20480x16xf32, #tpu.memory_space<hbm>> -> memref<8x16xf32, #tpu.memory_space<hbm>>
        %dma_start3A_39 = arith.constant 0 : i32
        %dma_start3A_40 = tpu.memref_slice %arg4[%add3A_34, %dma_start3A_39] : memref<20480x16xf32, #tpu.memory_space<hbm>> -> memref<8x16xf32, #tpu.memory_space<hbm>>
        %dma_start3A_41 = arith.constant 0 : i32
        %dma_start3A_42 = arith.constant 0 : i32
        %dma_start3A_43 = tpu.memref_slice %arg7[%dma_start3A_41, %dma_start3A_42] : memref<128x16xf32, #tpu.memory_space<vmem>> -> memref<8x16xf32, #tpu.memory_space<vmem>>
        tpu.enqueue_dma source(%dma_start3A_43 : memref<8x16xf32, #tpu.memory_space<vmem>>) target(%dma_start3A_40 : memref<8x16xf32, #tpu.memory_space<hbm>>) target_semaphore(%run_scoped3A : memref<!tpu.dma_semaphore, #tpu.memory_space<semaphore_mem>>)
        %dma_wait3A = arith.constant 0 : i32
        %dma_wait3A_44 = arith.constant 0 : i32
        %dma_wait3A_45 = tpu.memref_slice %arg7[%dma_wait3A, %dma_wait3A_44] : memref<128x16xf32, #tpu.memory_space<vmem>> -> memref<8x16xf32, #tpu.memory_space<vmem>>
        %dma_wait3A_46 = arith.constant 0 : i32
        %dma_wait3A_47 = tpu.memref_slice %arg4[%add3A_34, %dma_wait3A_46] : memref<20480x16xf32, #tpu.memory_space<hbm>> -> memref<8x16xf32, #tpu.memory_space<hbm>>
        %dma_wait3A_48 = arith.constant 0 : i32
        %dma_wait3A_49 = tpu.memref_slice %arg4[%add3A_34, %dma_wait3A_48] : memref<20480x16xf32, #tpu.memory_space<hbm>> -> memref<8x16xf32, #tpu.memory_space<hbm>>
        %dma_wait3A_50 = arith.constant 0 : i32
        %dma_wait3A_51 = arith.constant 0 : i32
        %dma_wait3A_52 = tpu.memref_slice %arg7[%dma_wait3A_50, %dma_wait3A_51] : memref<128x16xf32, #tpu.memory_space<vmem>> -> memref<8x16xf32, #tpu.memory_space<vmem>>
        tpu.wait_dma2 semaphore(%run_scoped3A : memref<!tpu.dma_semaphore, #tpu.memory_space<semaphore_mem>>) src(%dma_wait3A_52 : memref<8x16xf32, #tpu.memory_space<vmem>>) dst(%dma_wait3A_49 : memref<8x16xf32, #tpu.memory_space<hbm>>)
        tpu.yield
      }) : () -> ()
    }
    %scan3A_23 = arith.constant 80 : i32
    return
  }
}

#map = affine_map<(d0, d1) -> (0)>
#map1 = affine_map<(d0, d1) -> (0, 0)>
module attributes {stable_mosaic.version = 14 : i64} {
  func.func @_deg_body(%arg0: i32, %arg1: i32, %arg2: memref<331776xi32, #tpu.memory_space<hbm>>, %arg3: memref<20480x16xf32, #tpu.memory_space<hbm>>, %arg4: memref<128xi32, #tpu.memory_space<vmem>>, %arg5: memref<128x16xf32, #tpu.memory_space<vmem>>, %arg6: memref<128x16xf32, #tpu.memory_space<vmem>>, %arg7: memref<10240x16xf32, #tpu.memory_space<vmem_shared>>, %arg8: memref<!tpu.dma_semaphore, #tpu.memory_space<semaphore_mem>>) attributes {dimension_semantics = [#tpu.dimension_semantics<core_parallel>, #tpu.dimension_semantics<subcore_parallel>], iteration_bounds = array<i64: 2, 16>, scalar_prefetch = 0 : i64, scratch_operands = 5 : i64, tpu.core_type = #tpu.core_type<sc_vector_subcore>, window_params = [{transform_indices = #map}, {transform_indices = #map1}]} {
    %mul3A = arith.constant 2 : i32
    %mul3A_0 = arith.muli %arg1, %mul3A : i32
    %add3A = arith.addi %mul3A_0, %arg0 : i32
    %broadcast_in_dim3A = arith.constant 0.000000e+00 : f32
    %broadcast_in_dim3A_1 = vector.broadcast %broadcast_in_dim3A : f32 to vector<16xf32>
    %scan3A = arith.constant 0 : i32
    %scan3A_2 = arith.constant 128 : i32
    %scan3A_3 = arith.addi %scan3A, %scan3A_2 : i32
    %scan3A_4 = arith.constant 1 : i32
    scf.for %scan3A_29 = %scan3A to %scan3A_3 step %scan3A_4  : i32 {
      %mul3A_30 = arith.constant 1 : i32
      %mul3A_31 = arith.muli %scan3A_29, %mul3A_30 : i32
      %add3A_32 = arith.constant 0 : i32
      %add3A_33 = arith.addi %add3A_32, %mul3A_31 : i32
      %swap3A = arith.index_cast %add3A_33 : i32 to index
      %swap3A_34 = arith.constant 0 : index
      %swap3A_35 = tpu.vector_load %arg6[%swap3A, %swap3A_34] {strides = array<i32>} : memref<128x16xf32, #tpu.memory_space<vmem>>, vector<16xf32>,
      tpu.vector_store %arg6[%swap3A, %swap3A_34], %broadcast_in_dim3A_1 {strides = array<i32>} : memref<128x16xf32, #tpu.memory_space<vmem>>, vector<16xf32>,
    }
    %scan3A_5 = arith.constant 128 : i32
    %scan3A_6 = arith.constant 0 : i32
    %scan3A_7 = arith.constant 80 : i32
    %scan3A_8 = arith.addi %scan3A_6, %scan3A_7 : i32
    %scan3A_9 = arith.constant 1 : i32
    scf.for %scan3A_29 = %scan3A_6 to %scan3A_8 step %scan3A_9  : i32 {
      %mul3A_30 = arith.constant 1 : i32
      %mul3A_31 = arith.muli %scan3A_29, %mul3A_30 : i32
      %add3A_32 = arith.constant 0 : i32
      %add3A_33 = arith.addi %add3A_32, %mul3A_31 : i32
      %mul3A_34 = arith.constant 640 : i32
      %mul3A_35 = arith.muli %arg1, %mul3A_34 : i32
      %mul3A_36 = arith.constant 8 : i32
      %mul3A_37 = arith.muli %add3A_33, %mul3A_36 : i32
      %add3A_38 = arith.addi %mul3A_35, %mul3A_37 : i32
      "tpu.region"() ({
        %run_scoped3A = tpu.sem_alloc : memref<!tpu.dma_semaphore, #tpu.memory_space<semaphore_mem>>
        %dma_start3A = arith.constant 0 : i32
        %dma_start3A_39 = arith.constant 0 : i32
        %dma_start3A_40 = tpu.memref_slice %arg6[%dma_start3A, %dma_start3A_39] : memref<128x16xf32, #tpu.memory_space<vmem>> -> memref<8x16xf32, #tpu.memory_space<vmem>>
        %dma_start3A_41 = arith.constant 0 : i32
        %dma_start3A_42 = tpu.memref_slice %arg7[%add3A_38, %dma_start3A_41] : memref<10240x16xf32, #tpu.memory_space<vmem_shared>> -> memref<8x16xf32, #tpu.memory_space<vmem_shared>>
        %dma_start3A_43 = arith.constant 0 : i32
        %dma_start3A_44 = tpu.memref_slice %arg7[%add3A_38, %dma_start3A_43] : memref<10240x16xf32, #tpu.memory_space<vmem_shared>> -> memref<8x16xf32, #tpu.memory_space<vmem_shared>>
        %dma_start3A_45 = arith.constant 0 : i32
        %dma_start3A_46 = arith.constant 0 : i32
        %dma_start3A_47 = tpu.memref_slice %arg6[%dma_start3A_45, %dma_start3A_46] : memref<128x16xf32, #tpu.memory_space<vmem>> -> memref<8x16xf32, #tpu.memory_space<vmem>>
        tpu.enqueue_dma source(%dma_start3A_47 : memref<8x16xf32, #tpu.memory_space<vmem>>) target(%dma_start3A_44 : memref<8x16xf32, #tpu.memory_space<vmem_shared>>) target_semaphore(%run_scoped3A : memref<!tpu.dma_semaphore, #tpu.memory_space<semaphore_mem>>)
        %dma_wait3A = arith.constant 0 : i32
        %dma_wait3A_48 = arith.constant 0 : i32
        %dma_wait3A_49 = tpu.memref_slice %arg6[%dma_wait3A, %dma_wait3A_48] : memref<128x16xf32, #tpu.memory_space<vmem>> -> memref<8x16xf32, #tpu.memory_space<vmem>>
        %dma_wait3A_50 = arith.constant 0 : i32
        %dma_wait3A_51 = tpu.memref_slice %arg7[%add3A_38, %dma_wait3A_50] : memref<10240x16xf32, #tpu.memory_space<vmem_shared>> -> memref<8x16xf32, #tpu.memory_space<vmem_shared>>
        %dma_wait3A_52 = arith.constant 0 : i32
        %dma_wait3A_53 = tpu.memref_slice %arg7[%add3A_38, %dma_wait3A_52] : memref<10240x16xf32, #tpu.memory_space<vmem_shared>> -> memref<8x16xf32, #tpu.memory_space<vmem_shared>>
        %dma_wait3A_54 = arith.constant 0 : i32
        %dma_wait3A_55 = arith.constant 0 : i32
        %dma_wait3A_56 = tpu.memref_slice %arg6[%dma_wait3A_54, %dma_wait3A_55] : memref<128x16xf32, #tpu.memory_space<vmem>> -> memref<8x16xf32, #tpu.memory_space<vmem>>
        tpu.wait_dma2 semaphore(%run_scoped3A : memref<!tpu.dma_semaphore, #tpu.memory_space<semaphore_mem>>) src(%dma_wait3A_56 : memref<8x16xf32, #tpu.memory_space<vmem>>) dst(%dma_wait3A_53 : memref<8x16xf32, #tpu.memory_space<vmem_shared>>)
        tpu.yield
      }) : () -> ()
    }
    %scan3A_10 = arith.constant 80 : i32
    %scan3A_11 = arith.constant 0 : i32
    %scan3A_12 = arith.constant 128 : i32
    %scan3A_13 = arith.addi %scan3A_11, %scan3A_12 : i32
    %scan3A_14 = arith.constant 1 : i32
    scf.for %scan3A_29 = %scan3A_11 to %scan3A_13 step %scan3A_14  : i32 {
      %mul3A_30 = arith.constant 1 : i32
      %mul3A_31 = arith.muli %scan3A_29, %mul3A_30 : i32
      %add3A_32 = arith.constant 0 : i32
      %add3A_33 = arith.addi %add3A_32, %mul3A_31 : i32
      %broadcast_in_dim3A_34 = arith.constant 1.000000e+00 : f32
      %broadcast_in_dim3A_35 = vector.broadcast %broadcast_in_dim3A_34 : f32 to vector<16xf32>
      %swap3A = arith.index_cast %add3A_33 : i32 to index
      %swap3A_36 = arith.constant 0 : index
      %swap3A_37 = tpu.vector_load %arg5[%swap3A, %swap3A_36] {strides = array<i32>} : memref<128x16xf32, #tpu.memory_space<vmem>>, vector<16xf32>,
      tpu.vector_store %arg5[%swap3A, %swap3A_36], %broadcast_in_dim3A_35 {strides = array<i32>} : memref<128x16xf32, #tpu.memory_space<vmem>>, vector<16xf32>,
    }
    %scan3A_15 = arith.constant 128 : i32
    %barrier3A = arith.constant 0 : index
    tpu.barrier barrier_id(%barrier3A)
    %scan3A_16 = arith.constant 0 : i32
    %scan3A_17 = arith.constant 81 : i32
    %scan3A_18 = arith.addi %scan3A_16, %scan3A_17 : i32
    %scan3A_19 = arith.constant 1 : i32
    scf.for %scan3A_29 = %scan3A_16 to %scan3A_18 step %scan3A_19  : i32 {
      %mul3A_30 = arith.constant 1 : i32
      %mul3A_31 = arith.muli %scan3A_29, %mul3A_30 : i32
      %add3A_32 = arith.constant 0 : i32
      %add3A_33 = arith.addi %add3A_32, %mul3A_31 : i32
      %mul3A_34 = arith.constant 81 : i32
      %mul3A_35 = arith.muli %add3A, %mul3A_34 : i32
      %add3A_36 = arith.addi %mul3A_35, %add3A_33 : i32
      %mul3A_37 = arith.constant 128 : i32
      %mul3A_38 = arith.muli %add3A_36, %mul3A_37 : i32
      "tpu.region"() ({
        %run_scoped3A = tpu.sem_alloc : memref<!tpu.dma_semaphore, #tpu.memory_space<semaphore_mem>>
        %dma_start3A_43 = tpu.memref_slice %arg2[%mul3A_38] : memref<331776xi32, #tpu.memory_space<hbm>> -> memref<128xi32, #tpu.memory_space<hbm>>
        %dma_start3A_44 = tpu.memref_slice %arg2[%mul3A_38] : memref<331776xi32, #tpu.memory_space<hbm>> -> memref<128xi32, #tpu.memory_space<hbm>>
        tpu.enqueue_dma source(%dma_start3A_44 : memref<128xi32, #tpu.memory_space<hbm>>) target(%arg4 : memref<128xi32, #tpu.memory_space<vmem>>) target_semaphore(%run_scoped3A : memref<!tpu.dma_semaphore, #tpu.memory_space<semaphore_mem>>)
        %dma_wait3A_45 = tpu.memref_slice %arg2[%mul3A_38] : memref<331776xi32, #tpu.memory_space<hbm>> -> memref<128xi32, #tpu.memory_space<hbm>>
        %dma_wait3A_46 = tpu.memref_slice %arg2[%mul3A_38] : memref<331776xi32, #tpu.memory_space<hbm>> -> memref<128xi32, #tpu.memory_space<hbm>>
        tpu.wait_dma2 semaphore(%run_scoped3A : memref<!tpu.dma_semaphore, #tpu.memory_space<semaphore_mem>>) src(%dma_wait3A_46 : memref<128xi32, #tpu.memory_space<hbm>>) dst(%arg4 : memref<128xi32, #tpu.memory_space<vmem>>)
        tpu.yield
      }) : () -> ()
      %dma_start3A = arith.constant 0 : i32
      %dma_start3A_39 = arith.constant 0 : i32
      %dma_start3A_40 = tpu.memref_slice %arg7[%dma_start3A, %dma_start3A_39] : memref<10240x16xf32, #tpu.memory_space<vmem_shared>> -> memref<10240x16xf32, #tpu.memory_space<vmem_shared>>
      tpu.enqueue_indirect_dma source(%arg5 : memref<128x16xf32, #tpu.memory_space<vmem>>) target(%dma_start3A_40 : memref<10240x16xf32, #tpu.memory_space<vmem_shared>>) offsets(%arg4 : memref<128xi32, #tpu.memory_space<vmem>>) semaphore(%arg8 : memref<!tpu.dma_semaphore, #tpu.memory_space<semaphore_mem>>) {add = true}
      %dma_wait3A = arith.constant 0 : i32
      %dma_wait3A_41 = arith.constant 0 : i32
      %dma_wait3A_42 = tpu.memref_slice %arg7[%dma_wait3A, %dma_wait3A_41] : memref<10240x16xf32, #tpu.memory_space<vmem_shared>> -> memref<10240x16xf32, #tpu.memory_space<vmem_shared>>
      tpu.wait_indirect_dma semaphore(%arg8 : memref<!tpu.dma_semaphore, #tpu.memory_space<semaphore_mem>>) src(%arg5 : memref<128x16xf32, #tpu.memory_space<vmem>>) dst(%dma_wait3A_42 : memref<10240x16xf32, #tpu.memory_space<vmem_shared>>)
    }
    %scan3A_20 = arith.constant 81 : i32
    %barrier3A_21 = arith.constant 0 : index
    tpu.barrier barrier_id(%barrier3A_21)
    %mul3A_22 = arith.constant 10240 : i32
    %mul3A_23 = arith.muli %arg0, %mul3A_22 : i32
    %scan3A_24 = arith.constant 0 : i32
    %scan3A_25 = arith.constant 80 : i32
    %scan3A_26 = arith.addi %scan3A_24, %scan3A_25 : i32
    %scan3A_27 = arith.constant 1 : i32
    scf.for %scan3A_29 = %scan3A_24 to %scan3A_26 step %scan3A_27  : i32 {
      %mul3A_30 = arith.constant 1 : i32
      %mul3A_31 = arith.muli %scan3A_29, %mul3A_30 : i32
      %add3A_32 = arith.constant 0 : i32
      %add3A_33 = arith.addi %add3A_32, %mul3A_31 : i32
      %mul3A_34 = arith.constant 640 : i32
      %mul3A_35 = arith.muli %arg1, %mul3A_34 : i32
      %mul3A_36 = arith.constant 8 : i32
      %mul3A_37 = arith.muli %add3A_33, %mul3A_36 : i32
      %add3A_38 = arith.addi %mul3A_35, %mul3A_37 : i32
      "tpu.region"() ({
        %run_scoped3A = tpu.sem_alloc : memref<!tpu.dma_semaphore, #tpu.memory_space<semaphore_mem>>
        %dma_start3A = arith.constant 0 : i32
        %dma_start3A_40 = arith.constant 0 : i32
        %dma_start3A_41 = tpu.memref_slice %arg6[%dma_start3A, %dma_start3A_40] : memref<128x16xf32, #tpu.memory_space<vmem>> -> memref<8x16xf32, #tpu.memory_space<vmem>>
        %dma_start3A_42 = arith.constant 0 : i32
        %dma_start3A_43 = tpu.memref_slice %arg7[%add3A_38, %dma_start3A_42] : memref<10240x16xf32, #tpu.memory_space<vmem_shared>> -> memref<8x16xf32, #tpu.memory_space<vmem_shared>>
        %dma_start3A_44 = arith.constant 0 : i32
        %dma_start3A_45 = arith.constant 0 : i32
        %dma_start3A_46 = tpu.memref_slice %arg6[%dma_start3A_44, %dma_start3A_45] : memref<128x16xf32, #tpu.memory_space<vmem>> -> memref<8x16xf32, #tpu.memory_space<vmem>>
        %dma_start3A_47 = arith.constant 0 : i32
        %dma_start3A_48 = tpu.memref_slice %arg7[%add3A_38, %dma_start3A_47] : memref<10240x16xf32, #tpu.memory_space<vmem_shared>> -> memref<8x16xf32, #tpu.memory_space<vmem_shared>>
        tpu.enqueue_dma source(%dma_start3A_48 : memref<8x16xf32, #tpu.memory_space<vmem_shared>>) target(%dma_start3A_46 : memref<8x16xf32, #tpu.memory_space<vmem>>) target_semaphore(%run_scoped3A : memref<!tpu.dma_semaphore, #tpu.memory_space<semaphore_mem>>)
        %dma_wait3A = arith.constant 0 : i32
        %dma_wait3A_49 = arith.constant 0 : i32
        %dma_wait3A_50 = tpu.memref_slice %arg6[%dma_wait3A, %dma_wait3A_49] : memref<128x16xf32, #tpu.memory_space<vmem>> -> memref<8x16xf32, #tpu.memory_space<vmem>>
        %dma_wait3A_51 = arith.constant 0 : i32
        %dma_wait3A_52 = tpu.memref_slice %arg7[%add3A_38, %dma_wait3A_51] : memref<10240x16xf32, #tpu.memory_space<vmem_shared>> -> memref<8x16xf32, #tpu.memory_space<vmem_shared>>
        %dma_wait3A_53 = arith.constant 0 : i32
        %dma_wait3A_54 = arith.constant 0 : i32
        %dma_wait3A_55 = tpu.memref_slice %arg6[%dma_wait3A_53, %dma_wait3A_54] : memref<128x16xf32, #tpu.memory_space<vmem>> -> memref<8x16xf32, #tpu.memory_space<vmem>>
        %dma_wait3A_56 = arith.constant 0 : i32
        %dma_wait3A_57 = tpu.memref_slice %arg7[%add3A_38, %dma_wait3A_56] : memref<10240x16xf32, #tpu.memory_space<vmem_shared>> -> memref<8x16xf32, #tpu.memory_space<vmem_shared>>
        tpu.wait_dma2 semaphore(%run_scoped3A : memref<!tpu.dma_semaphore, #tpu.memory_space<semaphore_mem>>) src(%dma_wait3A_57 : memref<8x16xf32, #tpu.memory_space<vmem_shared>>) dst(%dma_wait3A_55 : memref<8x16xf32, #tpu.memory_space<vmem>>)
        tpu.yield
      }) : () -> ()
      %add3A_39 = arith.addi %mul3A_23, %add3A_38 : i32
      "tpu.region"() ({
        %run_scoped3A = tpu.sem_alloc : memref<!tpu.dma_semaphore, #tpu.memory_space<semaphore_mem>>
        %dma_start3A = arith.constant 0 : i32
        %dma_start3A_40 = arith.constant 0 : i32
        %dma_start3A_41 = tpu.memref_slice %arg6[%dma_start3A, %dma_start3A_40] : memref<128x16xf32, #tpu.memory_space<vmem>> -> memref<8x16xf32, #tpu.memory_space<vmem>>
        %dma_start3A_42 = arith.constant 0 : i32
        %dma_start3A_43 = tpu.memref_slice %arg3[%add3A_39, %dma_start3A_42] : memref<20480x16xf32, #tpu.memory_space<hbm>> -> memref<8x16xf32, #tpu.memory_space<hbm>>
        %dma_start3A_44 = arith.constant 0 : i32
        %dma_start3A_45 = tpu.memref_slice %arg3[%add3A_39, %dma_start3A_44] : memref<20480x16xf32, #tpu.memory_space<hbm>> -> memref<8x16xf32, #tpu.memory_space<hbm>>
        %dma_start3A_46 = arith.constant 0 : i32
        %dma_start3A_47 = arith.constant 0 : i32
        %dma_start3A_48 = tpu.memref_slice %arg6[%dma_start3A_46, %dma_start3A_47] : memref<128x16xf32, #tpu.memory_space<vmem>> -> memref<8x16xf32, #tpu.memory_space<vmem>>
        tpu.enqueue_dma source(%dma_start3A_48 : memref<8x16xf32, #tpu.memory_space<vmem>>) target(%dma_start3A_45 : memref<8x16xf32, #tpu.memory_space<hbm>>) target_semaphore(%run_scoped3A : memref<!tpu.dma_semaphore, #tpu.memory_space<semaphore_mem>>)
        %dma_wait3A = arith.constant 0 : i32
        %dma_wait3A_49 = arith.constant 0 : i32
        %dma_wait3A_50 = tpu.memref_slice %arg6[%dma_wait3A, %dma_wait3A_49] : memref<128x16xf32, #tpu.memory_space<vmem>> -> memref<8x16xf32, #tpu.memory_space<vmem>>
        %dma_wait3A_51 = arith.constant 0 : i32
        %dma_wait3A_52 = tpu.memref_slice %arg3[%add3A_39, %dma_wait3A_51] : memref<20480x16xf32, #tpu.memory_space<hbm>> -> memref<8x16xf32, #tpu.memory_space<hbm>>
        %dma_wait3A_53 = arith.constant 0 : i32
        %dma_wait3A_54 = tpu.memref_slice %arg3[%add3A_39, %dma_wait3A_53] : memref<20480x16xf32, #tpu.memory_space<hbm>> -> memref<8x16xf32, #tpu.memory_space<hbm>>
        %dma_wait3A_55 = arith.constant 0 : i32
        %dma_wait3A_56 = arith.constant 0 : i32
        %dma_wait3A_57 = tpu.memref_slice %arg6[%dma_wait3A_55, %dma_wait3A_56] : memref<128x16xf32, #tpu.memory_space<vmem>> -> memref<8x16xf32, #tpu.memory_space<vmem>>
        tpu.wait_dma2 semaphore(%run_scoped3A : memref<!tpu.dma_semaphore, #tpu.memory_space<semaphore_mem>>) src(%dma_wait3A_57 : memref<8x16xf32, #tpu.memory_space<vmem>>) dst(%dma_wait3A_54 : memref<8x16xf32, #tpu.memory_space<hbm>>)
        tpu.yield
      }) : () -> ()
    }
    %scan3A_28 = arith.constant 80 : i32
    return
  }
}

#map = affine_map<(d0, d1) -> (0, 0)>
#map1 = affine_map<(d0, d1) -> (0)>
module attributes {stable_mosaic.version = 14 : i64} {
  func.func @_scat_body(%arg0: i32, %arg1: i32, %arg2: memref<331776x128xf32, #tpu.memory_space<hbm>>, %arg3: memref<331776xi32, #tpu.memory_space<hbm>>, %arg4: memref<20480x128xf32, #tpu.memory_space<hbm>>, %arg5: memref<128xi32, #tpu.memory_space<vmem>>, %arg6: memref<128x128xf32, #tpu.memory_space<vmem>>, %arg7: memref<10240x128xf32, #tpu.memory_space<vmem_shared>>, %arg8: memref<!tpu.dma_semaphore, #tpu.memory_space<semaphore_mem>>) attributes {dimension_semantics = [#tpu.dimension_semantics<core_parallel>, #tpu.dimension_semantics<subcore_parallel>], iteration_bounds = array<i64: 2, 16>, scalar_prefetch = 0 : i64, scratch_operands = 4 : i64, tpu.core_type = #tpu.core_type<sc_vector_subcore>, window_params = [{transform_indices = #map}, {transform_indices = #map1}, {transform_indices = #map}]} {
    %mul3A = arith.constant 2 : i32
    %mul3A_0 = arith.muli %arg1, %mul3A : i32
    %add3A = arith.addi %mul3A_0, %arg0 : i32
    %broadcast_in_dim3A = arith.constant 0.000000e+00 : f32
    %broadcast_in_dim3A_1 = vector.broadcast %broadcast_in_dim3A : f32 to vector<16xf32>
    %scan3A = arith.constant 0 : i32
    %scan3A_2 = arith.constant 128 : i32
    %scan3A_3 = arith.addi %scan3A, %scan3A_2 : i32
    %scan3A_4 = arith.constant 1 : i32
    scf.for %scan3A_24 = %scan3A to %scan3A_3 step %scan3A_4  : i32 {
      %mul3A_25 = arith.constant 1 : i32
      %mul3A_26 = arith.muli %scan3A_24, %mul3A_25 : i32
      %add3A_27 = arith.constant 0 : i32
      %add3A_28 = arith.addi %add3A_27, %mul3A_26 : i32
      %swap3A = arith.index_cast %add3A_28 : i32 to index
      %swap3A_29 = arith.constant 0 : index
      %swap3A_30 = tpu.vector_load %arg6[%swap3A, %swap3A_29] {strides = array<i32>} : memref<128x128xf32, #tpu.memory_space<vmem>>, vector<16xf32>,
      tpu.vector_store %arg6[%swap3A, %swap3A_29], %broadcast_in_dim3A_1 {strides = array<i32>} : memref<128x128xf32, #tpu.memory_space<vmem>>, vector<16xf32>,
      %swap3A_31 = arith.index_cast %add3A_28 : i32 to index
      %swap3A_32 = arith.constant 16 : index
      %swap3A_33 = tpu.vector_load %arg6[%swap3A_31, %swap3A_32] {strides = array<i32>} : memref<128x128xf32, #tpu.memory_space<vmem>>, vector<16xf32>,
      tpu.vector_store %arg6[%swap3A_31, %swap3A_32], %broadcast_in_dim3A_1 {strides = array<i32>} : memref<128x128xf32, #tpu.memory_space<vmem>>, vector<16xf32>,
      %swap3A_34 = arith.index_cast %add3A_28 : i32 to index
      %swap3A_35 = arith.constant 32 : index
      %swap3A_36 = tpu.vector_load %arg6[%swap3A_34, %swap3A_35] {strides = array<i32>} : memref<128x128xf32, #tpu.memory_space<vmem>>, vector<16xf32>,
      tpu.vector_store %arg6[%swap3A_34, %swap3A_35], %broadcast_in_dim3A_1 {strides = array<i32>} : memref<128x128xf32, #tpu.memory_space<vmem>>, vector<16xf32>,
      %swap3A_37 = arith.index_cast %add3A_28 : i32 to index
      %swap3A_38 = arith.constant 48 : index
      %swap3A_39 = tpu.vector_load %arg6[%swap3A_37, %swap3A_38] {strides = array<i32>} : memref<128x128xf32, #tpu.memory_space<vmem>>, vector<16xf32>,
      tpu.vector_store %arg6[%swap3A_37, %swap3A_38], %broadcast_in_dim3A_1 {strides = array<i32>} : memref<128x128xf32, #tpu.memory_space<vmem>>, vector<16xf32>,
      %swap3A_40 = arith.index_cast %add3A_28 : i32 to index
      %swap3A_41 = arith.constant 64 : index
      %swap3A_42 = tpu.vector_load %arg6[%swap3A_40, %swap3A_41] {strides = array<i32>} : memref<128x128xf32, #tpu.memory_space<vmem>>, vector<16xf32>,
      tpu.vector_store %arg6[%swap3A_40, %swap3A_41], %broadcast_in_dim3A_1 {strides = array<i32>} : memref<128x128xf32, #tpu.memory_space<vmem>>, vector<16xf32>,
      %swap3A_43 = arith.index_cast %add3A_28 : i32 to index
      %swap3A_44 = arith.constant 80 : index
      %swap3A_45 = tpu.vector_load %arg6[%swap3A_43, %swap3A_44] {strides = array<i32>} : memref<128x128xf32, #tpu.memory_space<vmem>>, vector<16xf32>,
      tpu.vector_store %arg6[%swap3A_43, %swap3A_44], %broadcast_in_dim3A_1 {strides = array<i32>} : memref<128x128xf32, #tpu.memory_space<vmem>>, vector<16xf32>,
      %swap3A_46 = arith.index_cast %add3A_28 : i32 to index
      %swap3A_47 = arith.constant 96 : index
      %swap3A_48 = tpu.vector_load %arg6[%swap3A_46, %swap3A_47] {strides = array<i32>} : memref<128x128xf32, #tpu.memory_space<vmem>>, vector<16xf32>,
      tpu.vector_store %arg6[%swap3A_46, %swap3A_47], %broadcast_in_dim3A_1 {strides = array<i32>} : memref<128x128xf32, #tpu.memory_space<vmem>>, vector<16xf32>,
      %swap3A_49 = arith.index_cast %add3A_28 : i32 to index
      %swap3A_50 = arith.constant 112 : index
      %swap3A_51 = tpu.vector_load %arg6[%swap3A_49, %swap3A_50] {strides = array<i32>} : memref<128x128xf32, #tpu.memory_space<vmem>>, vector<16xf32>,
      tpu.vector_store %arg6[%swap3A_49, %swap3A_50], %broadcast_in_dim3A_1 {strides = array<i32>} : memref<128x128xf32, #tpu.memory_space<vmem>>, vector<16xf32>,
    }
    %scan3A_5 = arith.constant 128 : i32
    %scan3A_6 = arith.constant 0 : i32
    %scan3A_7 = arith.constant 80 : i32
    %scan3A_8 = arith.addi %scan3A_6, %scan3A_7 : i32
    %scan3A_9 = arith.constant 1 : i32
    scf.for %scan3A_24 = %scan3A_6 to %scan3A_8 step %scan3A_9  : i32 {
      %mul3A_25 = arith.constant 1 : i32
      %mul3A_26 = arith.muli %scan3A_24, %mul3A_25 : i32
      %add3A_27 = arith.constant 0 : i32
      %add3A_28 = arith.addi %add3A_27, %mul3A_26 : i32
      %mul3A_29 = arith.constant 640 : i32
      %mul3A_30 = arith.muli %arg1, %mul3A_29 : i32
      %mul3A_31 = arith.constant 8 : i32
      %mul3A_32 = arith.muli %add3A_28, %mul3A_31 : i32
      %add3A_33 = arith.addi %mul3A_30, %mul3A_32 : i32
      "tpu.region"() ({
        %run_scoped3A = tpu.sem_alloc : memref<!tpu.dma_semaphore, #tpu.memory_space<semaphore_mem>>
        %dma_start3A = arith.constant 0 : i32
        %dma_start3A_34 = arith.constant 0 : i32
        %dma_start3A_35 = tpu.memref_slice %arg6[%dma_start3A, %dma_start3A_34] : memref<128x128xf32, #tpu.memory_space<vmem>> -> memref<8x128xf32, #tpu.memory_space<vmem>>
        %dma_start3A_36 = arith.constant 0 : i32
        %dma_start3A_37 = tpu.memref_slice %arg7[%add3A_33, %dma_start3A_36] : memref<10240x128xf32, #tpu.memory_space<vmem_shared>> -> memref<8x128xf32, #tpu.memory_space<vmem_shared>>
        %dma_start3A_38 = arith.constant 0 : i32
        %dma_start3A_39 = tpu.memref_slice %arg7[%add3A_33, %dma_start3A_38] : memref<10240x128xf32, #tpu.memory_space<vmem_shared>> -> memref<8x128xf32, #tpu.memory_space<vmem_shared>>
        %dma_start3A_40 = arith.constant 0 : i32
        %dma_start3A_41 = arith.constant 0 : i32
        %dma_start3A_42 = tpu.memref_slice %arg6[%dma_start3A_40, %dma_start3A_41] : memref<128x128xf32, #tpu.memory_space<vmem>> -> memref<8x128xf32, #tpu.memory_space<vmem>>
        tpu.enqueue_dma source(%dma_start3A_42 : memref<8x128xf32, #tpu.memory_space<vmem>>) target(%dma_start3A_39 : memref<8x128xf32, #tpu.memory_space<vmem_shared>>) target_semaphore(%run_scoped3A : memref<!tpu.dma_semaphore, #tpu.memory_space<semaphore_mem>>)
        %dma_wait3A = arith.constant 0 : i32
        %dma_wait3A_43 = arith.constant 0 : i32
        %dma_wait3A_44 = tpu.memref_slice %arg6[%dma_wait3A, %dma_wait3A_43] : memref<128x128xf32, #tpu.memory_space<vmem>> -> memref<8x128xf32, #tpu.memory_space<vmem>>
        %dma_wait3A_45 = arith.constant 0 : i32
        %dma_wait3A_46 = tpu.memref_slice %arg7[%add3A_33, %dma_wait3A_45] : memref<10240x128xf32, #tpu.memory_space<vmem_shared>> -> memref<8x128xf32, #tpu.memory_space<vmem_shared>>
        %dma_wait3A_47 = arith.constant 0 : i32
        %dma_wait3A_48 = tpu.memref_slice %arg7[%add3A_33, %dma_wait3A_47] : memref<10240x128xf32, #tpu.memory_space<vmem_shared>> -> memref<8x128xf32, #tpu.memory_space<vmem_shared>>
        %dma_wait3A_49 = arith.constant 0 : i32
        %dma_wait3A_50 = arith.constant 0 : i32
        %dma_wait3A_51 = tpu.memref_slice %arg6[%dma_wait3A_49, %dma_wait3A_50] : memref<128x128xf32, #tpu.memory_space<vmem>> -> memref<8x128xf32, #tpu.memory_space<vmem>>
        tpu.wait_dma2 semaphore(%run_scoped3A : memref<!tpu.dma_semaphore, #tpu.memory_space<semaphore_mem>>) src(%dma_wait3A_51 : memref<8x128xf32, #tpu.memory_space<vmem>>) dst(%dma_wait3A_48 : memref<8x128xf32, #tpu.memory_space<vmem_shared>>)
        tpu.yield
      }) : () -> ()
    }
    %scan3A_10 = arith.constant 80 : i32
    %barrier3A = arith.constant 0 : index
    tpu.barrier barrier_id(%barrier3A)
    %scan3A_11 = arith.constant 0 : i32
    %scan3A_12 = arith.constant 81 : i32
    %scan3A_13 = arith.addi %scan3A_11, %scan3A_12 : i32
    %scan3A_14 = arith.constant 1 : i32
    scf.for %scan3A_24 = %scan3A_11 to %scan3A_13 step %scan3A_14  : i32 {
      %mul3A_25 = arith.constant 1 : i32
      %mul3A_26 = arith.muli %scan3A_24, %mul3A_25 : i32
      %add3A_27 = arith.constant 0 : i32
      %add3A_28 = arith.addi %add3A_27, %mul3A_26 : i32
      %mul3A_29 = arith.constant 81 : i32
      %mul3A_30 = arith.muli %add3A, %mul3A_29 : i32
      %add3A_31 = arith.addi %mul3A_30, %add3A_28 : i32
      %mul3A_32 = arith.constant 128 : i32
      %mul3A_33 = arith.muli %add3A_31, %mul3A_32 : i32
      "tpu.region"() ({
        %run_scoped3A = tpu.sem_alloc : memref<!tpu.dma_semaphore, #tpu.memory_space<semaphore_mem>>
        %dma_start3A_38 = tpu.memref_slice %arg3[%mul3A_33] : memref<331776xi32, #tpu.memory_space<hbm>> -> memref<128xi32, #tpu.memory_space<hbm>>
        %dma_start3A_39 = tpu.memref_slice %arg3[%mul3A_33] : memref<331776xi32, #tpu.memory_space<hbm>> -> memref<128xi32, #tpu.memory_space<hbm>>
        tpu.enqueue_dma source(%dma_start3A_39 : memref<128xi32, #tpu.memory_space<hbm>>) target(%arg5 : memref<128xi32, #tpu.memory_space<vmem>>) target_semaphore(%run_scoped3A : memref<!tpu.dma_semaphore, #tpu.memory_space<semaphore_mem>>)
        %dma_wait3A_40 = tpu.memref_slice %arg3[%mul3A_33] : memref<331776xi32, #tpu.memory_space<hbm>> -> memref<128xi32, #tpu.memory_space<hbm>>
        %dma_wait3A_41 = tpu.memref_slice %arg3[%mul3A_33] : memref<331776xi32, #tpu.memory_space<hbm>> -> memref<128xi32, #tpu.memory_space<hbm>>
        tpu.wait_dma2 semaphore(%run_scoped3A : memref<!tpu.dma_semaphore, #tpu.memory_space<semaphore_mem>>) src(%dma_wait3A_41 : memref<128xi32, #tpu.memory_space<hbm>>) dst(%arg5 : memref<128xi32, #tpu.memory_space<vmem>>)
        tpu.yield
      }) : () -> ()
      "tpu.region"() ({
        %run_scoped3A = tpu.sem_alloc : memref<!tpu.dma_semaphore, #tpu.memory_space<semaphore_mem>>
        %dma_start3A_38 = arith.constant 0 : i32
        %dma_start3A_39 = tpu.memref_slice %arg2[%mul3A_33, %dma_start3A_38] : memref<331776x128xf32, #tpu.memory_space<hbm>> -> memref<128x128xf32, #tpu.memory_space<hbm>>
        %dma_start3A_40 = arith.constant 0 : i32
        %dma_start3A_41 = tpu.memref_slice %arg2[%mul3A_33, %dma_start3A_40] : memref<331776x128xf32, #tpu.memory_space<hbm>> -> memref<128x128xf32, #tpu.memory_space<hbm>>
        tpu.enqueue_dma source(%dma_start3A_41 : memref<128x128xf32, #tpu.memory_space<hbm>>) target(%arg6 : memref<128x128xf32, #tpu.memory_space<vmem>>) target_semaphore(%run_scoped3A : memref<!tpu.dma_semaphore, #tpu.memory_space<semaphore_mem>>)
        %dma_wait3A_42 = arith.constant 0 : i32
        %dma_wait3A_43 = tpu.memref_slice %arg2[%mul3A_33, %dma_wait3A_42] : memref<331776x128xf32, #tpu.memory_space<hbm>> -> memref<128x128xf32, #tpu.memory_space<hbm>>
        %dma_wait3A_44 = arith.constant 0 : i32
        %dma_wait3A_45 = tpu.memref_slice %arg2[%mul3A_33, %dma_wait3A_44] : memref<331776x128xf32, #tpu.memory_space<hbm>> -> memref<128x128xf32, #tpu.memory_space<hbm>>
        tpu.wait_dma2 semaphore(%run_scoped3A : memref<!tpu.dma_semaphore, #tpu.memory_space<semaphore_mem>>) src(%dma_wait3A_45 : memref<128x128xf32, #tpu.memory_space<hbm>>) dst(%arg6 : memref<128x128xf32, #tpu.memory_space<vmem>>)
        tpu.yield
      }) : () -> ()
      %dma_start3A = arith.constant 0 : i32
      %dma_start3A_34 = arith.constant 0 : i32
      %dma_start3A_35 = tpu.memref_slice %arg7[%dma_start3A, %dma_start3A_34] : memref<10240x128xf32, #tpu.memory_space<vmem_shared>> -> memref<10240x128xf32, #tpu.memory_space<vmem_shared>>
      tpu.enqueue_indirect_dma source(%arg6 : memref<128x128xf32, #tpu.memory_space<vmem>>) target(%dma_start3A_35 : memref<10240x128xf32, #tpu.memory_space<vmem_shared>>) offsets(%arg5 : memref<128xi32, #tpu.memory_space<vmem>>) semaphore(%arg8 : memref<!tpu.dma_semaphore, #tpu.memory_space<semaphore_mem>>) {add = true}
      %dma_wait3A = arith.constant 0 : i32
      %dma_wait3A_36 = arith.constant 0 : i32
      %dma_wait3A_37 = tpu.memref_slice %arg7[%dma_wait3A, %dma_wait3A_36] : memref<10240x128xf32, #tpu.memory_space<vmem_shared>> -> memref<10240x128xf32, #tpu.memory_space<vmem_shared>>
      tpu.wait_indirect_dma semaphore(%arg8 : memref<!tpu.dma_semaphore, #tpu.memory_space<semaphore_mem>>) src(%arg6 : memref<128x128xf32, #tpu.memory_space<vmem>>) dst(%dma_wait3A_37 : memref<10240x128xf32, #tpu.memory_space<vmem_shared>>)
    }
    %scan3A_15 = arith.constant 81 : i32
    %barrier3A_16 = arith.constant 0 : index
    tpu.barrier barrier_id(%barrier3A_16)
    %mul3A_17 = arith.constant 10240 : i32
    %mul3A_18 = arith.muli %arg0, %mul3A_17 : i32
    %scan3A_19 = arith.constant 0 : i32
    %scan3A_20 = arith.constant 80 : i32
    %scan3A_21 = arith.addi %scan3A_19, %scan3A_20 : i32
    %scan3A_22 = arith.constant 1 : i32
    scf.for %scan3A_24 = %scan3A_19 to %scan3A_21 step %scan3A_22  : i32 {
      %mul3A_25 = arith.constant 1 : i32
      %mul3A_26 = arith.muli %scan3A_24, %mul3A_25 : i32
      %add3A_27 = arith.constant 0 : i32
      %add3A_28 = arith.addi %add3A_27, %mul3A_26 : i32
      %mul3A_29 = arith.constant 640 : i32
      %mul3A_30 = arith.muli %arg1, %mul3A_29 : i32
      %mul3A_31 = arith.constant 8 : i32
      %mul3A_32 = arith.muli %add3A_28, %mul3A_31 : i32
      %add3A_33 = arith.addi %mul3A_30, %mul3A_32 : i32
      "tpu.region"() ({
        %run_scoped3A = tpu.sem_alloc : memref<!tpu.dma_semaphore, #tpu.memory_space<semaphore_mem>>
        %dma_start3A = arith.constant 0 : i32
        %dma_start3A_35 = arith.constant 0 : i32
        %dma_start3A_36 = tpu.memref_slice %arg6[%dma_start3A, %dma_start3A_35] : memref<128x128xf32, #tpu.memory_space<vmem>> -> memref<8x128xf32, #tpu.memory_space<vmem>>
        %dma_start3A_37 = arith.constant 0 : i32
        %dma_start3A_38 = tpu.memref_slice %arg7[%add3A_33, %dma_start3A_37] : memref<10240x128xf32, #tpu.memory_space<vmem_shared>> -> memref<8x128xf32, #tpu.memory_space<vmem_shared>>
        %dma_start3A_39 = arith.constant 0 : i32
        %dma_start3A_40 = arith.constant 0 : i32
        %dma_start3A_41 = tpu.memref_slice %arg6[%dma_start3A_39, %dma_start3A_40] : memref<128x128xf32, #tpu.memory_space<vmem>> -> memref<8x128xf32, #tpu.memory_space<vmem>>
        %dma_start3A_42 = arith.constant 0 : i32
        %dma_start3A_43 = tpu.memref_slice %arg7[%add3A_33, %dma_start3A_42] : memref<10240x128xf32, #tpu.memory_space<vmem_shared>> -> memref<8x128xf32, #tpu.memory_space<vmem_shared>>
        tpu.enqueue_dma source(%dma_start3A_43 : memref<8x128xf32, #tpu.memory_space<vmem_shared>>) target(%dma_start3A_41 : memref<8x128xf32, #tpu.memory_space<vmem>>) target_semaphore(%run_scoped3A : memref<!tpu.dma_semaphore, #tpu.memory_space<semaphore_mem>>)
        %dma_wait3A = arith.constant 0 : i32
        %dma_wait3A_44 = arith.constant 0 : i32
        %dma_wait3A_45 = tpu.memref_slice %arg6[%dma_wait3A, %dma_wait3A_44] : memref<128x128xf32, #tpu.memory_space<vmem>> -> memref<8x128xf32, #tpu.memory_space<vmem>>
        %dma_wait3A_46 = arith.constant 0 : i32
        %dma_wait3A_47 = tpu.memref_slice %arg7[%add3A_33, %dma_wait3A_46] : memref<10240x128xf32, #tpu.memory_space<vmem_shared>> -> memref<8x128xf32, #tpu.memory_space<vmem_shared>>
        %dma_wait3A_48 = arith.constant 0 : i32
        %dma_wait3A_49 = arith.constant 0 : i32
        %dma_wait3A_50 = tpu.memref_slice %arg6[%dma_wait3A_48, %dma_wait3A_49] : memref<128x128xf32, #tpu.memory_space<vmem>> -> memref<8x128xf32, #tpu.memory_space<vmem>>
        %dma_wait3A_51 = arith.constant 0 : i32
        %dma_wait3A_52 = tpu.memref_slice %arg7[%add3A_33, %dma_wait3A_51] : memref<10240x128xf32, #tpu.memory_space<vmem_shared>> -> memref<8x128xf32, #tpu.memory_space<vmem_shared>>
        tpu.wait_dma2 semaphore(%run_scoped3A : memref<!tpu.dma_semaphore, #tpu.memory_space<semaphore_mem>>) src(%dma_wait3A_52 : memref<8x128xf32, #tpu.memory_space<vmem_shared>>) dst(%dma_wait3A_50 : memref<8x128xf32, #tpu.memory_space<vmem>>)
        tpu.yield
      }) : () -> ()
      %add3A_34 = arith.addi %mul3A_18, %add3A_33 : i32
      "tpu.region"() ({
        %run_scoped3A = tpu.sem_alloc : memref<!tpu.dma_semaphore, #tpu.memory_space<semaphore_mem>>
        %dma_start3A = arith.constant 0 : i32
        %dma_start3A_35 = arith.constant 0 : i32
        %dma_start3A_36 = tpu.memref_slice %arg6[%dma_start3A, %dma_start3A_35] : memref<128x128xf32, #tpu.memory_space<vmem>> -> memref<8x128xf32, #tpu.memory_space<vmem>>
        %dma_start3A_37 = arith.constant 0 : i32
        %dma_start3A_38 = tpu.memref_slice %arg4[%add3A_34, %dma_start3A_37] : memref<20480x128xf32, #tpu.memory_space<hbm>> -> memref<8x128xf32, #tpu.memory_space<hbm>>
        %dma_start3A_39 = arith.constant 0 : i32
        %dma_start3A_40 = tpu.memref_slice %arg4[%add3A_34, %dma_start3A_39] : memref<20480x128xf32, #tpu.memory_space<hbm>> -> memref<8x128xf32, #tpu.memory_space<hbm>>
        %dma_start3A_41 = arith.constant 0 : i32
        %dma_start3A_42 = arith.constant 0 : i32
        %dma_start3A_43 = tpu.memref_slice %arg6[%dma_start3A_41, %dma_start3A_42] : memref<128x128xf32, #tpu.memory_space<vmem>> -> memref<8x128xf32, #tpu.memory_space<vmem>>
        tpu.enqueue_dma source(%dma_start3A_43 : memref<8x128xf32, #tpu.memory_space<vmem>>) target(%dma_start3A_40 : memref<8x128xf32, #tpu.memory_space<hbm>>) target_semaphore(%run_scoped3A : memref<!tpu.dma_semaphore, #tpu.memory_space<semaphore_mem>>)
        %dma_wait3A = arith.constant 0 : i32
        %dma_wait3A_44 = arith.constant 0 : i32
        %dma_wait3A_45 = tpu.memref_slice %arg6[%dma_wait3A, %dma_wait3A_44] : memref<128x128xf32, #tpu.memory_space<vmem>> -> memref<8x128xf32, #tpu.memory_space<vmem>>
        %dma_wait3A_46 = arith.constant 0 : i32
        %dma_wait3A_47 = tpu.memref_slice %arg4[%add3A_34, %dma_wait3A_46] : memref<20480x128xf32, #tpu.memory_space<hbm>> -> memref<8x128xf32, #tpu.memory_space<hbm>>
        %dma_wait3A_48 = arith.constant 0 : i32
        %dma_wait3A_49 = tpu.memref_slice %arg4[%add3A_34, %dma_wait3A_48] : memref<20480x128xf32, #tpu.memory_space<hbm>> -> memref<8x128xf32, #tpu.memory_space<hbm>>
        %dma_wait3A_50 = arith.constant 0 : i32
        %dma_wait3A_51 = arith.constant 0 : i32
        %dma_wait3A_52 = tpu.memref_slice %arg6[%dma_wait3A_50, %dma_wait3A_51] : memref<128x128xf32, #tpu.memory_space<vmem>> -> memref<8x128xf32, #tpu.memory_space<vmem>>
        tpu.wait_dma2 semaphore(%run_scoped3A : memref<!tpu.dma_semaphore, #tpu.memory_space<semaphore_mem>>) src(%dma_wait3A_52 : memref<8x128xf32, #tpu.memory_space<vmem>>) dst(%dma_wait3A_49 : memref<8x128xf32, #tpu.memory_space<hbm>>)
        tpu.yield
      }) : () -> ()
    }
    %scan3A_23 = arith.constant 80 : i32
    return
  }
}

#map = affine_map<(d0, d1) -> (0, 0)>
#map1 = affine_map<(d0, d1) -> (0)>
module attributes {stable_mosaic.version = 14 : i64} {
  func.func @_gag_body(%arg0: i32, %arg1: i32, %arg2: memref<10000x128xf32, #tpu.memory_space<hbm>>, %arg3: memref<10000x128xf32, #tpu.memory_space<hbm>>, %arg4: memref<10000x128xf32, #tpu.memory_space<hbm>>, %arg5: memref<10000x128xf32, #tpu.memory_space<hbm>>, %arg6: memref<331776x16xf32, #tpu.memory_space<hbm>>, %arg7: memref<331776xi32, #tpu.memory_space<hbm>>, %arg8: memref<331776xi32, #tpu.memory_space<hbm>>, %arg9: memref<81920x128xf32, #tpu.memory_space<hbm>>, %arg10: memref<128xi32, #tpu.memory_space<vmem>>, %arg11: memref<128xi32, #tpu.memory_space<vmem>>, %arg12: memref<128x16xf32, #tpu.memory_space<vmem>>, %arg13: memref<128x128xf32, #tpu.memory_space<vmem>>, %arg14: memref<10240x128xf32, #tpu.memory_space<vmem_shared>>, %arg15: memref<!tpu.dma_semaphore, #tpu.memory_space<semaphore_mem>>, %arg16: memref<!tpu.dma_semaphore, #tpu.memory_space<semaphore_mem>>) attributes {dimension_semantics = [#tpu.dimension_semantics<core_parallel>, #tpu.dimension_semantics<subcore_parallel>], iteration_bounds = array<i64: 2, 16>, scalar_prefetch = 0 : i64, scratch_operands = 7 : i64, tpu.core_type = #tpu.core_type<sc_vector_subcore>, window_params = [{transform_indices = #map}, {transform_indices = #map}, {transform_indices = #map}, {transform_indices = #map}, {transform_indices = #map}, {transform_indices = #map1}, {transform_indices = #map1}, {transform_indices = #map}]} {
    %mul3A = arith.constant 2 : i32
    %mul3A_0 = arith.muli %arg1, %mul3A : i32
    %add3A = arith.addi %mul3A_0, %arg0 : i32
    %broadcast_in_dim3A = arith.constant 0 : i32
    %broadcast_in_dim3A_1 = vector.broadcast %broadcast_in_dim3A : i32 to vector<16xi32>
    %broadcast_in_dim3A_2 = arith.constant 0.000000e+00 : f32
    %broadcast_in_dim3A_3 = vector.broadcast %broadcast_in_dim3A_2 : f32 to vector<16xf32>
    %scan3A = arith.constant 0 : i32
    %scan3A_4 = arith.constant 128 : i32
    %scan3A_5 = arith.addi %scan3A, %scan3A_4 : i32
    %scan3A_6 = arith.constant 1 : i32
    scf.for %scan3A_130 = %scan3A to %scan3A_5 step %scan3A_6  : i32 {
      %mul3A_131 = arith.constant 1 : i32
      %mul3A_132 = arith.muli %scan3A_130, %mul3A_131 : i32
      %add3A_133 = arith.constant 0 : i32
      %add3A_134 = arith.addi %add3A_133, %mul3A_132 : i32
      %swap3A = arith.index_cast %add3A_134 : i32 to index
      %swap3A_135 = arith.constant 0 : index
      %swap3A_136 = tpu.vector_load %arg13[%swap3A, %swap3A_135] {strides = array<i32>} : memref<128x128xf32, #tpu.memory_space<vmem>>, vector<16xf32>,
      tpu.vector_store %arg13[%swap3A, %swap3A_135], %broadcast_in_dim3A_3 {strides = array<i32>} : memref<128x128xf32, #tpu.memory_space<vmem>>, vector<16xf32>,
      %swap3A_137 = arith.index_cast %add3A_134 : i32 to index
      %swap3A_138 = arith.constant 16 : index
      %swap3A_139 = tpu.vector_load %arg13[%swap3A_137, %swap3A_138] {strides = array<i32>} : memref<128x128xf32, #tpu.memory_space<vmem>>, vector<16xf32>,
      tpu.vector_store %arg13[%swap3A_137, %swap3A_138], %broadcast_in_dim3A_3 {strides = array<i32>} : memref<128x128xf32, #tpu.memory_space<vmem>>, vector<16xf32>,
      %swap3A_140 = arith.index_cast %add3A_134 : i32 to index
      %swap3A_141 = arith.constant 32 : index
      %swap3A_142 = tpu.vector_load %arg13[%swap3A_140, %swap3A_141] {strides = array<i32>} : memref<128x128xf32, #tpu.memory_space<vmem>>, vector<16xf32>,
      tpu.vector_store %arg13[%swap3A_140, %swap3A_141], %broadcast_in_dim3A_3 {strides = array<i32>} : memref<128x128xf32, #tpu.memory_space<vmem>>, vector<16xf32>,
      %swap3A_143 = arith.index_cast %add3A_134 : i32 to index
      %swap3A_144 = arith.constant 48 : index
      %swap3A_145 = tpu.vector_load %arg13[%swap3A_143, %swap3A_144] {strides = array<i32>} : memref<128x128xf32, #tpu.memory_space<vmem>>, vector<16xf32>,
      tpu.vector_store %arg13[%swap3A_143, %swap3A_144], %broadcast_in_dim3A_3 {strides = array<i32>} : memref<128x128xf32, #tpu.memory_space<vmem>>, vector<16xf32>,
      %swap3A_146 = arith.index_cast %add3A_134 : i32 to index
      %swap3A_147 = arith.constant 64 : index
      %swap3A_148 = tpu.vector_load %arg13[%swap3A_146, %swap3A_147] {strides = array<i32>} : memref<128x128xf32, #tpu.memory_space<vmem>>, vector<16xf32>,
      tpu.vector_store %arg13[%swap3A_146, %swap3A_147], %broadcast_in_dim3A_3 {strides = array<i32>} : memref<128x128xf32, #tpu.memory_space<vmem>>, vector<16xf32>,
      %swap3A_149 = arith.index_cast %add3A_134 : i32 to index
      %swap3A_150 = arith.constant 80 : index
      %swap3A_151 = tpu.vector_load %arg13[%swap3A_149, %swap3A_150] {strides = array<i32>} : memref<128x128xf32, #tpu.memory_space<vmem>>, vector<16xf32>,
      tpu.vector_store %arg13[%swap3A_149, %swap3A_150], %broadcast_in_dim3A_3 {strides = array<i32>} : memref<128x128xf32, #tpu.memory_space<vmem>>, vector<16xf32>,
      %swap3A_152 = arith.index_cast %add3A_134 : i32 to index
      %swap3A_153 = arith.constant 96 : index
      %swap3A_154 = tpu.vector_load %arg13[%swap3A_152, %swap3A_153] {strides = array<i32>} : memref<128x128xf32, #tpu.memory_space<vmem>>, vector<16xf32>,
      tpu.vector_store %arg13[%swap3A_152, %swap3A_153], %broadcast_in_dim3A_3 {strides = array<i32>} : memref<128x128xf32, #tpu.memory_space<vmem>>, vector<16xf32>,
      %swap3A_155 = arith.index_cast %add3A_134 : i32 to index
      %swap3A_156 = arith.constant 112 : index
      %swap3A_157 = tpu.vector_load %arg13[%swap3A_155, %swap3A_156] {strides = array<i32>} : memref<128x128xf32, #tpu.memory_space<vmem>>, vector<16xf32>,
      tpu.vector_store %arg13[%swap3A_155, %swap3A_156], %broadcast_in_dim3A_3 {strides = array<i32>} : memref<128x128xf32, #tpu.memory_space<vmem>>, vector<16xf32>,
    }
    %scan3A_7 = arith.constant 128 : i32
    %scan3A_8 = arith.constant 0 : i32
    %scan3A_9 = arith.constant 80 : i32
    %scan3A_10 = arith.addi %scan3A_8, %scan3A_9 : i32
    %scan3A_11 = arith.constant 1 : i32
    scf.for %scan3A_130 = %scan3A_8 to %scan3A_10 step %scan3A_11  : i32 {
      %mul3A_131 = arith.constant 1 : i32
      %mul3A_132 = arith.muli %scan3A_130, %mul3A_131 : i32
      %add3A_133 = arith.constant 0 : i32
      %add3A_134 = arith.addi %add3A_133, %mul3A_132 : i32
      %mul3A_135 = arith.constant 640 : i32
      %mul3A_136 = arith.muli %arg1, %mul3A_135 : i32
      %mul3A_137 = arith.constant 8 : i32
      %mul3A_138 = arith.muli %add3A_134, %mul3A_137 : i32
      %add3A_139 = arith.addi %mul3A_136, %mul3A_138 : i32
      "tpu.region"() ({
        %run_scoped3A = tpu.sem_alloc : memref<!tpu.dma_semaphore, #tpu.memory_space<semaphore_mem>>
        %dma_start3A = arith.constant 0 : i32
        %dma_start3A_140 = arith.constant 0 : i32
        %dma_start3A_141 = tpu.memref_slice %arg13[%dma_start3A, %dma_start3A_140] : memref<128x128xf32, #tpu.memory_space<vmem>> -> memref<8x128xf32, #tpu.memory_space<vmem>>
        %dma_start3A_142 = arith.constant 0 : i32
        %dma_start3A_143 = tpu.memref_slice %arg14[%add3A_139, %dma_start3A_142] : memref<10240x128xf32, #tpu.memory_space<vmem_shared>> -> memref<8x128xf32, #tpu.memory_space<vmem_shared>>
        %dma_start3A_144 = arith.constant 0 : i32
        %dma_start3A_145 = tpu.memref_slice %arg14[%add3A_139, %dma_start3A_144] : memref<10240x128xf32, #tpu.memory_space<vmem_shared>> -> memref<8x128xf32, #tpu.memory_space<vmem_shared>>
        %dma_start3A_146 = arith.constant 0 : i32
        %dma_start3A_147 = arith.constant 0 : i32
        %dma_start3A_148 = tpu.memref_slice %arg13[%dma_start3A_146, %dma_start3A_147] : memref<128x128xf32, #tpu.memory_space<vmem>> -> memref<8x128xf32, #tpu.memory_space<vmem>>
        tpu.enqueue_dma source(%dma_start3A_148 : memref<8x128xf32, #tpu.memory_space<vmem>>) target(%dma_start3A_145 : memref<8x128xf32, #tpu.memory_space<vmem_shared>>) target_semaphore(%run_scoped3A : memref<!tpu.dma_semaphore, #tpu.memory_space<semaphore_mem>>)
        %dma_wait3A = arith.constant 0 : i32
        %dma_wait3A_149 = arith.constant 0 : i32
        %dma_wait3A_150 = tpu.memref_slice %arg13[%dma_wait3A, %dma_wait3A_149] : memref<128x128xf32, #tpu.memory_space<vmem>> -> memref<8x128xf32, #tpu.memory_space<vmem>>
        %dma_wait3A_151 = arith.constant 0 : i32
        %dma_wait3A_152 = tpu.memref_slice %arg14[%add3A_139, %dma_wait3A_151] : memref<10240x128xf32, #tpu.memory_space<vmem_shared>> -> memref<8x128xf32, #tpu.memory_space<vmem_shared>>
        %dma_wait3A_153 = arith.constant 0 : i32
        %dma_wait3A_154 = tpu.memref_slice %arg14[%add3A_139, %dma_wait3A_153] : memref<10240x128xf32, #tpu.memory_space<vmem_shared>> -> memref<8x128xf32, #tpu.memory_space<vmem_shared>>
        %dma_wait3A_155 = arith.constant 0 : i32
        %dma_wait3A_156 = arith.constant 0 : i32
        %dma_wait3A_157 = tpu.memref_slice %arg13[%dma_wait3A_155, %dma_wait3A_156] : memref<128x128xf32, #tpu.memory_space<vmem>> -> memref<8x128xf32, #tpu.memory_space<vmem>>
        tpu.wait_dma2 semaphore(%run_scoped3A : memref<!tpu.dma_semaphore, #tpu.memory_space<semaphore_mem>>) src(%dma_wait3A_157 : memref<8x128xf32, #tpu.memory_space<vmem>>) dst(%dma_wait3A_154 : memref<8x128xf32, #tpu.memory_space<vmem_shared>>)
        tpu.yield
      }) : () -> ()
    }
    %scan3A_12 = arith.constant 80 : i32
    %barrier3A = arith.constant 0 : index
    tpu.barrier barrier_id(%barrier3A)
    %scan3A_13 = arith.constant 0 : i32
    %scan3A_14 = arith.constant 81 : i32
    %scan3A_15 = arith.addi %scan3A_13, %scan3A_14 : i32
    %scan3A_16 = arith.constant 1 : i32
    scf.for %scan3A_130 = %scan3A_13 to %scan3A_15 step %scan3A_16  : i32 {
      %mul3A_131 = arith.constant 1 : i32
      %mul3A_132 = arith.muli %scan3A_130, %mul3A_131 : i32
      %add3A_133 = arith.constant 0 : i32
      %add3A_134 = arith.addi %add3A_133, %mul3A_132 : i32
      %mul3A_135 = arith.constant 81 : i32
      %mul3A_136 = arith.muli %add3A, %mul3A_135 : i32
      %add3A_137 = arith.addi %mul3A_136, %add3A_134 : i32
      %mul3A_138 = arith.constant 128 : i32
      %mul3A_139 = arith.muli %add3A_137, %mul3A_138 : i32
      "tpu.region"() ({
        %run_scoped3A = tpu.sem_alloc : memref<!tpu.dma_semaphore, #tpu.memory_space<semaphore_mem>>
        %dma_start3A_155 = tpu.memref_slice %arg7[%mul3A_139] : memref<331776xi32, #tpu.memory_space<hbm>> -> memref<128xi32, #tpu.memory_space<hbm>>
        %dma_start3A_156 = tpu.memref_slice %arg7[%mul3A_139] : memref<331776xi32, #tpu.memory_space<hbm>> -> memref<128xi32, #tpu.memory_space<hbm>>
        tpu.enqueue_dma source(%dma_start3A_156 : memref<128xi32, #tpu.memory_space<hbm>>) target(%arg10 : memref<128xi32, #tpu.memory_space<vmem>>) target_semaphore(%run_scoped3A : memref<!tpu.dma_semaphore, #tpu.memory_space<semaphore_mem>>)
        %dma_wait3A_157 = tpu.memref_slice %arg7[%mul3A_139] : memref<331776xi32, #tpu.memory_space<hbm>> -> memref<128xi32, #tpu.memory_space<hbm>>
        %dma_wait3A_158 = tpu.memref_slice %arg7[%mul3A_139] : memref<331776xi32, #tpu.memory_space<hbm>> -> memref<128xi32, #tpu.memory_space<hbm>>
        tpu.wait_dma2 semaphore(%run_scoped3A : memref<!tpu.dma_semaphore, #tpu.memory_space<semaphore_mem>>) src(%dma_wait3A_158 : memref<128xi32, #tpu.memory_space<hbm>>) dst(%arg10 : memref<128xi32, #tpu.memory_space<vmem>>)
        tpu.yield
      }) : () -> ()
      "tpu.region"() ({
        %run_scoped3A = tpu.sem_alloc : memref<!tpu.dma_semaphore, #tpu.memory_space<semaphore_mem>>
        %dma_start3A_155 = tpu.memref_slice %arg8[%mul3A_139] : memref<331776xi32, #tpu.memory_space<hbm>> -> memref<128xi32, #tpu.memory_space<hbm>>
        %dma_start3A_156 = tpu.memref_slice %arg8[%mul3A_139] : memref<331776xi32, #tpu.memory_space<hbm>> -> memref<128xi32, #tpu.memory_space<hbm>>
        tpu.enqueue_dma source(%dma_start3A_156 : memref<128xi32, #tpu.memory_space<hbm>>) target(%arg11 : memref<128xi32, #tpu.memory_space<vmem>>) target_semaphore(%run_scoped3A : memref<!tpu.dma_semaphore, #tpu.memory_space<semaphore_mem>>)
        %dma_wait3A_157 = tpu.memref_slice %arg8[%mul3A_139] : memref<331776xi32, #tpu.memory_space<hbm>> -> memref<128xi32, #tpu.memory_space<hbm>>
        %dma_wait3A_158 = tpu.memref_slice %arg8[%mul3A_139] : memref<331776xi32, #tpu.memory_space<hbm>> -> memref<128xi32, #tpu.memory_space<hbm>>
        tpu.wait_dma2 semaphore(%run_scoped3A : memref<!tpu.dma_semaphore, #tpu.memory_space<semaphore_mem>>) src(%dma_wait3A_158 : memref<128xi32, #tpu.memory_space<hbm>>) dst(%arg11 : memref<128xi32, #tpu.memory_space<vmem>>)
        tpu.yield
      }) : () -> ()
      "tpu.region"() ({
        %run_scoped3A = tpu.sem_alloc : memref<!tpu.dma_semaphore, #tpu.memory_space<semaphore_mem>>
        %dma_start3A_155 = arith.constant 0 : i32
        %dma_start3A_156 = tpu.memref_slice %arg6[%mul3A_139, %dma_start3A_155] : memref<331776x16xf32, #tpu.memory_space<hbm>> -> memref<128x16xf32, #tpu.memory_space<hbm>>
        %dma_start3A_157 = arith.constant 0 : i32
        %dma_start3A_158 = tpu.memref_slice %arg6[%mul3A_139, %dma_start3A_157] : memref<331776x16xf32, #tpu.memory_space<hbm>> -> memref<128x16xf32, #tpu.memory_space<hbm>>
        tpu.enqueue_dma source(%dma_start3A_158 : memref<128x16xf32, #tpu.memory_space<hbm>>) target(%arg12 : memref<128x16xf32, #tpu.memory_space<vmem>>) target_semaphore(%run_scoped3A : memref<!tpu.dma_semaphore, #tpu.memory_space<semaphore_mem>>)
        %dma_wait3A_159 = arith.constant 0 : i32
        %dma_wait3A_160 = tpu.memref_slice %arg6[%mul3A_139, %dma_wait3A_159] : memref<331776x16xf32, #tpu.memory_space<hbm>> -> memref<128x16xf32, #tpu.memory_space<hbm>>
        %dma_wait3A_161 = arith.constant 0 : i32
        %dma_wait3A_162 = tpu.memref_slice %arg6[%mul3A_139, %dma_wait3A_161] : memref<331776x16xf32, #tpu.memory_space<hbm>> -> memref<128x16xf32, #tpu.memory_space<hbm>>
        tpu.wait_dma2 semaphore(%run_scoped3A : memref<!tpu.dma_semaphore, #tpu.memory_space<semaphore_mem>>) src(%dma_wait3A_162 : memref<128x16xf32, #tpu.memory_space<hbm>>) dst(%arg12 : memref<128x16xf32, #tpu.memory_space<vmem>>)
        tpu.yield
      }) : () -> ()
      %dma_start3A = arith.constant 0 : i32
      %dma_start3A_140 = arith.constant 0 : i32
      %dma_start3A_141 = tpu.memref_slice %arg2[%dma_start3A, %dma_start3A_140] : memref<10000x128xf32, #tpu.memory_space<hbm>> -> memref<10000x128xf32, #tpu.memory_space<hbm>>
      tpu.enqueue_indirect_dma source(%dma_start3A_141 : memref<10000x128xf32, #tpu.memory_space<hbm>>) target(%arg13 : memref<128x128xf32, #tpu.memory_space<vmem>>) offsets(%arg10 : memref<128xi32, #tpu.memory_space<vmem>>) semaphore(%arg15 : memref<!tpu.dma_semaphore, #tpu.memory_space<semaphore_mem>>)
      %dma_wait3A = arith.constant 0 : i32
      %dma_wait3A_142 = arith.constant 0 : i32
      %dma_wait3A_143 = tpu.memref_slice %arg2[%dma_wait3A, %dma_wait3A_142] : memref<10000x128xf32, #tpu.memory_space<hbm>> -> memref<10000x128xf32, #tpu.memory_space<hbm>>
      tpu.wait_indirect_dma semaphore(%arg15 : memref<!tpu.dma_semaphore, #tpu.memory_space<semaphore_mem>>) src(%dma_wait3A_143 : memref<10000x128xf32, #tpu.memory_space<hbm>>) dst(%arg13 : memref<128x128xf32, #tpu.memory_space<vmem>>)
      %scan3A_144 = arith.constant 0 : i32
      %scan3A_145 = arith.constant 128 : i32
      %scan3A_146 = arith.addi %scan3A_144, %scan3A_145 : i32
      %scan3A_147 = arith.constant 1 : i32
      scf.for %scan3A_155 = %scan3A_144 to %scan3A_146 step %scan3A_147  : i32 {
        %mul3A_156 = arith.constant 1 : i32
        %mul3A_157 = arith.muli %scan3A_155, %mul3A_156 : i32
        %add3A_158 = arith.constant 0 : i32
        %add3A_159 = arith.addi %add3A_158, %mul3A_157 : i32
        %get3A = arith.index_cast %add3A_159 : i32 to index
        %get3A_160 = arith.constant 0 : index
        %get3A_161 = tpu.vector_load %arg12[%get3A, %get3A_160] {strides = array<i32>} : memref<128x16xf32, #tpu.memory_space<vmem>>, vector<16xf32>,
        %lt3A = arith.constant 0 : i32
        %lt3A_162 = vector.broadcast %lt3A : i32 to vector<16xi32>
        %lt3A_163 = arith.cmpi slt, %broadcast_in_dim3A_1, %lt3A_162 : vector<16xi32>
        %add3A_164 = arith.constant 16 : i32
        %add3A_165 = vector.broadcast %add3A_164 : i32 to vector<16xi32>
        %add3A_166 = arith.addi %broadcast_in_dim3A_1, %add3A_165 : vector<16xi32>
        %select_n3A = arith.select %lt3A_163, %add3A_166, %broadcast_in_dim3A_1 : vector<16xi1>, vector<16xi32>
        %broadcast_in_dim3A_167 = vector.shape_cast %select_n3A : vector<16xi32> to vector<16x1xi32>
        %gather3A = vector.shape_cast %broadcast_in_dim3A_167 : vector<16x1xi32> to vector<16xi32>
        %gather3A_168 = tpu.dynamic_gather %get3A_161[%gather3A] in [0] : vector<16xf32>, vector<16xi32> -> vector<16xf32>
        %get3A_169 = arith.index_cast %add3A_159 : i32 to index
        %get3A_170 = arith.constant 0 : index
        %get3A_171 = tpu.vector_load %arg13[%get3A_169, %get3A_170] {strides = array<i32>} : memref<128x128xf32, #tpu.memory_space<vmem>>, vector<16xf32>,
        %mul3A_172 = arith.mulf %get3A_171, %gather3A_168 : vector<16xf32>
        %swap3A = arith.index_cast %add3A_159 : i32 to index
        %swap3A_173 = arith.constant 0 : index
        %swap3A_174 = tpu.vector_load %arg13[%swap3A, %swap3A_173] {strides = array<i32>} : memref<128x128xf32, #tpu.memory_space<vmem>>, vector<16xf32>,
        tpu.vector_store %arg13[%swap3A, %swap3A_173], %mul3A_172 {strides = array<i32>} : memref<128x128xf32, #tpu.memory_space<vmem>>, vector<16xf32>,
        %get3A_175 = arith.index_cast %add3A_159 : i32 to index
        %get3A_176 = arith.constant 16 : index
        %get3A_177 = tpu.vector_load %arg13[%get3A_175, %get3A_176] {strides = array<i32>} : memref<128x128xf32, #tpu.memory_space<vmem>>, vector<16xf32>,
        %mul3A_178 = arith.mulf %get3A_177, %gather3A_168 : vector<16xf32>
        %swap3A_179 = arith.index_cast %add3A_159 : i32 to index
        %swap3A_180 = arith.constant 16 : index
        %swap3A_181 = tpu.vector_load %arg13[%swap3A_179, %swap3A_180] {strides = array<i32>} : memref<128x128xf32, #tpu.memory_space<vmem>>, vector<16xf32>,
        tpu.vector_store %arg13[%swap3A_179, %swap3A_180], %mul3A_178 {strides = array<i32>} : memref<128x128xf32, #tpu.memory_space<vmem>>, vector<16xf32>,
        %get3A_182 = arith.index_cast %add3A_159 : i32 to index
        %get3A_183 = arith.constant 32 : index
        %get3A_184 = tpu.vector_load %arg13[%get3A_182, %get3A_183] {strides = array<i32>} : memref<128x128xf32, #tpu.memory_space<vmem>>, vector<16xf32>,
        %mul3A_185 = arith.mulf %get3A_184, %gather3A_168 : vector<16xf32>
        %swap3A_186 = arith.index_cast %add3A_159 : i32 to index
        %swap3A_187 = arith.constant 32 : index
        %swap3A_188 = tpu.vector_load %arg13[%swap3A_186, %swap3A_187] {strides = array<i32>} : memref<128x128xf32, #tpu.memory_space<vmem>>, vector<16xf32>,
        tpu.vector_store %arg13[%swap3A_186, %swap3A_187], %mul3A_185 {strides = array<i32>} : memref<128x128xf32, #tpu.memory_space<vmem>>, vector<16xf32>,
        %get3A_189 = arith.index_cast %add3A_159 : i32 to index
        %get3A_190 = arith.constant 48 : index
        %get3A_191 = tpu.vector_load %arg13[%get3A_189, %get3A_190] {strides = array<i32>} : memref<128x128xf32, #tpu.memory_space<vmem>>, vector<16xf32>,
        %mul3A_192 = arith.mulf %get3A_191, %gather3A_168 : vector<16xf32>
        %swap3A_193 = arith.index_cast %add3A_159 : i32 to index
        %swap3A_194 = arith.constant 48 : index
        %swap3A_195 = tpu.vector_load %arg13[%swap3A_193, %swap3A_194] {strides = array<i32>} : memref<128x128xf32, #tpu.memory_space<vmem>>, vector<16xf32>,
        tpu.vector_store %arg13[%swap3A_193, %swap3A_194], %mul3A_192 {strides = array<i32>} : memref<128x128xf32, #tpu.memory_space<vmem>>, vector<16xf32>,
        %get3A_196 = arith.index_cast %add3A_159 : i32 to index
        %get3A_197 = arith.constant 64 : index
        %get3A_198 = tpu.vector_load %arg13[%get3A_196, %get3A_197] {strides = array<i32>} : memref<128x128xf32, #tpu.memory_space<vmem>>, vector<16xf32>,
        %mul3A_199 = arith.mulf %get3A_198, %gather3A_168 : vector<16xf32>
        %swap3A_200 = arith.index_cast %add3A_159 : i32 to index
        %swap3A_201 = arith.constant 64 : index
        %swap3A_202 = tpu.vector_load %arg13[%swap3A_200, %swap3A_201] {strides = array<i32>} : memref<128x128xf32, #tpu.memory_space<vmem>>, vector<16xf32>,
        tpu.vector_store %arg13[%swap3A_200, %swap3A_201], %mul3A_199 {strides = array<i32>} : memref<128x128xf32, #tpu.memory_space<vmem>>, vector<16xf32>,
        %get3A_203 = arith.index_cast %add3A_159 : i32 to index
        %get3A_204 = arith.constant 80 : index
        %get3A_205 = tpu.vector_load %arg13[%get3A_203, %get3A_204] {strides = array<i32>} : memref<128x128xf32, #tpu.memory_space<vmem>>, vector<16xf32>,
        %mul3A_206 = arith.mulf %get3A_205, %gather3A_168 : vector<16xf32>
        %swap3A_207 = arith.index_cast %add3A_159 : i32 to index
        %swap3A_208 = arith.constant 80 : index
        %swap3A_209 = tpu.vector_load %arg13[%swap3A_207, %swap3A_208] {strides = array<i32>} : memref<128x128xf32, #tpu.memory_space<vmem>>, vector<16xf32>,
        tpu.vector_store %arg13[%swap3A_207, %swap3A_208], %mul3A_206 {strides = array<i32>} : memref<128x128xf32, #tpu.memory_space<vmem>>, vector<16xf32>,
        %get3A_210 = arith.index_cast %add3A_159 : i32 to index
        %get3A_211 = arith.constant 96 : index
        %get3A_212 = tpu.vector_load %arg13[%get3A_210, %get3A_211] {strides = array<i32>} : memref<128x128xf32, #tpu.memory_space<vmem>>, vector<16xf32>,
        %mul3A_213 = arith.mulf %get3A_212, %gather3A_168 : vector<16xf32>
        %swap3A_214 = arith.index_cast %add3A_159 : i32 to index
        %swap3A_215 = arith.constant 96 : index
        %swap3A_216 = tpu.vector_load %arg13[%swap3A_214, %swap3A_215] {strides = array<i32>} : memref<128x128xf32, #tpu.memory_space<vmem>>, vector<16xf32>,
        tpu.vector_store %arg13[%swap3A_214, %swap3A_215], %mul3A_213 {strides = array<i32>} : memref<128x128xf32, #tpu.memory_space<vmem>>, vector<16xf32>,
        %get3A_217 = arith.index_cast %add3A_159 : i32 to index
        %get3A_218 = arith.constant 112 : index
        %get3A_219 = tpu.vector_load %arg13[%get3A_217, %get3A_218] {strides = array<i32>} : memref<128x128xf32, #tpu.memory_space<vmem>>, vector<16xf32>,
        %mul3A_220 = arith.mulf %get3A_219, %gather3A_168 : vector<16xf32>
        %swap3A_221 = arith.index_cast %add3A_159 : i32 to index
        %swap3A_222 = arith.constant 112 : index
        %swap3A_223 = tpu.vector_load %arg13[%swap3A_221, %swap3A_222] {strides = array<i32>} : memref<128x128xf32, #tpu.memory_space<vmem>>, vector<16xf32>,
        tpu.vector_store %arg13[%swap3A_221, %swap3A_222], %mul3A_220 {strides = array<i32>} : memref<128x128xf32, #tpu.memory_space<vmem>>, vector<16xf32>,
      }
      %scan3A_148 = arith.constant 128 : i32
      %dma_start3A_149 = arith.constant 0 : i32
      %dma_start3A_150 = arith.constant 0 : i32
      %dma_start3A_151 = tpu.memref_slice %arg14[%dma_start3A_149, %dma_start3A_150] : memref<10240x128xf32, #tpu.memory_space<vmem_shared>> -> memref<10240x128xf32, #tpu.memory_space<vmem_shared>>
      tpu.enqueue_indirect_dma source(%arg13 : memref<128x128xf32, #tpu.memory_space<vmem>>) target(%dma_start3A_151 : memref<10240x128xf32, #tpu.memory_space<vmem_shared>>) offsets(%arg11 : memref<128xi32, #tpu.memory_space<vmem>>) semaphore(%arg16 : memref<!tpu.dma_semaphore, #tpu.memory_space<semaphore_mem>>) {add = true}
      %dma_wait3A_152 = arith.constant 0 : i32
      %dma_wait3A_153 = arith.constant 0 : i32
      %dma_wait3A_154 = tpu.memref_slice %arg14[%dma_wait3A_152, %dma_wait3A_153] : memref<10240x128xf32, #tpu.memory_space<vmem_shared>> -> memref<10240x128xf32, #tpu.memory_space<vmem_shared>>
      tpu.wait_indirect_dma semaphore(%arg16 : memref<!tpu.dma_semaphore, #tpu.memory_space<semaphore_mem>>) src(%arg13 : memref<128x128xf32, #tpu.memory_space<vmem>>) dst(%dma_wait3A_154 : memref<10240x128xf32, #tpu.memory_space<vmem_shared>>)
    }
    %scan3A_17 = arith.constant 81 : i32
    %barrier3A_18 = arith.constant 0 : index
    tpu.barrier barrier_id(%barrier3A_18)
    %mul3A_19 = arith.constant 4 : i32
    %mul3A_20 = arith.muli %arg0, %mul3A_19 : i32
    %add3A_21 = arith.constant 0 : i32
    %add3A_22 = arith.addi %mul3A_20, %add3A_21 : i32
    %mul3A_23 = arith.constant 10240 : i32
    %mul3A_24 = arith.muli %add3A_22, %mul3A_23 : i32
    %scan3A_25 = arith.constant 0 : i32
    %scan3A_26 = arith.constant 80 : i32
    %scan3A_27 = arith.addi %scan3A_25, %scan3A_26 : i32
    %scan3A_28 = arith.constant 1 : i32
    scf.for %scan3A_130 = %scan3A_25 to %scan3A_27 step %scan3A_28  : i32 {
      %mul3A_131 = arith.constant 1 : i32
      %mul3A_132 = arith.muli %scan3A_130, %mul3A_131 : i32
      %add3A_133 = arith.constant 0 : i32
      %add3A_134 = arith.addi %add3A_133, %mul3A_132 : i32
      %mul3A_135 = arith.constant 640 : i32
      %mul3A_136 = arith.muli %arg1, %mul3A_135 : i32
      %mul3A_137 = arith.constant 8 : i32
      %mul3A_138 = arith.muli %add3A_134, %mul3A_137 : i32
      %add3A_139 = arith.addi %mul3A_136, %mul3A_138 : i32
      "tpu.region"() ({
        %run_scoped3A = tpu.sem_alloc : memref<!tpu.dma_semaphore, #tpu.memory_space<semaphore_mem>>
        %dma_start3A = arith.constant 0 : i32
        %dma_start3A_141 = arith.constant 0 : i32
        %dma_start3A_142 = tpu.memref_slice %arg13[%dma_start3A, %dma_start3A_141] : memref<128x128xf32, #tpu.memory_space<vmem>> -> memref<8x128xf32, #tpu.memory_space<vmem>>
        %dma_start3A_143 = arith.constant 0 : i32
        %dma_start3A_144 = tpu.memref_slice %arg14[%add3A_139, %dma_start3A_143] : memref<10240x128xf32, #tpu.memory_space<vmem_shared>> -> memref<8x128xf32, #tpu.memory_space<vmem_shared>>
        %dma_start3A_145 = arith.constant 0 : i32
        %dma_start3A_146 = arith.constant 0 : i32
        %dma_start3A_147 = tpu.memref_slice %arg13[%dma_start3A_145, %dma_start3A_146] : memref<128x128xf32, #tpu.memory_space<vmem>> -> memref<8x128xf32, #tpu.memory_space<vmem>>
        %dma_start3A_148 = arith.constant 0 : i32
        %dma_start3A_149 = tpu.memref_slice %arg14[%add3A_139, %dma_start3A_148] : memref<10240x128xf32, #tpu.memory_space<vmem_shared>> -> memref<8x128xf32, #tpu.memory_space<vmem_shared>>
        tpu.enqueue_dma source(%dma_start3A_149 : memref<8x128xf32, #tpu.memory_space<vmem_shared>>) target(%dma_start3A_147 : memref<8x128xf32, #tpu.memory_space<vmem>>) target_semaphore(%run_scoped3A : memref<!tpu.dma_semaphore, #tpu.memory_space<semaphore_mem>>)
        %dma_wait3A = arith.constant 0 : i32
        %dma_wait3A_150 = arith.constant 0 : i32
        %dma_wait3A_151 = tpu.memref_slice %arg13[%dma_wait3A, %dma_wait3A_150] : memref<128x128xf32, #tpu.memory_space<vmem>> -> memref<8x128xf32, #tpu.memory_space<vmem>>
        %dma_wait3A_152 = arith.constant 0 : i32
        %dma_wait3A_153 = tpu.memref_slice %arg14[%add3A_139, %dma_wait3A_152] : memref<10240x128xf32, #tpu.memory_space<vmem_shared>> -> memref<8x128xf32, #tpu.memory_space<vmem_shared>>
        %dma_wait3A_154 = arith.constant 0 : i32
        %dma_wait3A_155 = arith.constant 0 : i32
        %dma_wait3A_156 = tpu.memref_slice %arg13[%dma_wait3A_154, %dma_wait3A_155] : memref<128x128xf32, #tpu.memory_space<vmem>> -> memref<8x128xf32, #tpu.memory_space<vmem>>
        %dma_wait3A_157 = arith.constant 0 : i32
        %dma_wait3A_158 = tpu.memref_slice %arg14[%add3A_139, %dma_wait3A_157] : memref<10240x128xf32, #tpu.memory_space<vmem_shared>> -> memref<8x128xf32, #tpu.memory_space<vmem_shared>>
        tpu.wait_dma2 semaphore(%run_scoped3A : memref<!tpu.dma_semaphore, #tpu.memory_space<semaphore_mem>>) src(%dma_wait3A_158 : memref<8x128xf32, #tpu.memory_space<vmem_shared>>) dst(%dma_wait3A_156 : memref<8x128xf32, #tpu.memory_space<vmem>>)
        tpu.yield
      }) : () -> ()
      %add3A_140 = arith.addi %mul3A_24, %add3A_139 : i32
      "tpu.region"() ({
        %run_scoped3A = tpu.sem_alloc : memref<!tpu.dma_semaphore, #tpu.memory_space<semaphore_mem>>
        %dma_start3A = arith.constant 0 : i32
        %dma_start3A_141 = arith.constant 0 : i32
        %dma_start3A_142 = tpu.memref_slice %arg13[%dma_start3A, %dma_start3A_141] : memref<128x128xf32, #tpu.memory_space<vmem>> -> memref<8x128xf32, #tpu.memory_space<vmem>>
        %dma_start3A_143 = arith.constant 0 : i32
        %dma_start3A_144 = tpu.memref_slice %arg9[%add3A_140, %dma_start3A_143] : memref<81920x128xf32, #tpu.memory_space<hbm>> -> memref<8x128xf32, #tpu.memory_space<hbm>>
        %dma_start3A_145 = arith.constant 0 : i32
        %dma_start3A_146 = tpu.memref_slice %arg9[%add3A_140, %dma_start3A_145] : memref<81920x128xf32, #tpu.memory_space<hbm>> -> memref<8x128xf32, #tpu.memory_space<hbm>>
        %dma_start3A_147 = arith.constant 0 : i32
        %dma_start3A_148 = arith.constant 0 : i32
        %dma_start3A_149 = tpu.memref_slice %arg13[%dma_start3A_147, %dma_start3A_148] : memref<128x128xf32, #tpu.memory_space<vmem>> -> memref<8x128xf32, #tpu.memory_space<vmem>>
        tpu.enqueue_dma source(%dma_start3A_149 : memref<8x128xf32, #tpu.memory_space<vmem>>) target(%dma_start3A_146 : memref<8x128xf32, #tpu.memory_space<hbm>>) target_semaphore(%run_scoped3A : memref<!tpu.dma_semaphore, #tpu.memory_space<semaphore_mem>>)
        %dma_wait3A = arith.constant 0 : i32
        %dma_wait3A_150 = arith.constant 0 : i32
        %dma_wait3A_151 = tpu.memref_slice %arg13[%dma_wait3A, %dma_wait3A_150] : memref<128x128xf32, #tpu.memory_space<vmem>> -> memref<8x128xf32, #tpu.memory_space<vmem>>
        %dma_wait3A_152 = arith.constant 0 : i32
        %dma_wait3A_153 = tpu.memref_slice %arg9[%add3A_140, %dma_wait3A_152] : memref<81920x128xf32, #tpu.memory_space<hbm>> -> memref<8x128xf32, #tpu.memory_space<hbm>>
        %dma_wait3A_154 = arith.constant 0 : i32
        %dma_wait3A_155 = tpu.memref_slice %arg9[%add3A_140, %dma_wait3A_154] : memref<81920x128xf32, #tpu.memory_space<hbm>> -> memref<8x128xf32, #tpu.memory_space<hbm>>
        %dma_wait3A_156 = arith.constant 0 : i32
        %dma_wait3A_157 = arith.constant 0 : i32
        %dma_wait3A_158 = tpu.memref_slice %arg13[%dma_wait3A_156, %dma_wait3A_157] : memref<128x128xf32, #tpu.memory_space<vmem>> -> memref<8x128xf32, #tpu.memory_space<vmem>>
        tpu.wait_dma2 semaphore(%run_scoped3A : memref<!tpu.dma_semaphore, #tpu.memory_space<semaphore_mem>>) src(%dma_wait3A_158 : memref<8x128xf32, #tpu.memory_space<vmem>>) dst(%dma_wait3A_155 : memref<8x128xf32, #tpu.memory_space<hbm>>)
        tpu.yield
      }) : () -> ()
    }
    %scan3A_29 = arith.constant 80 : i32
    %barrier3A_30 = arith.constant 0 : index
    tpu.barrier barrier_id(%barrier3A_30)
    %broadcast_in_dim3A_31 = arith.constant 1 : i32
    %broadcast_in_dim3A_32 = vector.broadcast %broadcast_in_dim3A_31 : i32 to vector<16xi32>
    %broadcast_in_dim3A_33 = arith.constant 0.000000e+00 : f32
    %broadcast_in_dim3A_34 = vector.broadcast %broadcast_in_dim3A_33 : f32 to vector<16xf32>
    %scan3A_35 = arith.constant 0 : i32
    %scan3A_36 = arith.constant 128 : i32
    %scan3A_37 = arith.addi %scan3A_35, %scan3A_36 : i32
    %scan3A_38 = arith.constant 1 : i32
    scf.for %scan3A_130 = %scan3A_35 to %scan3A_37 step %scan3A_38  : i32 {
      %mul3A_131 = arith.constant 1 : i32
      %mul3A_132 = arith.muli %scan3A_130, %mul3A_131 : i32
      %add3A_133 = arith.constant 0 : i32
      %add3A_134 = arith.addi %add3A_133, %mul3A_132 : i32
      %swap3A = arith.index_cast %add3A_134 : i32 to index
      %swap3A_135 = arith.constant 0 : index
      %swap3A_136 = tpu.vector_load %arg13[%swap3A, %swap3A_135] {strides = array<i32>} : memref<128x128xf32, #tpu.memory_space<vmem>>, vector<16xf32>,
      tpu.vector_store %arg13[%swap3A, %swap3A_135], %broadcast_in_dim3A_34 {strides = array<i32>} : memref<128x128xf32, #tpu.memory_space<vmem>>, vector<16xf32>,
      %swap3A_137 = arith.index_cast %add3A_134 : i32 to index
      %swap3A_138 = arith.constant 16 : index
      %swap3A_139 = tpu.vector_load %arg13[%swap3A_137, %swap3A_138] {strides = array<i32>} : memref<128x128xf32, #tpu.memory_space<vmem>>, vector<16xf32>,
      tpu.vector_store %arg13[%swap3A_137, %swap3A_138], %broadcast_in_dim3A_34 {strides = array<i32>} : memref<128x128xf32, #tpu.memory_space<vmem>>, vector<16xf32>,
      %swap3A_140 = arith.index_cast %add3A_134 : i32 to index
      %swap3A_141 = arith.constant 32 : index
      %swap3A_142 = tpu.vector_load %arg13[%swap3A_140, %swap3A_141] {strides = array<i32>} : memref<128x128xf32, #tpu.memory_space<vmem>>, vector<16xf32>,
      tpu.vector_store %arg13[%swap3A_140, %swap3A_141], %broadcast_in_dim3A_34 {strides = array<i32>} : memref<128x128xf32, #tpu.memory_space<vmem>>, vector<16xf32>,
      %swap3A_143 = arith.index_cast %add3A_134 : i32 to index
      %swap3A_144 = arith.constant 48 : index
      %swap3A_145 = tpu.vector_load %arg13[%swap3A_143, %swap3A_144] {strides = array<i32>} : memref<128x128xf32, #tpu.memory_space<vmem>>, vector<16xf32>,
      tpu.vector_store %arg13[%swap3A_143, %swap3A_144], %broadcast_in_dim3A_34 {strides = array<i32>} : memref<128x128xf32, #tpu.memory_space<vmem>>, vector<16xf32>,
      %swap3A_146 = arith.index_cast %add3A_134 : i32 to index
      %swap3A_147 = arith.constant 64 : index
      %swap3A_148 = tpu.vector_load %arg13[%swap3A_146, %swap3A_147] {strides = array<i32>} : memref<128x128xf32, #tpu.memory_space<vmem>>, vector<16xf32>,
      tpu.vector_store %arg13[%swap3A_146, %swap3A_147], %broadcast_in_dim3A_34 {strides = array<i32>} : memref<128x128xf32, #tpu.memory_space<vmem>>, vector<16xf32>,
      %swap3A_149 = arith.index_cast %add3A_134 : i32 to index
      %swap3A_150 = arith.constant 80 : index
      %swap3A_151 = tpu.vector_load %arg13[%swap3A_149, %swap3A_150] {strides = array<i32>} : memref<128x128xf32, #tpu.memory_space<vmem>>, vector<16xf32>,
      tpu.vector_store %arg13[%swap3A_149, %swap3A_150], %broadcast_in_dim3A_34 {strides = array<i32>} : memref<128x128xf32, #tpu.memory_space<vmem>>, vector<16xf32>,
      %swap3A_152 = arith.index_cast %add3A_134 : i32 to index
      %swap3A_153 = arith.constant 96 : index
      %swap3A_154 = tpu.vector_load %arg13[%swap3A_152, %swap3A_153] {strides = array<i32>} : memref<128x128xf32, #tpu.memory_space<vmem>>, vector<16xf32>,
      tpu.vector_store %arg13[%swap3A_152, %swap3A_153], %broadcast_in_dim3A_34 {strides = array<i32>} : memref<128x128xf32, #tpu.memory_space<vmem>>, vector<16xf32>,
      %swap3A_155 = arith.index_cast %add3A_134 : i32 to index
      %swap3A_156 = arith.constant 112 : index
      %swap3A_157 = tpu.vector_load %arg13[%swap3A_155, %swap3A_156] {strides = array<i32>} : memref<128x128xf32, #tpu.memory_space<vmem>>, vector<16xf32>,
      tpu.vector_store %arg13[%swap3A_155, %swap3A_156], %broadcast_in_dim3A_34 {strides = array<i32>} : memref<128x128xf32, #tpu.memory_space<vmem>>, vector<16xf32>,
    }
    %scan3A_39 = arith.constant 128 : i32
    %scan3A_40 = arith.constant 0 : i32
    %scan3A_41 = arith.constant 80 : i32
    %scan3A_42 = arith.addi %scan3A_40, %scan3A_41 : i32
    %scan3A_43 = arith.constant 1 : i32
    scf.for %scan3A_130 = %scan3A_40 to %scan3A_42 step %scan3A_43  : i32 {
      %mul3A_131 = arith.constant 1 : i32
      %mul3A_132 = arith.muli %scan3A_130, %mul3A_131 : i32
      %add3A_133 = arith.constant 0 : i32
      %add3A_134 = arith.addi %add3A_133, %mul3A_132 : i32
      %mul3A_135 = arith.constant 640 : i32
      %mul3A_136 = arith.muli %arg1, %mul3A_135 : i32
      %mul3A_137 = arith.constant 8 : i32
      %mul3A_138 = arith.muli %add3A_134, %mul3A_137 : i32
      %add3A_139 = arith.addi %mul3A_136, %mul3A_138 : i32
      "tpu.region"() ({
        %run_scoped3A = tpu.sem_alloc : memref<!tpu.dma_semaphore, #tpu.memory_space<semaphore_mem>>
        %dma_start3A = arith.constant 0 : i32
        %dma_start3A_140 = arith.constant 0 : i32
        %dma_start3A_141 = tpu.memref_slice %arg13[%dma_start3A, %dma_start3A_140] : memref<128x128xf32, #tpu.memory_space<vmem>> -> memref<8x128xf32, #tpu.memory_space<vmem>>
        %dma_start3A_142 = arith.constant 0 : i32
        %dma_start3A_143 = tpu.memref_slice %arg14[%add3A_139, %dma_start3A_142] : memref<10240x128xf32, #tpu.memory_space<vmem_shared>> -> memref<8x128xf32, #tpu.memory_space<vmem_shared>>
        %dma_start3A_144 = arith.constant 0 : i32
        %dma_start3A_145 = tpu.memref_slice %arg14[%add3A_139, %dma_start3A_144] : memref<10240x128xf32, #tpu.memory_space<vmem_shared>> -> memref<8x128xf32, #tpu.memory_space<vmem_shared>>
        %dma_start3A_146 = arith.constant 0 : i32
        %dma_start3A_147 = arith.constant 0 : i32
        %dma_start3A_148 = tpu.memref_slice %arg13[%dma_start3A_146, %dma_start3A_147] : memref<128x128xf32, #tpu.memory_space<vmem>> -> memref<8x128xf32, #tpu.memory_space<vmem>>
        tpu.enqueue_dma source(%dma_start3A_148 : memref<8x128xf32, #tpu.memory_space<vmem>>) target(%dma_start3A_145 : memref<8x128xf32, #tpu.memory_space<vmem_shared>>) target_semaphore(%run_scoped3A : memref<!tpu.dma_semaphore, #tpu.memory_space<semaphore_mem>>)
        %dma_wait3A = arith.constant 0 : i32
        %dma_wait3A_149 = arith.constant 0 : i32
        %dma_wait3A_150 = tpu.memref_slice %arg13[%dma_wait3A, %dma_wait3A_149] : memref<128x128xf32, #tpu.memory_space<vmem>> -> memref<8x128xf32, #tpu.memory_space<vmem>>
        %dma_wait3A_151 = arith.constant 0 : i32
        %dma_wait3A_152 = tpu.memref_slice %arg14[%add3A_139, %dma_wait3A_151] : memref<10240x128xf32, #tpu.memory_space<vmem_shared>> -> memref<8x128xf32, #tpu.memory_space<vmem_shared>>
        %dma_wait3A_153 = arith.constant 0 : i32
        %dma_wait3A_154 = tpu.memref_slice %arg14[%add3A_139, %dma_wait3A_153] : memref<10240x128xf32, #tpu.memory_space<vmem_shared>> -> memref<8x128xf32, #tpu.memory_space<vmem_shared>>
        %dma_wait3A_155 = arith.constant 0 : i32
        %dma_wait3A_156 = arith.constant 0 : i32
        %dma_wait3A_157 = tpu.memref_slice %arg13[%dma_wait3A_155, %dma_wait3A_156] : memref<128x128xf32, #tpu.memory_space<vmem>> -> memref<8x128xf32, #tpu.memory_space<vmem>>
        tpu.wait_dma2 semaphore(%run_scoped3A : memref<!tpu.dma_semaphore, #tpu.memory_space<semaphore_mem>>) src(%dma_wait3A_157 : memref<8x128xf32, #tpu.memory_space<vmem>>) dst(%dma_wait3A_154 : memref<8x128xf32, #tpu.memory_space<vmem_shared>>)
        tpu.yield
      }) : () -> ()
    }
    %scan3A_44 = arith.constant 80 : i32
    %barrier3A_45 = arith.constant 0 : index
    tpu.barrier barrier_id(%barrier3A_45)
    %scan3A_46 = arith.constant 0 : i32
    %scan3A_47 = arith.constant 81 : i32
    %scan3A_48 = arith.addi %scan3A_46, %scan3A_47 : i32
    %scan3A_49 = arith.constant 1 : i32
    scf.for %scan3A_130 = %scan3A_46 to %scan3A_48 step %scan3A_49  : i32 {
      %mul3A_131 = arith.constant 1 : i32
      %mul3A_132 = arith.muli %scan3A_130, %mul3A_131 : i32
      %add3A_133 = arith.constant 0 : i32
      %add3A_134 = arith.addi %add3A_133, %mul3A_132 : i32
      %mul3A_135 = arith.constant 81 : i32
      %mul3A_136 = arith.muli %add3A, %mul3A_135 : i32
      %add3A_137 = arith.addi %mul3A_136, %add3A_134 : i32
      %mul3A_138 = arith.constant 128 : i32
      %mul3A_139 = arith.muli %add3A_137, %mul3A_138 : i32
      "tpu.region"() ({
        %run_scoped3A = tpu.sem_alloc : memref<!tpu.dma_semaphore, #tpu.memory_space<semaphore_mem>>
        %dma_start3A_155 = tpu.memref_slice %arg7[%mul3A_139] : memref<331776xi32, #tpu.memory_space<hbm>> -> memref<128xi32, #tpu.memory_space<hbm>>
        %dma_start3A_156 = tpu.memref_slice %arg7[%mul3A_139] : memref<331776xi32, #tpu.memory_space<hbm>> -> memref<128xi32, #tpu.memory_space<hbm>>
        tpu.enqueue_dma source(%dma_start3A_156 : memref<128xi32, #tpu.memory_space<hbm>>) target(%arg10 : memref<128xi32, #tpu.memory_space<vmem>>) target_semaphore(%run_scoped3A : memref<!tpu.dma_semaphore, #tpu.memory_space<semaphore_mem>>)
        %dma_wait3A_157 = tpu.memref_slice %arg7[%mul3A_139] : memref<331776xi32, #tpu.memory_space<hbm>> -> memref<128xi32, #tpu.memory_space<hbm>>
        %dma_wait3A_158 = tpu.memref_slice %arg7[%mul3A_139] : memref<331776xi32, #tpu.memory_space<hbm>> -> memref<128xi32, #tpu.memory_space<hbm>>
        tpu.wait_dma2 semaphore(%run_scoped3A : memref<!tpu.dma_semaphore, #tpu.memory_space<semaphore_mem>>) src(%dma_wait3A_158 : memref<128xi32, #tpu.memory_space<hbm>>) dst(%arg10 : memref<128xi32, #tpu.memory_space<vmem>>)
        tpu.yield
      }) : () -> ()
      "tpu.region"() ({
        %run_scoped3A = tpu.sem_alloc : memref<!tpu.dma_semaphore, #tpu.memory_space<semaphore_mem>>
        %dma_start3A_155 = tpu.memref_slice %arg8[%mul3A_139] : memref<331776xi32, #tpu.memory_space<hbm>> -> memref<128xi32, #tpu.memory_space<hbm>>
        %dma_start3A_156 = tpu.memref_slice %arg8[%mul3A_139] : memref<331776xi32, #tpu.memory_space<hbm>> -> memref<128xi32, #tpu.memory_space<hbm>>
        tpu.enqueue_dma source(%dma_start3A_156 : memref<128xi32, #tpu.memory_space<hbm>>) target(%arg11 : memref<128xi32, #tpu.memory_space<vmem>>) target_semaphore(%run_scoped3A : memref<!tpu.dma_semaphore, #tpu.memory_space<semaphore_mem>>)
        %dma_wait3A_157 = tpu.memref_slice %arg8[%mul3A_139] : memref<331776xi32, #tpu.memory_space<hbm>> -> memref<128xi32, #tpu.memory_space<hbm>>
        %dma_wait3A_158 = tpu.memref_slice %arg8[%mul3A_139] : memref<331776xi32, #tpu.memory_space<hbm>> -> memref<128xi32, #tpu.memory_space<hbm>>
        tpu.wait_dma2 semaphore(%run_scoped3A : memref<!tpu.dma_semaphore, #tpu.memory_space<semaphore_mem>>) src(%dma_wait3A_158 : memref<128xi32, #tpu.memory_space<hbm>>) dst(%arg11 : memref<128xi32, #tpu.memory_space<vmem>>)
        tpu.yield
      }) : () -> ()
      "tpu.region"() ({
        %run_scoped3A = tpu.sem_alloc : memref<!tpu.dma_semaphore, #tpu.memory_space<semaphore_mem>>
        %dma_start3A_155 = arith.constant 0 : i32
        %dma_start3A_156 = tpu.memref_slice %arg6[%mul3A_139, %dma_start3A_155] : memref<331776x16xf32, #tpu.memory_space<hbm>> -> memref<128x16xf32, #tpu.memory_space<hbm>>
        %dma_start3A_157 = arith.constant 0 : i32
        %dma_start3A_158 = tpu.memref_slice %arg6[%mul3A_139, %dma_start3A_157] : memref<331776x16xf32, #tpu.memory_space<hbm>> -> memref<128x16xf32, #tpu.memory_space<hbm>>
        tpu.enqueue_dma source(%dma_start3A_158 : memref<128x16xf32, #tpu.memory_space<hbm>>) target(%arg12 : memref<128x16xf32, #tpu.memory_space<vmem>>) target_semaphore(%run_scoped3A : memref<!tpu.dma_semaphore, #tpu.memory_space<semaphore_mem>>)
        %dma_wait3A_159 = arith.constant 0 : i32
        %dma_wait3A_160 = tpu.memref_slice %arg6[%mul3A_139, %dma_wait3A_159] : memref<331776x16xf32, #tpu.memory_space<hbm>> -> memref<128x16xf32, #tpu.memory_space<hbm>>
        %dma_wait3A_161 = arith.constant 0 : i32
        %dma_wait3A_162 = tpu.memref_slice %arg6[%mul3A_139, %dma_wait3A_161] : memref<331776x16xf32, #tpu.memory_space<hbm>> -> memref<128x16xf32, #tpu.memory_space<hbm>>
        tpu.wait_dma2 semaphore(%run_scoped3A : memref<!tpu.dma_semaphore, #tpu.memory_space<semaphore_mem>>) src(%dma_wait3A_162 : memref<128x16xf32, #tpu.memory_space<hbm>>) dst(%arg12 : memref<128x16xf32, #tpu.memory_space<vmem>>)
        tpu.yield
      }) : () -> ()
      %dma_start3A = arith.constant 0 : i32
      %dma_start3A_140 = arith.constant 0 : i32
      %dma_start3A_141 = tpu.memref_slice %arg3[%dma_start3A, %dma_start3A_140] : memref<10000x128xf32, #tpu.memory_space<hbm>> -> memref<10000x128xf32, #tpu.memory_space<hbm>>
      tpu.enqueue_indirect_dma source(%dma_start3A_141 : memref<10000x128xf32, #tpu.memory_space<hbm>>) target(%arg13 : memref<128x128xf32, #tpu.memory_space<vmem>>) offsets(%arg10 : memref<128xi32, #tpu.memory_space<vmem>>) semaphore(%arg15 : memref<!tpu.dma_semaphore, #tpu.memory_space<semaphore_mem>>)
      %dma_wait3A = arith.constant 0 : i32
      %dma_wait3A_142 = arith.constant 0 : i32
      %dma_wait3A_143 = tpu.memref_slice %arg3[%dma_wait3A, %dma_wait3A_142] : memref<10000x128xf32, #tpu.memory_space<hbm>> -> memref<10000x128xf32, #tpu.memory_space<hbm>>
      tpu.wait_indirect_dma semaphore(%arg15 : memref<!tpu.dma_semaphore, #tpu.memory_space<semaphore_mem>>) src(%dma_wait3A_143 : memref<10000x128xf32, #tpu.memory_space<hbm>>) dst(%arg13 : memref<128x128xf32, #tpu.memory_space<vmem>>)
      %scan3A_144 = arith.constant 0 : i32
      %scan3A_145 = arith.constant 128 : i32
      %scan3A_146 = arith.addi %scan3A_144, %scan3A_145 : i32
      %scan3A_147 = arith.constant 1 : i32
      scf.for %scan3A_155 = %scan3A_144 to %scan3A_146 step %scan3A_147  : i32 {
        %mul3A_156 = arith.constant 1 : i32
        %mul3A_157 = arith.muli %scan3A_155, %mul3A_156 : i32
        %add3A_158 = arith.constant 0 : i32
        %add3A_159 = arith.addi %add3A_158, %mul3A_157 : i32
        %get3A = arith.index_cast %add3A_159 : i32 to index
        %get3A_160 = arith.constant 0 : index
        %get3A_161 = tpu.vector_load %arg12[%get3A, %get3A_160] {strides = array<i32>} : memref<128x16xf32, #tpu.memory_space<vmem>>, vector<16xf32>,
        %lt3A = arith.constant 0 : i32
        %lt3A_162 = vector.broadcast %lt3A : i32 to vector<16xi32>
        %lt3A_163 = arith.cmpi slt, %broadcast_in_dim3A_32, %lt3A_162 : vector<16xi32>
        %add3A_164 = arith.constant 16 : i32
        %add3A_165 = vector.broadcast %add3A_164 : i32 to vector<16xi32>
        %add3A_166 = arith.addi %broadcast_in_dim3A_32, %add3A_165 : vector<16xi32>
        %select_n3A = arith.select %lt3A_163, %add3A_166, %broadcast_in_dim3A_32 : vector<16xi1>, vector<16xi32>
        %broadcast_in_dim3A_167 = vector.shape_cast %select_n3A : vector<16xi32> to vector<16x1xi32>
        %gather3A = vector.shape_cast %broadcast_in_dim3A_167 : vector<16x1xi32> to vector<16xi32>
        %gather3A_168 = tpu.dynamic_gather %get3A_161[%gather3A] in [0] : vector<16xf32>, vector<16xi32> -> vector<16xf32>
        %get3A_169 = arith.index_cast %add3A_159 : i32 to index
        %get3A_170 = arith.constant 0 : index
        %get3A_171 = tpu.vector_load %arg13[%get3A_169, %get3A_170] {strides = array<i32>} : memref<128x128xf32, #tpu.memory_space<vmem>>, vector<16xf32>,
        %mul3A_172 = arith.mulf %get3A_171, %gather3A_168 : vector<16xf32>
        %swap3A = arith.index_cast %add3A_159 : i32 to index
        %swap3A_173 = arith.constant 0 : index
        %swap3A_174 = tpu.vector_load %arg13[%swap3A, %swap3A_173] {strides = array<i32>} : memref<128x128xf32, #tpu.memory_space<vmem>>, vector<16xf32>,
        tpu.vector_store %arg13[%swap3A, %swap3A_173], %mul3A_172 {strides = array<i32>} : memref<128x128xf32, #tpu.memory_space<vmem>>, vector<16xf32>,
        %get3A_175 = arith.index_cast %add3A_159 : i32 to index
        %get3A_176 = arith.constant 16 : index
        %get3A_177 = tpu.vector_load %arg13[%get3A_175, %get3A_176] {strides = array<i32>} : memref<128x128xf32, #tpu.memory_space<vmem>>, vector<16xf32>,
        %mul3A_178 = arith.mulf %get3A_177, %gather3A_168 : vector<16xf32>
        %swap3A_179 = arith.index_cast %add3A_159 : i32 to index
        %swap3A_180 = arith.constant 16 : index
        %swap3A_181 = tpu.vector_load %arg13[%swap3A_179, %swap3A_180] {strides = array<i32>} : memref<128x128xf32, #tpu.memory_space<vmem>>, vector<16xf32>,
        tpu.vector_store %arg13[%swap3A_179, %swap3A_180], %mul3A_178 {strides = array<i32>} : memref<128x128xf32, #tpu.memory_space<vmem>>, vector<16xf32>,
        %get3A_182 = arith.index_cast %add3A_159 : i32 to index
        %get3A_183 = arith.constant 32 : index
        %get3A_184 = tpu.vector_load %arg13[%get3A_182, %get3A_183] {strides = array<i32>} : memref<128x128xf32, #tpu.memory_space<vmem>>, vector<16xf32>,
        %mul3A_185 = arith.mulf %get3A_184, %gather3A_168 : vector<16xf32>
        %swap3A_186 = arith.index_cast %add3A_159 : i32 to index
        %swap3A_187 = arith.constant 32 : index
        %swap3A_188 = tpu.vector_load %arg13[%swap3A_186, %swap3A_187] {strides = array<i32>} : memref<128x128xf32, #tpu.memory_space<vmem>>, vector<16xf32>,
        tpu.vector_store %arg13[%swap3A_186, %swap3A_187], %mul3A_185 {strides = array<i32>} : memref<128x128xf32, #tpu.memory_space<vmem>>, vector<16xf32>,
        %get3A_189 = arith.index_cast %add3A_159 : i32 to index
        %get3A_190 = arith.constant 48 : index
        %get3A_191 = tpu.vector_load %arg13[%get3A_189, %get3A_190] {strides = array<i32>} : memref<128x128xf32, #tpu.memory_space<vmem>>, vector<16xf32>,
        %mul3A_192 = arith.mulf %get3A_191, %gather3A_168 : vector<16xf32>
        %swap3A_193 = arith.index_cast %add3A_159 : i32 to index
        %swap3A_194 = arith.constant 48 : index
        %swap3A_195 = tpu.vector_load %arg13[%swap3A_193, %swap3A_194] {strides = array<i32>} : memref<128x128xf32, #tpu.memory_space<vmem>>, vector<16xf32>,
        tpu.vector_store %arg13[%swap3A_193, %swap3A_194], %mul3A_192 {strides = array<i32>} : memref<128x128xf32, #tpu.memory_space<vmem>>, vector<16xf32>,
        %get3A_196 = arith.index_cast %add3A_159 : i32 to index
        %get3A_197 = arith.constant 64 : index
        %get3A_198 = tpu.vector_load %arg13[%get3A_196, %get3A_197] {strides = array<i32>} : memref<128x128xf32, #tpu.memory_space<vmem>>, vector<16xf32>,
        %mul3A_199 = arith.mulf %get3A_198, %gather3A_168 : vector<16xf32>
        %swap3A_200 = arith.index_cast %add3A_159 : i32 to index
        %swap3A_201 = arith.constant 64 : index
        %swap3A_202 = tpu.vector_load %arg13[%swap3A_200, %swap3A_201] {strides = array<i32>} : memref<128x128xf32, #tpu.memory_space<vmem>>, vector<16xf32>,
        tpu.vector_store %arg13[%swap3A_200, %swap3A_201], %mul3A_199 {strides = array<i32>} : memref<128x128xf32, #tpu.memory_space<vmem>>, vector<16xf32>,
        %get3A_203 = arith.index_cast %add3A_159 : i32 to index
        %get3A_204 = arith.constant 80 : index
        %get3A_205 = tpu.vector_load %arg13[%get3A_203, %get3A_204] {strides = array<i32>} : memref<128x128xf32, #tpu.memory_space<vmem>>, vector<16xf32>,
        %mul3A_206 = arith.mulf %get3A_205, %gather3A_168 : vector<16xf32>
        %swap3A_207 = arith.index_cast %add3A_159 : i32 to index
        %swap3A_208 = arith.constant 80 : index
        %swap3A_209 = tpu.vector_load %arg13[%swap3A_207, %swap3A_208] {strides = array<i32>} : memref<128x128xf32, #tpu.memory_space<vmem>>, vector<16xf32>,
        tpu.vector_store %arg13[%swap3A_207, %swap3A_208], %mul3A_206 {strides = array<i32>} : memref<128x128xf32, #tpu.memory_space<vmem>>, vector<16xf32>,
        %get3A_210 = arith.index_cast %add3A_159 : i32 to index
        %get3A_211 = arith.constant 96 : index
        %get3A_212 = tpu.vector_load %arg13[%get3A_210, %get3A_211] {strides = array<i32>} : memref<128x128xf32, #tpu.memory_space<vmem>>, vector<16xf32>,
        %mul3A_213 = arith.mulf %get3A_212, %gather3A_168 : vector<16xf32>
        %swap3A_214 = arith.index_cast %add3A_159 : i32 to index
        %swap3A_215 = arith.constant 96 : index
        %swap3A_216 = tpu.vector_load %arg13[%swap3A_214, %swap3A_215] {strides = array<i32>} : memref<128x128xf32, #tpu.memory_space<vmem>>, vector<16xf32>,
        tpu.vector_store %arg13[%swap3A_214, %swap3A_215], %mul3A_213 {strides = array<i32>} : memref<128x128xf32, #tpu.memory_space<vmem>>, vector<16xf32>,
        %get3A_217 = arith.index_cast %add3A_159 : i32 to index
        %get3A_218 = arith.constant 112 : index
        %get3A_219 = tpu.vector_load %arg13[%get3A_217, %get3A_218] {strides = array<i32>} : memref<128x128xf32, #tpu.memory_space<vmem>>, vector<16xf32>,
        %mul3A_220 = arith.mulf %get3A_219, %gather3A_168 : vector<16xf32>
        %swap3A_221 = arith.index_cast %add3A_159 : i32 to index
        %swap3A_222 = arith.constant 112 : index
        %swap3A_223 = tpu.vector_load %arg13[%swap3A_221, %swap3A_222] {strides = array<i32>} : memref<128x128xf32, #tpu.memory_space<vmem>>, vector<16xf32>,
        tpu.vector_store %arg13[%swap3A_221, %swap3A_222], %mul3A_220 {strides = array<i32>} : memref<128x128xf32, #tpu.memory_space<vmem>>, vector<16xf32>,
      }
      %scan3A_148 = arith.constant 128 : i32
      %dma_start3A_149 = arith.constant 0 : i32
      %dma_start3A_150 = arith.constant 0 : i32
      %dma_start3A_151 = tpu.memref_slice %arg14[%dma_start3A_149, %dma_start3A_150] : memref<10240x128xf32, #tpu.memory_space<vmem_shared>> -> memref<10240x128xf32, #tpu.memory_space<vmem_shared>>
      tpu.enqueue_indirect_dma source(%arg13 : memref<128x128xf32, #tpu.memory_space<vmem>>) target(%dma_start3A_151 : memref<10240x128xf32, #tpu.memory_space<vmem_shared>>) offsets(%arg11 : memref<128xi32, #tpu.memory_space<vmem>>) semaphore(%arg16 : memref<!tpu.dma_semaphore, #tpu.memory_space<semaphore_mem>>) {add = true}
      %dma_wait3A_152 = arith.constant 0 : i32
      %dma_wait3A_153 = arith.constant 0 : i32
      %dma_wait3A_154 = tpu.memref_slice %arg14[%dma_wait3A_152, %dma_wait3A_153] : memref<10240x128xf32, #tpu.memory_space<vmem_shared>> -> memref<10240x128xf32, #tpu.memory_space<vmem_shared>>
      tpu.wait_indirect_dma semaphore(%arg16 : memref<!tpu.dma_semaphore, #tpu.memory_space<semaphore_mem>>) src(%arg13 : memref<128x128xf32, #tpu.memory_space<vmem>>) dst(%dma_wait3A_154 : memref<10240x128xf32, #tpu.memory_space<vmem_shared>>)
    }
    %scan3A_50 = arith.constant 81 : i32
    %barrier3A_51 = arith.constant 0 : index
    tpu.barrier barrier_id(%barrier3A_51)
    %mul3A_52 = arith.constant 4 : i32
    %mul3A_53 = arith.muli %arg0, %mul3A_52 : i32
    %add3A_54 = arith.constant 1 : i32
    %add3A_55 = arith.addi %mul3A_53, %add3A_54 : i32
    %mul3A_56 = arith.constant 10240 : i32
    %mul3A_57 = arith.muli %add3A_55, %mul3A_56 : i32
    %scan3A_58 = arith.constant 0 : i32
    %scan3A_59 = arith.constant 80 : i32
    %scan3A_60 = arith.addi %scan3A_58, %scan3A_59 : i32
    %scan3A_61 = arith.constant 1 : i32
    scf.for %scan3A_130 = %scan3A_58 to %scan3A_60 step %scan3A_61  : i32 {
      %mul3A_131 = arith.constant 1 : i32
      %mul3A_132 = arith.muli %scan3A_130, %mul3A_131 : i32
      %add3A_133 = arith.constant 0 : i32
      %add3A_134 = arith.addi %add3A_133, %mul3A_132 : i32
      %mul3A_135 = arith.constant 640 : i32
      %mul3A_136 = arith.muli %arg1, %mul3A_135 : i32
      %mul3A_137 = arith.constant 8 : i32
      %mul3A_138 = arith.muli %add3A_134, %mul3A_137 : i32
      %add3A_139 = arith.addi %mul3A_136, %mul3A_138 : i32
      "tpu.region"() ({
        %run_scoped3A = tpu.sem_alloc : memref<!tpu.dma_semaphore, #tpu.memory_space<semaphore_mem>>
        %dma_start3A = arith.constant 0 : i32
        %dma_start3A_141 = arith.constant 0 : i32
        %dma_start3A_142 = tpu.memref_slice %arg13[%dma_start3A, %dma_start3A_141] : memref<128x128xf32, #tpu.memory_space<vmem>> -> memref<8x128xf32, #tpu.memory_space<vmem>>
        %dma_start3A_143 = arith.constant 0 : i32
        %dma_start3A_144 = tpu.memref_slice %arg14[%add3A_139, %dma_start3A_143] : memref<10240x128xf32, #tpu.memory_space<vmem_shared>> -> memref<8x128xf32, #tpu.memory_space<vmem_shared>>
        %dma_start3A_145 = arith.constant 0 : i32
        %dma_start3A_146 = arith.constant 0 : i32
        %dma_start3A_147 = tpu.memref_slice %arg13[%dma_start3A_145, %dma_start3A_146] : memref<128x128xf32, #tpu.memory_space<vmem>> -> memref<8x128xf32, #tpu.memory_space<vmem>>
        %dma_start3A_148 = arith.constant 0 : i32
        %dma_start3A_149 = tpu.memref_slice %arg14[%add3A_139, %dma_start3A_148] : memref<10240x128xf32, #tpu.memory_space<vmem_shared>> -> memref<8x128xf32, #tpu.memory_space<vmem_shared>>
        tpu.enqueue_dma source(%dma_start3A_149 : memref<8x128xf32, #tpu.memory_space<vmem_shared>>) target(%dma_start3A_147 : memref<8x128xf32, #tpu.memory_space<vmem>>) target_semaphore(%run_scoped3A : memref<!tpu.dma_semaphore, #tpu.memory_space<semaphore_mem>>)
        %dma_wait3A = arith.constant 0 : i32
        %dma_wait3A_150 = arith.constant 0 : i32
        %dma_wait3A_151 = tpu.memref_slice %arg13[%dma_wait3A, %dma_wait3A_150] : memref<128x128xf32, #tpu.memory_space<vmem>> -> memref<8x128xf32, #tpu.memory_space<vmem>>
        %dma_wait3A_152 = arith.constant 0 : i32
        %dma_wait3A_153 = tpu.memref_slice %arg14[%add3A_139, %dma_wait3A_152] : memref<10240x128xf32, #tpu.memory_space<vmem_shared>> -> memref<8x128xf32, #tpu.memory_space<vmem_shared>>
        %dma_wait3A_154 = arith.constant 0 : i32
        %dma_wait3A_155 = arith.constant 0 : i32
        %dma_wait3A_156 = tpu.memref_slice %arg13[%dma_wait3A_154, %dma_wait3A_155] : memref<128x128xf32, #tpu.memory_space<vmem>> -> memref<8x128xf32, #tpu.memory_space<vmem>>
        %dma_wait3A_157 = arith.constant 0 : i32
        %dma_wait3A_158 = tpu.memref_slice %arg14[%add3A_139, %dma_wait3A_157] : memref<10240x128xf32, #tpu.memory_space<vmem_shared>> -> memref<8x128xf32, #tpu.memory_space<vmem_shared>>
        tpu.wait_dma2 semaphore(%run_scoped3A : memref<!tpu.dma_semaphore, #tpu.memory_space<semaphore_mem>>) src(%dma_wait3A_158 : memref<8x128xf32, #tpu.memory_space<vmem_shared>>) dst(%dma_wait3A_156 : memref<8x128xf32, #tpu.memory_space<vmem>>)
        tpu.yield
      }) : () -> ()
      %add3A_140 = arith.addi %mul3A_57, %add3A_139 : i32
      "tpu.region"() ({
        %run_scoped3A = tpu.sem_alloc : memref<!tpu.dma_semaphore, #tpu.memory_space<semaphore_mem>>
        %dma_start3A = arith.constant 0 : i32
        %dma_start3A_141 = arith.constant 0 : i32
        %dma_start3A_142 = tpu.memref_slice %arg13[%dma_start3A, %dma_start3A_141] : memref<128x128xf32, #tpu.memory_space<vmem>> -> memref<8x128xf32, #tpu.memory_space<vmem>>
        %dma_start3A_143 = arith.constant 0 : i32
        %dma_start3A_144 = tpu.memref_slice %arg9[%add3A_140, %dma_start3A_143] : memref<81920x128xf32, #tpu.memory_space<hbm>> -> memref<8x128xf32, #tpu.memory_space<hbm>>
        %dma_start3A_145 = arith.constant 0 : i32
        %dma_start3A_146 = tpu.memref_slice %arg9[%add3A_140, %dma_start3A_145] : memref<81920x128xf32, #tpu.memory_space<hbm>> -> memref<8x128xf32, #tpu.memory_space<hbm>>
        %dma_start3A_147 = arith.constant 0 : i32
        %dma_start3A_148 = arith.constant 0 : i32
        %dma_start3A_149 = tpu.memref_slice %arg13[%dma_start3A_147, %dma_start3A_148] : memref<128x128xf32, #tpu.memory_space<vmem>> -> memref<8x128xf32, #tpu.memory_space<vmem>>
        tpu.enqueue_dma source(%dma_start3A_149 : memref<8x128xf32, #tpu.memory_space<vmem>>) target(%dma_start3A_146 : memref<8x128xf32, #tpu.memory_space<hbm>>) target_semaphore(%run_scoped3A : memref<!tpu.dma_semaphore, #tpu.memory_space<semaphore_mem>>)
        %dma_wait3A = arith.constant 0 : i32
        %dma_wait3A_150 = arith.constant 0 : i32
        %dma_wait3A_151 = tpu.memref_slice %arg13[%dma_wait3A, %dma_wait3A_150] : memref<128x128xf32, #tpu.memory_space<vmem>> -> memref<8x128xf32, #tpu.memory_space<vmem>>
        %dma_wait3A_152 = arith.constant 0 : i32
        %dma_wait3A_153 = tpu.memref_slice %arg9[%add3A_140, %dma_wait3A_152] : memref<81920x128xf32, #tpu.memory_space<hbm>> -> memref<8x128xf32, #tpu.memory_space<hbm>>
        %dma_wait3A_154 = arith.constant 0 : i32
        %dma_wait3A_155 = tpu.memref_slice %arg9[%add3A_140, %dma_wait3A_154] : memref<81920x128xf32, #tpu.memory_space<hbm>> -> memref<8x128xf32, #tpu.memory_space<hbm>>
        %dma_wait3A_156 = arith.constant 0 : i32
        %dma_wait3A_157 = arith.constant 0 : i32
        %dma_wait3A_158 = tpu.memref_slice %arg13[%dma_wait3A_156, %dma_wait3A_157] : memref<128x128xf32, #tpu.memory_space<vmem>> -> memref<8x128xf32, #tpu.memory_space<vmem>>
        tpu.wait_dma2 semaphore(%run_scoped3A : memref<!tpu.dma_semaphore, #tpu.memory_space<semaphore_mem>>) src(%dma_wait3A_158 : memref<8x128xf32, #tpu.memory_space<vmem>>) dst(%dma_wait3A_155 : memref<8x128xf32, #tpu.memory_space<hbm>>)
        tpu.yield
      }) : () -> ()
    }
    %scan3A_62 = arith.constant 80 : i32
    %barrier3A_63 = arith.constant 0 : index
    tpu.barrier barrier_id(%barrier3A_63)
    %broadcast_in_dim3A_64 = arith.constant 2 : i32
    %broadcast_in_dim3A_65 = vector.broadcast %broadcast_in_dim3A_64 : i32 to vector<16xi32>
    %broadcast_in_dim3A_66 = arith.constant 0.000000e+00 : f32
    %broadcast_in_dim3A_67 = vector.broadcast %broadcast_in_dim3A_66 : f32 to vector<16xf32>
    %scan3A_68 = arith.constant 0 : i32
    %scan3A_69 = arith.constant 128 : i32
    %scan3A_70 = arith.addi %scan3A_68, %scan3A_69 : i32
    %scan3A_71 = arith.constant 1 : i32
    scf.for %scan3A_130 = %scan3A_68 to %scan3A_70 step %scan3A_71  : i32 {
      %mul3A_131 = arith.constant 1 : i32
      %mul3A_132 = arith.muli %scan3A_130, %mul3A_131 : i32
      %add3A_133 = arith.constant 0 : i32
      %add3A_134 = arith.addi %add3A_133, %mul3A_132 : i32
      %swap3A = arith.index_cast %add3A_134 : i32 to index
      %swap3A_135 = arith.constant 0 : index
      %swap3A_136 = tpu.vector_load %arg13[%swap3A, %swap3A_135] {strides = array<i32>} : memref<128x128xf32, #tpu.memory_space<vmem>>, vector<16xf32>,
      tpu.vector_store %arg13[%swap3A, %swap3A_135], %broadcast_in_dim3A_67 {strides = array<i32>} : memref<128x128xf32, #tpu.memory_space<vmem>>, vector<16xf32>,
      %swap3A_137 = arith.index_cast %add3A_134 : i32 to index
      %swap3A_138 = arith.constant 16 : index
      %swap3A_139 = tpu.vector_load %arg13[%swap3A_137, %swap3A_138] {strides = array<i32>} : memref<128x128xf32, #tpu.memory_space<vmem>>, vector<16xf32>,
      tpu.vector_store %arg13[%swap3A_137, %swap3A_138], %broadcast_in_dim3A_67 {strides = array<i32>} : memref<128x128xf32, #tpu.memory_space<vmem>>, vector<16xf32>,
      %swap3A_140 = arith.index_cast %add3A_134 : i32 to index
      %swap3A_141 = arith.constant 32 : index
      %swap3A_142 = tpu.vector_load %arg13[%swap3A_140, %swap3A_141] {strides = array<i32>} : memref<128x128xf32, #tpu.memory_space<vmem>>, vector<16xf32>,
      tpu.vector_store %arg13[%swap3A_140, %swap3A_141], %broadcast_in_dim3A_67 {strides = array<i32>} : memref<128x128xf32, #tpu.memory_space<vmem>>, vector<16xf32>,
      %swap3A_143 = arith.index_cast %add3A_134 : i32 to index
      %swap3A_144 = arith.constant 48 : index
      %swap3A_145 = tpu.vector_load %arg13[%swap3A_143, %swap3A_144] {strides = array<i32>} : memref<128x128xf32, #tpu.memory_space<vmem>>, vector<16xf32>,
      tpu.vector_store %arg13[%swap3A_143, %swap3A_144], %broadcast_in_dim3A_67 {strides = array<i32>} : memref<128x128xf32, #tpu.memory_space<vmem>>, vector<16xf32>,
      %swap3A_146 = arith.index_cast %add3A_134 : i32 to index
      %swap3A_147 = arith.constant 64 : index
      %swap3A_148 = tpu.vector_load %arg13[%swap3A_146, %swap3A_147] {strides = array<i32>} : memref<128x128xf32, #tpu.memory_space<vmem>>, vector<16xf32>,
      tpu.vector_store %arg13[%swap3A_146, %swap3A_147], %broadcast_in_dim3A_67 {strides = array<i32>} : memref<128x128xf32, #tpu.memory_space<vmem>>, vector<16xf32>,
      %swap3A_149 = arith.index_cast %add3A_134 : i32 to index
      %swap3A_150 = arith.constant 80 : index
      %swap3A_151 = tpu.vector_load %arg13[%swap3A_149, %swap3A_150] {strides = array<i32>} : memref<128x128xf32, #tpu.memory_space<vmem>>, vector<16xf32>,
      tpu.vector_store %arg13[%swap3A_149, %swap3A_150], %broadcast_in_dim3A_67 {strides = array<i32>} : memref<128x128xf32, #tpu.memory_space<vmem>>, vector<16xf32>,
      %swap3A_152 = arith.index_cast %add3A_134 : i32 to index
      %swap3A_153 = arith.constant 96 : index
      %swap3A_154 = tpu.vector_load %arg13[%swap3A_152, %swap3A_153] {strides = array<i32>} : memref<128x128xf32, #tpu.memory_space<vmem>>, vector<16xf32>,
      tpu.vector_store %arg13[%swap3A_152, %swap3A_153], %broadcast_in_dim3A_67 {strides = array<i32>} : memref<128x128xf32, #tpu.memory_space<vmem>>, vector<16xf32>,
      %swap3A_155 = arith.index_cast %add3A_134 : i32 to index
      %swap3A_156 = arith.constant 112 : index
      %swap3A_157 = tpu.vector_load %arg13[%swap3A_155, %swap3A_156] {strides = array<i32>} : memref<128x128xf32, #tpu.memory_space<vmem>>, vector<16xf32>,
      tpu.vector_store %arg13[%swap3A_155, %swap3A_156], %broadcast_in_dim3A_67 {strides = array<i32>} : memref<128x128xf32, #tpu.memory_space<vmem>>, vector<16xf32>,
    }
    %scan3A_72 = arith.constant 128 : i32
    %scan3A_73 = arith.constant 0 : i32
    %scan3A_74 = arith.constant 80 : i32
    %scan3A_75 = arith.addi %scan3A_73, %scan3A_74 : i32
    %scan3A_76 = arith.constant 1 : i32
    scf.for %scan3A_130 = %scan3A_73 to %scan3A_75 step %scan3A_76  : i32 {
      %mul3A_131 = arith.constant 1 : i32
      %mul3A_132 = arith.muli %scan3A_130, %mul3A_131 : i32
      %add3A_133 = arith.constant 0 : i32
      %add3A_134 = arith.addi %add3A_133, %mul3A_132 : i32
      %mul3A_135 = arith.constant 640 : i32
      %mul3A_136 = arith.muli %arg1, %mul3A_135 : i32
      %mul3A_137 = arith.constant 8 : i32
      %mul3A_138 = arith.muli %add3A_134, %mul3A_137 : i32
      %add3A_139 = arith.addi %mul3A_136, %mul3A_138 : i32
      "tpu.region"() ({
        %run_scoped3A = tpu.sem_alloc : memref<!tpu.dma_semaphore, #tpu.memory_space<semaphore_mem>>
        %dma_start3A = arith.constant 0 : i32
        %dma_start3A_140 = arith.constant 0 : i32
        %dma_start3A_141 = tpu.memref_slice %arg13[%dma_start3A, %dma_start3A_140] : memref<128x128xf32, #tpu.memory_space<vmem>> -> memref<8x128xf32, #tpu.memory_space<vmem>>
        %dma_start3A_142 = arith.constant 0 : i32
        %dma_start3A_143 = tpu.memref_slice %arg14[%add3A_139, %dma_start3A_142] : memref<10240x128xf32, #tpu.memory_space<vmem_shared>> -> memref<8x128xf32, #tpu.memory_space<vmem_shared>>
        %dma_start3A_144 = arith.constant 0 : i32
        %dma_start3A_145 = tpu.memref_slice %arg14[%add3A_139, %dma_start3A_144] : memref<10240x128xf32, #tpu.memory_space<vmem_shared>> -> memref<8x128xf32, #tpu.memory_space<vmem_shared>>
        %dma_start3A_146 = arith.constant 0 : i32
        %dma_start3A_147 = arith.constant 0 : i32
        %dma_start3A_148 = tpu.memref_slice %arg13[%dma_start3A_146, %dma_start3A_147] : memref<128x128xf32, #tpu.memory_space<vmem>> -> memref<8x128xf32, #tpu.memory_space<vmem>>
        tpu.enqueue_dma source(%dma_start3A_148 : memref<8x128xf32, #tpu.memory_space<vmem>>) target(%dma_start3A_145 : memref<8x128xf32, #tpu.memory_space<vmem_shared>>) target_semaphore(%run_scoped3A : memref<!tpu.dma_semaphore, #tpu.memory_space<semaphore_mem>>)
        %dma_wait3A = arith.constant 0 : i32
        %dma_wait3A_149 = arith.constant 0 : i32
        %dma_wait3A_150 = tpu.memref_slice %arg13[%dma_wait3A, %dma_wait3A_149] : memref<128x128xf32, #tpu.memory_space<vmem>> -> memref<8x128xf32, #tpu.memory_space<vmem>>
        %dma_wait3A_151 = arith.constant 0 : i32
        %dma_wait3A_152 = tpu.memref_slice %arg14[%add3A_139, %dma_wait3A_151] : memref<10240x128xf32, #tpu.memory_space<vmem_shared>> -> memref<8x128xf32, #tpu.memory_space<vmem_shared>>
        %dma_wait3A_153 = arith.constant 0 : i32
        %dma_wait3A_154 = tpu.memref_slice %arg14[%add3A_139, %dma_wait3A_153] : memref<10240x128xf32, #tpu.memory_space<vmem_shared>> -> memref<8x128xf32, #tpu.memory_space<vmem_shared>>
        %dma_wait3A_155 = arith.constant 0 : i32
        %dma_wait3A_156 = arith.constant 0 : i32
        %dma_wait3A_157 = tpu.memref_slice %arg13[%dma_wait3A_155, %dma_wait3A_156] : memref<128x128xf32, #tpu.memory_space<vmem>> -> memref<8x128xf32, #tpu.memory_space<vmem>>
        tpu.wait_dma2 semaphore(%run_scoped3A : memref<!tpu.dma_semaphore, #tpu.memory_space<semaphore_mem>>) src(%dma_wait3A_157 : memref<8x128xf32, #tpu.memory_space<vmem>>) dst(%dma_wait3A_154 : memref<8x128xf32, #tpu.memory_space<vmem_shared>>)
        tpu.yield
      }) : () -> ()
    }
    %scan3A_77 = arith.constant 80 : i32
    %barrier3A_78 = arith.constant 0 : index
    tpu.barrier barrier_id(%barrier3A_78)
    %scan3A_79 = arith.constant 0 : i32
    %scan3A_80 = arith.constant 81 : i32
    %scan3A_81 = arith.addi %scan3A_79, %scan3A_80 : i32
    %scan3A_82 = arith.constant 1 : i32
    scf.for %scan3A_130 = %scan3A_79 to %scan3A_81 step %scan3A_82  : i32 {
      %mul3A_131 = arith.constant 1 : i32
      %mul3A_132 = arith.muli %scan3A_130, %mul3A_131 : i32
      %add3A_133 = arith.constant 0 : i32
      %add3A_134 = arith.addi %add3A_133, %mul3A_132 : i32
      %mul3A_135 = arith.constant 81 : i32
      %mul3A_136 = arith.muli %add3A, %mul3A_135 : i32
      %add3A_137 = arith.addi %mul3A_136, %add3A_134 : i32
      %mul3A_138 = arith.constant 128 : i32
      %mul3A_139 = arith.muli %add3A_137, %mul3A_138 : i32
      "tpu.region"() ({
        %run_scoped3A = tpu.sem_alloc : memref<!tpu.dma_semaphore, #tpu.memory_space<semaphore_mem>>
        %dma_start3A_155 = tpu.memref_slice %arg7[%mul3A_139] : memref<331776xi32, #tpu.memory_space<hbm>> -> memref<128xi32, #tpu.memory_space<hbm>>
        %dma_start3A_156 = tpu.memref_slice %arg7[%mul3A_139] : memref<331776xi32, #tpu.memory_space<hbm>> -> memref<128xi32, #tpu.memory_space<hbm>>
        tpu.enqueue_dma source(%dma_start3A_156 : memref<128xi32, #tpu.memory_space<hbm>>) target(%arg10 : memref<128xi32, #tpu.memory_space<vmem>>) target_semaphore(%run_scoped3A : memref<!tpu.dma_semaphore, #tpu.memory_space<semaphore_mem>>)
        %dma_wait3A_157 = tpu.memref_slice %arg7[%mul3A_139] : memref<331776xi32, #tpu.memory_space<hbm>> -> memref<128xi32, #tpu.memory_space<hbm>>
        %dma_wait3A_158 = tpu.memref_slice %arg7[%mul3A_139] : memref<331776xi32, #tpu.memory_space<hbm>> -> memref<128xi32, #tpu.memory_space<hbm>>
        tpu.wait_dma2 semaphore(%run_scoped3A : memref<!tpu.dma_semaphore, #tpu.memory_space<semaphore_mem>>) src(%dma_wait3A_158 : memref<128xi32, #tpu.memory_space<hbm>>) dst(%arg10 : memref<128xi32, #tpu.memory_space<vmem>>)
        tpu.yield
      }) : () -> ()
      "tpu.region"() ({
        %run_scoped3A = tpu.sem_alloc : memref<!tpu.dma_semaphore, #tpu.memory_space<semaphore_mem>>
        %dma_start3A_155 = tpu.memref_slice %arg8[%mul3A_139] : memref<331776xi32, #tpu.memory_space<hbm>> -> memref<128xi32, #tpu.memory_space<hbm>>
        %dma_start3A_156 = tpu.memref_slice %arg8[%mul3A_139] : memref<331776xi32, #tpu.memory_space<hbm>> -> memref<128xi32, #tpu.memory_space<hbm>>
        tpu.enqueue_dma source(%dma_start3A_156 : memref<128xi32, #tpu.memory_space<hbm>>) target(%arg11 : memref<128xi32, #tpu.memory_space<vmem>>) target_semaphore(%run_scoped3A : memref<!tpu.dma_semaphore, #tpu.memory_space<semaphore_mem>>)
        %dma_wait3A_157 = tpu.memref_slice %arg8[%mul3A_139] : memref<331776xi32, #tpu.memory_space<hbm>> -> memref<128xi32, #tpu.memory_space<hbm>>
        %dma_wait3A_158 = tpu.memref_slice %arg8[%mul3A_139] : memref<331776xi32, #tpu.memory_space<hbm>> -> memref<128xi32, #tpu.memory_space<hbm>>
        tpu.wait_dma2 semaphore(%run_scoped3A : memref<!tpu.dma_semaphore, #tpu.memory_space<semaphore_mem>>) src(%dma_wait3A_158 : memref<128xi32, #tpu.memory_space<hbm>>) dst(%arg11 : memref<128xi32, #tpu.memory_space<vmem>>)
        tpu.yield
      }) : () -> ()
      "tpu.region"() ({
        %run_scoped3A = tpu.sem_alloc : memref<!tpu.dma_semaphore, #tpu.memory_space<semaphore_mem>>
        %dma_start3A_155 = arith.constant 0 : i32
        %dma_start3A_156 = tpu.memref_slice %arg6[%mul3A_139, %dma_start3A_155] : memref<331776x16xf32, #tpu.memory_space<hbm>> -> memref<128x16xf32, #tpu.memory_space<hbm>>
        %dma_start3A_157 = arith.constant 0 : i32
        %dma_start3A_158 = tpu.memref_slice %arg6[%mul3A_139, %dma_start3A_157] : memref<331776x16xf32, #tpu.memory_space<hbm>> -> memref<128x16xf32, #tpu.memory_space<hbm>>
        tpu.enqueue_dma source(%dma_start3A_158 : memref<128x16xf32, #tpu.memory_space<hbm>>) target(%arg12 : memref<128x16xf32, #tpu.memory_space<vmem>>) target_semaphore(%run_scoped3A : memref<!tpu.dma_semaphore, #tpu.memory_space<semaphore_mem>>)
        %dma_wait3A_159 = arith.constant 0 : i32
        %dma_wait3A_160 = tpu.memref_slice %arg6[%mul3A_139, %dma_wait3A_159] : memref<331776x16xf32, #tpu.memory_space<hbm>> -> memref<128x16xf32, #tpu.memory_space<hbm>>
        %dma_wait3A_161 = arith.constant 0 : i32
        %dma_wait3A_162 = tpu.memref_slice %arg6[%mul3A_139, %dma_wait3A_161] : memref<331776x16xf32, #tpu.memory_space<hbm>> -> memref<128x16xf32, #tpu.memory_space<hbm>>
        tpu.wait_dma2 semaphore(%run_scoped3A : memref<!tpu.dma_semaphore, #tpu.memory_space<semaphore_mem>>) src(%dma_wait3A_162 : memref<128x16xf32, #tpu.memory_space<hbm>>) dst(%arg12 : memref<128x16xf32, #tpu.memory_space<vmem>>)
        tpu.yield
      }) : () -> ()
      %dma_start3A = arith.constant 0 : i32
      %dma_start3A_140 = arith.constant 0 : i32
      %dma_start3A_141 = tpu.memref_slice %arg4[%dma_start3A, %dma_start3A_140] : memref<10000x128xf32, #tpu.memory_space<hbm>> -> memref<10000x128xf32, #tpu.memory_space<hbm>>
      tpu.enqueue_indirect_dma source(%dma_start3A_141 : memref<10000x128xf32, #tpu.memory_space<hbm>>) target(%arg13 : memref<128x128xf32, #tpu.memory_space<vmem>>) offsets(%arg10 : memref<128xi32, #tpu.memory_space<vmem>>) semaphore(%arg15 : memref<!tpu.dma_semaphore, #tpu.memory_space<semaphore_mem>>)
      %dma_wait3A = arith.constant 0 : i32
      %dma_wait3A_142 = arith.constant 0 : i32
      %dma_wait3A_143 = tpu.memref_slice %arg4[%dma_wait3A, %dma_wait3A_142] : memref<10000x128xf32, #tpu.memory_space<hbm>> -> memref<10000x128xf32, #tpu.memory_space<hbm>>
      tpu.wait_indirect_dma semaphore(%arg15 : memref<!tpu.dma_semaphore, #tpu.memory_space<semaphore_mem>>) src(%dma_wait3A_143 : memref<10000x128xf32, #tpu.memory_space<hbm>>) dst(%arg13 : memref<128x128xf32, #tpu.memory_space<vmem>>)
      %scan3A_144 = arith.constant 0 : i32
      %scan3A_145 = arith.constant 128 : i32
      %scan3A_146 = arith.addi %scan3A_144, %scan3A_145 : i32
      %scan3A_147 = arith.constant 1 : i32
      scf.for %scan3A_155 = %scan3A_144 to %scan3A_146 step %scan3A_147  : i32 {
        %mul3A_156 = arith.constant 1 : i32
        %mul3A_157 = arith.muli %scan3A_155, %mul3A_156 : i32
        %add3A_158 = arith.constant 0 : i32
        %add3A_159 = arith.addi %add3A_158, %mul3A_157 : i32
        %get3A = arith.index_cast %add3A_159 : i32 to index
        %get3A_160 = arith.constant 0 : index
        %get3A_161 = tpu.vector_load %arg12[%get3A, %get3A_160] {strides = array<i32>} : memref<128x16xf32, #tpu.memory_space<vmem>>, vector<16xf32>,
        %lt3A = arith.constant 0 : i32
        %lt3A_162 = vector.broadcast %lt3A : i32 to vector<16xi32>
        %lt3A_163 = arith.cmpi slt, %broadcast_in_dim3A_65, %lt3A_162 : vector<16xi32>
        %add3A_164 = arith.constant 16 : i32
        %add3A_165 = vector.broadcast %add3A_164 : i32 to vector<16xi32>
        %add3A_166 = arith.addi %broadcast_in_dim3A_65, %add3A_165 : vector<16xi32>
        %select_n3A = arith.select %lt3A_163, %add3A_166, %broadcast_in_dim3A_65 : vector<16xi1>, vector<16xi32>
        %broadcast_in_dim3A_167 = vector.shape_cast %select_n3A : vector<16xi32> to vector<16x1xi32>
        %gather3A = vector.shape_cast %broadcast_in_dim3A_167 : vector<16x1xi32> to vector<16xi32>
        %gather3A_168 = tpu.dynamic_gather %get3A_161[%gather3A] in [0] : vector<16xf32>, vector<16xi32> -> vector<16xf32>
        %get3A_169 = arith.index_cast %add3A_159 : i32 to index
        %get3A_170 = arith.constant 0 : index
        %get3A_171 = tpu.vector_load %arg13[%get3A_169, %get3A_170] {strides = array<i32>} : memref<128x128xf32, #tpu.memory_space<vmem>>, vector<16xf32>,
        %mul3A_172 = arith.mulf %get3A_171, %gather3A_168 : vector<16xf32>
        %swap3A = arith.index_cast %add3A_159 : i32 to index
        %swap3A_173 = arith.constant 0 : index
        %swap3A_174 = tpu.vector_load %arg13[%swap3A, %swap3A_173] {strides = array<i32>} : memref<128x128xf32, #tpu.memory_space<vmem>>, vector<16xf32>,
        tpu.vector_store %arg13[%swap3A, %swap3A_173], %mul3A_172 {strides = array<i32>} : memref<128x128xf32, #tpu.memory_space<vmem>>, vector<16xf32>,
        %get3A_175 = arith.index_cast %add3A_159 : i32 to index
        %get3A_176 = arith.constant 16 : index
        %get3A_177 = tpu.vector_load %arg13[%get3A_175, %get3A_176] {strides = array<i32>} : memref<128x128xf32, #tpu.memory_space<vmem>>, vector<16xf32>,
        %mul3A_178 = arith.mulf %get3A_177, %gather3A_168 : vector<16xf32>
        %swap3A_179 = arith.index_cast %add3A_159 : i32 to index
        %swap3A_180 = arith.constant 16 : index
        %swap3A_181 = tpu.vector_load %arg13[%swap3A_179, %swap3A_180] {strides = array<i32>} : memref<128x128xf32, #tpu.memory_space<vmem>>, vector<16xf32>,
        tpu.vector_store %arg13[%swap3A_179, %swap3A_180], %mul3A_178 {strides = array<i32>} : memref<128x128xf32, #tpu.memory_space<vmem>>, vector<16xf32>,
        %get3A_182 = arith.index_cast %add3A_159 : i32 to index
        %get3A_183 = arith.constant 32 : index
        %get3A_184 = tpu.vector_load %arg13[%get3A_182, %get3A_183] {strides = array<i32>} : memref<128x128xf32, #tpu.memory_space<vmem>>, vector<16xf32>,
        %mul3A_185 = arith.mulf %get3A_184, %gather3A_168 : vector<16xf32>
        %swap3A_186 = arith.index_cast %add3A_159 : i32 to index
        %swap3A_187 = arith.constant 32 : index
        %swap3A_188 = tpu.vector_load %arg13[%swap3A_186, %swap3A_187] {strides = array<i32>} : memref<128x128xf32, #tpu.memory_space<vmem>>, vector<16xf32>,
        tpu.vector_store %arg13[%swap3A_186, %swap3A_187], %mul3A_185 {strides = array<i32>} : memref<128x128xf32, #tpu.memory_space<vmem>>, vector<16xf32>,
        %get3A_189 = arith.index_cast %add3A_159 : i32 to index
        %get3A_190 = arith.constant 48 : index
        %get3A_191 = tpu.vector_load %arg13[%get3A_189, %get3A_190] {strides = array<i32>} : memref<128x128xf32, #tpu.memory_space<vmem>>, vector<16xf32>,
        %mul3A_192 = arith.mulf %get3A_191, %gather3A_168 : vector<16xf32>
        %swap3A_193 = arith.index_cast %add3A_159 : i32 to index
        %swap3A_194 = arith.constant 48 : index
        %swap3A_195 = tpu.vector_load %arg13[%swap3A_193, %swap3A_194] {strides = array<i32>} : memref<128x128xf32, #tpu.memory_space<vmem>>, vector<16xf32>,
        tpu.vector_store %arg13[%swap3A_193, %swap3A_194], %mul3A_192 {strides = array<i32>} : memref<128x128xf32, #tpu.memory_space<vmem>>, vector<16xf32>,
        %get3A_196 = arith.index_cast %add3A_159 : i32 to index
        %get3A_197 = arith.constant 64 : index
        %get3A_198 = tpu.vector_load %arg13[%get3A_196, %get3A_197] {strides = array<i32>} : memref<128x128xf32, #tpu.memory_space<vmem>>, vector<16xf32>,
        %mul3A_199 = arith.mulf %get3A_198, %gather3A_168 : vector<16xf32>
        %swap3A_200 = arith.index_cast %add3A_159 : i32 to index
        %swap3A_201 = arith.constant 64 : index
        %swap3A_202 = tpu.vector_load %arg13[%swap3A_200, %swap3A_201] {strides = array<i32>} : memref<128x128xf32, #tpu.memory_space<vmem>>, vector<16xf32>,
        tpu.vector_store %arg13[%swap3A_200, %swap3A_201], %mul3A_199 {strides = array<i32>} : memref<128x128xf32, #tpu.memory_space<vmem>>, vector<16xf32>,
        %get3A_203 = arith.index_cast %add3A_159 : i32 to index
        %get3A_204 = arith.constant 80 : index
        %get3A_205 = tpu.vector_load %arg13[%get3A_203, %get3A_204] {strides = array<i32>} : memref<128x128xf32, #tpu.memory_space<vmem>>, vector<16xf32>,
        %mul3A_206 = arith.mulf %get3A_205, %gather3A_168 : vector<16xf32>
        %swap3A_207 = arith.index_cast %add3A_159 : i32 to index
        %swap3A_208 = arith.constant 80 : index
        %swap3A_209 = tpu.vector_load %arg13[%swap3A_207, %swap3A_208] {strides = array<i32>} : memref<128x128xf32, #tpu.memory_space<vmem>>, vector<16xf32>,
        tpu.vector_store %arg13[%swap3A_207, %swap3A_208], %mul3A_206 {strides = array<i32>} : memref<128x128xf32, #tpu.memory_space<vmem>>, vector<16xf32>,
        %get3A_210 = arith.index_cast %add3A_159 : i32 to index
        %get3A_211 = arith.constant 96 : index
        %get3A_212 = tpu.vector_load %arg13[%get3A_210, %get3A_211] {strides = array<i32>} : memref<128x128xf32, #tpu.memory_space<vmem>>, vector<16xf32>,
        %mul3A_213 = arith.mulf %get3A_212, %gather3A_168 : vector<16xf32>
        %swap3A_214 = arith.index_cast %add3A_159 : i32 to index
        %swap3A_215 = arith.constant 96 : index
        %swap3A_216 = tpu.vector_load %arg13[%swap3A_214, %swap3A_215] {strides = array<i32>} : memref<128x128xf32, #tpu.memory_space<vmem>>, vector<16xf32>,
        tpu.vector_store %arg13[%swap3A_214, %swap3A_215], %mul3A_213 {strides = array<i32>} : memref<128x128xf32, #tpu.memory_space<vmem>>, vector<16xf32>,
        %get3A_217 = arith.index_cast %add3A_159 : i32 to index
        %get3A_218 = arith.constant 112 : index
        %get3A_219 = tpu.vector_load %arg13[%get3A_217, %get3A_218] {strides = array<i32>} : memref<128x128xf32, #tpu.memory_space<vmem>>, vector<16xf32>,
        %mul3A_220 = arith.mulf %get3A_219, %gather3A_168 : vector<16xf32>
        %swap3A_221 = arith.index_cast %add3A_159 : i32 to index
        %swap3A_222 = arith.constant 112 : index
        %swap3A_223 = tpu.vector_load %arg13[%swap3A_221, %swap3A_222] {strides = array<i32>} : memref<128x128xf32, #tpu.memory_space<vmem>>, vector<16xf32>,
        tpu.vector_store %arg13[%swap3A_221, %swap3A_222], %mul3A_220 {strides = array<i32>} : memref<128x128xf32, #tpu.memory_space<vmem>>, vector<16xf32>,
      }
      %scan3A_148 = arith.constant 128 : i32
      %dma_start3A_149 = arith.constant 0 : i32
      %dma_start3A_150 = arith.constant 0 : i32
      %dma_start3A_151 = tpu.memref_slice %arg14[%dma_start3A_149, %dma_start3A_150] : memref<10240x128xf32, #tpu.memory_space<vmem_shared>> -> memref<10240x128xf32, #tpu.memory_space<vmem_shared>>
      tpu.enqueue_indirect_dma source(%arg13 : memref<128x128xf32, #tpu.memory_space<vmem>>) target(%dma_start3A_151 : memref<10240x128xf32, #tpu.memory_space<vmem_shared>>) offsets(%arg11 : memref<128xi32, #tpu.memory_space<vmem>>) semaphore(%arg16 : memref<!tpu.dma_semaphore, #tpu.memory_space<semaphore_mem>>) {add = true}
      %dma_wait3A_152 = arith.constant 0 : i32
      %dma_wait3A_153 = arith.constant 0 : i32
      %dma_wait3A_154 = tpu.memref_slice %arg14[%dma_wait3A_152, %dma_wait3A_153] : memref<10240x128xf32, #tpu.memory_space<vmem_shared>> -> memref<10240x128xf32, #tpu.memory_space<vmem_shared>>
      tpu.wait_indirect_dma semaphore(%arg16 : memref<!tpu.dma_semaphore, #tpu.memory_space<semaphore_mem>>) src(%arg13 : memref<128x128xf32, #tpu.memory_space<vmem>>) dst(%dma_wait3A_154 : memref<10240x128xf32, #tpu.memory_space<vmem_shared>>)
    }
    %scan3A_83 = arith.constant 81 : i32
    %barrier3A_84 = arith.constant 0 : index
    tpu.barrier barrier_id(%barrier3A_84)
    %mul3A_85 = arith.constant 4 : i32
    %mul3A_86 = arith.muli %arg0, %mul3A_85 : i32
    %add3A_87 = arith.constant 2 : i32
    %add3A_88 = arith.addi %mul3A_86, %add3A_87 : i32
    %mul3A_89 = arith.constant 10240 : i32
    %mul3A_90 = arith.muli %add3A_88, %mul3A_89 : i32
    %scan3A_91 = arith.constant 0 : i32
    %scan3A_92 = arith.constant 80 : i32
    %scan3A_93 = arith.addi %scan3A_91, %scan3A_92 : i32
    %scan3A_94 = arith.constant 1 : i32
    scf.for %scan3A_130 = %scan3A_91 to %scan3A_93 step %scan3A_94  : i32 {
      %mul3A_131 = arith.constant 1 : i32
      %mul3A_132 = arith.muli %scan3A_130, %mul3A_131 : i32
      %add3A_133 = arith.constant 0 : i32
      %add3A_134 = arith.addi %add3A_133, %mul3A_132 : i32
      %mul3A_135 = arith.constant 640 : i32
      %mul3A_136 = arith.muli %arg1, %mul3A_135 : i32
      %mul3A_137 = arith.constant 8 : i32
      %mul3A_138 = arith.muli %add3A_134, %mul3A_137 : i32
      %add3A_139 = arith.addi %mul3A_136, %mul3A_138 : i32
      "tpu.region"() ({
        %run_scoped3A = tpu.sem_alloc : memref<!tpu.dma_semaphore, #tpu.memory_space<semaphore_mem>>
        %dma_start3A = arith.constant 0 : i32
        %dma_start3A_141 = arith.constant 0 : i32
        %dma_start3A_142 = tpu.memref_slice %arg13[%dma_start3A, %dma_start3A_141] : memref<128x128xf32, #tpu.memory_space<vmem>> -> memref<8x128xf32, #tpu.memory_space<vmem>>
        %dma_start3A_143 = arith.constant 0 : i32
        %dma_start3A_144 = tpu.memref_slice %arg14[%add3A_139, %dma_start3A_143] : memref<10240x128xf32, #tpu.memory_space<vmem_shared>> -> memref<8x128xf32, #tpu.memory_space<vmem_shared>>
        %dma_start3A_145 = arith.constant 0 : i32
        %dma_start3A_146 = arith.constant 0 : i32
        %dma_start3A_147 = tpu.memref_slice %arg13[%dma_start3A_145, %dma_start3A_146] : memref<128x128xf32, #tpu.memory_space<vmem>> -> memref<8x128xf32, #tpu.memory_space<vmem>>
        %dma_start3A_148 = arith.constant 0 : i32
        %dma_start3A_149 = tpu.memref_slice %arg14[%add3A_139, %dma_start3A_148] : memref<10240x128xf32, #tpu.memory_space<vmem_shared>> -> memref<8x128xf32, #tpu.memory_space<vmem_shared>>
        tpu.enqueue_dma source(%dma_start3A_149 : memref<8x128xf32, #tpu.memory_space<vmem_shared>>) target(%dma_start3A_147 : memref<8x128xf32, #tpu.memory_space<vmem>>) target_semaphore(%run_scoped3A : memref<!tpu.dma_semaphore, #tpu.memory_space<semaphore_mem>>)
        %dma_wait3A = arith.constant 0 : i32
        %dma_wait3A_150 = arith.constant 0 : i32
        %dma_wait3A_151 = tpu.memref_slice %arg13[%dma_wait3A, %dma_wait3A_150] : memref<128x128xf32, #tpu.memory_space<vmem>> -> memref<8x128xf32, #tpu.memory_space<vmem>>
        %dma_wait3A_152 = arith.constant 0 : i32
        %dma_wait3A_153 = tpu.memref_slice %arg14[%add3A_139, %dma_wait3A_152] : memref<10240x128xf32, #tpu.memory_space<vmem_shared>> -> memref<8x128xf32, #tpu.memory_space<vmem_shared>>
        %dma_wait3A_154 = arith.constant 0 : i32
        %dma_wait3A_155 = arith.constant 0 : i32
        %dma_wait3A_156 = tpu.memref_slice %arg13[%dma_wait3A_154, %dma_wait3A_155] : memref<128x128xf32, #tpu.memory_space<vmem>> -> memref<8x128xf32, #tpu.memory_space<vmem>>
        %dma_wait3A_157 = arith.constant 0 : i32
        %dma_wait3A_158 = tpu.memref_slice %arg14[%add3A_139, %dma_wait3A_157] : memref<10240x128xf32, #tpu.memory_space<vmem_shared>> -> memref<8x128xf32, #tpu.memory_space<vmem_shared>>
        tpu.wait_dma2 semaphore(%run_scoped3A : memref<!tpu.dma_semaphore, #tpu.memory_space<semaphore_mem>>) src(%dma_wait3A_158 : memref<8x128xf32, #tpu.memory_space<vmem_shared>>) dst(%dma_wait3A_156 : memref<8x128xf32, #tpu.memory_space<vmem>>)
        tpu.yield
      }) : () -> ()
      %add3A_140 = arith.addi %mul3A_90, %add3A_139 : i32
      "tpu.region"() ({
        %run_scoped3A = tpu.sem_alloc : memref<!tpu.dma_semaphore, #tpu.memory_space<semaphore_mem>>
        %dma_start3A = arith.constant 0 : i32
        %dma_start3A_141 = arith.constant 0 : i32
        %dma_start3A_142 = tpu.memref_slice %arg13[%dma_start3A, %dma_start3A_141] : memref<128x128xf32, #tpu.memory_space<vmem>> -> memref<8x128xf32, #tpu.memory_space<vmem>>
        %dma_start3A_143 = arith.constant 0 : i32
        %dma_start3A_144 = tpu.memref_slice %arg9[%add3A_140, %dma_start3A_143] : memref<81920x128xf32, #tpu.memory_space<hbm>> -> memref<8x128xf32, #tpu.memory_space<hbm>>
        %dma_start3A_145 = arith.constant 0 : i32
        %dma_start3A_146 = tpu.memref_slice %arg9[%add3A_140, %dma_start3A_145] : memref<81920x128xf32, #tpu.memory_space<hbm>> -> memref<8x128xf32, #tpu.memory_space<hbm>>
        %dma_start3A_147 = arith.constant 0 : i32
        %dma_start3A_148 = arith.constant 0 : i32
        %dma_start3A_149 = tpu.memref_slice %arg13[%dma_start3A_147, %dma_start3A_148] : memref<128x128xf32, #tpu.memory_space<vmem>> -> memref<8x128xf32, #tpu.memory_space<vmem>>
        tpu.enqueue_dma source(%dma_start3A_149 : memref<8x128xf32, #tpu.memory_space<vmem>>) target(%dma_start3A_146 : memref<8x128xf32, #tpu.memory_space<hbm>>) target_semaphore(%run_scoped3A : memref<!tpu.dma_semaphore, #tpu.memory_space<semaphore_mem>>)
        %dma_wait3A = arith.constant 0 : i32
        %dma_wait3A_150 = arith.constant 0 : i32
        %dma_wait3A_151 = tpu.memref_slice %arg13[%dma_wait3A, %dma_wait3A_150] : memref<128x128xf32, #tpu.memory_space<vmem>> -> memref<8x128xf32, #tpu.memory_space<vmem>>
        %dma_wait3A_152 = arith.constant 0 : i32
        %dma_wait3A_153 = tpu.memref_slice %arg9[%add3A_140, %dma_wait3A_152] : memref<81920x128xf32, #tpu.memory_space<hbm>> -> memref<8x128xf32, #tpu.memory_space<hbm>>
        %dma_wait3A_154 = arith.constant 0 : i32
        %dma_wait3A_155 = tpu.memref_slice %arg9[%add3A_140, %dma_wait3A_154] : memref<81920x128xf32, #tpu.memory_space<hbm>> -> memref<8x128xf32, #tpu.memory_space<hbm>>
        %dma_wait3A_156 = arith.constant 0 : i32
        %dma_wait3A_157 = arith.constant 0 : i32
        %dma_wait3A_158 = tpu.memref_slice %arg13[%dma_wait3A_156, %dma_wait3A_157] : memref<128x128xf32, #tpu.memory_space<vmem>> -> memref<8x128xf32, #tpu.memory_space<vmem>>
        tpu.wait_dma2 semaphore(%run_scoped3A : memref<!tpu.dma_semaphore, #tpu.memory_space<semaphore_mem>>) src(%dma_wait3A_158 : memref<8x128xf32, #tpu.memory_space<vmem>>) dst(%dma_wait3A_155 : memref<8x128xf32, #tpu.memory_space<hbm>>)
        tpu.yield
      }) : () -> ()
    }
    %scan3A_95 = arith.constant 80 : i32
    %barrier3A_96 = arith.constant 0 : index
    tpu.barrier barrier_id(%barrier3A_96)
    %broadcast_in_dim3A_97 = arith.constant 3 : i32
    %broadcast_in_dim3A_98 = vector.broadcast %broadcast_in_dim3A_97 : i32 to vector<16xi32>
    %broadcast_in_dim3A_99 = arith.constant 0.000000e+00 : f32
    %broadcast_in_dim3A_100 = vector.broadcast %broadcast_in_dim3A_99 : f32 to vector<16xf32>
    %scan3A_101 = arith.constant 0 : i32
    %scan3A_102 = arith.constant 128 : i32
    %scan3A_103 = arith.addi %scan3A_101, %scan3A_102 : i32
    %scan3A_104 = arith.constant 1 : i32
    scf.for %scan3A_130 = %scan3A_101 to %scan3A_103 step %scan3A_104  : i32 {
      %mul3A_131 = arith.constant 1 : i32
      %mul3A_132 = arith.muli %scan3A_130, %mul3A_131 : i32
      %add3A_133 = arith.constant 0 : i32
      %add3A_134 = arith.addi %add3A_133, %mul3A_132 : i32
      %swap3A = arith.index_cast %add3A_134 : i32 to index
      %swap3A_135 = arith.constant 0 : index
      %swap3A_136 = tpu.vector_load %arg13[%swap3A, %swap3A_135] {strides = array<i32>} : memref<128x128xf32, #tpu.memory_space<vmem>>, vector<16xf32>,
      tpu.vector_store %arg13[%swap3A, %swap3A_135], %broadcast_in_dim3A_100 {strides = array<i32>} : memref<128x128xf32, #tpu.memory_space<vmem>>, vector<16xf32>,
      %swap3A_137 = arith.index_cast %add3A_134 : i32 to index
      %swap3A_138 = arith.constant 16 : index
      %swap3A_139 = tpu.vector_load %arg13[%swap3A_137, %swap3A_138] {strides = array<i32>} : memref<128x128xf32, #tpu.memory_space<vmem>>, vector<16xf32>,
      tpu.vector_store %arg13[%swap3A_137, %swap3A_138], %broadcast_in_dim3A_100 {strides = array<i32>} : memref<128x128xf32, #tpu.memory_space<vmem>>, vector<16xf32>,
      %swap3A_140 = arith.index_cast %add3A_134 : i32 to index
      %swap3A_141 = arith.constant 32 : index
      %swap3A_142 = tpu.vector_load %arg13[%swap3A_140, %swap3A_141] {strides = array<i32>} : memref<128x128xf32, #tpu.memory_space<vmem>>, vector<16xf32>,
      tpu.vector_store %arg13[%swap3A_140, %swap3A_141], %broadcast_in_dim3A_100 {strides = array<i32>} : memref<128x128xf32, #tpu.memory_space<vmem>>, vector<16xf32>,
      %swap3A_143 = arith.index_cast %add3A_134 : i32 to index
      %swap3A_144 = arith.constant 48 : index
      %swap3A_145 = tpu.vector_load %arg13[%swap3A_143, %swap3A_144] {strides = array<i32>} : memref<128x128xf32, #tpu.memory_space<vmem>>, vector<16xf32>,
      tpu.vector_store %arg13[%swap3A_143, %swap3A_144], %broadcast_in_dim3A_100 {strides = array<i32>} : memref<128x128xf32, #tpu.memory_space<vmem>>, vector<16xf32>,
      %swap3A_146 = arith.index_cast %add3A_134 : i32 to index
      %swap3A_147 = arith.constant 64 : index
      %swap3A_148 = tpu.vector_load %arg13[%swap3A_146, %swap3A_147] {strides = array<i32>} : memref<128x128xf32, #tpu.memory_space<vmem>>, vector<16xf32>,
      tpu.vector_store %arg13[%swap3A_146, %swap3A_147], %broadcast_in_dim3A_100 {strides = array<i32>} : memref<128x128xf32, #tpu.memory_space<vmem>>, vector<16xf32>,
      %swap3A_149 = arith.index_cast %add3A_134 : i32 to index
      %swap3A_150 = arith.constant 80 : index
      %swap3A_151 = tpu.vector_load %arg13[%swap3A_149, %swap3A_150] {strides = array<i32>} : memref<128x128xf32, #tpu.memory_space<vmem>>, vector<16xf32>,
      tpu.vector_store %arg13[%swap3A_149, %swap3A_150], %broadcast_in_dim3A_100 {strides = array<i32>} : memref<128x128xf32, #tpu.memory_space<vmem>>, vector<16xf32>,
      %swap3A_152 = arith.index_cast %add3A_134 : i32 to index
      %swap3A_153 = arith.constant 96 : index
      %swap3A_154 = tpu.vector_load %arg13[%swap3A_152, %swap3A_153] {strides = array<i32>} : memref<128x128xf32, #tpu.memory_space<vmem>>, vector<16xf32>,
      tpu.vector_store %arg13[%swap3A_152, %swap3A_153], %broadcast_in_dim3A_100 {strides = array<i32>} : memref<128x128xf32, #tpu.memory_space<vmem>>, vector<16xf32>,
      %swap3A_155 = arith.index_cast %add3A_134 : i32 to index
      %swap3A_156 = arith.constant 112 : index
      %swap3A_157 = tpu.vector_load %arg13[%swap3A_155, %swap3A_156] {strides = array<i32>} : memref<128x128xf32, #tpu.memory_space<vmem>>, vector<16xf32>,
      tpu.vector_store %arg13[%swap3A_155, %swap3A_156], %broadcast_in_dim3A_100 {strides = array<i32>} : memref<128x128xf32, #tpu.memory_space<vmem>>, vector<16xf32>,
    }
    %scan3A_105 = arith.constant 128 : i32
    %scan3A_106 = arith.constant 0 : i32
    %scan3A_107 = arith.constant 80 : i32
    %scan3A_108 = arith.addi %scan3A_106, %scan3A_107 : i32
    %scan3A_109 = arith.constant 1 : i32
    scf.for %scan3A_130 = %scan3A_106 to %scan3A_108 step %scan3A_109  : i32 {
      %mul3A_131 = arith.constant 1 : i32
      %mul3A_132 = arith.muli %scan3A_130, %mul3A_131 : i32
      %add3A_133 = arith.constant 0 : i32
      %add3A_134 = arith.addi %add3A_133, %mul3A_132 : i32
      %mul3A_135 = arith.constant 640 : i32
      %mul3A_136 = arith.muli %arg1, %mul3A_135 : i32
      %mul3A_137 = arith.constant 8 : i32
      %mul3A_138 = arith.muli %add3A_134, %mul3A_137 : i32
      %add3A_139 = arith.addi %mul3A_136, %mul3A_138 : i32
      "tpu.region"() ({
        %run_scoped3A = tpu.sem_alloc : memref<!tpu.dma_semaphore, #tpu.memory_space<semaphore_mem>>
        %dma_start3A = arith.constant 0 : i32
        %dma_start3A_140 = arith.constant 0 : i32
        %dma_start3A_141 = tpu.memref_slice %arg13[%dma_start3A, %dma_start3A_140] : memref<128x128xf32, #tpu.memory_space<vmem>> -> memref<8x128xf32, #tpu.memory_space<vmem>>
        %dma_start3A_142 = arith.constant 0 : i32
        %dma_start3A_143 = tpu.memref_slice %arg14[%add3A_139, %dma_start3A_142] : memref<10240x128xf32, #tpu.memory_space<vmem_shared>> -> memref<8x128xf32, #tpu.memory_space<vmem_shared>>
        %dma_start3A_144 = arith.constant 0 : i32
        %dma_start3A_145 = tpu.memref_slice %arg14[%add3A_139, %dma_start3A_144] : memref<10240x128xf32, #tpu.memory_space<vmem_shared>> -> memref<8x128xf32, #tpu.memory_space<vmem_shared>>
        %dma_start3A_146 = arith.constant 0 : i32
        %dma_start3A_147 = arith.constant 0 : i32
        %dma_start3A_148 = tpu.memref_slice %arg13[%dma_start3A_146, %dma_start3A_147] : memref<128x128xf32, #tpu.memory_space<vmem>> -> memref<8x128xf32, #tpu.memory_space<vmem>>
        tpu.enqueue_dma source(%dma_start3A_148 : memref<8x128xf32, #tpu.memory_space<vmem>>) target(%dma_start3A_145 : memref<8x128xf32, #tpu.memory_space<vmem_shared>>) target_semaphore(%run_scoped3A : memref<!tpu.dma_semaphore, #tpu.memory_space<semaphore_mem>>)
        %dma_wait3A = arith.constant 0 : i32
        %dma_wait3A_149 = arith.constant 0 : i32
        %dma_wait3A_150 = tpu.memref_slice %arg13[%dma_wait3A, %dma_wait3A_149] : memref<128x128xf32, #tpu.memory_space<vmem>> -> memref<8x128xf32, #tpu.memory_space<vmem>>
        %dma_wait3A_151 = arith.constant 0 : i32
        %dma_wait3A_152 = tpu.memref_slice %arg14[%add3A_139, %dma_wait3A_151] : memref<10240x128xf32, #tpu.memory_space<vmem_shared>> -> memref<8x128xf32, #tpu.memory_space<vmem_shared>>
        %dma_wait3A_153 = arith.constant 0 : i32
        %dma_wait3A_154 = tpu.memref_slice %arg14[%add3A_139, %dma_wait3A_153] : memref<10240x128xf32, #tpu.memory_space<vmem_shared>> -> memref<8x128xf32, #tpu.memory_space<vmem_shared>>
        %dma_wait3A_155 = arith.constant 0 : i32
        %dma_wait3A_156 = arith.constant 0 : i32
        %dma_wait3A_157 = tpu.memref_slice %arg13[%dma_wait3A_155, %dma_wait3A_156] : memref<128x128xf32, #tpu.memory_space<vmem>> -> memref<8x128xf32, #tpu.memory_space<vmem>>
        tpu.wait_dma2 semaphore(%run_scoped3A : memref<!tpu.dma_semaphore, #tpu.memory_space<semaphore_mem>>) src(%dma_wait3A_157 : memref<8x128xf32, #tpu.memory_space<vmem>>) dst(%dma_wait3A_154 : memref<8x128xf32, #tpu.memory_space<vmem_shared>>)
        tpu.yield
      }) : () -> ()
    }
    %scan3A_110 = arith.constant 80 : i32
    %barrier3A_111 = arith.constant 0 : index
    tpu.barrier barrier_id(%barrier3A_111)
    %scan3A_112 = arith.constant 0 : i32
    %scan3A_113 = arith.constant 81 : i32
    %scan3A_114 = arith.addi %scan3A_112, %scan3A_113 : i32
    %scan3A_115 = arith.constant 1 : i32
    scf.for %scan3A_130 = %scan3A_112 to %scan3A_114 step %scan3A_115  : i32 {
      %mul3A_131 = arith.constant 1 : i32
      %mul3A_132 = arith.muli %scan3A_130, %mul3A_131 : i32
      %add3A_133 = arith.constant 0 : i32
      %add3A_134 = arith.addi %add3A_133, %mul3A_132 : i32
      %mul3A_135 = arith.constant 81 : i32
      %mul3A_136 = arith.muli %add3A, %mul3A_135 : i32
      %add3A_137 = arith.addi %mul3A_136, %add3A_134 : i32
      %mul3A_138 = arith.constant 128 : i32
      %mul3A_139 = arith.muli %add3A_137, %mul3A_138 : i32
      "tpu.region"() ({
        %run_scoped3A = tpu.sem_alloc : memref<!tpu.dma_semaphore, #tpu.memory_space<semaphore_mem>>
        %dma_start3A_155 = tpu.memref_slice %arg7[%mul3A_139] : memref<331776xi32, #tpu.memory_space<hbm>> -> memref<128xi32, #tpu.memory_space<hbm>>
        %dma_start3A_156 = tpu.memref_slice %arg7[%mul3A_139] : memref<331776xi32, #tpu.memory_space<hbm>> -> memref<128xi32, #tpu.memory_space<hbm>>
        tpu.enqueue_dma source(%dma_start3A_156 : memref<128xi32, #tpu.memory_space<hbm>>) target(%arg10 : memref<128xi32, #tpu.memory_space<vmem>>) target_semaphore(%run_scoped3A : memref<!tpu.dma_semaphore, #tpu.memory_space<semaphore_mem>>)
        %dma_wait3A_157 = tpu.memref_slice %arg7[%mul3A_139] : memref<331776xi32, #tpu.memory_space<hbm>> -> memref<128xi32, #tpu.memory_space<hbm>>
        %dma_wait3A_158 = tpu.memref_slice %arg7[%mul3A_139] : memref<331776xi32, #tpu.memory_space<hbm>> -> memref<128xi32, #tpu.memory_space<hbm>>
        tpu.wait_dma2 semaphore(%run_scoped3A : memref<!tpu.dma_semaphore, #tpu.memory_space<semaphore_mem>>) src(%dma_wait3A_158 : memref<128xi32, #tpu.memory_space<hbm>>) dst(%arg10 : memref<128xi32, #tpu.memory_space<vmem>>)
        tpu.yield
      }) : () -> ()
      "tpu.region"() ({
        %run_scoped3A = tpu.sem_alloc : memref<!tpu.dma_semaphore, #tpu.memory_space<semaphore_mem>>
        %dma_start3A_155 = tpu.memref_slice %arg8[%mul3A_139] : memref<331776xi32, #tpu.memory_space<hbm>> -> memref<128xi32, #tpu.memory_space<hbm>>
        %dma_start3A_156 = tpu.memref_slice %arg8[%mul3A_139] : memref<331776xi32, #tpu.memory_space<hbm>> -> memref<128xi32, #tpu.memory_space<hbm>>
        tpu.enqueue_dma source(%dma_start3A_156 : memref<128xi32, #tpu.memory_space<hbm>>) target(%arg11 : memref<128xi32, #tpu.memory_space<vmem>>) target_semaphore(%run_scoped3A : memref<!tpu.dma_semaphore, #tpu.memory_space<semaphore_mem>>)
        %dma_wait3A_157 = tpu.memref_slice %arg8[%mul3A_139] : memref<331776xi32, #tpu.memory_space<hbm>> -> memref<128xi32, #tpu.memory_space<hbm>>
        %dma_wait3A_158 = tpu.memref_slice %arg8[%mul3A_139] : memref<331776xi32, #tpu.memory_space<hbm>> -> memref<128xi32, #tpu.memory_space<hbm>>
        tpu.wait_dma2 semaphore(%run_scoped3A : memref<!tpu.dma_semaphore, #tpu.memory_space<semaphore_mem>>) src(%dma_wait3A_158 : memref<128xi32, #tpu.memory_space<hbm>>) dst(%arg11 : memref<128xi32, #tpu.memory_space<vmem>>)
        tpu.yield
      }) : () -> ()
      "tpu.region"() ({
        %run_scoped3A = tpu.sem_alloc : memref<!tpu.dma_semaphore, #tpu.memory_space<semaphore_mem>>
        %dma_start3A_155 = arith.constant 0 : i32
        %dma_start3A_156 = tpu.memref_slice %arg6[%mul3A_139, %dma_start3A_155] : memref<331776x16xf32, #tpu.memory_space<hbm>> -> memref<128x16xf32, #tpu.memory_space<hbm>>
        %dma_start3A_157 = arith.constant 0 : i32
        %dma_start3A_158 = tpu.memref_slice %arg6[%mul3A_139, %dma_start3A_157] : memref<331776x16xf32, #tpu.memory_space<hbm>> -> memref<128x16xf32, #tpu.memory_space<hbm>>
        tpu.enqueue_dma source(%dma_start3A_158 : memref<128x16xf32, #tpu.memory_space<hbm>>) target(%arg12 : memref<128x16xf32, #tpu.memory_space<vmem>>) target_semaphore(%run_scoped3A : memref<!tpu.dma_semaphore, #tpu.memory_space<semaphore_mem>>)
        %dma_wait3A_159 = arith.constant 0 : i32
        %dma_wait3A_160 = tpu.memref_slice %arg6[%mul3A_139, %dma_wait3A_159] : memref<331776x16xf32, #tpu.memory_space<hbm>> -> memref<128x16xf32, #tpu.memory_space<hbm>>
        %dma_wait3A_161 = arith.constant 0 : i32
        %dma_wait3A_162 = tpu.memref_slice %arg6[%mul3A_139, %dma_wait3A_161] : memref<331776x16xf32, #tpu.memory_space<hbm>> -> memref<128x16xf32, #tpu.memory_space<hbm>>
        tpu.wait_dma2 semaphore(%run_scoped3A : memref<!tpu.dma_semaphore, #tpu.memory_space<semaphore_mem>>) src(%dma_wait3A_162 : memref<128x16xf32, #tpu.memory_space<hbm>>) dst(%arg12 : memref<128x16xf32, #tpu.memory_space<vmem>>)
        tpu.yield
      }) : () -> ()
      %dma_start3A = arith.constant 0 : i32
      %dma_start3A_140 = arith.constant 0 : i32
      %dma_start3A_141 = tpu.memref_slice %arg5[%dma_start3A, %dma_start3A_140] : memref<10000x128xf32, #tpu.memory_space<hbm>> -> memref<10000x128xf32, #tpu.memory_space<hbm>>
      tpu.enqueue_indirect_dma source(%dma_start3A_141 : memref<10000x128xf32, #tpu.memory_space<hbm>>) target(%arg13 : memref<128x128xf32, #tpu.memory_space<vmem>>) offsets(%arg10 : memref<128xi32, #tpu.memory_space<vmem>>) semaphore(%arg15 : memref<!tpu.dma_semaphore, #tpu.memory_space<semaphore_mem>>)
      %dma_wait3A = arith.constant 0 : i32
      %dma_wait3A_142 = arith.constant 0 : i32
      %dma_wait3A_143 = tpu.memref_slice %arg5[%dma_wait3A, %dma_wait3A_142] : memref<10000x128xf32, #tpu.memory_space<hbm>> -> memref<10000x128xf32, #tpu.memory_space<hbm>>
      tpu.wait_indirect_dma semaphore(%arg15 : memref<!tpu.dma_semaphore, #tpu.memory_space<semaphore_mem>>) src(%dma_wait3A_143 : memref<10000x128xf32, #tpu.memory_space<hbm>>) dst(%arg13 : memref<128x128xf32, #tpu.memory_space<vmem>>)
      %scan3A_144 = arith.constant 0 : i32
      %scan3A_145 = arith.constant 128 : i32
      %scan3A_146 = arith.addi %scan3A_144, %scan3A_145 : i32
      %scan3A_147 = arith.constant 1 : i32
      scf.for %scan3A_155 = %scan3A_144 to %scan3A_146 step %scan3A_147  : i32 {
        %mul3A_156 = arith.constant 1 : i32
        %mul3A_157 = arith.muli %scan3A_155, %mul3A_156 : i32
        %add3A_158 = arith.constant 0 : i32
        %add3A_159 = arith.addi %add3A_158, %mul3A_157 : i32
        %get3A = arith.index_cast %add3A_159 : i32 to index
        %get3A_160 = arith.constant 0 : index
        %get3A_161 = tpu.vector_load %arg12[%get3A, %get3A_160] {strides = array<i32>} : memref<128x16xf32, #tpu.memory_space<vmem>>, vector<16xf32>,
        %lt3A = arith.constant 0 : i32
        %lt3A_162 = vector.broadcast %lt3A : i32 to vector<16xi32>
        %lt3A_163 = arith.cmpi slt, %broadcast_in_dim3A_98, %lt3A_162 : vector<16xi32>
        %add3A_164 = arith.constant 16 : i32
        %add3A_165 = vector.broadcast %add3A_164 : i32 to vector<16xi32>
        %add3A_166 = arith.addi %broadcast_in_dim3A_98, %add3A_165 : vector<16xi32>
        %select_n3A = arith.select %lt3A_163, %add3A_166, %broadcast_in_dim3A_98 : vector<16xi1>, vector<16xi32>
        %broadcast_in_dim3A_167 = vector.shape_cast %select_n3A : vector<16xi32> to vector<16x1xi32>
        %gather3A = vector.shape_cast %broadcast_in_dim3A_167 : vector<16x1xi32> to vector<16xi32>
        %gather3A_168 = tpu.dynamic_gather %get3A_161[%gather3A] in [0] : vector<16xf32>, vector<16xi32> -> vector<16xf32>
        %get3A_169 = arith.index_cast %add3A_159 : i32 to index
        %get3A_170 = arith.constant 0 : index
        %get3A_171 = tpu.vector_load %arg13[%get3A_169, %get3A_170] {strides = array<i32>} : memref<128x128xf32, #tpu.memory_space<vmem>>, vector<16xf32>,
        %mul3A_172 = arith.mulf %get3A_171, %gather3A_168 : vector<16xf32>
        %swap3A = arith.index_cast %add3A_159 : i32 to index
        %swap3A_173 = arith.constant 0 : index
        %swap3A_174 = tpu.vector_load %arg13[%swap3A, %swap3A_173] {strides = array<i32>} : memref<128x128xf32, #tpu.memory_space<vmem>>, vector<16xf32>,
        tpu.vector_store %arg13[%swap3A, %swap3A_173], %mul3A_172 {strides = array<i32>} : memref<128x128xf32, #tpu.memory_space<vmem>>, vector<16xf32>,
        %get3A_175 = arith.index_cast %add3A_159 : i32 to index
        %get3A_176 = arith.constant 16 : index
        %get3A_177 = tpu.vector_load %arg13[%get3A_175, %get3A_176] {strides = array<i32>} : memref<128x128xf32, #tpu.memory_space<vmem>>, vector<16xf32>,
        %mul3A_178 = arith.mulf %get3A_177, %gather3A_168 : vector<16xf32>
        %swap3A_179 = arith.index_cast %add3A_159 : i32 to index
        %swap3A_180 = arith.constant 16 : index
        %swap3A_181 = tpu.vector_load %arg13[%swap3A_179, %swap3A_180] {strides = array<i32>} : memref<128x128xf32, #tpu.memory_space<vmem>>, vector<16xf32>,
        tpu.vector_store %arg13[%swap3A_179, %swap3A_180], %mul3A_178 {strides = array<i32>} : memref<128x128xf32, #tpu.memory_space<vmem>>, vector<16xf32>,
        %get3A_182 = arith.index_cast %add3A_159 : i32 to index
        %get3A_183 = arith.constant 32 : index
        %get3A_184 = tpu.vector_load %arg13[%get3A_182, %get3A_183] {strides = array<i32>} : memref<128x128xf32, #tpu.memory_space<vmem>>, vector<16xf32>,
        %mul3A_185 = arith.mulf %get3A_184, %gather3A_168 : vector<16xf32>
        %swap3A_186 = arith.index_cast %add3A_159 : i32 to index
        %swap3A_187 = arith.constant 32 : index
        %swap3A_188 = tpu.vector_load %arg13[%swap3A_186, %swap3A_187] {strides = array<i32>} : memref<128x128xf32, #tpu.memory_space<vmem>>, vector<16xf32>,
        tpu.vector_store %arg13[%swap3A_186, %swap3A_187], %mul3A_185 {strides = array<i32>} : memref<128x128xf32, #tpu.memory_space<vmem>>, vector<16xf32>,
        %get3A_189 = arith.index_cast %add3A_159 : i32 to index
        %get3A_190 = arith.constant 48 : index
        %get3A_191 = tpu.vector_load %arg13[%get3A_189, %get3A_190] {strides = array<i32>} : memref<128x128xf32, #tpu.memory_space<vmem>>, vector<16xf32>,
        %mul3A_192 = arith.mulf %get3A_191, %gather3A_168 : vector<16xf32>
        %swap3A_193 = arith.index_cast %add3A_159 : i32 to index
        %swap3A_194 = arith.constant 48 : index
        %swap3A_195 = tpu.vector_load %arg13[%swap3A_193, %swap3A_194] {strides = array<i32>} : memref<128x128xf32, #tpu.memory_space<vmem>>, vector<16xf32>,
        tpu.vector_store %arg13[%swap3A_193, %swap3A_194], %mul3A_192 {strides = array<i32>} : memref<128x128xf32, #tpu.memory_space<vmem>>, vector<16xf32>,
        %get3A_196 = arith.index_cast %add3A_159 : i32 to index
        %get3A_197 = arith.constant 64 : index
        %get3A_198 = tpu.vector_load %arg13[%get3A_196, %get3A_197] {strides = array<i32>} : memref<128x128xf32, #tpu.memory_space<vmem>>, vector<16xf32>,
        %mul3A_199 = arith.mulf %get3A_198, %gather3A_168 : vector<16xf32>
        %swap3A_200 = arith.index_cast %add3A_159 : i32 to index
        %swap3A_201 = arith.constant 64 : index
        %swap3A_202 = tpu.vector_load %arg13[%swap3A_200, %swap3A_201] {strides = array<i32>} : memref<128x128xf32, #tpu.memory_space<vmem>>, vector<16xf32>,
        tpu.vector_store %arg13[%swap3A_200, %swap3A_201], %mul3A_199 {strides = array<i32>} : memref<128x128xf32, #tpu.memory_space<vmem>>, vector<16xf32>,
        %get3A_203 = arith.index_cast %add3A_159 : i32 to index
        %get3A_204 = arith.constant 80 : index
        %get3A_205 = tpu.vector_load %arg13[%get3A_203, %get3A_204] {strides = array<i32>} : memref<128x128xf32, #tpu.memory_space<vmem>>, vector<16xf32>,
        %mul3A_206 = arith.mulf %get3A_205, %gather3A_168 : vector<16xf32>
        %swap3A_207 = arith.index_cast %add3A_159 : i32 to index
        %swap3A_208 = arith.constant 80 : index
        %swap3A_209 = tpu.vector_load %arg13[%swap3A_207, %swap3A_208] {strides = array<i32>} : memref<128x128xf32, #tpu.memory_space<vmem>>, vector<16xf32>,
        tpu.vector_store %arg13[%swap3A_207, %swap3A_208], %mul3A_206 {strides = array<i32>} : memref<128x128xf32, #tpu.memory_space<vmem>>, vector<16xf32>,
        %get3A_210 = arith.index_cast %add3A_159 : i32 to index
        %get3A_211 = arith.constant 96 : index
        %get3A_212 = tpu.vector_load %arg13[%get3A_210, %get3A_211] {strides = array<i32>} : memref<128x128xf32, #tpu.memory_space<vmem>>, vector<16xf32>,
        %mul3A_213 = arith.mulf %get3A_212, %gather3A_168 : vector<16xf32>
        %swap3A_214 = arith.index_cast %add3A_159 : i32 to index
        %swap3A_215 = arith.constant 96 : index
        %swap3A_216 = tpu.vector_load %arg13[%swap3A_214, %swap3A_215] {strides = array<i32>} : memref<128x128xf32, #tpu.memory_space<vmem>>, vector<16xf32>,
        tpu.vector_store %arg13[%swap3A_214, %swap3A_215], %mul3A_213 {strides = array<i32>} : memref<128x128xf32, #tpu.memory_space<vmem>>, vector<16xf32>,
        %get3A_217 = arith.index_cast %add3A_159 : i32 to index
        %get3A_218 = arith.constant 112 : index
        %get3A_219 = tpu.vector_load %arg13[%get3A_217, %get3A_218] {strides = array<i32>} : memref<128x128xf32, #tpu.memory_space<vmem>>, vector<16xf32>,
        %mul3A_220 = arith.mulf %get3A_219, %gather3A_168 : vector<16xf32>
        %swap3A_221 = arith.index_cast %add3A_159 : i32 to index
        %swap3A_222 = arith.constant 112 : index
        %swap3A_223 = tpu.vector_load %arg13[%swap3A_221, %swap3A_222] {strides = array<i32>} : memref<128x128xf32, #tpu.memory_space<vmem>>, vector<16xf32>,
        tpu.vector_store %arg13[%swap3A_221, %swap3A_222], %mul3A_220 {strides = array<i32>} : memref<128x128xf32, #tpu.memory_space<vmem>>, vector<16xf32>,
      }
      %scan3A_148 = arith.constant 128 : i32
      %dma_start3A_149 = arith.constant 0 : i32
      %dma_start3A_150 = arith.constant 0 : i32
      %dma_start3A_151 = tpu.memref_slice %arg14[%dma_start3A_149, %dma_start3A_150] : memref<10240x128xf32, #tpu.memory_space<vmem_shared>> -> memref<10240x128xf32, #tpu.memory_space<vmem_shared>>
      tpu.enqueue_indirect_dma source(%arg13 : memref<128x128xf32, #tpu.memory_space<vmem>>) target(%dma_start3A_151 : memref<10240x128xf32, #tpu.memory_space<vmem_shared>>) offsets(%arg11 : memref<128xi32, #tpu.memory_space<vmem>>) semaphore(%arg16 : memref<!tpu.dma_semaphore, #tpu.memory_space<semaphore_mem>>) {add = true}
      %dma_wait3A_152 = arith.constant 0 : i32
      %dma_wait3A_153 = arith.constant 0 : i32
      %dma_wait3A_154 = tpu.memref_slice %arg14[%dma_wait3A_152, %dma_wait3A_153] : memref<10240x128xf32, #tpu.memory_space<vmem_shared>> -> memref<10240x128xf32, #tpu.memory_space<vmem_shared>>
      tpu.wait_indirect_dma semaphore(%arg16 : memref<!tpu.dma_semaphore, #tpu.memory_space<semaphore_mem>>) src(%arg13 : memref<128x128xf32, #tpu.memory_space<vmem>>) dst(%dma_wait3A_154 : memref<10240x128xf32, #tpu.memory_space<vmem_shared>>)
    }
    %scan3A_116 = arith.constant 81 : i32
    %barrier3A_117 = arith.constant 0 : index
    tpu.barrier barrier_id(%barrier3A_117)
    %mul3A_118 = arith.constant 4 : i32
    %mul3A_119 = arith.muli %arg0, %mul3A_118 : i32
    %add3A_120 = arith.constant 3 : i32
    %add3A_121 = arith.addi %mul3A_119, %add3A_120 : i32
    %mul3A_122 = arith.constant 10240 : i32
    %mul3A_123 = arith.muli %add3A_121, %mul3A_122 : i32
    %scan3A_124 = arith.constant 0 : i32
    %scan3A_125 = arith.constant 80 : i32
    %scan3A_126 = arith.addi %scan3A_124, %scan3A_125 : i32
    %scan3A_127 = arith.constant 1 : i32
    scf.for %scan3A_130 = %scan3A_124 to %scan3A_126 step %scan3A_127  : i32 {
      %mul3A_131 = arith.constant 1 : i32
      %mul3A_132 = arith.muli %scan3A_130, %mul3A_131 : i32
      %add3A_133 = arith.constant 0 : i32
      %add3A_134 = arith.addi %add3A_133, %mul3A_132 : i32
      %mul3A_135 = arith.constant 640 : i32
      %mul3A_136 = arith.muli %arg1, %mul3A_135 : i32
      %mul3A_137 = arith.constant 8 : i32
      %mul3A_138 = arith.muli %add3A_134, %mul3A_137 : i32
      %add3A_139 = arith.addi %mul3A_136, %mul3A_138 : i32
      "tpu.region"() ({
        %run_scoped3A = tpu.sem_alloc : memref<!tpu.dma_semaphore, #tpu.memory_space<semaphore_mem>>
        %dma_start3A = arith.constant 0 : i32
        %dma_start3A_141 = arith.constant 0 : i32
        %dma_start3A_142 = tpu.memref_slice %arg13[%dma_start3A, %dma_start3A_141] : memref<128x128xf32, #tpu.memory_space<vmem>> -> memref<8x128xf32, #tpu.memory_space<vmem>>
        %dma_start3A_143 = arith.constant 0 : i32
        %dma_start3A_144 = tpu.memref_slice %arg14[%add3A_139, %dma_start3A_143] : memref<10240x128xf32, #tpu.memory_space<vmem_shared>> -> memref<8x128xf32, #tpu.memory_space<vmem_shared>>
        %dma_start3A_145 = arith.constant 0 : i32
        %dma_start3A_146 = arith.constant 0 : i32
        %dma_start3A_147 = tpu.memref_slice %arg13[%dma_start3A_145, %dma_start3A_146] : memref<128x128xf32, #tpu.memory_space<vmem>> -> memref<8x128xf32, #tpu.memory_space<vmem>>
        %dma_start3A_148 = arith.constant 0 : i32
        %dma_start3A_149 = tpu.memref_slice %arg14[%add3A_139, %dma_start3A_148] : memref<10240x128xf32, #tpu.memory_space<vmem_shared>> -> memref<8x128xf32, #tpu.memory_space<vmem_shared>>
        tpu.enqueue_dma source(%dma_start3A_149 : memref<8x128xf32, #tpu.memory_space<vmem_shared>>) target(%dma_start3A_147 : memref<8x128xf32, #tpu.memory_space<vmem>>) target_semaphore(%run_scoped3A : memref<!tpu.dma_semaphore, #tpu.memory_space<semaphore_mem>>)
        %dma_wait3A = arith.constant 0 : i32
        %dma_wait3A_150 = arith.constant 0 : i32
        %dma_wait3A_151 = tpu.memref_slice %arg13[%dma_wait3A, %dma_wait3A_150] : memref<128x128xf32, #tpu.memory_space<vmem>> -> memref<8x128xf32, #tpu.memory_space<vmem>>
        %dma_wait3A_152 = arith.constant 0 : i32
        %dma_wait3A_153 = tpu.memref_slice %arg14[%add3A_139, %dma_wait3A_152] : memref<10240x128xf32, #tpu.memory_space<vmem_shared>> -> memref<8x128xf32, #tpu.memory_space<vmem_shared>>
        %dma_wait3A_154 = arith.constant 0 : i32
        %dma_wait3A_155 = arith.constant 0 : i32
        %dma_wait3A_156 = tpu.memref_slice %arg13[%dma_wait3A_154, %dma_wait3A_155] : memref<128x128xf32, #tpu.memory_space<vmem>> -> memref<8x128xf32, #tpu.memory_space<vmem>>
        %dma_wait3A_157 = arith.constant 0 : i32
        %dma_wait3A_158 = tpu.memref_slice %arg14[%add3A_139, %dma_wait3A_157] : memref<10240x128xf32, #tpu.memory_space<vmem_shared>> -> memref<8x128xf32, #tpu.memory_space<vmem_shared>>
        tpu.wait_dma2 semaphore(%run_scoped3A : memref<!tpu.dma_semaphore, #tpu.memory_space<semaphore_mem>>) src(%dma_wait3A_158 : memref<8x128xf32, #tpu.memory_space<vmem_shared>>) dst(%dma_wait3A_156 : memref<8x128xf32, #tpu.memory_space<vmem>>)
        tpu.yield
      }) : () -> ()
      %add3A_140 = arith.addi %mul3A_123, %add3A_139 : i32
      "tpu.region"() ({
        %run_scoped3A = tpu.sem_alloc : memref<!tpu.dma_semaphore, #tpu.memory_space<semaphore_mem>>
        %dma_start3A = arith.constant 0 : i32
        %dma_start3A_141 = arith.constant 0 : i32
        %dma_start3A_142 = tpu.memref_slice %arg13[%dma_start3A, %dma_start3A_141] : memref<128x128xf32, #tpu.memory_space<vmem>> -> memref<8x128xf32, #tpu.memory_space<vmem>>
        %dma_start3A_143 = arith.constant 0 : i32
        %dma_start3A_144 = tpu.memref_slice %arg9[%add3A_140, %dma_start3A_143] : memref<81920x128xf32, #tpu.memory_space<hbm>> -> memref<8x128xf32, #tpu.memory_space<hbm>>
        %dma_start3A_145 = arith.constant 0 : i32
        %dma_start3A_146 = tpu.memref_slice %arg9[%add3A_140, %dma_start3A_145] : memref<81920x128xf32, #tpu.memory_space<hbm>> -> memref<8x128xf32, #tpu.memory_space<hbm>>
        %dma_start3A_147 = arith.constant 0 : i32
        %dma_start3A_148 = arith.constant 0 : i32
        %dma_start3A_149 = tpu.memref_slice %arg13[%dma_start3A_147, %dma_start3A_148] : memref<128x128xf32, #tpu.memory_space<vmem>> -> memref<8x128xf32, #tpu.memory_space<vmem>>
        tpu.enqueue_dma source(%dma_start3A_149 : memref<8x128xf32, #tpu.memory_space<vmem>>) target(%dma_start3A_146 : memref<8x128xf32, #tpu.memory_space<hbm>>) target_semaphore(%run_scoped3A : memref<!tpu.dma_semaphore, #tpu.memory_space<semaphore_mem>>)
        %dma_wait3A = arith.constant 0 : i32
        %dma_wait3A_150 = arith.constant 0 : i32
        %dma_wait3A_151 = tpu.memref_slice %arg13[%dma_wait3A, %dma_wait3A_150] : memref<128x128xf32, #tpu.memory_space<vmem>> -> memref<8x128xf32, #tpu.memory_space<vmem>>
        %dma_wait3A_152 = arith.constant 0 : i32
        %dma_wait3A_153 = tpu.memref_slice %arg9[%add3A_140, %dma_wait3A_152] : memref<81920x128xf32, #tpu.memory_space<hbm>> -> memref<8x128xf32, #tpu.memory_space<hbm>>
        %dma_wait3A_154 = arith.constant 0 : i32
        %dma_wait3A_155 = tpu.memref_slice %arg9[%add3A_140, %dma_wait3A_154] : memref<81920x128xf32, #tpu.memory_space<hbm>> -> memref<8x128xf32, #tpu.memory_space<hbm>>
        %dma_wait3A_156 = arith.constant 0 : i32
        %dma_wait3A_157 = arith.constant 0 : i32
        %dma_wait3A_158 = tpu.memref_slice %arg13[%dma_wait3A_156, %dma_wait3A_157] : memref<128x128xf32, #tpu.memory_space<vmem>> -> memref<8x128xf32, #tpu.memory_space<vmem>>
        tpu.wait_dma2 semaphore(%run_scoped3A : memref<!tpu.dma_semaphore, #tpu.memory_space<semaphore_mem>>) src(%dma_wait3A_158 : memref<8x128xf32, #tpu.memory_space<vmem>>) dst(%dma_wait3A_155 : memref<8x128xf32, #tpu.memory_space<hbm>>)
        tpu.yield
      }) : () -> ()
    }
    %scan3A_128 = arith.constant 80 : i32
    %barrier3A_129 = arith.constant 0 : index
    tpu.barrier barrier_id(%barrier3A_129)
    return
  }
}

#map = affine_map<(d0, d1) -> (0, 0)>
#map1 = affine_map<(d0, d1) -> (0)>
module attributes {stable_mosaic.version = 14 : i64} {
  func.func @_scat_body(%arg0: i32, %arg1: i32, %arg2: memref<331776x128xf32, #tpu.memory_space<hbm>>, %arg3: memref<331776xi32, #tpu.memory_space<hbm>>, %arg4: memref<20480x128xf32, #tpu.memory_space<hbm>>, %arg5: memref<128xi32, #tpu.memory_space<vmem>>, %arg6: memref<128x128xf32, #tpu.memory_space<vmem>>, %arg7: memref<10240x128xf32, #tpu.memory_space<vmem_shared>>, %arg8: memref<!tpu.dma_semaphore, #tpu.memory_space<semaphore_mem>>) attributes {dimension_semantics = [#tpu.dimension_semantics<core_parallel>, #tpu.dimension_semantics<subcore_parallel>], iteration_bounds = array<i64: 2, 16>, scalar_prefetch = 0 : i64, scratch_operands = 4 : i64, tpu.core_type = #tpu.core_type<sc_vector_subcore>, window_params = [{transform_indices = #map}, {transform_indices = #map1}, {transform_indices = #map}]} {
    %mul3A = arith.constant 2 : i32
    %mul3A_0 = arith.muli %arg1, %mul3A : i32
    %add3A = arith.addi %mul3A_0, %arg0 : i32
    %broadcast_in_dim3A = arith.constant 0.000000e+00 : f32
    %broadcast_in_dim3A_1 = vector.broadcast %broadcast_in_dim3A : f32 to vector<16xf32>
    %scan3A = arith.constant 0 : i32
    %scan3A_2 = arith.constant 128 : i32
    %scan3A_3 = arith.addi %scan3A, %scan3A_2 : i32
    %scan3A_4 = arith.constant 1 : i32
    scf.for %scan3A_24 = %scan3A to %scan3A_3 step %scan3A_4  : i32 {
      %mul3A_25 = arith.constant 1 : i32
      %mul3A_26 = arith.muli %scan3A_24, %mul3A_25 : i32
      %add3A_27 = arith.constant 0 : i32
      %add3A_28 = arith.addi %add3A_27, %mul3A_26 : i32
      %swap3A = arith.index_cast %add3A_28 : i32 to index
      %swap3A_29 = arith.constant 0 : index
      %swap3A_30 = tpu.vector_load %arg6[%swap3A, %swap3A_29] {strides = array<i32>} : memref<128x128xf32, #tpu.memory_space<vmem>>, vector<16xf32>,
      tpu.vector_store %arg6[%swap3A, %swap3A_29], %broadcast_in_dim3A_1 {strides = array<i32>} : memref<128x128xf32, #tpu.memory_space<vmem>>, vector<16xf32>,
      %swap3A_31 = arith.index_cast %add3A_28 : i32 to index
      %swap3A_32 = arith.constant 16 : index
      %swap3A_33 = tpu.vector_load %arg6[%swap3A_31, %swap3A_32] {strides = array<i32>} : memref<128x128xf32, #tpu.memory_space<vmem>>, vector<16xf32>,
      tpu.vector_store %arg6[%swap3A_31, %swap3A_32], %broadcast_in_dim3A_1 {strides = array<i32>} : memref<128x128xf32, #tpu.memory_space<vmem>>, vector<16xf32>,
      %swap3A_34 = arith.index_cast %add3A_28 : i32 to index
      %swap3A_35 = arith.constant 32 : index
      %swap3A_36 = tpu.vector_load %arg6[%swap3A_34, %swap3A_35] {strides = array<i32>} : memref<128x128xf32, #tpu.memory_space<vmem>>, vector<16xf32>,
      tpu.vector_store %arg6[%swap3A_34, %swap3A_35], %broadcast_in_dim3A_1 {strides = array<i32>} : memref<128x128xf32, #tpu.memory_space<vmem>>, vector<16xf32>,
      %swap3A_37 = arith.index_cast %add3A_28 : i32 to index
      %swap3A_38 = arith.constant 48 : index
      %swap3A_39 = tpu.vector_load %arg6[%swap3A_37, %swap3A_38] {strides = array<i32>} : memref<128x128xf32, #tpu.memory_space<vmem>>, vector<16xf32>,
      tpu.vector_store %arg6[%swap3A_37, %swap3A_38], %broadcast_in_dim3A_1 {strides = array<i32>} : memref<128x128xf32, #tpu.memory_space<vmem>>, vector<16xf32>,
      %swap3A_40 = arith.index_cast %add3A_28 : i32 to index
      %swap3A_41 = arith.constant 64 : index
      %swap3A_42 = tpu.vector_load %arg6[%swap3A_40, %swap3A_41] {strides = array<i32>} : memref<128x128xf32, #tpu.memory_space<vmem>>, vector<16xf32>,
      tpu.vector_store %arg6[%swap3A_40, %swap3A_41], %broadcast_in_dim3A_1 {strides = array<i32>} : memref<128x128xf32, #tpu.memory_space<vmem>>, vector<16xf32>,
      %swap3A_43 = arith.index_cast %add3A_28 : i32 to index
      %swap3A_44 = arith.constant 80 : index
      %swap3A_45 = tpu.vector_load %arg6[%swap3A_43, %swap3A_44] {strides = array<i32>} : memref<128x128xf32, #tpu.memory_space<vmem>>, vector<16xf32>,
      tpu.vector_store %arg6[%swap3A_43, %swap3A_44], %broadcast_in_dim3A_1 {strides = array<i32>} : memref<128x128xf32, #tpu.memory_space<vmem>>, vector<16xf32>,
      %swap3A_46 = arith.index_cast %add3A_28 : i32 to index
      %swap3A_47 = arith.constant 96 : index
      %swap3A_48 = tpu.vector_load %arg6[%swap3A_46, %swap3A_47] {strides = array<i32>} : memref<128x128xf32, #tpu.memory_space<vmem>>, vector<16xf32>,
      tpu.vector_store %arg6[%swap3A_46, %swap3A_47], %broadcast_in_dim3A_1 {strides = array<i32>} : memref<128x128xf32, #tpu.memory_space<vmem>>, vector<16xf32>,
      %swap3A_49 = arith.index_cast %add3A_28 : i32 to index
      %swap3A_50 = arith.constant 112 : index
      %swap3A_51 = tpu.vector_load %arg6[%swap3A_49, %swap3A_50] {strides = array<i32>} : memref<128x128xf32, #tpu.memory_space<vmem>>, vector<16xf32>,
      tpu.vector_store %arg6[%swap3A_49, %swap3A_50], %broadcast_in_dim3A_1 {strides = array<i32>} : memref<128x128xf32, #tpu.memory_space<vmem>>, vector<16xf32>,
    }
    %scan3A_5 = arith.constant 128 : i32
    %scan3A_6 = arith.constant 0 : i32
    %scan3A_7 = arith.constant 80 : i32
    %scan3A_8 = arith.addi %scan3A_6, %scan3A_7 : i32
    %scan3A_9 = arith.constant 1 : i32
    scf.for %scan3A_24 = %scan3A_6 to %scan3A_8 step %scan3A_9  : i32 {
      %mul3A_25 = arith.constant 1 : i32
      %mul3A_26 = arith.muli %scan3A_24, %mul3A_25 : i32
      %add3A_27 = arith.constant 0 : i32
      %add3A_28 = arith.addi %add3A_27, %mul3A_26 : i32
      %mul3A_29 = arith.constant 640 : i32
      %mul3A_30 = arith.muli %arg1, %mul3A_29 : i32
      %mul3A_31 = arith.constant 8 : i32
      %mul3A_32 = arith.muli %add3A_28, %mul3A_31 : i32
      %add3A_33 = arith.addi %mul3A_30, %mul3A_32 : i32
      "tpu.region"() ({
        %run_scoped3A = tpu.sem_alloc : memref<!tpu.dma_semaphore, #tpu.memory_space<semaphore_mem>>
        %dma_start3A = arith.constant 0 : i32
        %dma_start3A_34 = arith.constant 0 : i32
        %dma_start3A_35 = tpu.memref_slice %arg6[%dma_start3A, %dma_start3A_34] : memref<128x128xf32, #tpu.memory_space<vmem>> -> memref<8x128xf32, #tpu.memory_space<vmem>>
        %dma_start3A_36 = arith.constant 0 : i32
        %dma_start3A_37 = tpu.memref_slice %arg7[%add3A_33, %dma_start3A_36] : memref<10240x128xf32, #tpu.memory_space<vmem_shared>> -> memref<8x128xf32, #tpu.memory_space<vmem_shared>>
        %dma_start3A_38 = arith.constant 0 : i32
        %dma_start3A_39 = tpu.memref_slice %arg7[%add3A_33, %dma_start3A_38] : memref<10240x128xf32, #tpu.memory_space<vmem_shared>> -> memref<8x128xf32, #tpu.memory_space<vmem_shared>>
        %dma_start3A_40 = arith.constant 0 : i32
        %dma_start3A_41 = arith.constant 0 : i32
        %dma_start3A_42 = tpu.memref_slice %arg6[%dma_start3A_40, %dma_start3A_41] : memref<128x128xf32, #tpu.memory_space<vmem>> -> memref<8x128xf32, #tpu.memory_space<vmem>>
        tpu.enqueue_dma source(%dma_start3A_42 : memref<8x128xf32, #tpu.memory_space<vmem>>) target(%dma_start3A_39 : memref<8x128xf32, #tpu.memory_space<vmem_shared>>) target_semaphore(%run_scoped3A : memref<!tpu.dma_semaphore, #tpu.memory_space<semaphore_mem>>)
        %dma_wait3A = arith.constant 0 : i32
        %dma_wait3A_43 = arith.constant 0 : i32
        %dma_wait3A_44 = tpu.memref_slice %arg6[%dma_wait3A, %dma_wait3A_43] : memref<128x128xf32, #tpu.memory_space<vmem>> -> memref<8x128xf32, #tpu.memory_space<vmem>>
        %dma_wait3A_45 = arith.constant 0 : i32
        %dma_wait3A_46 = tpu.memref_slice %arg7[%add3A_33, %dma_wait3A_45] : memref<10240x128xf32, #tpu.memory_space<vmem_shared>> -> memref<8x128xf32, #tpu.memory_space<vmem_shared>>
        %dma_wait3A_47 = arith.constant 0 : i32
        %dma_wait3A_48 = tpu.memref_slice %arg7[%add3A_33, %dma_wait3A_47] : memref<10240x128xf32, #tpu.memory_space<vmem_shared>> -> memref<8x128xf32, #tpu.memory_space<vmem_shared>>
        %dma_wait3A_49 = arith.constant 0 : i32
        %dma_wait3A_50 = arith.constant 0 : i32
        %dma_wait3A_51 = tpu.memref_slice %arg6[%dma_wait3A_49, %dma_wait3A_50] : memref<128x128xf32, #tpu.memory_space<vmem>> -> memref<8x128xf32, #tpu.memory_space<vmem>>
        tpu.wait_dma2 semaphore(%run_scoped3A : memref<!tpu.dma_semaphore, #tpu.memory_space<semaphore_mem>>) src(%dma_wait3A_51 : memref<8x128xf32, #tpu.memory_space<vmem>>) dst(%dma_wait3A_48 : memref<8x128xf32, #tpu.memory_space<vmem_shared>>)
        tpu.yield
      }) : () -> ()
    }
    %scan3A_10 = arith.constant 80 : i32
    %barrier3A = arith.constant 0 : index
    tpu.barrier barrier_id(%barrier3A)
    %scan3A_11 = arith.constant 0 : i32
    %scan3A_12 = arith.constant 81 : i32
    %scan3A_13 = arith.addi %scan3A_11, %scan3A_12 : i32
    %scan3A_14 = arith.constant 1 : i32
    scf.for %scan3A_24 = %scan3A_11 to %scan3A_13 step %scan3A_14  : i32 {
      %mul3A_25 = arith.constant 1 : i32
      %mul3A_26 = arith.muli %scan3A_24, %mul3A_25 : i32
      %add3A_27 = arith.constant 0 : i32
      %add3A_28 = arith.addi %add3A_27, %mul3A_26 : i32
      %sub3A = arith.constant 80 : i32
      %sub3A_29 = arith.subi %sub3A, %add3A_28 : i32
      %mul3A_30 = arith.constant 81 : i32
      %mul3A_31 = arith.muli %add3A, %mul3A_30 : i32
      %add3A_32 = arith.addi %mul3A_31, %sub3A_29 : i32
      %mul3A_33 = arith.constant 128 : i32
      %mul3A_34 = arith.muli %add3A_32, %mul3A_33 : i32
      "tpu.region"() ({
        %run_scoped3A = tpu.sem_alloc : memref<!tpu.dma_semaphore, #tpu.memory_space<semaphore_mem>>
        %dma_start3A_39 = tpu.memref_slice %arg3[%mul3A_34] : memref<331776xi32, #tpu.memory_space<hbm>> -> memref<128xi32, #tpu.memory_space<hbm>>
        %dma_start3A_40 = tpu.memref_slice %arg3[%mul3A_34] : memref<331776xi32, #tpu.memory_space<hbm>> -> memref<128xi32, #tpu.memory_space<hbm>>
        tpu.enqueue_dma source(%dma_start3A_40 : memref<128xi32, #tpu.memory_space<hbm>>) target(%arg5 : memref<128xi32, #tpu.memory_space<vmem>>) target_semaphore(%run_scoped3A : memref<!tpu.dma_semaphore, #tpu.memory_space<semaphore_mem>>)
        %dma_wait3A_41 = tpu.memref_slice %arg3[%mul3A_34] : memref<331776xi32, #tpu.memory_space<hbm>> -> memref<128xi32, #tpu.memory_space<hbm>>
        %dma_wait3A_42 = tpu.memref_slice %arg3[%mul3A_34] : memref<331776xi32, #tpu.memory_space<hbm>> -> memref<128xi32, #tpu.memory_space<hbm>>
        tpu.wait_dma2 semaphore(%run_scoped3A : memref<!tpu.dma_semaphore, #tpu.memory_space<semaphore_mem>>) src(%dma_wait3A_42 : memref<128xi32, #tpu.memory_space<hbm>>) dst(%arg5 : memref<128xi32, #tpu.memory_space<vmem>>)
        tpu.yield
      }) : () -> ()
      "tpu.region"() ({
        %run_scoped3A = tpu.sem_alloc : memref<!tpu.dma_semaphore, #tpu.memory_space<semaphore_mem>>
        %dma_start3A_39 = arith.constant 0 : i32
        %dma_start3A_40 = tpu.memref_slice %arg2[%mul3A_34, %dma_start3A_39] : memref<331776x128xf32, #tpu.memory_space<hbm>> -> memref<128x128xf32, #tpu.memory_space<hbm>>
        %dma_start3A_41 = arith.constant 0 : i32
        %dma_start3A_42 = tpu.memref_slice %arg2[%mul3A_34, %dma_start3A_41] : memref<331776x128xf32, #tpu.memory_space<hbm>> -> memref<128x128xf32, #tpu.memory_space<hbm>>
        tpu.enqueue_dma source(%dma_start3A_42 : memref<128x128xf32, #tpu.memory_space<hbm>>) target(%arg6 : memref<128x128xf32, #tpu.memory_space<vmem>>) target_semaphore(%run_scoped3A : memref<!tpu.dma_semaphore, #tpu.memory_space<semaphore_mem>>)
        %dma_wait3A_43 = arith.constant 0 : i32
        %dma_wait3A_44 = tpu.memref_slice %arg2[%mul3A_34, %dma_wait3A_43] : memref<331776x128xf32, #tpu.memory_space<hbm>> -> memref<128x128xf32, #tpu.memory_space<hbm>>
        %dma_wait3A_45 = arith.constant 0 : i32
        %dma_wait3A_46 = tpu.memref_slice %arg2[%mul3A_34, %dma_wait3A_45] : memref<331776x128xf32, #tpu.memory_space<hbm>> -> memref<128x128xf32, #tpu.memory_space<hbm>>
        tpu.wait_dma2 semaphore(%run_scoped3A : memref<!tpu.dma_semaphore, #tpu.memory_space<semaphore_mem>>) src(%dma_wait3A_46 : memref<128x128xf32, #tpu.memory_space<hbm>>) dst(%arg6 : memref<128x128xf32, #tpu.memory_space<vmem>>)
        tpu.yield
      }) : () -> ()
      %dma_start3A = arith.constant 0 : i32
      %dma_start3A_35 = arith.constant 0 : i32
      %dma_start3A_36 = tpu.memref_slice %arg7[%dma_start3A, %dma_start3A_35] : memref<10240x128xf32, #tpu.memory_space<vmem_shared>> -> memref<10240x128xf32, #tpu.memory_space<vmem_shared>>
      tpu.enqueue_indirect_dma source(%arg6 : memref<128x128xf32, #tpu.memory_space<vmem>>) target(%dma_start3A_36 : memref<10240x128xf32, #tpu.memory_space<vmem_shared>>) offsets(%arg5 : memref<128xi32, #tpu.memory_space<vmem>>) semaphore(%arg8 : memref<!tpu.dma_semaphore, #tpu.memory_space<semaphore_mem>>) {add = true}
      %dma_wait3A = arith.constant 0 : i32
      %dma_wait3A_37 = arith.constant 0 : i32
      %dma_wait3A_38 = tpu.memref_slice %arg7[%dma_wait3A, %dma_wait3A_37] : memref<10240x128xf32, #tpu.memory_space<vmem_shared>> -> memref<10240x128xf32, #tpu.memory_space<vmem_shared>>
      tpu.wait_indirect_dma semaphore(%arg8 : memref<!tpu.dma_semaphore, #tpu.memory_space<semaphore_mem>>) src(%arg6 : memref<128x128xf32, #tpu.memory_space<vmem>>) dst(%dma_wait3A_38 : memref<10240x128xf32, #tpu.memory_space<vmem_shared>>)
    }
    %scan3A_15 = arith.constant 81 : i32
    %barrier3A_16 = arith.constant 0 : index
    tpu.barrier barrier_id(%barrier3A_16)
    %mul3A_17 = arith.constant 10240 : i32
    %mul3A_18 = arith.muli %arg0, %mul3A_17 : i32
    %scan3A_19 = arith.constant 0 : i32
    %scan3A_20 = arith.constant 80 : i32
    %scan3A_21 = arith.addi %scan3A_19, %scan3A_20 : i32
    %scan3A_22 = arith.constant 1 : i32
    scf.for %scan3A_24 = %scan3A_19 to %scan3A_21 step %scan3A_22  : i32 {
      %mul3A_25 = arith.constant 1 : i32
      %mul3A_26 = arith.muli %scan3A_24, %mul3A_25 : i32
      %add3A_27 = arith.constant 0 : i32
      %add3A_28 = arith.addi %add3A_27, %mul3A_26 : i32
      %mul3A_29 = arith.constant 640 : i32
      %mul3A_30 = arith.muli %arg1, %mul3A_29 : i32
      %mul3A_31 = arith.constant 8 : i32
      %mul3A_32 = arith.muli %add3A_28, %mul3A_31 : i32
      %add3A_33 = arith.addi %mul3A_30, %mul3A_32 : i32
      "tpu.region"() ({
        %run_scoped3A = tpu.sem_alloc : memref<!tpu.dma_semaphore, #tpu.memory_space<semaphore_mem>>
        %dma_start3A = arith.constant 0 : i32
        %dma_start3A_35 = arith.constant 0 : i32
        %dma_start3A_36 = tpu.memref_slice %arg6[%dma_start3A, %dma_start3A_35] : memref<128x128xf32, #tpu.memory_space<vmem>> -> memref<8x128xf32, #tpu.memory_space<vmem>>
        %dma_start3A_37 = arith.constant 0 : i32
        %dma_start3A_38 = tpu.memref_slice %arg7[%add3A_33, %dma_start3A_37] : memref<10240x128xf32, #tpu.memory_space<vmem_shared>> -> memref<8x128xf32, #tpu.memory_space<vmem_shared>>
        %dma_start3A_39 = arith.constant 0 : i32
        %dma_start3A_40 = arith.constant 0 : i32
        %dma_start3A_41 = tpu.memref_slice %arg6[%dma_start3A_39, %dma_start3A_40] : memref<128x128xf32, #tpu.memory_space<vmem>> -> memref<8x128xf32, #tpu.memory_space<vmem>>
        %dma_start3A_42 = arith.constant 0 : i32
        %dma_start3A_43 = tpu.memref_slice %arg7[%add3A_33, %dma_start3A_42] : memref<10240x128xf32, #tpu.memory_space<vmem_shared>> -> memref<8x128xf32, #tpu.memory_space<vmem_shared>>
        tpu.enqueue_dma source(%dma_start3A_43 : memref<8x128xf32, #tpu.memory_space<vmem_shared>>) target(%dma_start3A_41 : memref<8x128xf32, #tpu.memory_space<vmem>>) target_semaphore(%run_scoped3A : memref<!tpu.dma_semaphore, #tpu.memory_space<semaphore_mem>>)
        %dma_wait3A = arith.constant 0 : i32
        %dma_wait3A_44 = arith.constant 0 : i32
        %dma_wait3A_45 = tpu.memref_slice %arg6[%dma_wait3A, %dma_wait3A_44] : memref<128x128xf32, #tpu.memory_space<vmem>> -> memref<8x128xf32, #tpu.memory_space<vmem>>
        %dma_wait3A_46 = arith.constant 0 : i32
        %dma_wait3A_47 = tpu.memref_slice %arg7[%add3A_33, %dma_wait3A_46] : memref<10240x128xf32, #tpu.memory_space<vmem_shared>> -> memref<8x128xf32, #tpu.memory_space<vmem_shared>>
        %dma_wait3A_48 = arith.constant 0 : i32
        %dma_wait3A_49 = arith.constant 0 : i32
        %dma_wait3A_50 = tpu.memref_slice %arg6[%dma_wait3A_48, %dma_wait3A_49] : memref<128x128xf32, #tpu.memory_space<vmem>> -> memref<8x128xf32, #tpu.memory_space<vmem>>
        %dma_wait3A_51 = arith.constant 0 : i32
        %dma_wait3A_52 = tpu.memref_slice %arg7[%add3A_33, %dma_wait3A_51] : memref<10240x128xf32, #tpu.memory_space<vmem_shared>> -> memref<8x128xf32, #tpu.memory_space<vmem_shared>>
        tpu.wait_dma2 semaphore(%run_scoped3A : memref<!tpu.dma_semaphore, #tpu.memory_space<semaphore_mem>>) src(%dma_wait3A_52 : memref<8x128xf32, #tpu.memory_space<vmem_shared>>) dst(%dma_wait3A_50 : memref<8x128xf32, #tpu.memory_space<vmem>>)
        tpu.yield
      }) : () -> ()
      %add3A_34 = arith.addi %mul3A_18, %add3A_33 : i32
      "tpu.region"() ({
        %run_scoped3A = tpu.sem_alloc : memref<!tpu.dma_semaphore, #tpu.memory_space<semaphore_mem>>
        %dma_start3A = arith.constant 0 : i32
        %dma_start3A_35 = arith.constant 0 : i32
        %dma_start3A_36 = tpu.memref_slice %arg6[%dma_start3A, %dma_start3A_35] : memref<128x128xf32, #tpu.memory_space<vmem>> -> memref<8x128xf32, #tpu.memory_space<vmem>>
        %dma_start3A_37 = arith.constant 0 : i32
        %dma_start3A_38 = tpu.memref_slice %arg4[%add3A_34, %dma_start3A_37] : memref<20480x128xf32, #tpu.memory_space<hbm>> -> memref<8x128xf32, #tpu.memory_space<hbm>>
        %dma_start3A_39 = arith.constant 0 : i32
        %dma_start3A_40 = tpu.memref_slice %arg4[%add3A_34, %dma_start3A_39] : memref<20480x128xf32, #tpu.memory_space<hbm>> -> memref<8x128xf32, #tpu.memory_space<hbm>>
        %dma_start3A_41 = arith.constant 0 : i32
        %dma_start3A_42 = arith.constant 0 : i32
        %dma_start3A_43 = tpu.memref_slice %arg6[%dma_start3A_41, %dma_start3A_42] : memref<128x128xf32, #tpu.memory_space<vmem>> -> memref<8x128xf32, #tpu.memory_space<vmem>>
        tpu.enqueue_dma source(%dma_start3A_43 : memref<8x128xf32, #tpu.memory_space<vmem>>) target(%dma_start3A_40 : memref<8x128xf32, #tpu.memory_space<hbm>>) target_semaphore(%run_scoped3A : memref<!tpu.dma_semaphore, #tpu.memory_space<semaphore_mem>>)
        %dma_wait3A = arith.constant 0 : i32
        %dma_wait3A_44 = arith.constant 0 : i32
        %dma_wait3A_45 = tpu.memref_slice %arg6[%dma_wait3A, %dma_wait3A_44] : memref<128x128xf32, #tpu.memory_space<vmem>> -> memref<8x128xf32, #tpu.memory_space<vmem>>
        %dma_wait3A_46 = arith.constant 0 : i32
        %dma_wait3A_47 = tpu.memref_slice %arg4[%add3A_34, %dma_wait3A_46] : memref<20480x128xf32, #tpu.memory_space<hbm>> -> memref<8x128xf32, #tpu.memory_space<hbm>>
        %dma_wait3A_48 = arith.constant 0 : i32
        %dma_wait3A_49 = tpu.memref_slice %arg4[%add3A_34, %dma_wait3A_48] : memref<20480x128xf32, #tpu.memory_space<hbm>> -> memref<8x128xf32, #tpu.memory_space<hbm>>
        %dma_wait3A_50 = arith.constant 0 : i32
        %dma_wait3A_51 = arith.constant 0 : i32
        %dma_wait3A_52 = tpu.memref_slice %arg6[%dma_wait3A_50, %dma_wait3A_51] : memref<128x128xf32, #tpu.memory_space<vmem>> -> memref<8x128xf32, #tpu.memory_space<vmem>>
        tpu.wait_dma2 semaphore(%run_scoped3A : memref<!tpu.dma_semaphore, #tpu.memory_space<semaphore_mem>>) src(%dma_wait3A_52 : memref<8x128xf32, #tpu.memory_space<vmem>>) dst(%dma_wait3A_49 : memref<8x128xf32, #tpu.memory_space<hbm>>)
        tpu.yield
      }) : () -> ()
    }
    %scan3A_23 = arith.constant 80 : i32
    return
  }
}

module attributes {stable_mosaic.version = 14 : i64} {
  func.func @_final_head_body(%arg0: i32, %arg1: memref<1000x128xf32, #tpu.memory_space<vmem>>, %arg2: memref<128x40xf32, #tpu.memory_space<vmem>>, %arg3: memref<1x40xf32, #tpu.memory_space<vmem>>, %arg4: memref<1000x40xf32, #tpu.memory_space<vmem>>) attributes {dimension_semantics = [#tpu.dimension_semantics<arbitrary>], iteration_bounds = array<i64: 10>, scalar_prefetch = 0 : i64, scratch_operands = 0 : i64, tpu.core_type = #tpu.core_type<tc>, window_params = [{transform_indices = @transform_0, window_bounds = array<i64: 1000, 128>}, {pipeline_mode = #tpu.pipeline_mode<synchronous>, transform_indices = @transform_1, window_bounds = array<i64: 128, 40>}, {pipeline_mode = #tpu.pipeline_mode<synchronous>, transform_indices = @transform_2, window_bounds = array<i64: 1, 40>}, {transform_indices = @transform_3, window_bounds = array<i64: 1000, 40>}]} {
    %get3A = arith.constant 0 : index
    %get3A_0 = arith.constant 0 : index
    %get3A_1 = vector.load %arg1[%get3A, %get3A_0] : memref<1000x128xf32, #tpu.memory_space<vmem>>, vector<1000x128xf32>
    %get3A_2 = arith.constant 0 : index
    %get3A_3 = arith.constant 0 : index
    %get3A_4 = vector.load %arg2[%get3A_2, %get3A_3] : memref<128x40xf32, #tpu.memory_space<vmem>>, vector<128x40xf32>
    %dot_general3A = arith.constant dense<0.000000e+00> : vector<1000x40xf32>
    %dot_general3A_5 = tpu.matmul %get3A_1, %get3A_4, %dot_general3A {dimension_numbers = #tpu.dot_dimension_numbers<[1], [0], [0], [1], [0, 0, 1, 1], [], []>, transpose_lhs_hint = false} : vector<1000x128xf32>, vector<128x40xf32>, vector<1000x40xf32> -> vector<1000x40xf32>
    %get3A_6 = arith.constant 0 : index
    %get3A_7 = arith.constant 0 : index
    %get3A_8 = vector.load %arg3[%get3A_6, %get3A_7] : memref<1x40xf32, #tpu.memory_space<vmem>>, vector<1x40xf32>
    %add3A = vector.broadcast %get3A_8 : vector<1x40xf32> to vector<1000x40xf32>
    %add3A_9 = arith.addf %dot_general3A_5, %add3A : vector<1000x40xf32>
    %reduce_max3A = arith.constant dense<0xFF800000> : vector<1000xf32>
    %reduce_max3A_10 = vector.multi_reduction <maximumf>, %add3A_9, %reduce_max3A [1] : vector<1000x40xf32> to vector<1000xf32>
    %broadcast_in_dim3A = vector.shape_cast %reduce_max3A_10 : vector<1000xf32> to vector<1000x1xf32>
    %sub3A = vector.broadcast %broadcast_in_dim3A : vector<1000x1xf32> to vector<1000x40xf32>
    %sub3A_11 = arith.subf %add3A_9, %sub3A : vector<1000x40xf32>
    %exp3A = math.exp %sub3A_11 : vector<1000x40xf32>
    %reduce_sum3A = arith.constant dense<0.000000e+00> : vector<1000xf32>
    %reduce_sum3A_12 = vector.multi_reduction <add>, %exp3A, %reduce_sum3A [1] : vector<1000x40xf32> to vector<1000xf32>
    %broadcast_in_dim3A_13 = vector.shape_cast %reduce_sum3A_12 : vector<1000xf32> to vector<1000x1xf32>
    %sub3A_14 = vector.broadcast %broadcast_in_dim3A : vector<1000x1xf32> to vector<1000x40xf32>
    %sub3A_15 = arith.subf %add3A_9, %sub3A_14 : vector<1000x40xf32>
    %log3A = math.log %broadcast_in_dim3A_13 : vector<1000x1xf32>
    %sub3A_16 = vector.broadcast %log3A : vector<1000x1xf32> to vector<1000x40xf32>
    %sub3A_17 = arith.subf %sub3A_15, %sub3A_16 : vector<1000x40xf32>
    %swap3A = arith.constant 0 : index
    %swap3A_18 = arith.constant 0 : index
    %swap3A_19 = vector.load %arg4[%swap3A, %swap3A_18] : memref<1000x40xf32, #tpu.memory_space<vmem>>, vector<1000x40xf32>
    tpu.vector_store %arg4[%swap3A, %swap3A_18], %sub3A_17 {strides = array<i32>} : memref<1000x40xf32, #tpu.memory_space<vmem>>, vector<1000x40xf32>,
    return
  }
  func.func @transform_0(%arg0: i32) -> (i32, i32) {
    %c0_i32 = arith.constant 0 : i32
    %c0_i32_0 = arith.constant 0 : i32
    return %arg0, %c0_i32 : i32, i32
  }
  func.func @transform_1(%arg0: i32) -> (i32, i32) {
    %c0_i32 = arith.constant 0 : i32
    %c0_i32_0 = arith.constant 0 : i32
    %c0_i32_1 = arith.constant 0 : i32
    return %c0_i32, %c0_i32_0 : i32, i32
  }
  func.func @transform_2(%arg0: i32) -> (i32, i32) {
    %c0_i32 = arith.constant 0 : i32
    %c0_i32_0 = arith.constant 0 : i32
    %c0_i32_1 = arith.constant 0 : i32
    return %c0_i32, %c0_i32_0 : i32, i32
  }
  func.func @transform_3(%arg0: i32) -> (i32, i32) {
    %c0_i32 = arith.constant 0 : i32
    %c0_i32_0 = arith.constant 0 : i32
    return %arg0, %c0_i32 : i32, i32
  }
}

</mosaic_0001>

<sc_bundles>
// kernel: kernel.11.cloned.1.call-start
scs
__scs_entry_jumppad:
0x0: {  	(pc) =	sbr.rel $0x88, $3  }
0x1: {  	(tag) =	ssettag $0x0;
	lr =	simm.s32 $0x1  }
0x2: {  	[smem:$0x3F91] =	sst lr;
	_ =	strace $0xD0000000  }
0x3: {  	_ = 	snop  }
0x4: {  	_ = 	snop  }
0x5: {  	_ = 	snop  }
0x6: {  	_ = 	snop  }
0x7: {  	_ = 	snop  }
__scs_overlays_trampoline_lowered:
0x8: {  	[smem:$0x3FA0] =	sst s0  }
0x9: {  	[smem:$0x3FA1] =	sst s1  }
0xa: {  	[smem:$0x3FA2] =	sst s2  }
0xb: {  	[smem:$0x3FA3] =	sst s3  }
0xc: {  	[smem:$0x3FA4] =	sst s4  }
0xd: {  	[smem:$0x3FA5] =	sst s5  }
0xe: {  	[smem:$0x3FA6] =	sst s6  }
0xf: {  	[smem:$0x3FA7] =	sst s7  }
0x10: {  	[smem:$0x3FA8] =	sst s8  }
0x11: {  	[smem:$0x3FA9] =	sst s9;
	s0 =	simm.s32 @!p0 $0x0  }
0x12: {  	s1 =	sld [smem:$0x3F8F];
	s0 =	simm.s32 @p0 $0x1  }
0x13: {  	[smem:$0x3FAA] =	sst s0;
	s0 =	simm.s32 @!p1 $0x0  }
0x14: {  	s2 =	sld [smem:$0x3F8E];
	s0 =	simm.s32 @p1 $0x1  }
0x15: {  	[smem:$0x3FAB] =	sst s0;
	s0 =	simm.s32 @!p2 $0x0  }
0x16: {  	s3 =	sld [smem:$0x3FDB];
	s0 =	simm.s32 @p2 $0x1  }
0x17: {  	s4 =	simm.s32 $0x1BF5;
	[smem:$0x3FAD] =	sst s0  }
0x18: {  	s0 =	sld [smem:$0x3F90];
	_ =	swait.ge [sflag:s4], $0x0  }
0x19: {  	s7 =	sld [smem:$0x3F91]  }
0x1a: {  	s8 =	sadd.s32 $0xFFFFE003, lr  }
0x1b: {  	s9 =	sadd.s32 $0xFFFFFEF7, lr;
	s5 =	simm.s32 $0xFFFFFFFF;
	p2 =	slt.u32 s8, $0xFFFFF086  }
0x1c: {  	p1 =	slt.u32 s9, $0xF7A;
	s5 =	simm.s32 @!p2 $0x0  }
0x1d: {  	s5 =	simm.s32 @p1 $0x1;
	p0 =	seq.s32 s7, s2  }
0x1e: {  	s7 =	smul.u32 @!p0 $0xF7A, s2;
	p2 =	seq.s32 @!p0 s5, $0x0  }
0x1f: {  	s9 =	smul.u32 $0xF7A, s1;
	s8 =	simm.s32 @!p0 $0x1BF5;
	p2 =	por !p2, p0  }
0x20: {  	[sflag:s8] =	ssyncset.s32 @!p0 $0xFFFFF086;
	s6 =	sadd.s32 @!p0 s3, s7;
	s7 =	simm.s32 @!p0 $0x108  }
0x21: {  	s3 =	sadd.s32 s3, s9;
	s6 =	sadd.s32 @!p0 $0x88, s6;
	s7 =	simm.s32 @p2 $0x1082  }
0x22: {  	[simem:s7], [sflag:s8] =	dma.local @!p0 [hbm:s6], $0xF7A  }
0x23: {  	s9 =	sor.u32 $0xD0000000, s2;
	s6 =	simm.s32 $0x108;
	_ =	swait.ge @!p0 [sflag:s8], $0x0  }
0x24: {  	s3 =	sadd.s32 $0x88, s3;
	s6 =	simm.s32 @!p1 $0x1082;
	[sflag:s4] =	ssyncset.s32 $0xFFFFF086  }
0x25: {  	[simem:s6], [sflag:s4] =	dma.local [hbm:s3], $0xF7A  }
0x26: {  	[smem:$0x3F91] =	sst s1;
	(tag) =	ssettag s2;
	_ =	strace s9  }
0x27: {  	s1 =	sld [smem:$0x3FA1]  }
0x28: {  	s2 =	sld [smem:$0x3FA2]  }
0x29: {  	s4 =	sld [smem:$0x3FA4]  }
0x2a: {  	p0 =	seq.s32 s5, $0x0;
	s5 =	sld [smem:$0x3FA5]  }
0x2b: {  	s6 =	sld [smem:$0x3FA6]  }
0x2c: {  	s7 =	sld [smem:$0x3FA7]  }
0x2d: {  	s3 =	simm.s32 $0x108;
	s8 =	sld [smem:$0x3FA8]  }
0x2e: {  	s3 =	simm.s32 @!p0 $0x1082;
	s9 =	sld [smem:$0x3FA9]  }
0x2f: {  	lr =	sadd.s32 s0, s3;
	s0 =	sld [smem:$0x3FA0]  }
0x30: {  	s3 =	sld [smem:$0x3FA3]  }
0x31: {  	[smem:$0x3FAC] =	sst s10  }
0x32: {  	s10 =	sld [smem:$0x3FAA];
	_ =	sdelay $0x3  }
0x33: {  	p0 =	seq.s32 s10, $0x1;
	s10 =	sld [smem:$0x3FAC];
	_ =	sdelay $0x3  }
0x34: {  	[smem:$0x3FAC] =	sst s10  }
0x35: {  	s10 =	sld [smem:$0x3FAB];
	_ =	sdelay $0x3  }
0x36: {  	p1 =	seq.s32 s10, $0x1;
	s10 =	sld [smem:$0x3FAC];
	_ =	sdelay $0x3  }
0x37: {  	[smem:$0x3FAC] =	sst s10  }
0x38: {  	s10 =	sld [smem:$0x3FAD]  }
0x39: {  	_ = 	snop;
	(pc) =	sbr.ind lr, $3  }
0x3a: {  	_ = 	snop  }
0x3b: {  	_ = 	snop  }
0x3c: {  	p2 =	seq.s32 s10, $0x1;
	s10 =	sld [smem:$0x3FAC]  }
0x3d: {  	_ =	shalt  }
0x3e: {  	_ =	shalt  }
0x3f: {  	_ =	shalt  }
0x40: {  	_ =	shalt  }
0x41: {  	_ =	shalt  }
0x42: {  	_ =	shalt  }
0x43: {  	_ =	shalt  }
0x44: {  	_ =	shalt  }
0x45: {  	_ =	shalt  }
0x46: {  	_ =	shalt  }
0x47: {  	_ =	shalt  }
0x48: {  	_ =	shalt  }
0x49: {  	_ =	shalt  }
0x4a: {  	_ =	shalt  }
0x4b: {  	_ =	shalt  }
0x4c: {  	_ =	shalt  }
0x4d: {  	_ =	shalt  }
0x4e: {  	_ =	shalt  }
0x4f: {  	_ =	shalt  }
0x50: {  	_ =	shalt  }
0x51: {  	_ =	shalt  }
0x52: {  	_ =	shalt  }
0x53: {  	_ =	shalt  }
0x54: {  	_ =	shalt  }
0x55: {  	_ =	shalt  }
0x56: {  	_ =	shalt  }
0x57: {  	_ =	shalt  }
0x58: {  	_ =	shalt  }
0x59: {  	_ =	shalt  }
0x5a: {  	_ =	shalt  }
0x5b: {  	_ =	shalt  }
0x5c: {  	_ =	shalt  }
0x5d: {  	_ =	shalt  }
0x5e: {  	_ =	shalt  }
0x5f: {  	_ =	shalt  }
0x60: {  	_ =	shalt  }
0x61: {  	_ =	shalt  }
0x62: {  	_ =	shalt  }
0x63: {  	_ =	shalt  }
0x64: {  	_ =	shalt  }
0x65: {  	_ =	shalt  }
0x66: {  	_ =	shalt  }
0x67: {  	_ =	shalt  }
0x68: {  	_ =	shalt  }
0x69: {  	_ =	shalt  }
0x6a: {  	_ =	shalt  }
0x6b: {  	_ =	shalt  }
0x6c: {  	_ =	shalt  }
0x6d: {  	_ =	shalt  }
0x6e: {  	_ =	shalt  }
0x6f: {  	_ =	shalt  }
0x70: {  	_ =	shalt  }
0x71: {  	_ =	shalt  }
0x72: {  	_ =	shalt  }
0x73: {  	_ =	shalt  }
0x74: {  	_ =	shalt  }
0x75: {  	_ =	shalt  }
0x76: {  	_ =	shalt  }
0x77: {  	_ =	shalt  }
0x78: {  	_ =	shalt  }
0x79: {  	_ =	shalt  }
0x7a: {  	_ =	shalt  }
0x7b: {  	_ =	shalt  }
0x7c: {  	_ =	shalt  }
0x7d: {  	_ =	shalt  }
0x7e: {  	_ =	shalt  }
0x7f: {  	_ =	shalt  }
0x80: {  	_ =	shalt  }
0x81: {  	_ =	shalt  }
0x82: {  	_ =	shalt  }
0x83: {  	_ =	shalt  }
0x84: {  	_ =	shalt  }
0x85: {  	_ =	shalt  }
0x86: {  	_ =	shalt  }
0x87: {  	_ =	shalt  }
.Lfunc_end0:
.L_simem_size_0:
called_computation.1_lowered:
.L_overlay_start_0:
0x88: {  	s2 =	sld [smem:$0x3FD9]  }
0x89: {  	s3 =	sld [smem:$0x3FFE];
	_ =	sdelay $0x1  }
0x8a: {  	s1 =	srdreg.scid  }
0x8b: {  	s0 =	sand.u32 $0x1, s1  }
0x8c: {  	s17 =	sshll.u32 s0, $0xA;
	s2 =	sadd.s32 s3, s2  }
0x8d: {  	s2 =	sadd.s32 s2, s17  }
0x8e: {  	[smem:$0x3FB8] =	sst s2  }
0x8f: {  	_ = 	snop  }
0x90: {  	s2 =	sld [smem:$0x3FD0];
	(tm) =	ssettm $0x1  }
0x91: {  	s18 =	sld [smem:$0x3FFB];
	_ =	sdelay $0x3  }
0x92: {  	_ =	strace s18  }
0x93: {  	s3 =	sld [smem:$0x3FFC];
	_ =	sdelay $0x3  }
0x94: {  	_ =	strace s3  }
0x95: {  	s3 =	sld [smem:$0x3FFD];
	_ =	sdelay $0x3  }
0x96: {  	_ =	strace s3  }
0x97: {  	_ =	strace $0x8FFFFFFF  }
0x98: {  	s19 =	sld [smem:$0x3FDB];
	_ =	sdelay $0x1  }
0x99: {  	s4 =	simm.s32 $_scs_section_size  }
0x9a: {  	s5 =	simm.s32 $_size__tile_overlayer_lowered;
	s6 =	simm.s32 $_tile_overlayer_lowered  }
0x9b: {  	s22 =	simm.s32 $0x1BFF;
	s21 =	sshll.u32 s6, $0x1;
	s3 =	sadd.s32 s4, s19  }
0x9c: {  	s7 =	simm.s32 $0x0;
	s20 =	sshll.u32 s5, $0x1;
	s5 =	sadd.s32 s21, s3  }
0x9d: {  	[timem:s7], [sflag:s22] =	dma.local [hbm:s5], s20  }
0x9e: {  	_ =	swait.ge [sflag:s22], s20  }
0x9f: {  	s4 =	ssub.s32 $0x0, s20;
	[sflag:s22] =	ssyncset.done $0x0  }
0xa0: {  	[sflag:s22] =	ssyncadd.s32 s4;
	_ =	sdelay $0x1  }
0xa1: {  	s23 =	simm.s32 $0x1B8B  }
0xa2: {  	_ =	swait.ge [sflag:s23], $0x1  }
0xa3: {  	[sflag:s23] =	ssyncset.done $0x0  }
0xa4: {  	s25 =	simm.s32 $0x1B8E;
	s24 =	sld [smem:$0x3FFE];
	[sflag:s23] =	ssyncadd.s32 $0xFFFFFFFF  }
0xa5: {  	s26 =	simm.s32 $execute0_lowered;
	[smem:$0x3FD2] =	sst s25  }
0xa6: {  	s5 =	sshll.u32 s26, $0x1;
	_ =	strace $0x80000049;
	[dreg:$0x1] =	wrdreg $0xFFFFFFFF  }
0xa7: {  	s28 =	simm.s32 $_size_execute0_lowered;
	s3 =	sadd.s32 s3, s5;
	[dreg:$0x0] =	wrdreg $0x0  }
0xa8: {  	s5 =	sshll.u32 s28, $0x1;
	[dreg:$0x2] =	wrdreg s3  }
0xa9: {  	[dreg:$0x3] =	wrdreg s5  }
0xaa: {  	[dreg:$0x4] =	wrdreg $0xC0  }
0xab: {  	_ =	task [dreg:s7], $0x5FFFF  }
0xac: {  	[dreg:$0x1] =	wrdreg $0xFFFFFFFF  }
0xad: {  	[dreg:$0x0] =	wrdreg $0x60  }
0xae: {  	[dreg:$0x2] =	wrdreg s24  }
0xaf: {  	[dreg:$0x3] =	wrdreg s2  }
0xb0: {  	[dreg:$0x4] =	wrdreg $0x40800  }
0xb1: {  	[dreg:$0x5] =	wrdreg $0x9  }
0xb2: {  	_ =	task.clear_ibuf [dreg:s7], $0x6FFFF;
	_ =	strace $0x90000049  }
0xb3: {  	s29 =	simm.s32 $0x9;
	_ =	strace $0x8000004B  }
0xb4: {  	_ =	swait.ge [sflag:s29], $0x1  }
0xb5: {  	[sflag:s29] =	ssyncadd.s32 $0xFFFFFFFF  }
0xb6: {  	_ =	strace $0x9000004B  }
0xb7: {  	_ =	sfence  }
0xb8: {  	s30 =	sld [smem:$0x0];
	_ =	sdelay $0x2  }
0xb9: {  	s31 =	sshll.u32 s1, $0xD;
	s1 =	sshrl.u32 s1, $0x2  }
0xba: {  	s3 =	sand.u32 $0x4000, s31;
	s1 =	sadd.s32 s1, s30  }
0xbb: {  	s0 =	sor.u32 s3, s0;
	s1 =	sshll.u32 s1, $0x11  }
0xbc: {  	s0 =	sor.u32 s1, s0  }
0xbd: {  	s0 =	sadd.s32 $0x8F2B, s0  }
0xbe: {  	[sflag:s0] =	ssyncadd.remote.s32 $0x1  }
0xbf: {  	_ =	sfence.sel $0xFFFF  }
0xc0: {  	[dreg:$0x0] =	wrdreg $0xFFFFFFFF;
	(pc) =	sbr.abs _section_cstart, $3  }
0xc1: {  	[dreg:$0x1] =	wrdreg $0xFFFFFFFF  }
0xc2: {  	_ =	task.clear_ibuf [dreg:s7], $0x2FFFF;
	_ =	strace $0x9FFFFFFF  }
0xc3: {  	(tm) =	ssettm $0x7FFFFFFF  }
tec
execute0_lowered:
.L_overlay_start_1:
0x0: {  	(tag) =	ssettag $0x1  }
0x1: {  	s4 =	rddreg [dreg:$0x0]  }
0x2: {  	s7 =	rddreg [dreg:$0x1];
	s1 =	stileid.u32  }
0x3: {  	s2 =	rddreg [dreg:$0x2];
	s6 =	smul.u32 $0x51000, s1  }
0x4: {  	s0 =	rddreg [dreg:$0x3];
	s9 =	smul.u32 $0x50000, s1  }
0x5: {  	s5 =	srdreg.scid;
	s12 =	smul.u32 $0xA20, s1  }
0x6: {  	s3 =	simm.s32 $0x0;
	s8 =	sand.u32 $0x1, s5;
	s31 =	smul.u32 $0x2800, s1  }
0x7: {  	[smem:$0x7FF] =	sst s3;
	s5 =	smul.u32 $0x28000, s8  }
0x8: {  	_ =	strace $0x8000004A;
	s29 =	ssub.s32 $0x2, s8;
	s11 =	smul.u32 $0x28800, s8  }
0x9: {  	s8 =	smul.u32 $0x510, s8;
	s6 =	sadd.s32 s6, s4;
	s30 =	sshrl.u32 s29, $0x1  }
0xa: {  	s9 =	sshrl.u32 s9, $0x2;
	s7 =	sadd.s32 s12, s7;
	s12 =	simm.s32 $0x0  }
0xb: {  	s10 =	sadd.s32 s5, s4;
	s5 =	ssub.s32 s29, s30;
	s4 =	sadd.s32 s9, s2  }
0xc: {  	s6 =	sadd.s32 s11, s6;
	s7 =	sadd.s32 s8, s7;
	s11 =	simm.s32 $0x1  }
0xd: {  	s5 =	smax.u32 s5, $0x1;
	s6 =	sadd.s32 $0x6D600, s6;
	s9 =	sadd.s32 s31, s10  }
0xe: {  	v0 =	vimm.f32 $0.0e+00;
	s10 =	simm.s32 $0x2;
	s8 =	sadd.s32 $0x57D600, s9;
	s9 =	simm.s32 $0x80  }
.LBB2_1:
0xf: {  	s13 =	simm.s32 $0x0;
	s14 =	simm.s32 $0x200  }
.LBB2_2:
0x10: {  	p0 =	sne.s32 s14, $0xFE00;
	[tilespmem:s13+$0xF0] =	vst v0  }
0x11: {  	[tilespmem:s13+$0x80] =	vst v0  }
0x12: {  	[tilespmem:s13+$0x90] =	vst v0  }
.Ltmp0:
0x13: {  	[tilespmem:s13+$0xA0] =	vst v0;
	(pc) =	sbr.rel @p0 .LBB2_2-.Ltmp0, $4  }
0x14: {  	[tilespmem:s13+$0xB0] =	vst v0  }
0x15: {  	[tilespmem:s13+$0xC0] =	vst v0  }
0x16: {  	[tilespmem:s13+$0xD0] =	vst v0  }
0x17: {  	[tilespmem:s13+$0xE0] =	vst v0;
	s13 =	sshra.s32 s14, $0x2;
	s14 =	sadd.s32 $0x200, s14  }
0x18: {  	[tilespmem:s13+$0xF0] =	vst v0  }
0x19: {  	[tilespmem:s13+$0x80] =	vst v0  }
0x1a: {  	[tilespmem:s13+$0x90] =	vst v0  }
0x1b: {  	[tilespmem:s13+$0xA0] =	vst v0  }
0x1c: {  	[tilespmem:s13+$0xB0] =	vst v0  }
0x1d: {  	[tilespmem:s13+$0xC0] =	vst v0  }
0x1e: {  	[tilespmem:s13+$0xD0] =	vst v0  }
0x1f: {  	[tilespmem:s13+$0xE0] =	vst v0;
	s31 =	sadd.s32 $0x0, s4  }
0x20: {  	[spmem:s31] =	stream.linear.scatter [tilespmem:s9], [sflag:$0x2], $0x400, $0x38;
	[tilespmem:$0x18080] =	vst v63  }
0x21: {  	s13 =	simm.s32 $0x1000;
	_ =	swait.ge [sflag:s10], $0x400  }
.LBB2_4:
0x22: {  	s14 =	sshra.s32 s13, $0x2;
	[sflag:s10] =	ssyncset.done $0x0;
	p0 =	sne.s32 s13, $0x4F000  }
.Ltmp1:
0x23: {  	s14 =	sadd.s32 s14, s4;
	[sflag:s10] =	ssyncadd.s32 $0xFFFFFC00;
	(pc) =	sbr.rel @p0 .LBB2_4-.Ltmp1, $3  }
0x24: {  	[spmem:s14] =	stream.linear.scatter [tilespmem:s9], [sflag:$0x2], $0x400, $0x38;
	[tilespmem:$0x18080] =	vst v63  }
0x25: {  	s13 =	sadd.s32 $0x1000, s13;
	_ =	sdelay $0x1  }
0x26: {  	_ =	swait.ge [sflag:s10], $0x400  }
0x27: {  	[sflag:s10] =	ssyncset.done $0x0  }
0x28: {  	[sflag:s10] =	ssyncadd.s32 $0xFFFFFC00  }
0x29: {  	s13 =	sadd.s32 $0x0, s7;
	[bflag:$0x0] =	sbarrier.arrive $0xFFFF  }
0x2a: {  	[tilespmem:s3], [sflag:$0x2] =	stream.linear.gather [hbm4b:s13+s3], $0x80, $0x38;
	[tilespmem:$0x18080] =	vst v63  }
0x2b: {  	_ =	swait.ge [sflag:s10], $0x80  }
0x2c: {  	[sflag:s10] =	ssyncset.done $0x0  }
0x2d: {  	[sflag:s10] =	ssyncadd.s32 $0xFFFFFF80  }
0x2e: {  	[tilespmem:s9], [sflag:$0x2] =	stream.linear.gather [hbm4b:s6+s3], $0x4000, $0x38;
	[tilespmem:$0x18080] =	vst v63  }
0x2f: {  	_ =	swait.ge [sflag:s10], $0x4000  }
0x30: {  	[sflag:s10] =	ssyncset.done $0x0  }
0x31: {  	[sflag:s10] =	ssyncadd.s32 $0xFFFFC000  }
0x32: {  	[spmem:s2] =	stream.indirect.scatter.add.f32 [tilespmem:s9], [sflag:$0x1], $0x80, s3, s9, $0xb8;
	[tilespmem:$0x18080] =	vst v63  }
0x33: {  	s14 =	simm.s32 $0x10;
	_ =	swait.ge [sflag:s11], $0x4000  }
0x34: {  	s15 =	simm.s32 $0x20;
	s13 =	sadd.s32 $0x800, s6;
	[sflag:s11] =	ssyncset.done $0x0  }
.LBB2_6:
0x35: {  	s16 =	sadd.s32 s14, s7  }
0x36: {  	[sflag:s11] =	ssyncadd.s32 $0xFFFFC000;
	s14 =	smov.u32 s15;
	s17 =	sadd.s32 $0x10, s15  }
0x37: {  	[tilespmem:s3], [sflag:$0x2] =	stream.linear.gather [hbm4b:s16+s3], $0x80, $0x38;
	[tilespmem:$0x18080] =	vst v63  }
0x38: {  	p0 =	sne.s32 s15, $0x500;
	_ =	swait.ge [sflag:s10], $0x80  }
0x39: {  	[sflag:s10] =	ssyncset.done $0x0  }
0x3a: {  	[sflag:s10] =	ssyncadd.s32 $0xFFFFFF80  }
0x3b: {  	[tilespmem:s9], [sflag:$0x2] =	stream.linear.gather [hbm4b:s13+s3], $0x4000, $0x38;
	[tilespmem:$0x18080] =	vst v63  }
0x3c: {  	_ =	swait.ge [sflag:s10], $0x4000  }
.Ltmp2:
0x3d: {  	[sflag:s10] =	ssyncset.done $0x0;
	(pc) =	sbr.rel @p0 .LBB2_6-.Ltmp2, $4  }
0x3e: {  	[sflag:s10] =	ssyncadd.s32 $0xFFFFC000  }
0x3f: {  	[spmem:s2] =	stream.indirect.scatter.add.f32 [tilespmem:s9], [sflag:$0x1], $0x80, s3, s9, $0xb8;
	[tilespmem:$0x18080] =	vst v63  }
0x40: {  	_ =	swait.ge [sflag:s11], $0x4000  }
0x41: {  	s15 =	smov.u32 s17;
	s13 =	sadd.s32 $0x800, s13;
	[sflag:s11] =	ssyncset.done $0x0  }
0x42: {  	s14 =	sadd.s32 s14, s7;
	[sflag:s11] =	ssyncadd.s32 $0xFFFFC000  }
0x43: {  	[tilespmem:s3], [sflag:$0x2] =	stream.linear.gather [hbm4b:s14+s3], $0x80, $0x38;
	[tilespmem:$0x18080] =	vst v63  }
0x44: {  	_ =	swait.ge [sflag:s10], $0x80  }
0x45: {  	[sflag:s10] =	ssyncset.done $0x0  }
0x46: {  	[sflag:s10] =	ssyncadd.s32 $0xFFFFFF80  }
0x47: {  	[tilespmem:s9], [sflag:$0x2] =	stream.linear.gather [hbm4b:s13+s3], $0x4000, $0x38;
	[tilespmem:$0x18080] =	vst v63  }
0x48: {  	_ =	swait.ge [sflag:s10], $0x4000  }
0x49: {  	[sflag:s10] =	ssyncset.done $0x0  }
0x4a: {  	[sflag:s10] =	ssyncadd.s32 $0xFFFFC000  }
0x4b: {  	[spmem:s2] =	stream.indirect.scatter.add.f32 [tilespmem:s9], [sflag:$0x1], $0x80, s3, s9, $0xb8;
	[tilespmem:$0x18080] =	vst v63  }
0x4c: {  	_ =	swait.ge [sflag:s11], $0x4000  }
0x4d: {  	[sflag:s11] =	ssyncset.done $0x0  }
0x4e: {  	[sflag:s11] =	ssyncadd.s32 $0xFFFFC000  }
0x4f: {  	[bflag:$0x0] =	sbarrier.arrive $0xFFFF  }
0x50: {  	[tilespmem:s9], [sflag:$0x2] =	stream.linear.gather [spmem:s4], $0x400, $0x38;
	[tilespmem:$0x18080] =	vst v63  }
0x51: {  	_ =	swait.ge [sflag:s10], $0x400  }
0x52: {  	[sflag:s10] =	ssyncset.done $0x0  }
0x53: {  	s31 =	sadd.s32 $0x0, s8;
	[sflag:s10] =	ssyncadd.s32 $0xFFFFFC00  }
0x54: {  	[hbm4b:s31+s3] =	stream.linear.scatter [tilespmem:s9], [sflag:$0x2], $0x400, $0x38;
	[tilespmem:$0x18080] =	vst v63  }
0x55: {  	_ =	swait.ge [sflag:s10], $0x400  }
0x56: {  	s14 =	smov.u32 s4;
	s13 =	simm.s32 $0x80;
	[sflag:s10] =	ssyncset.done $0x0  }
.LBB2_8:
0x57: {  	p0 =	sne.s32 s13, $0x2780;
	[sflag:s10] =	ssyncadd.s32 $0xFFFFFC00;
	s14 =	sadd.s32 $0x400, s14  }
0x58: {  	[tilespmem:s9], [sflag:$0x2] =	stream.linear.gather [spmem:s14], $0x400, $0x38;
	[tilespmem:$0x18080] =	vst v63  }
0x59: {  	s15 =	smov.u32 s13;
	s13 =	sadd.s32 $0x80, s13;
	_ =	swait.ge [sflag:s10], $0x400  }
.Ltmp3:
0x5a: {  	[sflag:s10] =	ssyncset.done $0x0;
	(pc) =	sbr.rel @p0 .LBB2_8-.Ltmp3, $4  }
0x5b: {  	s15 =	sadd.s32 s15, s8;
	[sflag:s10] =	ssyncadd.s32 $0xFFFFFC00  }
0x5c: {  	[hbm4b:s15+s3] =	stream.linear.scatter [tilespmem:s9], [sflag:$0x2], $0x400, $0x38;
	[tilespmem:$0x18080] =	vst v63  }
0x5d: {  	_ =	swait.ge [sflag:s10], $0x400  }
0x5e: {  	[sflag:s10] =	ssyncset.done $0x0  }
0x5f: {  	s12 =	sadd.s32 $0x1, s12  }
0x60: {  	p0 =	sne.s32 s12, s5  }
.Ltmp4:
0x61: {  	_ = 	snop;
	(pc) =	sbr.rel @p0 .LBB2_1-.Ltmp4, $2  }
0x62: {  	_ =	sdelay $0x2  }
0x63: {  	[sflag:s10] =	ssyncadd.s32 $0xFFFFFC00  }
0x64: {  	_ =	sfence.sel $0x180000  }
0x65: {  	[bflag:$0x0] =	sbarrier.arrive $0xFFFF  }
0x66: {  	p0 =	sne.s32 s1, $0x0;
	_ =	strace $0x9000004A  }
0x67: {  	s0 =	sadd.s32 @!p0 $0x100000, s0;
	[bflag:$0x2] =	sbarrier.arrive $0xFFFF  }
0x68: {  	[sflag:s0] =	ssyncadd.tile.s32 @!p0 $0x1;
	_ =	shalt  }
.Lfunc_end2:
_tile_overlayer_lowered:
.L_overlay_start_2:
0x69: {  	(tag) =	ssettag $0x2  }
0x6a: {  	s0 =	rddreg [dreg:$0x0];
	s2 =	stileid.u32  }
0x6b: {  	s1 =	rddreg [dreg:$0x1];
	p0 =	sne.s32 s2, $0x0  }
0x6c: {  	s3 =	rddreg [dreg:$0x2];
	[bflag:$0x3] =	sbarrier.arrive $0xFFFF;
	s2 =	simm.s32 @!p0 $0x1C02  }
0x6d: {  	[timem:s3], [sflag:s2] =	dma.local @!p0 [hbm:s0], s1  }
0x6e: {  	s0 =	simm.s32 @!p0 $0x2  }
0x6f: {  	_ =	swait.ge @!p0 [sflag:s0], s1  }
0x70: {  	s1 =	ssub.s32 @!p0 $0x0, s1;
	[sflag:s0] =	ssyncset.done @!p0 $0x0  }
0x71: {  	[sflag:s0] =	ssyncadd.s32 @!p0 s1  }
0x72: {  	[bflag:$0x3] =	sbarrier.arrive $0xFFFF  }
0x73: {  	_ =	shalt  }

// kernel: kernel.14.cloned.1.call-start
scs
__scs_entry_jumppad:
0x0: {  	(pc) =	sbr.rel $0x88, $3  }
0x1: {  	(tag) =	ssettag $0x0;
	lr =	simm.s32 $0x1  }
0x2: {  	[smem:$0x3F91] =	sst lr;
	_ =	strace $0xD0000000  }
0x3: {  	_ = 	snop  }
0x4: {  	_ = 	snop  }
0x5: {  	_ = 	snop  }
0x6: {  	_ = 	snop  }
0x7: {  	_ = 	snop  }
__scs_overlays_trampoline_lowered:
0x8: {  	[smem:$0x3FA0] =	sst s0  }
0x9: {  	[smem:$0x3FA1] =	sst s1  }
0xa: {  	[smem:$0x3FA2] =	sst s2  }
0xb: {  	[smem:$0x3FA3] =	sst s3  }
0xc: {  	[smem:$0x3FA4] =	sst s4  }
0xd: {  	[smem:$0x3FA5] =	sst s5  }
0xe: {  	[smem:$0x3FA6] =	sst s6  }
0xf: {  	[smem:$0x3FA7] =	sst s7  }
0x10: {  	[smem:$0x3FA8] =	sst s8  }
0x11: {  	[smem:$0x3FA9] =	sst s9;
	s0 =	simm.s32 @!p0 $0x0  }
0x12: {  	s1 =	sld [smem:$0x3F8F];
	s0 =	simm.s32 @p0 $0x1  }
0x13: {  	[smem:$0x3FAA] =	sst s0;
	s0 =	simm.s32 @!p1 $0x0  }
0x14: {  	s2 =	sld [smem:$0x3F8E];
	s0 =	simm.s32 @p1 $0x1  }
0x15: {  	[smem:$0x3FAB] =	sst s0;
	s0 =	simm.s32 @!p2 $0x0  }
0x16: {  	s3 =	sld [smem:$0x3FDB];
	s0 =	simm.s32 @p2 $0x1  }
0x17: {  	s4 =	simm.s32 $0x1BF5;
	[smem:$0x3FAD] =	sst s0  }
0x18: {  	s0 =	sld [smem:$0x3F90];
	_ =	swait.ge [sflag:s4], $0x0  }
0x19: {  	s7 =	sld [smem:$0x3F91]  }
0x1a: {  	s8 =	sadd.s32 $0xFFFFE003, lr  }
0x1b: {  	s9 =	sadd.s32 $0xFFFFFEF7, lr;
	s5 =	simm.s32 $0xFFFFFFFF;
	p2 =	slt.u32 s8, $0xFFFFF086  }
0x1c: {  	p1 =	slt.u32 s9, $0xF7A;
	s5 =	simm.s32 @!p2 $0x0  }
0x1d: {  	s5 =	simm.s32 @p1 $0x1;
	p0 =	seq.s32 s7, s2  }
0x1e: {  	s7 =	smul.u32 @!p0 $0xF7A, s2;
	p2 =	seq.s32 @!p0 s5, $0x0  }
0x1f: {  	s9 =	smul.u32 $0xF7A, s1;
	s8 =	simm.s32 @!p0 $0x1BF5;
	p2 =	por !p2, p0  }
0x20: {  	[sflag:s8] =	ssyncset.s32 @!p0 $0xFFFFF086;
	s6 =	sadd.s32 @!p0 s3, s7;
	s7 =	simm.s32 @!p0 $0x108  }
0x21: {  	s3 =	sadd.s32 s3, s9;
	s6 =	sadd.s32 @!p0 $0x88, s6;
	s7 =	simm.s32 @p2 $0x1082  }
0x22: {  	[simem:s7], [sflag:s8] =	dma.local @!p0 [hbm:s6], $0xF7A  }
0x23: {  	s9 =	sor.u32 $0xD0000000, s2;
	s6 =	simm.s32 $0x108;
	_ =	swait.ge @!p0 [sflag:s8], $0x0  }
0x24: {  	s3 =	sadd.s32 $0x88, s3;
	s6 =	simm.s32 @!p1 $0x1082;
	[sflag:s4] =	ssyncset.s32 $0xFFFFF086  }
0x25: {  	[simem:s6], [sflag:s4] =	dma.local [hbm:s3], $0xF7A  }
0x26: {  	[smem:$0x3F91] =	sst s1;
	(tag) =	ssettag s2;
	_ =	strace s9  }
0x27: {  	s1 =	sld [smem:$0x3FA1]  }
0x28: {  	s2 =	sld [smem:$0x3FA2]  }
0x29: {  	s4 =	sld [smem:$0x3FA4]  }
0x2a: {  	p0 =	seq.s32 s5, $0x0;
	s5 =	sld [smem:$0x3FA5]  }
0x2b: {  	s6 =	sld [smem:$0x3FA6]  }
0x2c: {  	s7 =	sld [smem:$0x3FA7]  }
0x2d: {  	s3 =	simm.s32 $0x108;
	s8 =	sld [smem:$0x3FA8]  }
0x2e: {  	s3 =	simm.s32 @!p0 $0x1082;
	s9 =	sld [smem:$0x3FA9]  }
0x2f: {  	lr =	sadd.s32 s0, s3;
	s0 =	sld [smem:$0x3FA0]  }
0x30: {  	s3 =	sld [smem:$0x3FA3]  }
0x31: {  	[smem:$0x3FAC] =	sst s10  }
0x32: {  	s10 =	sld [smem:$0x3FAA];
	_ =	sdelay $0x3  }
0x33: {  	p0 =	seq.s32 s10, $0x1;
	s10 =	sld [smem:$0x3FAC];
	_ =	sdelay $0x3  }
0x34: {  	[smem:$0x3FAC] =	sst s10  }
0x35: {  	s10 =	sld [smem:$0x3FAB];
	_ =	sdelay $0x3  }
0x36: {  	p1 =	seq.s32 s10, $0x1;
	s10 =	sld [smem:$0x3FAC];
	_ =	sdelay $0x3  }
0x37: {  	[smem:$0x3FAC] =	sst s10  }
0x38: {  	s10 =	sld [smem:$0x3FAD]  }
0x39: {  	_ = 	snop;
	(pc) =	sbr.ind lr, $3  }
0x3a: {  	_ = 	snop  }
0x3b: {  	_ = 	snop  }
0x3c: {  	p2 =	seq.s32 s10, $0x1;
	s10 =	sld [smem:$0x3FAC]  }
0x3d: {  	_ =	shalt  }
0x3e: {  	_ =	shalt  }
0x3f: {  	_ =	shalt  }
0x40: {  	_ =	shalt  }
0x41: {  	_ =	shalt  }
0x42: {  	_ =	shalt  }
0x43: {  	_ =	shalt  }
0x44: {  	_ =	shalt  }
0x45: {  	_ =	shalt  }
0x46: {  	_ =	shalt  }
0x47: {  	_ =	shalt  }
0x48: {  	_ =	shalt  }
0x49: {  	_ =	shalt  }
0x4a: {  	_ =	shalt  }
0x4b: {  	_ =	shalt  }
0x4c: {  	_ =	shalt  }
0x4d: {  	_ =	shalt  }
0x4e: {  	_ =	shalt  }
0x4f: {  	_ =	shalt  }
0x50: {  	_ =	shalt  }
0x51: {  	_ =	shalt  }
0x52: {  	_ =	shalt  }
0x53: {  	_ =	shalt  }
0x54: {  	_ =	shalt  }
0x55: {  	_ =	shalt  }
0x56: {  	_ =	shalt  }
0x57: {  	_ =	shalt  }
0x58: {  	_ =	shalt  }
0x59: {  	_ =	shalt  }
0x5a: {  	_ =	shalt  }
0x5b: {  	_ =	shalt  }
0x5c: {  	_ =	shalt  }
0x5d: {  	_ =	shalt  }
0x5e: {  	_ =	shalt  }
0x5f: {  	_ =	shalt  }
0x60: {  	_ =	shalt  }
0x61: {  	_ =	shalt  }
0x62: {  	_ =	shalt  }
0x63: {  	_ =	shalt  }
0x64: {  	_ =	shalt  }
0x65: {  	_ =	shalt  }
0x66: {  	_ =	shalt  }
0x67: {  	_ =	shalt  }
0x68: {  	_ =	shalt  }
0x69: {  	_ =	shalt  }
0x6a: {  	_ =	shalt  }
0x6b: {  	_ =	shalt  }
0x6c: {  	_ =	shalt  }
0x6d: {  	_ =	shalt  }
0x6e: {  	_ =	shalt  }
0x6f: {  	_ =	shalt  }
0x70: {  	_ =	shalt  }
0x71: {  	_ =	shalt  }
0x72: {  	_ =	shalt  }
0x73: {  	_ =	shalt  }
0x74: {  	_ =	shalt  }
0x75: {  	_ =	shalt  }
0x76: {  	_ =	shalt  }
0x77: {  	_ =	shalt  }
0x78: {  	_ =	shalt  }
0x79: {  	_ =	shalt  }
0x7a: {  	_ =	shalt  }
0x7b: {  	_ =	shalt  }
0x7c: {  	_ =	shalt  }
0x7d: {  	_ =	shalt  }
0x7e: {  	_ =	shalt  }
0x7f: {  	_ =	shalt  }
0x80: {  	_ =	shalt  }
0x81: {  	_ =	shalt  }
0x82: {  	_ =	shalt  }
0x83: {  	_ =	shalt  }
0x84: {  	_ =	shalt  }
0x85: {  	_ =	shalt  }
0x86: {  	_ =	shalt  }
0x87: {  	_ =	shalt  }
.Lfunc_end0:
.L_simem_size_0:
called_computation.2_lowered:
.L_overlay_start_0:
0x88: {  	s2 =	sld [smem:$0x3FD9]  }
0x89: {  	s3 =	sld [smem:$0x3FFE];
	_ =	sdelay $0x1  }
0x8a: {  	s1 =	srdreg.scid  }
0x8b: {  	s0 =	sand.u32 $0x1, s1  }
0x8c: {  	s17 =	sshll.u32 s0, $0xA;
	s2 =	sadd.s32 s3, s2  }
0x8d: {  	s2 =	sadd.s32 s2, s17  }
0x8e: {  	[smem:$0x3FB8] =	sst s2  }
0x8f: {  	_ = 	snop  }
0x90: {  	s2 =	sld [smem:$0x3FD0];
	(tm) =	ssettm $0x1  }
0x91: {  	s18 =	sld [smem:$0x3FFB];
	_ =	sdelay $0x3  }
0x92: {  	_ =	strace s18  }
0x93: {  	s3 =	sld [smem:$0x3FFC];
	_ =	sdelay $0x3  }
0x94: {  	_ =	strace s3  }
0x95: {  	s3 =	sld [smem:$0x3FFD];
	_ =	sdelay $0x3  }
0x96: {  	_ =	strace s3  }
0x97: {  	_ =	strace $0x8FFFFFFF  }
0x98: {  	s19 =	sld [smem:$0x3FDB];
	_ =	sdelay $0x1  }
0x99: {  	s4 =	simm.s32 $_scs_section_size  }
0x9a: {  	s5 =	simm.s32 $_size__tile_overlayer_lowered;
	s6 =	simm.s32 $_tile_overlayer_lowered  }
0x9b: {  	s22 =	simm.s32 $0x1BFF;
	s21 =	sshll.u32 s6, $0x1;
	s3 =	sadd.s32 s4, s19  }
0x9c: {  	s7 =	simm.s32 $0x0;
	s20 =	sshll.u32 s5, $0x1;
	s5 =	sadd.s32 s21, s3  }
0x9d: {  	[timem:s7], [sflag:s22] =	dma.local [hbm:s5], s20  }
0x9e: {  	_ =	swait.ge [sflag:s22], s20  }
0x9f: {  	s4 =	ssub.s32 $0x0, s20;
	[sflag:s22] =	ssyncset.done $0x0  }
0xa0: {  	[sflag:s22] =	ssyncadd.s32 s4;
	_ =	sdelay $0x1  }
0xa1: {  	s23 =	simm.s32 $0x1B8B  }
0xa2: {  	_ =	swait.ge [sflag:s23], $0x1  }
0xa3: {  	[sflag:s23] =	ssyncset.done $0x0  }
0xa4: {  	s25 =	simm.s32 $0x1B8E;
	s24 =	sld [smem:$0x3FFE];
	[sflag:s23] =	ssyncadd.s32 $0xFFFFFFFF  }
0xa5: {  	s26 =	simm.s32 $execute0_lowered;
	[smem:$0x3FD2] =	sst s25  }
0xa6: {  	s5 =	sshll.u32 s26, $0x1;
	_ =	strace $0x8000004C;
	[dreg:$0x1] =	wrdreg $0xFFFFFFFF  }
0xa7: {  	s28 =	simm.s32 $_size_execute0_lowered;
	s3 =	sadd.s32 s3, s5;
	[dreg:$0x0] =	wrdreg $0x0  }
0xa8: {  	s5 =	sshll.u32 s28, $0x1;
	[dreg:$0x2] =	wrdreg s3  }
0xa9: {  	[dreg:$0x3] =	wrdreg s5  }
0xaa: {  	[dreg:$0x4] =	wrdreg $0xC0  }
0xab: {  	_ =	task [dreg:s7], $0x5FFFF  }
0xac: {  	[dreg:$0x1] =	wrdreg $0xFFFFFFFF  }
0xad: {  	[dreg:$0x0] =	wrdreg $0x60  }
0xae: {  	[dreg:$0x2] =	wrdreg s24  }
0xaf: {  	[dreg:$0x3] =	wrdreg s2  }
0xb0: {  	[dreg:$0x4] =	wrdreg $0x80800  }
0xb1: {  	[dreg:$0x5] =	wrdreg $0x9  }
0xb2: {  	_ =	task.clear_ibuf [dreg:s7], $0x6FFFF;
	_ =	strace $0x9000004C  }
0xb3: {  	s29 =	simm.s32 $0x9;
	_ =	strace $0x8000004E  }
0xb4: {  	_ =	swait.ge [sflag:s29], $0x1  }
0xb5: {  	[sflag:s29] =	ssyncadd.s32 $0xFFFFFFFF  }
0xb6: {  	_ =	strace $0x9000004E  }
0xb7: {  	_ =	sfence  }
0xb8: {  	s30 =	sld [smem:$0x0];
	_ =	sdelay $0x2  }
0xb9: {  	s31 =	sshll.u32 s1, $0xD;
	s1 =	sshrl.u32 s1, $0x2  }
0xba: {  	s3 =	sand.u32 $0x4000, s31;
	s1 =	sadd.s32 s1, s30  }
0xbb: {  	s0 =	sor.u32 s3, s0;
	s1 =	sshll.u32 s1, $0x11  }
0xbc: {  	s0 =	sor.u32 s1, s0  }
0xbd: {  	s0 =	sadd.s32 $0x8F2B, s0  }
0xbe: {  	[sflag:s0] =	ssyncadd.remote.s32 $0x1  }
0xbf: {  	_ =	sfence.sel $0xFFFF  }
0xc0: {  	[dreg:$0x0] =	wrdreg $0xFFFFFFFF;
	(pc) =	sbr.abs _section_cstart, $3  }
0xc1: {  	[dreg:$0x1] =	wrdreg $0xFFFFFFFF  }
0xc2: {  	_ =	task.clear_ibuf [dreg:s7], $0x2FFFF;
	_ =	strace $0x9FFFFFFF  }
0xc3: {  	(tm) =	ssettm $0x7FFFFFFF  }
tec
execute0_lowered:
.L_overlay_start_1:
0x0: {  	(tag) =	ssettag $0x1  }
0x1: {  	s4 =	rddreg [dreg:$0x0];
	s0 =	stileid.u32  }
0x2: {  	s6 =	rddreg [dreg:$0x1];
	s5 =	smul.u32 $0x51000, s0  }
0x3: {  	s1 =	srdreg.scid;
	s9 =	smul.u32 $0x50000, s0  }
0x4: {  	s2 =	rddreg [dreg:$0x2];
	s3 =	simm.s32 $0x0;
	s12 =	smul.u32 $0xA20, s0  }
0x5: {  	s7 =	sand.u32 $0x1, s1;
	s1 =	rddreg [dreg:$0x3];
	s30 =	smul.u32 $0x2800, s0  }
0x6: {  	s13 =	simm.s32 $0x0;
	[smem:$0x7FF] =	sst s3;
	s8 =	smul.u32 $0x28000, s7  }
0x7: {  	_ =	strace $0x8000004D;
	s11 =	smul.u32 $0x28800, s7;
	s28 =	ssub.s32 $0x2, s7  }
0x8: {  	s7 =	smul.u32 $0x510, s7;
	s10 =	sadd.s32 s5, s4;
	s29 =	sshrl.u32 s28, $0x1  }
0x9: {  	s9 =	sshrl.u32 s9, $0x2;
	s31 =	sadd.s32 s12, s6;
	s12 =	simm.s32 $0x1  }
0xa: {  	s8 =	sadd.s32 s8, s4;
	s5 =	ssub.s32 s28, s29;
	s4 =	sadd.s32 s9, s2  }
0xb: {  	s10 =	sadd.s32 s11, s10;
	s7 =	sadd.s32 s7, s31;
	s9 =	simm.s32 $0x4080  }
0xc: {  	s11 =	simm.s32 $0x80;
	s5 =	smax.u32 s5, $0x1;
	s8 =	sadd.s32 s30, s8  }
0xd: {  	v0 =	vimm.f32 $0.0e+00;
	s6 =	sadd.s32 $0x109A00, s10;
	s10 =	simm.s32 $0x2;
	s8 =	sadd.s32 $0x619A00, s8  }
.LBB2_1:
0xe: {  	s14 =	simm.s32 $0x0  }
.LBB2_2:
0xf: {  	p0 =	sne.s32 s14, $0xFE00  }
.Ltmp0:
0x10: {  	_ = 	snop;
	(pc) =	sbr.rel @p0 .LBB2_2-.Ltmp0, $3  }
0x11: {  	_ =	sdelay $0x1  }
0x12: {  	s15 =	sshra.s32 s14, $0x2  }
0x13: {  	s14 =	sadd.s32 $0x200, s14;
	[tilespmem:s15+$0x4080] =	vst v0  }
0x14: {  	s14 =	sadd.s32 $0x0, s4  }
0x15: {  	[spmem:s14] =	stream.linear.scatter [tilespmem:s9], [sflag:$0x2], $0x400, $0x38;
	[tilespmem:$0xA880] =	vst v63  }
0x16: {  	s14 =	simm.s32 $0x1000;
	_ =	swait.ge [sflag:s10], $0x400  }
.LBB2_4:
0x17: {  	s15 =	sshra.s32 s14, $0x2;
	[sflag:s10] =	ssyncset.done $0x0;
	p0 =	sne.s32 s14, $0x4F000  }
.Ltmp1:
0x18: {  	s15 =	sadd.s32 s15, s4;
	[sflag:s10] =	ssyncadd.s32 $0xFFFFFC00;
	(pc) =	sbr.rel @p0 .LBB2_4-.Ltmp1, $3  }
0x19: {  	[spmem:s15] =	stream.linear.scatter [tilespmem:s9], [sflag:$0x2], $0x400, $0x38;
	[tilespmem:$0xA880] =	vst v63  }
0x1a: {  	s14 =	sadd.s32 $0x1000, s14;
	_ =	sdelay $0x1  }
0x1b: {  	_ =	swait.ge [sflag:s10], $0x400  }
0x1c: {  	[sflag:s10] =	ssyncset.done $0x0  }
0x1d: {  	[sflag:s10] =	ssyncadd.s32 $0xFFFFFC00  }
0x1e: {  	s14 =	sadd.s32 $0x0, s7;
	[bflag:$0x0] =	sbarrier.arrive $0xFFFF  }
0x1f: {  	[tilespmem:s3], [sflag:$0x2] =	stream.linear.gather [hbm4b:s14+s3], $0x80, $0x38;
	[tilespmem:$0xA880] =	vst v63  }
0x20: {  	_ =	swait.ge [sflag:s10], $0x80  }
0x21: {  	[sflag:s10] =	ssyncset.done $0x0  }
0x22: {  	[sflag:s10] =	ssyncadd.s32 $0xFFFFFF80  }
0x23: {  	[tilespmem:s11], [sflag:$0x2] =	stream.linear.gather [hbm4b:s6+s3], $0x4000, $0x38;
	[tilespmem:$0xA880] =	vst v63  }
0x24: {  	_ =	swait.ge [sflag:s10], $0x4000  }
0x25: {  	[sflag:s10] =	ssyncset.done $0x0  }
0x26: {  	[sflag:s10] =	ssyncadd.s32 $0xFFFFC000  }
0x27: {  	[spmem:s2] =	stream.indirect.scatter.add.f32 [tilespmem:s11], [sflag:$0x1], $0x10, s3, s11, $0xb8;
	[tilespmem:$0xA880] =	vst v63  }
0x28: {  	s15 =	simm.s32 $0x10;
	_ =	swait.ge [sflag:s12], $0x800  }
0x29: {  	s16 =	simm.s32 $0x20;
	s14 =	sadd.s32 $0x800, s6;
	[sflag:s12] =	ssyncset.done $0x0  }
.LBB2_6:
0x2a: {  	s17 =	sadd.s32 s15, s7  }
0x2b: {  	[sflag:s12] =	ssyncadd.s32 $0xFFFFF800;
	s15 =	smov.u32 s16;
	s18 =	sadd.s32 $0x10, s16  }
0x2c: {  	[tilespmem:s3], [sflag:$0x2] =	stream.linear.gather [hbm4b:s17+s3], $0x80, $0x38;
	[tilespmem:$0xA880] =	vst v63  }
0x2d: {  	p0 =	sne.s32 s16, $0x500;
	_ =	swait.ge [sflag:s10], $0x80  }
0x2e: {  	[sflag:s10] =	ssyncset.done $0x0  }
0x2f: {  	[sflag:s10] =	ssyncadd.s32 $0xFFFFFF80  }
0x30: {  	[tilespmem:s11], [sflag:$0x2] =	stream.linear.gather [hbm4b:s14+s3], $0x4000, $0x38;
	[tilespmem:$0xA880] =	vst v63  }
0x31: {  	_ =	swait.ge [sflag:s10], $0x4000  }
.Ltmp2:
0x32: {  	[sflag:s10] =	ssyncset.done $0x0;
	(pc) =	sbr.rel @p0 .LBB2_6-.Ltmp2, $4  }
0x33: {  	[sflag:s10] =	ssyncadd.s32 $0xFFFFC000  }
0x34: {  	[spmem:s2] =	stream.indirect.scatter.add.f32 [tilespmem:s11], [sflag:$0x1], $0x10, s3, s11, $0xb8;
	[tilespmem:$0xA880] =	vst v63  }
0x35: {  	_ =	swait.ge [sflag:s12], $0x800  }
0x36: {  	s16 =	smov.u32 s18;
	s14 =	sadd.s32 $0x800, s14;
	[sflag:s12] =	ssyncset.done $0x0  }
0x37: {  	s15 =	sadd.s32 s15, s7;
	[sflag:s12] =	ssyncadd.s32 $0xFFFFF800  }
0x38: {  	[tilespmem:s3], [sflag:$0x2] =	stream.linear.gather [hbm4b:s15+s3], $0x80, $0x38;
	[tilespmem:$0xA880] =	vst v63  }
0x39: {  	_ =	swait.ge [sflag:s10], $0x80  }
0x3a: {  	[sflag:s10] =	ssyncset.done $0x0  }
0x3b: {  	[sflag:s10] =	ssyncadd.s32 $0xFFFFFF80  }
0x3c: {  	[tilespmem:s11], [sflag:$0x2] =	stream.linear.gather [hbm4b:s14+s3], $0x4000, $0x38;
	[tilespmem:$0xA880] =	vst v63  }
0x3d: {  	_ =	swait.ge [sflag:s10], $0x4000  }
0x3e: {  	[sflag:s10] =	ssyncset.done $0x0  }
0x3f: {  	[sflag:s10] =	ssyncadd.s32 $0xFFFFC000  }
0x40: {  	[spmem:s2] =	stream.indirect.scatter.add.f32 [tilespmem:s11], [sflag:$0x1], $0x10, s3, s11, $0xb8;
	[tilespmem:$0xA880] =	vst v63  }
0x41: {  	_ =	swait.ge [sflag:s12], $0x800  }
0x42: {  	[sflag:s12] =	ssyncset.done $0x0  }
0x43: {  	[sflag:s12] =	ssyncadd.s32 $0xFFFFF800  }
0x44: {  	[bflag:$0x0] =	sbarrier.arrive $0xFFFF  }
0x45: {  	[tilespmem:s9], [sflag:$0x2] =	stream.linear.gather [spmem:s4], $0x400, $0x38;
	[tilespmem:$0xA880] =	vst v63  }
0x46: {  	_ =	swait.ge [sflag:s10], $0x400  }
0x47: {  	[sflag:s10] =	ssyncset.done $0x0  }
0x48: {  	s31 =	sadd.s32 $0x0, s8;
	[sflag:s10] =	ssyncadd.s32 $0xFFFFFC00  }
0x49: {  	[hbm4b:s31+s3] =	stream.linear.scatter [tilespmem:s9], [sflag:$0x2], $0x400, $0x38;
	[tilespmem:$0xA880] =	vst v63  }
0x4a: {  	_ =	swait.ge [sflag:s10], $0x400  }
0x4b: {  	s15 =	smov.u32 s4;
	s14 =	simm.s32 $0x80;
	[sflag:s10] =	ssyncset.done $0x0  }
.LBB2_8:
0x4c: {  	p0 =	sne.s32 s14, $0x2780;
	[sflag:s10] =	ssyncadd.s32 $0xFFFFFC00;
	s15 =	sadd.s32 $0x400, s15  }
0x4d: {  	[tilespmem:s9], [sflag:$0x2] =	stream.linear.gather [spmem:s15], $0x400, $0x38;
	[tilespmem:$0xA880] =	vst v63  }
0x4e: {  	s16 =	smov.u32 s14;
	s14 =	sadd.s32 $0x80, s14;
	_ =	swait.ge [sflag:s10], $0x400  }
.Ltmp3:
0x4f: {  	[sflag:s10] =	ssyncset.done $0x0;
	(pc) =	sbr.rel @p0 .LBB2_8-.Ltmp3, $4  }
0x50: {  	s16 =	sadd.s32 s16, s8;
	[sflag:s10] =	ssyncadd.s32 $0xFFFFFC00  }
0x51: {  	[hbm4b:s16+s3] =	stream.linear.scatter [tilespmem:s9], [sflag:$0x2], $0x400, $0x38;
	[tilespmem:$0xA880] =	vst v63  }
0x52: {  	_ =	swait.ge [sflag:s10], $0x400  }
0x53: {  	[sflag:s10] =	ssyncset.done $0x0  }
0x54: {  	s13 =	sadd.s32 $0x1, s13  }
0x55: {  	p0 =	sne.s32 s13, s5  }
.Ltmp4:
0x56: {  	_ = 	snop;
	(pc) =	sbr.rel @p0 .LBB2_1-.Ltmp4, $2  }
0x57: {  	_ =	sdelay $0x2  }
0x58: {  	[sflag:s10] =	ssyncadd.s32 $0xFFFFFC00  }
0x59: {  	_ =	sfence.sel $0x180000  }
0x5a: {  	[bflag:$0x0] =	sbarrier.arrive $0xFFFF  }
0x5b: {  	p0 =	sne.s32 s0, $0x0;
	_ =	strace $0x9000004D  }
0x5c: {  	s0 =	sadd.s32 @!p0 $0x100000, s1;
	[bflag:$0x2] =	sbarrier.arrive $0xFFFF  }
0x5d: {  	[sflag:s0] =	ssyncadd.tile.s32 @!p0 $0x1;
	_ =	shalt  }
.Lfunc_end2:
_tile_overlayer_lowered:
.L_overlay_start_2:
0x5e: {  	(tag) =	ssettag $0x2  }
0x5f: {  	s0 =	rddreg [dreg:$0x0];
	s2 =	stileid.u32  }
0x60: {  	s1 =	rddreg [dreg:$0x1];
	p0 =	sne.s32 s2, $0x0  }
0x61: {  	s3 =	rddreg [dreg:$0x2];
	[bflag:$0x3] =	sbarrier.arrive $0xFFFF;
	s2 =	simm.s32 @!p0 $0x1C02  }
0x62: {  	[timem:s3], [sflag:s2] =	dma.local @!p0 [hbm:s0], s1  }
0x63: {  	s0 =	simm.s32 @!p0 $0x2  }
0x64: {  	_ =	swait.ge @!p0 [sflag:s0], s1  }
0x65: {  	s1 =	ssub.s32 @!p0 $0x0, s1;
	[sflag:s0] =	ssyncset.done @!p0 $0x0  }
0x66: {  	[sflag:s0] =	ssyncadd.s32 @!p0 s1  }
0x67: {  	[bflag:$0x3] =	sbarrier.arrive $0xFFFF  }
0x68: {  	_ =	shalt  }

// kernel: kernel.17.cloned.1.call-start
scs
__scs_entry_jumppad:
0x0: {  	(pc) =	sbr.rel $0x88, $3  }
0x1: {  	(tag) =	ssettag $0x0;
	lr =	simm.s32 $0x1  }
0x2: {  	[smem:$0x3F91] =	sst lr;
	_ =	strace $0xD0000000  }
0x3: {  	_ = 	snop  }
0x4: {  	_ = 	snop  }
0x5: {  	_ = 	snop  }
0x6: {  	_ = 	snop  }
0x7: {  	_ = 	snop  }
__scs_overlays_trampoline_lowered:
0x8: {  	[smem:$0x3FA0] =	sst s0  }
0x9: {  	[smem:$0x3FA1] =	sst s1  }
0xa: {  	[smem:$0x3FA2] =	sst s2  }
0xb: {  	[smem:$0x3FA3] =	sst s3  }
0xc: {  	[smem:$0x3FA4] =	sst s4  }
0xd: {  	[smem:$0x3FA5] =	sst s5  }
0xe: {  	[smem:$0x3FA6] =	sst s6  }
0xf: {  	[smem:$0x3FA7] =	sst s7  }
0x10: {  	[smem:$0x3FA8] =	sst s8  }
0x11: {  	[smem:$0x3FA9] =	sst s9;
	s0 =	simm.s32 @!p0 $0x0  }
0x12: {  	s1 =	sld [smem:$0x3F8F];
	s0 =	simm.s32 @p0 $0x1  }
0x13: {  	[smem:$0x3FAA] =	sst s0;
	s0 =	simm.s32 @!p1 $0x0  }
0x14: {  	s2 =	sld [smem:$0x3F8E];
	s0 =	simm.s32 @p1 $0x1  }
0x15: {  	[smem:$0x3FAB] =	sst s0;
	s0 =	simm.s32 @!p2 $0x0  }
0x16: {  	s3 =	sld [smem:$0x3FDB];
	s0 =	simm.s32 @p2 $0x1  }
0x17: {  	s4 =	simm.s32 $0x1BF5;
	[smem:$0x3FAD] =	sst s0  }
0x18: {  	s0 =	sld [smem:$0x3F90];
	_ =	swait.ge [sflag:s4], $0x0  }
0x19: {  	s7 =	sld [smem:$0x3F91]  }
0x1a: {  	s8 =	sadd.s32 $0xFFFFE003, lr  }
0x1b: {  	s9 =	sadd.s32 $0xFFFFFEF7, lr;
	s5 =	simm.s32 $0xFFFFFFFF;
	p2 =	slt.u32 s8, $0xFFFFF086  }
0x1c: {  	p1 =	slt.u32 s9, $0xF7A;
	s5 =	simm.s32 @!p2 $0x0  }
0x1d: {  	s5 =	simm.s32 @p1 $0x1;
	p0 =	seq.s32 s7, s2  }
0x1e: {  	s7 =	smul.u32 @!p0 $0xF7A, s2;
	p2 =	seq.s32 @!p0 s5, $0x0  }
0x1f: {  	s9 =	smul.u32 $0xF7A, s1;
	s8 =	simm.s32 @!p0 $0x1BF5;
	p2 =	por !p2, p0  }
0x20: {  	[sflag:s8] =	ssyncset.s32 @!p0 $0xFFFFF086;
	s6 =	sadd.s32 @!p0 s3, s7;
	s7 =	simm.s32 @!p0 $0x108  }
0x21: {  	s3 =	sadd.s32 s3, s9;
	s6 =	sadd.s32 @!p0 $0x88, s6;
	s7 =	simm.s32 @p2 $0x1082  }
0x22: {  	[simem:s7], [sflag:s8] =	dma.local @!p0 [hbm:s6], $0xF7A  }
0x23: {  	s9 =	sor.u32 $0xD0000000, s2;
	s6 =	simm.s32 $0x108;
	_ =	swait.ge @!p0 [sflag:s8], $0x0  }
0x24: {  	s3 =	sadd.s32 $0x88, s3;
	s6 =	simm.s32 @!p1 $0x1082;
	[sflag:s4] =	ssyncset.s32 $0xFFFFF086  }
0x25: {  	[simem:s6], [sflag:s4] =	dma.local [hbm:s3], $0xF7A  }
0x26: {  	[smem:$0x3F91] =	sst s1;
	(tag) =	ssettag s2;
	_ =	strace s9  }
0x27: {  	s1 =	sld [smem:$0x3FA1]  }
0x28: {  	s2 =	sld [smem:$0x3FA2]  }
0x29: {  	s4 =	sld [smem:$0x3FA4]  }
0x2a: {  	p0 =	seq.s32 s5, $0x0;
	s5 =	sld [smem:$0x3FA5]  }
0x2b: {  	s6 =	sld [smem:$0x3FA6]  }
0x2c: {  	s7 =	sld [smem:$0x3FA7]  }
0x2d: {  	s3 =	simm.s32 $0x108;
	s8 =	sld [smem:$0x3FA8]  }
0x2e: {  	s3 =	simm.s32 @!p0 $0x1082;
	s9 =	sld [smem:$0x3FA9]  }
0x2f: {  	lr =	sadd.s32 s0, s3;
	s0 =	sld [smem:$0x3FA0]  }
0x30: {  	s3 =	sld [smem:$0x3FA3]  }
0x31: {  	[smem:$0x3FAC] =	sst s10  }
0x32: {  	s10 =	sld [smem:$0x3FAA];
	_ =	sdelay $0x3  }
0x33: {  	p0 =	seq.s32 s10, $0x1;
	s10 =	sld [smem:$0x3FAC];
	_ =	sdelay $0x3  }
0x34: {  	[smem:$0x3FAC] =	sst s10  }
0x35: {  	s10 =	sld [smem:$0x3FAB];
	_ =	sdelay $0x3  }
0x36: {  	p1 =	seq.s32 s10, $0x1;
	s10 =	sld [smem:$0x3FAC];
	_ =	sdelay $0x3  }
0x37: {  	[smem:$0x3FAC] =	sst s10  }
0x38: {  	s10 =	sld [smem:$0x3FAD]  }
0x39: {  	_ = 	snop;
	(pc) =	sbr.ind lr, $3  }
0x3a: {  	_ = 	snop  }
0x3b: {  	_ = 	snop  }
0x3c: {  	p2 =	seq.s32 s10, $0x1;
	s10 =	sld [smem:$0x3FAC]  }
0x3d: {  	_ =	shalt  }
0x3e: {  	_ =	shalt  }
0x3f: {  	_ =	shalt  }
0x40: {  	_ =	shalt  }
0x41: {  	_ =	shalt  }
0x42: {  	_ =	shalt  }
0x43: {  	_ =	shalt  }
0x44: {  	_ =	shalt  }
0x45: {  	_ =	shalt  }
0x46: {  	_ =	shalt  }
0x47: {  	_ =	shalt  }
0x48: {  	_ =	shalt  }
0x49: {  	_ =	shalt  }
0x4a: {  	_ =	shalt  }
0x4b: {  	_ =	shalt  }
0x4c: {  	_ =	shalt  }
0x4d: {  	_ =	shalt  }
0x4e: {  	_ =	shalt  }
0x4f: {  	_ =	shalt  }
0x50: {  	_ =	shalt  }
0x51: {  	_ =	shalt  }
0x52: {  	_ =	shalt  }
0x53: {  	_ =	shalt  }
0x54: {  	_ =	shalt  }
0x55: {  	_ =	shalt  }
0x56: {  	_ =	shalt  }
0x57: {  	_ =	shalt  }
0x58: {  	_ =	shalt  }
0x59: {  	_ =	shalt  }
0x5a: {  	_ =	shalt  }
0x5b: {  	_ =	shalt  }
0x5c: {  	_ =	shalt  }
0x5d: {  	_ =	shalt  }
0x5e: {  	_ =	shalt  }
0x5f: {  	_ =	shalt  }
0x60: {  	_ =	shalt  }
0x61: {  	_ =	shalt  }
0x62: {  	_ =	shalt  }
0x63: {  	_ =	shalt  }
0x64: {  	_ =	shalt  }
0x65: {  	_ =	shalt  }
0x66: {  	_ =	shalt  }
0x67: {  	_ =	shalt  }
0x68: {  	_ =	shalt  }
0x69: {  	_ =	shalt  }
0x6a: {  	_ =	shalt  }
0x6b: {  	_ =	shalt  }
0x6c: {  	_ =	shalt  }
0x6d: {  	_ =	shalt  }
0x6e: {  	_ =	shalt  }
0x6f: {  	_ =	shalt  }
0x70: {  	_ =	shalt  }
0x71: {  	_ =	shalt  }
0x72: {  	_ =	shalt  }
0x73: {  	_ =	shalt  }
0x74: {  	_ =	shalt  }
0x75: {  	_ =	shalt  }
0x76: {  	_ =	shalt  }
0x77: {  	_ =	shalt  }
0x78: {  	_ =	shalt  }
0x79: {  	_ =	shalt  }
0x7a: {  	_ =	shalt  }
0x7b: {  	_ =	shalt  }
0x7c: {  	_ =	shalt  }
0x7d: {  	_ =	shalt  }
0x7e: {  	_ =	shalt  }
0x7f: {  	_ =	shalt  }
0x80: {  	_ =	shalt  }
0x81: {  	_ =	shalt  }
0x82: {  	_ =	shalt  }
0x83: {  	_ =	shalt  }
0x84: {  	_ =	shalt  }
0x85: {  	_ =	shalt  }
0x86: {  	_ =	shalt  }
0x87: {  	_ =	shalt  }
.Lfunc_end0:
.L_simem_size_0:
called_computation.3_lowered:
.L_overlay_start_0:
0x88: {  	s2 =	sld [smem:$0x3FD9]  }
0x89: {  	s3 =	sld [smem:$0x3FFE];
	_ =	sdelay $0x1  }
0x8a: {  	s1 =	srdreg.scid  }
0x8b: {  	s0 =	sand.u32 $0x1, s1  }
0x8c: {  	s17 =	sshll.u32 s0, $0xA;
	s2 =	sadd.s32 s3, s2  }
0x8d: {  	s2 =	sadd.s32 s2, s17  }
0x8e: {  	[smem:$0x3FB8] =	sst s2  }
0x8f: {  	_ = 	snop  }
0x90: {  	s18 =	sld [smem:$0x3FD0];
	(tm) =	ssettm $0x1  }
0x91: {  	s19 =	sld [smem:$0x3FFB];
	_ =	sdelay $0x3  }
0x92: {  	_ =	strace s19  }
0x93: {  	s2 =	sld [smem:$0x3FFC];
	_ =	sdelay $0x3  }
0x94: {  	_ =	strace s2  }
0x95: {  	s2 =	sld [smem:$0x3FFD];
	_ =	sdelay $0x3  }
0x96: {  	_ =	strace s2  }
0x97: {  	_ =	strace $0x8FFFFFFF  }
0x98: {  	s20 =	sld [smem:$0x3FDB];
	_ =	sdelay $0x1  }
0x99: {  	s4 =	simm.s32 $_scs_section_size  }
0x9a: {  	s5 =	simm.s32 $_size__tile_overlayer_lowered;
	s6 =	simm.s32 $_tile_overlayer_lowered  }
0x9b: {  	s7 =	simm.s32 $0x1BFF;
	s21 =	sshll.u32 s6, $0x1;
	s4 =	sadd.s32 s4, s20  }
0x9c: {  	s22 =	simm.s32 $0x0;
	s5 =	sshll.u32 s5, $0x1;
	s6 =	sadd.s32 s21, s4  }
0x9d: {  	[timem:s22], [sflag:s7] =	dma.local [hbm:s6], s5  }
0x9e: {  	_ =	swait.ge [sflag:s7], s5  }
0x9f: {  	s5 =	ssub.s32 $0x0, s5;
	[sflag:s7] =	ssyncset.done $0x0  }
0xa0: {  	[sflag:s7] =	ssyncadd.s32 s5;
	_ =	sdelay $0x1  }
0xa1: {  	s23 =	simm.s32 $0x1B8B  }
0xa2: {  	_ =	swait.ge [sflag:s23], $0x1  }
0xa3: {  	[sflag:s23] =	ssyncset.done $0x0  }
0xa4: {  	[sflag:s23] =	ssyncadd.s32 $0xFFFFFFFF  }
0xa5: {  	s5 =	sld [smem:$0x0]  }
0xa6: {  	s6 =	sand.u32 $0xFFFFFFFE, s1  }
0xa7: {  	p0 =	sne.s32 s1, s6  }
0xa8: {  	s6 =	sshll.u32 @p0 s6, $0xE  }
0xa9: {  	s6 =	sadd.s32 @p0 $0x11B8D, s6;
	s7 =	sshll.u32 @p0 s5, $0x11  }
0xaa: {  	s6 =	sor.u32 @p0 s7, s6  }
0xab: {  	[sflag:s6] =	ssyncadd.remote.s32 @p0 $0x1;
	_ =	sdelay $0x1  }
0xac: {  	s6 =	simm.s32 @p0 $0x1B8D  }
0xad: {  	_ =	swait.eq @p0 [sflag:s6], $0x1  }
0xae: {  	[sflag:s6] =	ssyncadd.s32 @p0 $0xFFFFFFFF  }
0xaf: {  	s7 =	sshll.u32 @!p0 s1, $0xE  }
0xb0: {  	s7 =	sor.u32 @!p0 $0x4000, s7;
	s6 =	simm.s32 @!p0 $0x1B8D  }
0xb1: {  	s5 =	sshll.u32 @!p0 s5, $0x11;
	s7 =	sadd.s32 @!p0 $0x11B8D, s7;
	_ =	swait.eq @!p0 [sflag:s6], $0x1  }
0xb2: {  	s5 =	sor.u32 @!p0 s5, s7;
	[sflag:s6] =	ssyncadd.s32 @!p0 $0xFFFFFFFF  }
0xb3: {  	s25 =	simm.s32 $0x1B8E;
	s24 =	sld [smem:$0x3FFE];
	[sflag:s5] =	ssyncadd.remote.s32 @!p0 $0x1  }
0xb4: {  	s26 =	simm.s32 $execute0_lowered;
	[smem:$0x3FD2] =	sst s25  }
0xb5: {  	s6 =	sshll.u32 s26, $0x1;
	_ =	strace $0x8000004F;
	[dreg:$0x1] =	wrdreg $0xFFFFFFFF  }
0xb6: {  	s28 =	simm.s32 $_size_execute0_lowered;
	s4 =	sadd.s32 s4, s6;
	[dreg:$0x0] =	wrdreg $0x0  }
0xb7: {  	s6 =	sshll.u32 s28, $0x1;
	[dreg:$0x2] =	wrdreg s4  }
0xb8: {  	[dreg:$0x3] =	wrdreg s6  }
0xb9: {  	[dreg:$0x4] =	wrdreg $0xC0  }
0xba: {  	_ =	task [dreg:s22], $0x5FFFF  }
0xbb: {  	[dreg:$0x1] =	wrdreg $0xFFFFFFFF  }
0xbc: {  	[dreg:$0x0] =	wrdreg $0x60  }
0xbd: {  	[dreg:$0x2] =	wrdreg s24  }
0xbe: {  	[dreg:$0x3] =	wrdreg s18  }
0xbf: {  	[dreg:$0x4] =	wrdreg $0x81000  }
0xc0: {  	[dreg:$0x5] =	wrdreg $0xA  }
0xc1: {  	_ =	task.clear_ibuf [dreg:s22], $0x6FFFF;
	_ =	strace $0x9000004F  }
0xc2: {  	s29 =	simm.s32 $0xA;
	_ =	strace $0x80000051  }
0xc3: {  	_ =	swait.ge [sflag:s29], $0x1  }
0xc4: {  	[sflag:s29] =	ssyncadd.s32 $0xFFFFFFFF  }
0xc5: {  	_ =	strace $0x90000051  }
0xc6: {  	_ =	sfence  }
0xc7: {  	s30 =	sld [smem:$0x0];
	_ =	sdelay $0x2  }
0xc8: {  	s31 =	sshll.u32 s1, $0xD;
	s1 =	sshrl.u32 s1, $0x2  }
0xc9: {  	s4 =	sand.u32 $0x4000, s31;
	s1 =	sadd.s32 s1, s30  }
0xca: {  	s0 =	sor.u32 s4, s0;
	s1 =	sshll.u32 s1, $0x11  }
0xcb: {  	s0 =	sor.u32 s1, s0  }
0xcc: {  	s0 =	sadd.s32 $0x8F2B, s0  }
0xcd: {  	[sflag:s0] =	ssyncadd.remote.s32 $0x1  }
0xce: {  	_ =	sfence.sel $0xFFFF  }
0xcf: {  	[dreg:$0x0] =	wrdreg $0xFFFFFFFF;
	(pc) =	sbr.abs _section_cstart, $3  }
0xd0: {  	[dreg:$0x1] =	wrdreg $0xFFFFFFFF  }
0xd1: {  	_ =	task.clear_ibuf [dreg:s22], $0x2FFFF;
	_ =	strace $0x9FFFFFFF  }
0xd2: {  	(tm) =	ssettm $0x7FFFFFFF  }
0xd3: {  	_ =	shalt  }
tec
execute0_lowered:
.L_overlay_start_1:
0x0: {  	(tag) =	ssettag $0x1  }
0x1: {  	s11 =	rddreg [dreg:$0x0]  }
0x2: {  	s1 =	rddreg [dreg:$0x1]  }
0x3: {  	s2 =	rddreg [dreg:$0x2]  }
0x4: {  	s0 =	rddreg [dreg:$0x3];
	s3 =	simm.s32 $0x0  }
0x5: {  	s6 =	srdreg.scid;
	s7 =	stileid.u32;
	s20 =	simm.s32 $0x80  }
0x6: {  	s21 =	simm.s32 $0x100;
	s22 =	simm.s32 $0x1;
	s23 =	simm.s32 $0x2  }
0x7: {  	s24 =	simm.s32 $0x0;
	[smem:$0x7FF] =	sst s3;
	s4 =	sadd.s32 $0x6B7E00, s11  }
0x8: {  	s5 =	sadd.s32 $0x690C00, s11;
	s12 =	sand.u32 $0x1, s6;
	s8 =	sadd.s32 $0x669A00, s11  }
0x9: {  	s6 =	sadd.s32 $0x6DF000, s11;
	s9 =	sadd.s32 $0x109A00, s11;
	s14 =	smul.u32 $0x2800, s7  }
0xa: {  	s10 =	sadd.s32 $0x53E00, s11;
	s16 =	sshll.u32 s7, $0x1;
	s13 =	smul.u32 $0xA0000, s12  }
0xb: {  	s17 =	smul.u32 $0x50000, s7;
	_ =	strace $0x80000050;
	s30 =	ssub.s32 $0x2, s12  }
0xc: {  	s12 =	sor.u32 s12, s16;
	s15 =	sshrl.u32 s30, $0x1;
	s11 =	sadd.s32 s13, s11  }
0xd: {  	s31 =	sshrl.u32 s17, $0x2;
	s18 =	ssub.s32 s30, s15;
	s19 =	sadd.s32 s14, s11  }
0xe: {  	s11 =	smul.u32 $0x51, s12;
	s16 =	smax.u32 s18, $0x1;
	s18 =	simm.s32 $0x4100  }
0xf: {  	v0 =	vimm.f32 $0.0e+00;
	v1 =	vimm.s32 $0x0;
	s13 =	sadd.s32 s31, s2;
	s12 =	sadd.s32 $0x706200, s19;
	s14 =	sadd.s32 $0x72E200, s19  }
0x10: {  	v2 =	vimm.s32 $0x1;
	v3 =	vimm.s32 $0x2;
	v4 =	vimm.s32 $0x3;
	s15 =	sadd.s32 $0x756200, s19;
	s17 =	sadd.s32 $0x77E200, s19;
	s19 =	simm.s32 $0x3  }
.LBB2_1:
0x11: {  	s25 =	simm.s32 $0x0;
	s26 =	simm.s32 $0x200  }
.LBB2_2:
0x12: {  	p0 =	sne.s32 s26, $0xFE00;
	[tilespmem:s25+$0x4170] =	vst v0  }
0x13: {  	[tilespmem:s25+$0x4100] =	vst v0  }
0x14: {  	[tilespmem:s25+$0x4110] =	vst v0  }
.Ltmp0:
0x15: {  	[tilespmem:s25+$0x4120] =	vst v0;
	(pc) =	sbr.rel @p0 .LBB2_2-.Ltmp0, $4  }
0x16: {  	[tilespmem:s25+$0x4130] =	vst v0  }
0x17: {  	[tilespmem:s25+$0x4140] =	vst v0  }
0x18: {  	[tilespmem:s25+$0x4150] =	vst v0  }
0x19: {  	[tilespmem:s25+$0x4160] =	vst v0;
	s25 =	sshra.s32 s26, $0x2;
	s26 =	sadd.s32 $0x200, s26  }
0x1a: {  	[tilespmem:s25+$0x4170] =	vst v0  }
0x1b: {  	[tilespmem:s25+$0x4100] =	vst v0  }
0x1c: {  	[tilespmem:s25+$0x4110] =	vst v0  }
0x1d: {  	[tilespmem:s25+$0x4120] =	vst v0  }
0x1e: {  	[tilespmem:s25+$0x4130] =	vst v0  }
0x1f: {  	[tilespmem:s25+$0x4140] =	vst v0  }
0x20: {  	[tilespmem:s25+$0x4150] =	vst v0  }
0x21: {  	[tilespmem:s25+$0x4160] =	vst v0;
	s31 =	sadd.s32 $0x0, s13  }
0x22: {  	[spmem:s31] =	stream.linear.scatter [tilespmem:s18], [sflag:$0x3], $0x400, $0x38;
	[tilespmem:$0x1C100] =	vst v63  }
0x23: {  	s25 =	simm.s32 $0x1000;
	_ =	swait.ge [sflag:s19], $0x400  }
.LBB2_4:
0x24: {  	s26 =	sshra.s32 s25, $0x2;
	[sflag:s19] =	ssyncset.done $0x0;
	p0 =	sne.s32 s25, $0x4F000  }
.Ltmp1:
0x25: {  	s26 =	sadd.s32 s26, s13;
	[sflag:s19] =	ssyncadd.s32 $0xFFFFFC00;
	(pc) =	sbr.rel @p0 .LBB2_4-.Ltmp1, $3  }
0x26: {  	[spmem:s26] =	stream.linear.scatter [tilespmem:s18], [sflag:$0x3], $0x400, $0x38;
	[tilespmem:$0x1C100] =	vst v63  }
0x27: {  	s25 =	sadd.s32 $0x1000, s25;
	_ =	sdelay $0x1  }
0x28: {  	_ =	swait.ge [sflag:s19], $0x400  }
0x29: {  	[sflag:s19] =	ssyncset.done $0x0  }
0x2a: {  	[sflag:s19] =	ssyncadd.s32 $0xFFFFFC00  }
0x2b: {  	s25 =	simm.s32 $0x0;
	s26 =	simm.s32 $0x0;
	[bflag:$0x0] =	sbarrier.arrive $0xFFFF  }
.LBB2_6:
0x2c: {  	s28 =	sadd.s32 s11, s26  }
0x2d: {  	s29 =	sshll.u32 s28, $0x4  }
0x2e: {  	s30 =	sadd.s32 s10, s29  }
0x2f: {  	[tilespmem:s25], [sflag:$0x3] =	stream.linear.gather [hbm4b:s30+s25], $0x80, $0x38;
	[tilespmem:$0x1C100] =	vst v63  }
0x30: {  	_ =	swait.ge [sflag:s19], $0x80  }
0x31: {  	[sflag:s19] =	ssyncset.done $0x0  }
0x32: {  	s29 =	sadd.s32 s1, s29;
	[sflag:s19] =	ssyncadd.s32 $0xFFFFFF80  }
0x33: {  	[tilespmem:s20], [sflag:$0x3] =	stream.linear.gather [hbm4b:s29+s25], $0x80, $0x38;
	[tilespmem:$0x1C100] =	vst v63  }
0x34: {  	_ =	swait.ge [sflag:s19], $0x80  }
0x35: {  	s28 =	sshll.u32 s28, $0xB;
	[sflag:s19] =	ssyncset.done $0x0  }
0x36: {  	s28 =	sadd.s32 s9, s28;
	[sflag:s19] =	ssyncadd.s32 $0xFFFFFF80  }
0x37: {  	[tilespmem:s21], [sflag:$0x3] =	stream.linear.gather [hbm4b:s28+s25], $0x4000, $0x38;
	[tilespmem:$0x1C100] =	vst v63  }
0x38: {  	_ =	swait.ge [sflag:s19], $0x4000  }
0x39: {  	[sflag:s19] =	ssyncset.done $0x0  }
0x3a: {  	[sflag:s19] =	ssyncadd.s32 $0xFFFFC000  }
0x3b: {  	[tilespmem:s18], [sflag:$0x1] =	stream.indirect.gather [hbm4b:s6+s20], $0x80, s25, s20, $0xb8;
	[tilespmem:$0x1C100] =	vst v63  }
0x3c: {  	_ =	swait.ge [sflag:s22], $0x4000  }
0x3d: {  	[sflag:s22] =	ssyncset.done $0x0  }
0x3e: {  	s28 =	simm.s32 $0x0;
	[sflag:s22] =	ssyncadd.s32 $0xFFFFC000  }
0x3f: {  	v5 =	vld [tilespmem:s28+$0x100]  }
0x40: {  	v10 =	vld [tilespmem:s28+$0x4100]  }
0x41: {  	v11 =	vld [tilespmem:s28+$0x4110]  }
0x42: {  	v8 =	vld [tilespmem:s28+$0x4130]  }
0x43: {  	v6 =	vld [tilespmem:s28+$0x4140]  }
0x44: {  	v7 =	vld [tilespmem:s28+$0x4150];
	v5 =	vperm.xlane v5, v1  }
0x45: {  	v9 =	vld [tilespmem:s28+$0x4120]  }
0x46: {  	s29 =	simm.s32 $0x200;
	v12 =	vmul.f32 v10, v5;
	v11 =	vmul.f32 v11, v5;
	v10 =	vld [tilespmem:s28+$0x4160]  }
.LBB2_7:
0x47: {  	s30 =	sshra.s32 s29, $0x2;
	p0 =	sne.s32 s29, $0xFE00;
	s29 =	sadd.s32 $0x200, s29;
	v13 =	vld [tilespmem:s28+$0x4170]  }
0x48: {  	v8 =	vmul.f32 v8, v5;
	v14 =	vld [tilespmem:s30+$0x100];
	[tilespmem:s28+$0x4100] =	vst v12  }
0x49: {  	v6 =	vmul.f32 v6, v5;
	v12 =	vld [tilespmem:s30+$0x4100];
	[tilespmem:s28+$0x4110] =	vst v11  }
0x4a: {  	v7 =	vmul.f32 v7, v5;
	v11 =	vld [tilespmem:s30+$0x4110];
	v9 =	vmul.f32 v9, v5;
	[tilespmem:s28+$0x4130] =	vst v8  }
.Ltmp2:
0x4b: {  	v8 =	vld [tilespmem:s30+$0x4130];
	[tilespmem:s28+$0x4140] =	vst v6;
	v10 =	vmul.f32 v10, v5;
	(pc) =	sbr.rel @p0 .LBB2_7-.Ltmp2, $4  }
0x4c: {  	v6 =	vld [tilespmem:s30+$0x4140];
	[tilespmem:s28+$0x4150] =	vst v7;
	v13 =	vmul.f32 v13, v5  }
0x4d: {  	v5 =	vperm.xlane v14, v1;
	v7 =	vld [tilespmem:s30+$0x4150];
	[tilespmem:s28+$0x4120] =	vst v9  }
0x4e: {  	v9 =	vld [tilespmem:s30+$0x4120];
	[tilespmem:s28+$0x4160] =	vst v10  }
0x4f: {  	v12 =	vmul.f32 v12, v5;
	v11 =	vmul.f32 v11, v5;
	v10 =	vld [tilespmem:s30+$0x4160];
	[tilespmem:s28+$0x4170] =	vst v13;
	s28 =	smov.u32 s30  }
0x50: {  	_ = 	snop  }
0x51: {  	v13 =	vld [tilespmem:s28+$0x4170];
	v8 =	vmul.f32 v8, v5;
	[tilespmem:s28+$0x4100] =	vst v12  }
0x52: {  	[tilespmem:s28+$0x4110] =	vst v11;
	v6 =	vmul.f32 v6, v5  }
0x53: {  	[tilespmem:s28+$0x4130] =	vst v8;
	v7 =	vmul.f32 v7, v5  }
0x54: {  	v63 =	vmul.f32 v9, v5;
	[tilespmem:s28+$0x4140] =	vst v6  }
0x55: {  	v6 =	vmul.f32 v10, v5;
	[tilespmem:s28+$0x4150] =	vst v7  }
0x56: {  	s26 =	sadd.s32 $0x1, s26;
	v5 =	vmul.f32 v13, v5;
	[tilespmem:s28+$0x4120] =	vst v63  }
0x57: {  	p0 =	sne.s32 s26, $0x51;
	[tilespmem:s28+$0x4160] =	vst v6  }
.Ltmp3:
0x58: {  	[tilespmem:s28+$0x4170] =	vst v5;
	(pc) =	sbr.rel @p0 .LBB2_6-.Ltmp3, $4  }
0x59: {  	[spmem:s2] =	stream.indirect.scatter.add.f32 [tilespmem:s18], [sflag:$0x2], $0x80, s20, s20, $0xb8;
	[tilespmem:$0x1C100] =	vst v63  }
0x5a: {  	_ =	swait.ge [sflag:s23], $0x4000  }
0x5b: {  	[sflag:s23] =	ssyncset.done $0x0  }
0x5c: {  	[sflag:s23] =	ssyncadd.s32 $0xFFFFC000  }
0x5d: {  	[bflag:$0x0] =	sbarrier.arrive $0xFFFF  }
0x5e: {  	[tilespmem:s18], [sflag:$0x3] =	stream.linear.gather [spmem:s13], $0x400, $0x38;
	[tilespmem:$0x1C100] =	vst v63  }
0x5f: {  	_ =	swait.ge [sflag:s19], $0x400  }
0x60: {  	[sflag:s19] =	ssyncset.done $0x0  }
0x61: {  	s25 =	sadd.s32 $0x0, s12;
	[sflag:s19] =	ssyncadd.s32 $0xFFFFFC00  }
0x62: {  	[hbm4b:s25+s3] =	stream.linear.scatter [tilespmem:s18], [sflag:$0x3], $0x400, $0x38;
	[tilespmem:$0x1C100] =	vst v63  }
0x63: {  	_ =	swait.ge [sflag:s19], $0x400  }
0x64: {  	s26 =	smov.u32 s13;
	s25 =	simm.s32 $0x80;
	[sflag:s19] =	ssyncset.done $0x0  }
.LBB2_10:
0x65: {  	p0 =	sne.s32 s25, $0x2780;
	[sflag:s19] =	ssyncadd.s32 $0xFFFFFC00;
	s26 =	sadd.s32 $0x400, s26  }
0x66: {  	[tilespmem:s18], [sflag:$0x3] =	stream.linear.gather [spmem:s26], $0x400, $0x38;
	[tilespmem:$0x1C100] =	vst v63  }
0x67: {  	s28 =	smov.u32 s25;
	s25 =	sadd.s32 $0x80, s25;
	_ =	swait.ge [sflag:s19], $0x400  }
.Ltmp4:
0x68: {  	[sflag:s19] =	ssyncset.done $0x0;
	(pc) =	sbr.rel @p0 .LBB2_10-.Ltmp4, $4  }
0x69: {  	s28 =	sadd.s32 s28, s12;
	[sflag:s19] =	ssyncadd.s32 $0xFFFFFC00  }
0x6a: {  	[hbm4b:s28+s3] =	stream.linear.scatter [tilespmem:s18], [sflag:$0x3], $0x400, $0x38;
	[tilespmem:$0x1C100] =	vst v63  }
0x6b: {  	_ =	swait.ge [sflag:s19], $0x400  }
0x6c: {  	[sflag:s19] =	ssyncset.done $0x0  }
0x6d: {  	[sflag:s19] =	ssyncadd.s32 $0xFFFFFC00  }
0x6e: {  	s25 =	simm.s32 $0x0;
	s26 =	simm.s32 $0x200;
	[bflag:$0x0] =	sbarrier.arrive $0xFFFF  }
.LBB2_12:
0x6f: {  	p0 =	sne.s32 s26, $0xFE00;
	[tilespmem:s25+$0x4170] =	vst v0  }
0x70: {  	[tilespmem:s25+$0x4100] =	vst v0  }
0x71: {  	[tilespmem:s25+$0x4110] =	vst v0  }
.Ltmp5:
0x72: {  	[tilespmem:s25+$0x4120] =	vst v0;
	(pc) =	sbr.rel @p0 .LBB2_12-.Ltmp5, $4  }
0x73: {  	[tilespmem:s25+$0x4130] =	vst v0  }
0x74: {  	[tilespmem:s25+$0x4140] =	vst v0  }
0x75: {  	[tilespmem:s25+$0x4150] =	vst v0  }
0x76: {  	[tilespmem:s25+$0x4160] =	vst v0;
	s25 =	sshra.s32 s26, $0x2;
	s26 =	sadd.s32 $0x200, s26  }
0x77: {  	[tilespmem:s25+$0x4170] =	vst v0  }
0x78: {  	[tilespmem:s25+$0x4100] =	vst v0  }
0x79: {  	[tilespmem:s25+$0x4110] =	vst v0  }
0x7a: {  	[tilespmem:s25+$0x4120] =	vst v0  }
0x7b: {  	[tilespmem:s25+$0x4130] =	vst v0  }
0x7c: {  	[tilespmem:s25+$0x4140] =	vst v0  }
0x7d: {  	[tilespmem:s25+$0x4150] =	vst v0  }
0x7e: {  	[tilespmem:s25+$0x4160] =	vst v0;
	s31 =	sadd.s32 $0x0, s13  }
0x7f: {  	[spmem:s31] =	stream.linear.scatter [tilespmem:s18], [sflag:$0x3], $0x400, $0x38;
	[tilespmem:$0x1C100] =	vst v63  }
0x80: {  	s25 =	simm.s32 $0x1000;
	_ =	swait.ge [sflag:s19], $0x400  }
.LBB2_14:
0x81: {  	s26 =	sshra.s32 s25, $0x2;
	[sflag:s19] =	ssyncset.done $0x0;
	p0 =	sne.s32 s25, $0x4F000  }
.Ltmp6:
0x82: {  	s26 =	sadd.s32 s26, s13;
	[sflag:s19] =	ssyncadd.s32 $0xFFFFFC00;
	(pc) =	sbr.rel @p0 .LBB2_14-.Ltmp6, $3  }
0x83: {  	[spmem:s26] =	stream.linear.scatter [tilespmem:s18], [sflag:$0x3], $0x400, $0x38;
	[tilespmem:$0x1C100] =	vst v63  }
0x84: {  	s25 =	sadd.s32 $0x1000, s25;
	_ =	sdelay $0x1  }
0x85: {  	_ =	swait.ge [sflag:s19], $0x400  }
0x86: {  	[sflag:s19] =	ssyncset.done $0x0  }
0x87: {  	[sflag:s19] =	ssyncadd.s32 $0xFFFFFC00  }
0x88: {  	s25 =	simm.s32 $0x0;
	s26 =	simm.s32 $0x0;
	[bflag:$0x0] =	sbarrier.arrive $0xFFFF  }
.LBB2_16:
0x89: {  	s28 =	sadd.s32 s11, s26  }
0x8a: {  	s29 =	sshll.u32 s28, $0x4  }
0x8b: {  	s30 =	sadd.s32 s10, s29  }
0x8c: {  	[tilespmem:s25], [sflag:$0x3] =	stream.linear.gather [hbm4b:s30+s25], $0x80, $0x38;
	[tilespmem:$0x1C100] =	vst v63  }
0x8d: {  	_ =	swait.ge [sflag:s19], $0x80  }
0x8e: {  	[sflag:s19] =	ssyncset.done $0x0  }
0x8f: {  	s29 =	sadd.s32 s1, s29;
	[sflag:s19] =	ssyncadd.s32 $0xFFFFFF80  }
0x90: {  	[tilespmem:s20], [sflag:$0x3] =	stream.linear.gather [hbm4b:s29+s25], $0x80, $0x38;
	[tilespmem:$0x1C100] =	vst v63  }
0x91: {  	_ =	swait.ge [sflag:s19], $0x80  }
0x92: {  	s28 =	sshll.u32 s28, $0xB;
	[sflag:s19] =	ssyncset.done $0x0  }
0x93: {  	s28 =	sadd.s32 s9, s28;
	[sflag:s19] =	ssyncadd.s32 $0xFFFFFF80  }
0x94: {  	[tilespmem:s21], [sflag:$0x3] =	stream.linear.gather [hbm4b:s28+s25], $0x4000, $0x38;
	[tilespmem:$0x1C100] =	vst v63  }
0x95: {  	_ =	swait.ge [sflag:s19], $0x4000  }
0x96: {  	[sflag:s19] =	ssyncset.done $0x0  }
0x97: {  	[sflag:s19] =	ssyncadd.s32 $0xFFFFC000  }
0x98: {  	[tilespmem:s18], [sflag:$0x1] =	stream.indirect.gather [hbm4b:s4+s20], $0x80, s25, s20, $0xb8;
	[tilespmem:$0x1C100] =	vst v63  }
0x99: {  	_ =	swait.ge [sflag:s22], $0x4000  }
0x9a: {  	[sflag:s22] =	ssyncset.done $0x0  }
0x9b: {  	s28 =	simm.s32 $0x0;
	[sflag:s22] =	ssyncadd.s32 $0xFFFFC000  }
0x9c: {  	v5 =	vld [tilespmem:s28+$0x100]  }
0x9d: {  	v10 =	vld [tilespmem:s28+$0x4100]  }
0x9e: {  	v11 =	vld [tilespmem:s28+$0x4110]  }
0x9f: {  	v8 =	vld [tilespmem:s28+$0x4130]  }
0xa0: {  	v6 =	vld [tilespmem:s28+$0x4140]  }
0xa1: {  	v7 =	vld [tilespmem:s28+$0x4150];
	v5 =	vperm.xlane v5, v2  }
0xa2: {  	v9 =	vld [tilespmem:s28+$0x4120]  }
0xa3: {  	s29 =	simm.s32 $0x200;
	v12 =	vmul.f32 v10, v5;
	v11 =	vmul.f32 v11, v5;
	v10 =	vld [tilespmem:s28+$0x4160]  }
.LBB2_17:
0xa4: {  	s30 =	sshra.s32 s29, $0x2;
	p0 =	sne.s32 s29, $0xFE00;
	s29 =	sadd.s32 $0x200, s29;
	v13 =	vld [tilespmem:s28+$0x4170]  }
0xa5: {  	v8 =	vmul.f32 v8, v5;
	v14 =	vld [tilespmem:s30+$0x100];
	[tilespmem:s28+$0x4100] =	vst v12  }
0xa6: {  	v6 =	vmul.f32 v6, v5;
	v12 =	vld [tilespmem:s30+$0x4100];
	[tilespmem:s28+$0x4110] =	vst v11  }
0xa7: {  	v7 =	vmul.f32 v7, v5;
	v11 =	vld [tilespmem:s30+$0x4110];
	v9 =	vmul.f32 v9, v5;
	[tilespmem:s28+$0x4130] =	vst v8  }
.Ltmp7:
0xa8: {  	v8 =	vld [tilespmem:s30+$0x4130];
	[tilespmem:s28+$0x4140] =	vst v6;
	v10 =	vmul.f32 v10, v5;
	(pc) =	sbr.rel @p0 .LBB2_17-.Ltmp7, $4  }
0xa9: {  	v6 =	vld [tilespmem:s30+$0x4140];
	[tilespmem:s28+$0x4150] =	vst v7;
	v13 =	vmul.f32 v13, v5  }
0xaa: {  	v5 =	vperm.xlane v14, v2;
	v7 =	vld [tilespmem:s30+$0x4150];
	[tilespmem:s28+$0x4120] =	vst v9  }
0xab: {  	v9 =	vld [tilespmem:s30+$0x4120];
	[tilespmem:s28+$0x4160] =	vst v10  }
0xac: {  	v12 =	vmul.f32 v12, v5;
	v11 =	vmul.f32 v11, v5;
	v10 =	vld [tilespmem:s30+$0x4160];
	[tilespmem:s28+$0x4170] =	vst v13;
	s28 =	smov.u32 s30  }
0xad: {  	_ = 	snop  }
0xae: {  	v13 =	vld [tilespmem:s28+$0x4170];
	v8 =	vmul.f32 v8, v5;
	[tilespmem:s28+$0x4100] =	vst v12  }
0xaf: {  	[tilespmem:s28+$0x4110] =	vst v11;
	v6 =	vmul.f32 v6, v5  }
0xb0: {  	[tilespmem:s28+$0x4130] =	vst v8;
	v7 =	vmul.f32 v7, v5  }
0xb1: {  	v63 =	vmul.f32 v9, v5;
	[tilespmem:s28+$0x4140] =	vst v6  }
0xb2: {  	v6 =	vmul.f32 v10, v5;
	[tilespmem:s28+$0x4150] =	vst v7  }
0xb3: {  	s26 =	sadd.s32 $0x1, s26;
	v5 =	vmul.f32 v13, v5;
	[tilespmem:s28+$0x4120] =	vst v63  }
0xb4: {  	p0 =	sne.s32 s26, $0x51;
	[tilespmem:s28+$0x4160] =	vst v6  }
.Ltmp8:
0xb5: {  	[tilespmem:s28+$0x4170] =	vst v5;
	(pc) =	sbr.rel @p0 .LBB2_16-.Ltmp8, $4  }
0xb6: {  	[spmem:s2] =	stream.indirect.scatter.add.f32 [tilespmem:s18], [sflag:$0x2], $0x80, s20, s20, $0xb8;
	[tilespmem:$0x1C100] =	vst v63  }
0xb7: {  	_ =	swait.ge [sflag:s23], $0x4000  }
0xb8: {  	[sflag:s23] =	ssyncset.done $0x0  }
0xb9: {  	[sflag:s23] =	ssyncadd.s32 $0xFFFFC000  }
0xba: {  	[bflag:$0x0] =	sbarrier.arrive $0xFFFF  }
0xbb: {  	[tilespmem:s18], [sflag:$0x3] =	stream.linear.gather [spmem:s13], $0x400, $0x38;
	[tilespmem:$0x1C100] =	vst v63  }
0xbc: {  	_ =	swait.ge [sflag:s19], $0x400  }
0xbd: {  	[sflag:s19] =	ssyncset.done $0x0  }
0xbe: {  	s25 =	sadd.s32 $0x0, s14;
	[sflag:s19] =	ssyncadd.s32 $0xFFFFFC00  }
0xbf: {  	[hbm4b:s25+s3] =	stream.linear.scatter [tilespmem:s18], [sflag:$0x3], $0x400, $0x38;
	[tilespmem:$0x1C100] =	vst v63  }
0xc0: {  	_ =	swait.ge [sflag:s19], $0x400  }
0xc1: {  	s26 =	smov.u32 s13;
	s25 =	simm.s32 $0x80;
	[sflag:s19] =	ssyncset.done $0x0  }
.LBB2_20:
0xc2: {  	p0 =	sne.s32 s25, $0x2780;
	[sflag:s19] =	ssyncadd.s32 $0xFFFFFC00;
	s26 =	sadd.s32 $0x400, s26  }
0xc3: {  	[tilespmem:s18], [sflag:$0x3] =	stream.linear.gather [spmem:s26], $0x400, $0x38;
	[tilespmem:$0x1C100] =	vst v63  }
0xc4: {  	s28 =	smov.u32 s25;
	s25 =	sadd.s32 $0x80, s25;
	_ =	swait.ge [sflag:s19], $0x400  }
.Ltmp9:
0xc5: {  	[sflag:s19] =	ssyncset.done $0x0;
	(pc) =	sbr.rel @p0 .LBB2_20-.Ltmp9, $4  }
0xc6: {  	s28 =	sadd.s32 s28, s14;
	[sflag:s19] =	ssyncadd.s32 $0xFFFFFC00  }
0xc7: {  	[hbm4b:s28+s3] =	stream.linear.scatter [tilespmem:s18], [sflag:$0x3], $0x400, $0x38;
	[tilespmem:$0x1C100] =	vst v63  }
0xc8: {  	_ =	swait.ge [sflag:s19], $0x400  }
0xc9: {  	[sflag:s19] =	ssyncset.done $0x0  }
0xca: {  	[sflag:s19] =	ssyncadd.s32 $0xFFFFFC00  }
0xcb: {  	s25 =	simm.s32 $0x0;
	s26 =	simm.s32 $0x200;
	[bflag:$0x0] =	sbarrier.arrive $0xFFFF  }
.LBB2_22:
0xcc: {  	p0 =	sne.s32 s26, $0xFE00;
	[tilespmem:s25+$0x4170] =	vst v0  }
0xcd: {  	[tilespmem:s25+$0x4100] =	vst v0  }
0xce: {  	[tilespmem:s25+$0x4110] =	vst v0  }
.Ltmp10:
0xcf: {  	[tilespmem:s25+$0x4120] =	vst v0;
	(pc) =	sbr.rel @p0 .LBB2_22-.Ltmp10, $4  }
0xd0: {  	[tilespmem:s25+$0x4130] =	vst v0  }
0xd1: {  	[tilespmem:s25+$0x4140] =	vst v0  }
0xd2: {  	[tilespmem:s25+$0x4150] =	vst v0  }
0xd3: {  	[tilespmem:s25+$0x4160] =	vst v0;
	s25 =	sshra.s32 s26, $0x2;
	s26 =	sadd.s32 $0x200, s26  }
0xd4: {  	[tilespmem:s25+$0x4170] =	vst v0  }
0xd5: {  	[tilespmem:s25+$0x4100] =	vst v0  }
0xd6: {  	[tilespmem:s25+$0x4110] =	vst v0  }
0xd7: {  	[tilespmem:s25+$0x4120] =	vst v0  }
0xd8: {  	[tilespmem:s25+$0x4130] =	vst v0  }
0xd9: {  	[tilespmem:s25+$0x4140] =	vst v0  }
0xda: {  	[tilespmem:s25+$0x4150] =	vst v0  }
0xdb: {  	[tilespmem:s25+$0x4160] =	vst v0;
	s31 =	sadd.s32 $0x0, s13  }
0xdc: {  	[spmem:s31] =	stream.linear.scatter [tilespmem:s18], [sflag:$0x3], $0x400, $0x38;
	[tilespmem:$0x1C100] =	vst v63  }
0xdd: {  	s25 =	simm.s32 $0x1000;
	_ =	swait.ge [sflag:s19], $0x400  }
.LBB2_24:
0xde: {  	s26 =	sshra.s32 s25, $0x2;
	[sflag:s19] =	ssyncset.done $0x0;
	p0 =	sne.s32 s25, $0x4F000  }
.Ltmp11:
0xdf: {  	s26 =	sadd.s32 s26, s13;
	[sflag:s19] =	ssyncadd.s32 $0xFFFFFC00;
	(pc) =	sbr.rel @p0 .LBB2_24-.Ltmp11, $3  }
0xe0: {  	[spmem:s26] =	stream.linear.scatter [tilespmem:s18], [sflag:$0x3], $0x400, $0x38;
	[tilespmem:$0x1C100] =	vst v63  }
0xe1: {  	s25 =	sadd.s32 $0x1000, s25;
	_ =	sdelay $0x1  }
0xe2: {  	_ =	swait.ge [sflag:s19], $0x400  }
0xe3: {  	[sflag:s19] =	ssyncset.done $0x0  }
0xe4: {  	[sflag:s19] =	ssyncadd.s32 $0xFFFFFC00  }
0xe5: {  	s25 =	simm.s32 $0x0;
	s26 =	simm.s32 $0x0;
	[bflag:$0x0] =	sbarrier.arrive $0xFFFF  }
.LBB2_26:
0xe6: {  	s28 =	sadd.s32 s11, s26  }
0xe7: {  	s29 =	sshll.u32 s28, $0x4  }
0xe8: {  	s30 =	sadd.s32 s10, s29  }
0xe9: {  	[tilespmem:s25], [sflag:$0x3] =	stream.linear.gather [hbm4b:s30+s25], $0x80, $0x38;
	[tilespmem:$0x1C100] =	vst v63  }
0xea: {  	_ =	swait.ge [sflag:s19], $0x80  }
0xeb: {  	[sflag:s19] =	ssyncset.done $0x0  }
0xec: {  	s29 =	sadd.s32 s1, s29;
	[sflag:s19] =	ssyncadd.s32 $0xFFFFFF80  }
0xed: {  	[tilespmem:s20], [sflag:$0x3] =	stream.linear.gather [hbm4b:s29+s25], $0x80, $0x38;
	[tilespmem:$0x1C100] =	vst v63  }
0xee: {  	_ =	swait.ge [sflag:s19], $0x80  }
0xef: {  	s28 =	sshll.u32 s28, $0xB;
	[sflag:s19] =	ssyncset.done $0x0  }
0xf0: {  	s28 =	sadd.s32 s9, s28;
	[sflag:s19] =	ssyncadd.s32 $0xFFFFFF80  }
0xf1: {  	[tilespmem:s21], [sflag:$0x3] =	stream.linear.gather [hbm4b:s28+s25], $0x4000, $0x38;
	[tilespmem:$0x1C100] =	vst v63  }
0xf2: {  	_ =	swait.ge [sflag:s19], $0x4000  }
0xf3: {  	[sflag:s19] =	ssyncset.done $0x0  }
0xf4: {  	[sflag:s19] =	ssyncadd.s32 $0xFFFFC000  }
0xf5: {  	[tilespmem:s18], [sflag:$0x1] =	stream.indirect.gather [hbm4b:s5+s20], $0x80, s25, s20, $0xb8;
	[tilespmem:$0x1C100] =	vst v63  }
0xf6: {  	_ =	swait.ge [sflag:s22], $0x4000  }
0xf7: {  	[sflag:s22] =	ssyncset.done $0x0  }
0xf8: {  	s28 =	simm.s32 $0x0;
	[sflag:s22] =	ssyncadd.s32 $0xFFFFC000  }
0xf9: {  	v5 =	vld [tilespmem:s28+$0x100]  }
0xfa: {  	v10 =	vld [tilespmem:s28+$0x4100]  }
0xfb: {  	v11 =	vld [tilespmem:s28+$0x4110]  }
0xfc: {  	v8 =	vld [tilespmem:s28+$0x4130]  }
0xfd: {  	v6 =	vld [tilespmem:s28+$0x4140]  }
0xfe: {  	v7 =	vld [tilespmem:s28+$0x4150];
	v5 =	vperm.xlane v5, v3  }
0xff: {  	v9 =	vld [tilespmem:s28+$0x4120]  }
0x100: {  	s29 =	simm.s32 $0x200;
	v12 =	vmul.f32 v10, v5;
	v11 =	vmul.f32 v11, v5;
	v10 =	vld [tilespmem:s28+$0x4160]  }
.LBB2_27:
0x101: {  	s30 =	sshra.s32 s29, $0x2;
	p0 =	sne.s32 s29, $0xFE00;
	s29 =	sadd.s32 $0x200, s29;
	v13 =	vld [tilespmem:s28+$0x4170]  }
0x102: {  	v8 =	vmul.f32 v8, v5;
	v14 =	vld [tilespmem:s30+$0x100];
	[tilespmem:s28+$0x4100] =	vst v12  }
0x103: {  	v6 =	vmul.f32 v6, v5;
	v12 =	vld [tilespmem:s30+$0x4100];
	[tilespmem:s28+$0x4110] =	vst v11  }
0x104: {  	v7 =	vmul.f32 v7, v5;
	v11 =	vld [tilespmem:s30+$0x4110];
	v9 =	vmul.f32 v9, v5;
	[tilespmem:s28+$0x4130] =	vst v8  }
.Ltmp12:
0x105: {  	v8 =	vld [tilespmem:s30+$0x4130];
	[tilespmem:s28+$0x4140] =	vst v6;
	v10 =	vmul.f32 v10, v5;
	(pc) =	sbr.rel @p0 .LBB2_27-.Ltmp12, $4  }
0x106: {  	v6 =	vld [tilespmem:s30+$0x4140];
	[tilespmem:s28+$0x4150] =	vst v7;
	v13 =	vmul.f32 v13, v5  }
0x107: {  	v5 =	vperm.xlane v14, v3;
	v7 =	vld [tilespmem:s30+$0x4150];
	[tilespmem:s28+$0x4120] =	vst v9  }
0x108: {  	v9 =	vld [tilespmem:s30+$0x4120];
	[tilespmem:s28+$0x4160] =	vst v10  }
0x109: {  	v12 =	vmul.f32 v12, v5;
	v11 =	vmul.f32 v11, v5;
	v10 =	vld [tilespmem:s30+$0x4160];
	[tilespmem:s28+$0x4170] =	vst v13;
	s28 =	smov.u32 s30  }
0x10a: {  	_ = 	snop  }
0x10b: {  	v13 =	vld [tilespmem:s28+$0x4170];
	v8 =	vmul.f32 v8, v5;
	[tilespmem:s28+$0x4100] =	vst v12  }
0x10c: {  	[tilespmem:s28+$0x4110] =	vst v11;
	v6 =	vmul.f32 v6, v5  }
0x10d: {  	[tilespmem:s28+$0x4130] =	vst v8;
	v7 =	vmul.f32 v7, v5  }
0x10e: {  	v63 =	vmul.f32 v9, v5;
	[tilespmem:s28+$0x4140] =	vst v6  }
0x10f: {  	v6 =	vmul.f32 v10, v5;
	[tilespmem:s28+$0x4150] =	vst v7  }
0x110: {  	s26 =	sadd.s32 $0x1, s26;
	v5 =	vmul.f32 v13, v5;
	[tilespmem:s28+$0x4120] =	vst v63  }
0x111: {  	p0 =	sne.s32 s26, $0x51;
	[tilespmem:s28+$0x4160] =	vst v6  }
.Ltmp13:
0x112: {  	[tilespmem:s28+$0x4170] =	vst v5;
	(pc) =	sbr.rel @p0 .LBB2_26-.Ltmp13, $4  }
0x113: {  	[spmem:s2] =	stream.indirect.scatter.add.f32 [tilespmem:s18], [sflag:$0x2], $0x80, s20, s20, $0xb8;
	[tilespmem:$0x1C100] =	vst v63  }
0x114: {  	_ =	swait.ge [sflag:s23], $0x4000  }
0x115: {  	[sflag:s23] =	ssyncset.done $0x0  }
0x116: {  	[sflag:s23] =	ssyncadd.s32 $0xFFFFC000  }
0x117: {  	[bflag:$0x0] =	sbarrier.arrive $0xFFFF  }
0x118: {  	[tilespmem:s18], [sflag:$0x3] =	stream.linear.gather [spmem:s13], $0x400, $0x38;
	[tilespmem:$0x1C100] =	vst v63  }
0x119: {  	_ =	swait.ge [sflag:s19], $0x400  }
0x11a: {  	[sflag:s19] =	ssyncset.done $0x0  }
0x11b: {  	s25 =	sadd.s32 $0x0, s15;
	[sflag:s19] =	ssyncadd.s32 $0xFFFFFC00  }
0x11c: {  	[hbm4b:s25+s3] =	stream.linear.scatter [tilespmem:s18], [sflag:$0x3], $0x400, $0x38;
	[tilespmem:$0x1C100] =	vst v63  }
0x11d: {  	_ =	swait.ge [sflag:s19], $0x400  }
0x11e: {  	s26 =	smov.u32 s13;
	s25 =	simm.s32 $0x80;
	[sflag:s19] =	ssyncset.done $0x0  }
.LBB2_30:
0x11f: {  	p0 =	sne.s32 s25, $0x2780;
	[sflag:s19] =	ssyncadd.s32 $0xFFFFFC00;
	s26 =	sadd.s32 $0x400, s26  }
0x120: {  	[tilespmem:s18], [sflag:$0x3] =	stream.linear.gather [spmem:s26], $0x400, $0x38;
	[tilespmem:$0x1C100] =	vst v63  }
0x121: {  	s28 =	smov.u32 s25;
	s25 =	sadd.s32 $0x80, s25;
	_ =	swait.ge [sflag:s19], $0x400  }
.Ltmp14:
0x122: {  	[sflag:s19] =	ssyncset.done $0x0;
	(pc) =	sbr.rel @p0 .LBB2_30-.Ltmp14, $4  }
0x123: {  	s28 =	sadd.s32 s28, s15;
	[sflag:s19] =	ssyncadd.s32 $0xFFFFFC00  }
0x124: {  	[hbm4b:s28+s3] =	stream.linear.scatter [tilespmem:s18], [sflag:$0x3], $0x400, $0x38;
	[tilespmem:$0x1C100] =	vst v63  }
0x125: {  	_ =	swait.ge [sflag:s19], $0x400  }
0x126: {  	[sflag:s19] =	ssyncset.done $0x0  }
0x127: {  	[sflag:s19] =	ssyncadd.s32 $0xFFFFFC00  }
0x128: {  	s25 =	simm.s32 $0x0;
	s26 =	simm.s32 $0x200;
	[bflag:$0x0] =	sbarrier.arrive $0xFFFF  }
.LBB2_32:
0x129: {  	p0 =	sne.s32 s26, $0xFE00;
	[tilespmem:s25+$0x4170] =	vst v0  }
0x12a: {  	[tilespmem:s25+$0x4100] =	vst v0  }
0x12b: {  	[tilespmem:s25+$0x4110] =	vst v0  }
.Ltmp15:
0x12c: {  	[tilespmem:s25+$0x4120] =	vst v0;
	(pc) =	sbr.rel @p0 .LBB2_32-.Ltmp15, $4  }
0x12d: {  	[tilespmem:s25+$0x4130] =	vst v0  }
0x12e: {  	[tilespmem:s25+$0x4140] =	vst v0  }
0x12f: {  	[tilespmem:s25+$0x4150] =	vst v0  }
0x130: {  	[tilespmem:s25+$0x4160] =	vst v0;
	s25 =	sshra.s32 s26, $0x2;
	s26 =	sadd.s32 $0x200, s26  }
0x131: {  	[tilespmem:s25+$0x4170] =	vst v0  }
0x132: {  	[tilespmem:s25+$0x4100] =	vst v0  }
0x133: {  	[tilespmem:s25+$0x4110] =	vst v0  }
0x134: {  	[tilespmem:s25+$0x4120] =	vst v0  }
0x135: {  	[tilespmem:s25+$0x4130] =	vst v0  }
0x136: {  	[tilespmem:s25+$0x4140] =	vst v0  }
0x137: {  	[tilespmem:s25+$0x4150] =	vst v0  }
0x138: {  	[tilespmem:s25+$0x4160] =	vst v0;
	s31 =	sadd.s32 $0x0, s13  }
0x139: {  	[spmem:s31] =	stream.linear.scatter [tilespmem:s18], [sflag:$0x3], $0x400, $0x38;
	[tilespmem:$0x1C100] =	vst v63  }
0x13a: {  	s25 =	simm.s32 $0x1000;
	_ =	swait.ge [sflag:s19], $0x400  }
.LBB2_34:
0x13b: {  	s26 =	sshra.s32 s25, $0x2;
	[sflag:s19] =	ssyncset.done $0x0;
	p0 =	sne.s32 s25, $0x4F000  }
.Ltmp16:
0x13c: {  	s26 =	sadd.s32 s26, s13;
	[sflag:s19] =	ssyncadd.s32 $0xFFFFFC00;
	(pc) =	sbr.rel @p0 .LBB2_34-.Ltmp16, $3  }
0x13d: {  	[spmem:s26] =	stream.linear.scatter [tilespmem:s18], [sflag:$0x3], $0x400, $0x38;
	[tilespmem:$0x1C100] =	vst v63  }
0x13e: {  	s25 =	sadd.s32 $0x1000, s25;
	_ =	sdelay $0x1  }
0x13f: {  	_ =	swait.ge [sflag:s19], $0x400  }
0x140: {  	[sflag:s19] =	ssyncset.done $0x0  }
0x141: {  	[sflag:s19] =	ssyncadd.s32 $0xFFFFFC00  }
0x142: {  	s25 =	simm.s32 $0x0;
	s26 =	simm.s32 $0x0;
	[bflag:$0x0] =	sbarrier.arrive $0xFFFF  }
.LBB2_36:
0x143: {  	s28 =	sadd.s32 s11, s26  }
0x144: {  	s29 =	sshll.u32 s28, $0x4  }
0x145: {  	s30 =	sadd.s32 s10, s29  }
0x146: {  	[tilespmem:s25], [sflag:$0x3] =	stream.linear.gather [hbm4b:s30+s25], $0x80, $0x38;
	[tilespmem:$0x1C100] =	vst v63  }
0x147: {  	_ =	swait.ge [sflag:s19], $0x80  }
0x148: {  	[sflag:s19] =	ssyncset.done $0x0  }
0x149: {  	s29 =	sadd.s32 s1, s29;
	[sflag:s19] =	ssyncadd.s32 $0xFFFFFF80  }
0x14a: {  	[tilespmem:s20], [sflag:$0x3] =	stream.linear.gather [hbm4b:s29+s25], $0x80, $0x38;
	[tilespmem:$0x1C100] =	vst v63  }
0x14b: {  	_ =	swait.ge [sflag:s19], $0x80  }
0x14c: {  	s28 =	sshll.u32 s28, $0xB;
	[sflag:s19] =	ssyncset.done $0x0  }
0x14d: {  	s28 =	sadd.s32 s9, s28;
	[sflag:s19] =	ssyncadd.s32 $0xFFFFFF80  }
0x14e: {  	[tilespmem:s21], [sflag:$0x3] =	stream.linear.gather [hbm4b:s28+s25], $0x4000, $0x38;
	[tilespmem:$0x1C100] =	vst v63  }
0x14f: {  	_ =	swait.ge [sflag:s19], $0x4000  }
0x150: {  	[sflag:s19] =	ssyncset.done $0x0  }
0x151: {  	[sflag:s19] =	ssyncadd.s32 $0xFFFFC000  }
0x152: {  	[tilespmem:s18], [sflag:$0x1] =	stream.indirect.gather [hbm4b:s8+s20], $0x80, s25, s20, $0xb8;
	[tilespmem:$0x1C100] =	vst v63  }
0x153: {  	_ =	swait.ge [sflag:s22], $0x4000  }
0x154: {  	[sflag:s22] =	ssyncset.done $0x0  }
0x155: {  	s28 =	simm.s32 $0x0;
	[sflag:s22] =	ssyncadd.s32 $0xFFFFC000  }
0x156: {  	v5 =	vld [tilespmem:s28+$0x100]  }
0x157: {  	v10 =	vld [tilespmem:s28+$0x4100]  }
0x158: {  	v11 =	vld [tilespmem:s28+$0x4110]  }
0x159: {  	v8 =	vld [tilespmem:s28+$0x4130]  }
0x15a: {  	v6 =	vld [tilespmem:s28+$0x4140]  }
0x15b: {  	v7 =	vld [tilespmem:s28+$0x4150];
	v5 =	vperm.xlane v5, v4  }
0x15c: {  	v9 =	vld [tilespmem:s28+$0x4120]  }
0x15d: {  	s29 =	simm.s32 $0x200;
	v12 =	vmul.f32 v10, v5;
	v11 =	vmul.f32 v11, v5;
	v10 =	vld [tilespmem:s28+$0x4160]  }
.LBB2_37:
0x15e: {  	s30 =	sshra.s32 s29, $0x2;
	p0 =	sne.s32 s29, $0xFE00;
	s29 =	sadd.s32 $0x200, s29;
	v13 =	vld [tilespmem:s28+$0x4170]  }
0x15f: {  	v8 =	vmul.f32 v8, v5;
	v14 =	vld [tilespmem:s30+$0x100];
	[tilespmem:s28+$0x4100] =	vst v12  }
0x160: {  	v6 =	vmul.f32 v6, v5;
	v12 =	vld [tilespmem:s30+$0x4100];
	[tilespmem:s28+$0x4110] =	vst v11  }
0x161: {  	v7 =	vmul.f32 v7, v5;
	v11 =	vld [tilespmem:s30+$0x4110];
	v9 =	vmul.f32 v9, v5;
	[tilespmem:s28+$0x4130] =	vst v8  }
.Ltmp17:
0x162: {  	v8 =	vld [tilespmem:s30+$0x4130];
	[tilespmem:s28+$0x4140] =	vst v6;
	v10 =	vmul.f32 v10, v5;
	(pc) =	sbr.rel @p0 .LBB2_37-.Ltmp17, $4  }
0x163: {  	v6 =	vld [tilespmem:s30+$0x4140];
	[tilespmem:s28+$0x4150] =	vst v7;
	v13 =	vmul.f32 v13, v5  }
0x164: {  	v5 =	vperm.xlane v14, v4;
	v7 =	vld [tilespmem:s30+$0x4150];
	[tilespmem:s28+$0x4120] =	vst v9  }
0x165: {  	v9 =	vld [tilespmem:s30+$0x4120];
	[tilespmem:s28+$0x4160] =	vst v10  }
0x166: {  	v12 =	vmul.f32 v12, v5;
	v11 =	vmul.f32 v11, v5;
	v10 =	vld [tilespmem:s30+$0x4160];
	[tilespmem:s28+$0x4170] =	vst v13;
	s28 =	smov.u32 s30  }
0x167: {  	_ = 	snop  }
0x168: {  	v13 =	vld [tilespmem:s28+$0x4170];
	v8 =	vmul.f32 v8, v5;
	[tilespmem:s28+$0x4100] =	vst v12  }
0x169: {  	[tilespmem:s28+$0x4110] =	vst v11;
	v6 =	vmul.f32 v6, v5  }
0x16a: {  	[tilespmem:s28+$0x4130] =	vst v8;
	v7 =	vmul.f32 v7, v5  }
0x16b: {  	v63 =	vmul.f32 v9, v5;
	[tilespmem:s28+$0x4140] =	vst v6  }
0x16c: {  	v6 =	vmul.f32 v10, v5;
	[tilespmem:s28+$0x4150] =	vst v7  }
0x16d: {  	s26 =	sadd.s32 $0x1, s26;
	v5 =	vmul.f32 v13, v5;
	[tilespmem:s28+$0x4120] =	vst v63  }
0x16e: {  	p0 =	sne.s32 s26, $0x51;
	[tilespmem:s28+$0x4160] =	vst v6  }
.Ltmp18:
0x16f: {  	[tilespmem:s28+$0x4170] =	vst v5;
	(pc) =	sbr.rel @p0 .LBB2_36-.Ltmp18, $4  }
0x170: {  	[spmem:s2] =	stream.indirect.scatter.add.f32 [tilespmem:s18], [sflag:$0x2], $0x80, s20, s20, $0xb8;
	[tilespmem:$0x1C100] =	vst v63  }
0x171: {  	_ =	swait.ge [sflag:s23], $0x4000  }
0x172: {  	[sflag:s23] =	ssyncset.done $0x0  }
0x173: {  	[sflag:s23] =	ssyncadd.s32 $0xFFFFC000  }
0x174: {  	[bflag:$0x0] =	sbarrier.arrive $0xFFFF  }
0x175: {  	[tilespmem:s18], [sflag:$0x3] =	stream.linear.gather [spmem:s13], $0x400, $0x38;
	[tilespmem:$0x1C100] =	vst v63  }
0x176: {  	_ =	swait.ge [sflag:s19], $0x400  }
0x177: {  	[sflag:s19] =	ssyncset.done $0x0  }
0x178: {  	s25 =	sadd.s32 $0x0, s17;
	[sflag:s19] =	ssyncadd.s32 $0xFFFFFC00  }
0x179: {  	[hbm4b:s25+s3] =	stream.linear.scatter [tilespmem:s18], [sflag:$0x3], $0x400, $0x38;
	[tilespmem:$0x1C100] =	vst v63  }
0x17a: {  	_ =	swait.ge [sflag:s19], $0x400  }
0x17b: {  	s26 =	smov.u32 s13;
	s25 =	simm.s32 $0x80;
	[sflag:s19] =	ssyncset.done $0x0  }
.LBB2_40:
0x17c: {  	p0 =	sne.s32 s25, $0x2780;
	[sflag:s19] =	ssyncadd.s32 $0xFFFFFC00;
	s26 =	sadd.s32 $0x400, s26  }
0x17d: {  	[tilespmem:s18], [sflag:$0x3] =	stream.linear.gather [spmem:s26], $0x400, $0x38;
	[tilespmem:$0x1C100] =	vst v63  }
0x17e: {  	s28 =	smov.u32 s25;
	s25 =	sadd.s32 $0x80, s25;
	_ =	swait.ge [sflag:s19], $0x400  }
.Ltmp19:
0x17f: {  	[sflag:s19] =	ssyncset.done $0x0;
	(pc) =	sbr.rel @p0 .LBB2_40-.Ltmp19, $4  }
0x180: {  	s28 =	sadd.s32 s28, s17;
	[sflag:s19] =	ssyncadd.s32 $0xFFFFFC00  }
0x181: {  	[hbm4b:s28+s3] =	stream.linear.scatter [tilespmem:s18], [sflag:$0x3], $0x400, $0x38;
	[tilespmem:$0x1C100] =	vst v63  }
0x182: {  	_ =	swait.ge [sflag:s19], $0x400  }
0x183: {  	[sflag:s19] =	ssyncset.done $0x0  }
0x184: {  	s24 =	sadd.s32 $0x1, s24  }
0x185: {  	p0 =	sne.s32 s24, s16  }
.Ltmp20:
0x186: {  	_ = 	snop;
	(pc) =	sbr.rel @p0 .LBB2_1-.Ltmp20, $3  }
0x187: {  	_ = 	snop  }
0x188: {  	[sflag:s19] =	ssyncadd.s32 $0xFFFFFC00  }
0x189: {  	[bflag:$0x0] =	sbarrier.arrive $0xFFFF;
	_ =	sdelay $0x1  }
0x18a: {  	_ =	sfence.sel $0x180000  }
0x18b: {  	[bflag:$0x0] =	sbarrier.arrive $0xFFFF  }
0x18c: {  	p0 =	sne.s32 s7, $0x0;
	_ =	strace $0x90000050  }
0x18d: {  	s0 =	sadd.s32 @!p0 $0x100000, s0;
	[bflag:$0x2] =	sbarrier.arrive $0xFFFF  }
0x18e: {  	[sflag:s0] =	ssyncadd.tile.s32 @!p0 $0x1;
	_ =	shalt  }
.Lfunc_end2:
_tile_overlayer_lowered:
.L_overlay_start_2:
0x18f: {  	(tag) =	ssettag $0x2  }
0x190: {  	s0 =	rddreg [dreg:$0x0];
	s2 =	stileid.u32  }
0x191: {  	s1 =	rddreg [dreg:$0x1];
	p0 =	sne.s32 s2, $0x0  }
0x192: {  	s3 =	rddreg [dreg:$0x2];
	[bflag:$0x3] =	sbarrier.arrive $0xFFFF;
	s2 =	simm.s32 @!p0 $0x1C03  }
0x193: {  	[timem:s3], [sflag:s2] =	dma.local @!p0 [hbm:s0], s1  }
0x194: {  	s0 =	simm.s32 @!p0 $0x3  }
0x195: {  	_ =	swait.ge @!p0 [sflag:s0], s1  }
0x196: {  	s1 =	ssub.s32 @!p0 $0x0, s1;
	[sflag:s0] =	ssyncset.done @!p0 $0x0  }
0x197: {  	[sflag:s0] =	ssyncadd.s32 @!p0 s1  }
0x198: {  	[bflag:$0x3] =	sbarrier.arrive $0xFFFF  }
0x199: {  	_ =	shalt  }

// kernel: kernel.20.cloned.1.call-start
scs
__scs_entry_jumppad:
0x0: {  	(pc) =	sbr.rel $0x88, $3  }
0x1: {  	(tag) =	ssettag $0x0;
	lr =	simm.s32 $0x1  }
0x2: {  	[smem:$0x3F91] =	sst lr;
	_ =	strace $0xD0000000  }
0x3: {  	_ = 	snop  }
0x4: {  	_ = 	snop  }
0x5: {  	_ = 	snop  }
0x6: {  	_ = 	snop  }
0x7: {  	_ = 	snop  }
__scs_overlays_trampoline_lowered:
0x8: {  	[smem:$0x3FA0] =	sst s0  }
0x9: {  	[smem:$0x3FA1] =	sst s1  }
0xa: {  	[smem:$0x3FA2] =	sst s2  }
0xb: {  	[smem:$0x3FA3] =	sst s3  }
0xc: {  	[smem:$0x3FA4] =	sst s4  }
0xd: {  	[smem:$0x3FA5] =	sst s5  }
0xe: {  	[smem:$0x3FA6] =	sst s6  }
0xf: {  	[smem:$0x3FA7] =	sst s7  }
0x10: {  	[smem:$0x3FA8] =	sst s8  }
0x11: {  	[smem:$0x3FA9] =	sst s9;
	s0 =	simm.s32 @!p0 $0x0  }
0x12: {  	s1 =	sld [smem:$0x3F8F];
	s0 =	simm.s32 @p0 $0x1  }
0x13: {  	[smem:$0x3FAA] =	sst s0;
	s0 =	simm.s32 @!p1 $0x0  }
0x14: {  	s2 =	sld [smem:$0x3F8E];
	s0 =	simm.s32 @p1 $0x1  }
0x15: {  	[smem:$0x3FAB] =	sst s0;
	s0 =	simm.s32 @!p2 $0x0  }
0x16: {  	s3 =	sld [smem:$0x3FDB];
	s0 =	simm.s32 @p2 $0x1  }
0x17: {  	s4 =	simm.s32 $0x1BF5;
	[smem:$0x3FAD] =	sst s0  }
0x18: {  	s0 =	sld [smem:$0x3F90];
	_ =	swait.ge [sflag:s4], $0x0  }
0x19: {  	s7 =	sld [smem:$0x3F91]  }
0x1a: {  	s8 =	sadd.s32 $0xFFFFE003, lr  }
0x1b: {  	s9 =	sadd.s32 $0xFFFFFEF7, lr;
	s5 =	simm.s32 $0xFFFFFFFF;
	p2 =	slt.u32 s8, $0xFFFFF086  }
0x1c: {  	p1 =	slt.u32 s9, $0xF7A;
	s5 =	simm.s32 @!p2 $0x0  }
0x1d: {  	s5 =	simm.s32 @p1 $0x1;
	p0 =	seq.s32 s7, s2  }
0x1e: {  	s7 =	smul.u32 @!p0 $0xF7A, s2;
	p2 =	seq.s32 @!p0 s5, $0x0  }
0x1f: {  	s9 =	smul.u32 $0xF7A, s1;
	s8 =	simm.s32 @!p0 $0x1BF5;
	p2 =	por !p2, p0  }
0x20: {  	[sflag:s8] =	ssyncset.s32 @!p0 $0xFFFFF086;
	s6 =	sadd.s32 @!p0 s3, s7;
	s7 =	simm.s32 @!p0 $0x108  }
0x21: {  	s3 =	sadd.s32 s3, s9;
	s6 =	sadd.s32 @!p0 $0x88, s6;
	s7 =	simm.s32 @p2 $0x1082  }
0x22: {  	[simem:s7], [sflag:s8] =	dma.local @!p0 [hbm:s6], $0xF7A  }
0x23: {  	s9 =	sor.u32 $0xD0000000, s2;
	s6 =	simm.s32 $0x108;
	_ =	swait.ge @!p0 [sflag:s8], $0x0  }
0x24: {  	s3 =	sadd.s32 $0x88, s3;
	s6 =	simm.s32 @!p1 $0x1082;
	[sflag:s4] =	ssyncset.s32 $0xFFFFF086  }
0x25: {  	[simem:s6], [sflag:s4] =	dma.local [hbm:s3], $0xF7A  }
0x26: {  	[smem:$0x3F91] =	sst s1;
	(tag) =	ssettag s2;
	_ =	strace s9  }
0x27: {  	s1 =	sld [smem:$0x3FA1]  }
0x28: {  	s2 =	sld [smem:$0x3FA2]  }
0x29: {  	s4 =	sld [smem:$0x3FA4]  }
0x2a: {  	p0 =	seq.s32 s5, $0x0;
	s5 =	sld [smem:$0x3FA5]  }
0x2b: {  	s6 =	sld [smem:$0x3FA6]  }
0x2c: {  	s7 =	sld [smem:$0x3FA7]  }
0x2d: {  	s3 =	simm.s32 $0x108;
	s8 =	sld [smem:$0x3FA8]  }
0x2e: {  	s3 =	simm.s32 @!p0 $0x1082;
	s9 =	sld [smem:$0x3FA9]  }
0x2f: {  	lr =	sadd.s32 s0, s3;
	s0 =	sld [smem:$0x3FA0]  }
0x30: {  	s3 =	sld [smem:$0x3FA3]  }
0x31: {  	[smem:$0x3FAC] =	sst s10  }
0x32: {  	s10 =	sld [smem:$0x3FAA];
	_ =	sdelay $0x3  }
0x33: {  	p0 =	seq.s32 s10, $0x1;
	s10 =	sld [smem:$0x3FAC];
	_ =	sdelay $0x3  }
0x34: {  	[smem:$0x3FAC] =	sst s10  }
0x35: {  	s10 =	sld [smem:$0x3FAB];
	_ =	sdelay $0x3  }
0x36: {  	p1 =	seq.s32 s10, $0x1;
	s10 =	sld [smem:$0x3FAC];
	_ =	sdelay $0x3  }
0x37: {  	[smem:$0x3FAC] =	sst s10  }
0x38: {  	s10 =	sld [smem:$0x3FAD]  }
0x39: {  	_ = 	snop;
	(pc) =	sbr.ind lr, $3  }
0x3a: {  	_ = 	snop  }
0x3b: {  	_ = 	snop  }
0x3c: {  	p2 =	seq.s32 s10, $0x1;
	s10 =	sld [smem:$0x3FAC]  }
0x3d: {  	_ =	shalt  }
0x3e: {  	_ =	shalt  }
0x3f: {  	_ =	shalt  }
0x40: {  	_ =	shalt  }
0x41: {  	_ =	shalt  }
0x42: {  	_ =	shalt  }
0x43: {  	_ =	shalt  }
0x44: {  	_ =	shalt  }
0x45: {  	_ =	shalt  }
0x46: {  	_ =	shalt  }
0x47: {  	_ =	shalt  }
0x48: {  	_ =	shalt  }
0x49: {  	_ =	shalt  }
0x4a: {  	_ =	shalt  }
0x4b: {  	_ =	shalt  }
0x4c: {  	_ =	shalt  }
0x4d: {  	_ =	shalt  }
0x4e: {  	_ =	shalt  }
0x4f: {  	_ =	shalt  }
0x50: {  	_ =	shalt  }
0x51: {  	_ =	shalt  }
0x52: {  	_ =	shalt  }
0x53: {  	_ =	shalt  }
0x54: {  	_ =	shalt  }
0x55: {  	_ =	shalt  }
0x56: {  	_ =	shalt  }
0x57: {  	_ =	shalt  }
0x58: {  	_ =	shalt  }
0x59: {  	_ =	shalt  }
0x5a: {  	_ =	shalt  }
0x5b: {  	_ =	shalt  }
0x5c: {  	_ =	shalt  }
0x5d: {  	_ =	shalt  }
0x5e: {  	_ =	shalt  }
0x5f: {  	_ =	shalt  }
0x60: {  	_ =	shalt  }
0x61: {  	_ =	shalt  }
0x62: {  	_ =	shalt  }
0x63: {  	_ =	shalt  }
0x64: {  	_ =	shalt  }
0x65: {  	_ =	shalt  }
0x66: {  	_ =	shalt  }
0x67: {  	_ =	shalt  }
0x68: {  	_ =	shalt  }
0x69: {  	_ =	shalt  }
0x6a: {  	_ =	shalt  }
0x6b: {  	_ =	shalt  }
0x6c: {  	_ =	shalt  }
0x6d: {  	_ =	shalt  }
0x6e: {  	_ =	shalt  }
0x6f: {  	_ =	shalt  }
0x70: {  	_ =	shalt  }
0x71: {  	_ =	shalt  }
0x72: {  	_ =	shalt  }
0x73: {  	_ =	shalt  }
0x74: {  	_ =	shalt  }
0x75: {  	_ =	shalt  }
0x76: {  	_ =	shalt  }
0x77: {  	_ =	shalt  }
0x78: {  	_ =	shalt  }
0x79: {  	_ =	shalt  }
0x7a: {  	_ =	shalt  }
0x7b: {  	_ =	shalt  }
0x7c: {  	_ =	shalt  }
0x7d: {  	_ =	shalt  }
0x7e: {  	_ =	shalt  }
0x7f: {  	_ =	shalt  }
0x80: {  	_ =	shalt  }
0x81: {  	_ =	shalt  }
0x82: {  	_ =	shalt  }
0x83: {  	_ =	shalt  }
0x84: {  	_ =	shalt  }
0x85: {  	_ =	shalt  }
0x86: {  	_ =	shalt  }
0x87: {  	_ =	shalt  }
.Lfunc_end0:
.L_simem_size_0:
called_computation.4_lowered:
.L_overlay_start_0:
0x88: {  	s2 =	sld [smem:$0x3FD9]  }
0x89: {  	s3 =	sld [smem:$0x3FFE];
	_ =	sdelay $0x1  }
0x8a: {  	s1 =	srdreg.scid  }
0x8b: {  	s0 =	sand.u32 $0x1, s1  }
0x8c: {  	s17 =	sshll.u32 s0, $0xA;
	s2 =	sadd.s32 s3, s2  }
0x8d: {  	s2 =	sadd.s32 s2, s17  }
0x8e: {  	[smem:$0x3FB8] =	sst s2  }
0x8f: {  	_ = 	snop  }
0x90: {  	s2 =	sld [smem:$0x3FD0];
	(tm) =	ssettm $0x1  }
0x91: {  	s18 =	sld [smem:$0x3FFB];
	_ =	sdelay $0x3  }
0x92: {  	_ =	strace s18  }
0x93: {  	s3 =	sld [smem:$0x3FFC];
	_ =	sdelay $0x3  }
0x94: {  	_ =	strace s3  }
0x95: {  	s3 =	sld [smem:$0x3FFD];
	_ =	sdelay $0x3  }
0x96: {  	_ =	strace s3  }
0x97: {  	_ =	strace $0x8FFFFFFF  }
0x98: {  	s19 =	sld [smem:$0x3FDB];
	_ =	sdelay $0x1  }
0x99: {  	s4 =	simm.s32 $_scs_section_size  }
0x9a: {  	s5 =	simm.s32 $_size__tile_overlayer_lowered;
	s6 =	simm.s32 $_tile_overlayer_lowered  }
0x9b: {  	s22 =	simm.s32 $0x1BFF;
	s21 =	sshll.u32 s6, $0x1;
	s3 =	sadd.s32 s4, s19  }
0x9c: {  	s7 =	simm.s32 $0x0;
	s20 =	sshll.u32 s5, $0x1;
	s5 =	sadd.s32 s21, s3  }
0x9d: {  	[timem:s7], [sflag:s22] =	dma.local [hbm:s5], s20  }
0x9e: {  	_ =	swait.ge [sflag:s22], s20  }
0x9f: {  	s4 =	ssub.s32 $0x0, s20;
	[sflag:s22] =	ssyncset.done $0x0  }
0xa0: {  	[sflag:s22] =	ssyncadd.s32 s4;
	_ =	sdelay $0x1  }
0xa1: {  	s23 =	simm.s32 $0x1B8B  }
0xa2: {  	_ =	swait.ge [sflag:s23], $0x1  }
0xa3: {  	[sflag:s23] =	ssyncset.done $0x0  }
0xa4: {  	s25 =	simm.s32 $0x1B8E;
	s24 =	sld [smem:$0x3FFE];
	[sflag:s23] =	ssyncadd.s32 $0xFFFFFFFF  }
0xa5: {  	s26 =	simm.s32 $execute0_lowered;
	[smem:$0x3FD2] =	sst s25  }
0xa6: {  	s5 =	sshll.u32 s26, $0x1;
	_ =	strace $0x80000052;
	[dreg:$0x1] =	wrdreg $0xFFFFFFFF  }
0xa7: {  	s28 =	simm.s32 $_size_execute0_lowered;
	s3 =	sadd.s32 s3, s5;
	[dreg:$0x0] =	wrdreg $0x0  }
0xa8: {  	s5 =	sshll.u32 s28, $0x1;
	[dreg:$0x2] =	wrdreg s3  }
0xa9: {  	[dreg:$0x3] =	wrdreg s5  }
0xaa: {  	[dreg:$0x4] =	wrdreg $0xC0  }
0xab: {  	_ =	task [dreg:s7], $0x5FFFF  }
0xac: {  	[dreg:$0x1] =	wrdreg $0xFFFFFFFF  }
0xad: {  	[dreg:$0x0] =	wrdreg $0x60  }
0xae: {  	[dreg:$0x2] =	wrdreg s24  }
0xaf: {  	[dreg:$0x3] =	wrdreg s2  }
0xb0: {  	[dreg:$0x4] =	wrdreg $0x40800  }
0xb1: {  	[dreg:$0x5] =	wrdreg $0x9  }
0xb2: {  	_ =	task.clear_ibuf [dreg:s7], $0x6FFFF;
	_ =	strace $0x90000052  }
0xb3: {  	s29 =	simm.s32 $0x9;
	_ =	strace $0x80000054  }
0xb4: {  	_ =	swait.ge [sflag:s29], $0x1  }
0xb5: {  	[sflag:s29] =	ssyncadd.s32 $0xFFFFFFFF  }
0xb6: {  	_ =	strace $0x90000054  }
0xb7: {  	_ =	sfence  }
0xb8: {  	s30 =	sld [smem:$0x0];
	_ =	sdelay $0x2  }
0xb9: {  	s31 =	sshll.u32 s1, $0xD;
	s1 =	sshrl.u32 s1, $0x2  }
0xba: {  	s3 =	sand.u32 $0x4000, s31;
	s1 =	sadd.s32 s1, s30  }
0xbb: {  	s0 =	sor.u32 s3, s0;
	s1 =	sshll.u32 s1, $0x11  }
0xbc: {  	s0 =	sor.u32 s1, s0  }
0xbd: {  	s0 =	sadd.s32 $0x8F2B, s0  }
0xbe: {  	[sflag:s0] =	ssyncadd.remote.s32 $0x1  }
0xbf: {  	_ =	sfence.sel $0xFFFF  }
0xc0: {  	[dreg:$0x0] =	wrdreg $0xFFFFFFFF;
	(pc) =	sbr.abs _section_cstart, $3  }
0xc1: {  	[dreg:$0x1] =	wrdreg $0xFFFFFFFF  }
0xc2: {  	_ =	task.clear_ibuf [dreg:s7], $0x2FFFF;
	_ =	strace $0x9FFFFFFF  }
0xc3: {  	(tm) =	ssettm $0x7FFFFFFF  }
tec
execute0_lowered:
.L_overlay_start_1:
0x0: {  	(tag) =	ssettag $0x1  }
0x1: {  	s1 =	stileid.u32  }
0x2: {  	s5 =	rddreg [dreg:$0x0];
	s7 =	smul.u32 $0x51000, s1  }
0x3: {  	s2 =	rddreg [dreg:$0x1];
	s9 =	smul.u32 $0x50000, s1  }
0x4: {  	s6 =	srdreg.scid;
	s12 =	smul.u32 $0x5100, s1  }
0x5: {  	s3 =	rddreg [dreg:$0x2];
	s6 =	sand.u32 $0x1, s6;
	s30 =	smul.u32 $0x2800, s1  }
0x6: {  	s0 =	rddreg [dreg:$0x3];
	s4 =	simm.s32 $0x0;
	s8 =	smul.u32 $0x28000, s6  }
0x7: {  	s13 =	simm.s32 $0x0;
	[smem:$0x7FF] =	sst s4;
	s11 =	smul.u32 $0x28800, s6  }
0x8: {  	_ =	strace $0x80000053;
	s10 =	ssub.s32 $0x2, s6;
	s31 =	smul.u32 $0x2880, s6  }
0x9: {  	s7 =	sadd.s32 s7, s5;
	s28 =	sshrl.u32 s10, $0x1;
	s29 =	sshrl.u32 s9, $0x2  }
0xa: {  	s8 =	sadd.s32 s8, s5;
	s10 =	ssub.s32 s10, s28;
	s5 =	sadd.s32 s29, s3  }
0xb: {  	s7 =	sadd.s32 s11, s7;
	s11 =	simm.s32 $0x2;
	s6 =	smax.u32 s10, $0x1  }
0xc: {  	s7 =	sadd.s32 $0x95600, s7;
	s9 =	sadd.s32 s30, s8;
	s8 =	sadd.s32 s31, s12  }
0xd: {  	v0 =	vimm.f32 $0.0e+00;
	s10 =	simm.s32 $0x80;
	s12 =	simm.s32 $0x1;
	s9 =	sadd.s32 $0x57D600, s9  }
.LBB2_1:
0xe: {  	s14 =	simm.s32 $0x0;
	s15 =	simm.s32 $0x200  }
.LBB2_2:
0xf: {  	p0 =	sne.s32 s15, $0xFE00;
	[tilespmem:s14+$0xF0] =	vst v0  }
0x10: {  	[tilespmem:s14+$0x80] =	vst v0  }
0x11: {  	[tilespmem:s14+$0x90] =	vst v0  }
.Ltmp0:
0x12: {  	[tilespmem:s14+$0xA0] =	vst v0;
	(pc) =	sbr.rel @p0 .LBB2_2-.Ltmp0, $4  }
0x13: {  	[tilespmem:s14+$0xB0] =	vst v0  }
0x14: {  	[tilespmem:s14+$0xC0] =	vst v0  }
0x15: {  	[tilespmem:s14+$0xD0] =	vst v0  }
0x16: {  	[tilespmem:s14+$0xE0] =	vst v0;
	s14 =	sshra.s32 s15, $0x2;
	s15 =	sadd.s32 $0x200, s15  }
0x17: {  	[tilespmem:s14+$0xF0] =	vst v0  }
0x18: {  	[tilespmem:s14+$0x80] =	vst v0  }
0x19: {  	[tilespmem:s14+$0x90] =	vst v0  }
0x1a: {  	[tilespmem:s14+$0xA0] =	vst v0  }
0x1b: {  	[tilespmem:s14+$0xB0] =	vst v0  }
0x1c: {  	[tilespmem:s14+$0xC0] =	vst v0  }
0x1d: {  	[tilespmem:s14+$0xD0] =	vst v0  }
0x1e: {  	[tilespmem:s14+$0xE0] =	vst v0;
	s31 =	sadd.s32 $0x0, s5  }
0x1f: {  	[spmem:s31] =	stream.linear.scatter [tilespmem:s10], [sflag:$0x2], $0x400, $0x38;
	[tilespmem:$0x18080] =	vst v63  }
0x20: {  	s14 =	simm.s32 $0x1000;
	_ =	swait.ge [sflag:s11], $0x400  }
.LBB2_4:
0x21: {  	s15 =	sshra.s32 s14, $0x2;
	[sflag:s11] =	ssyncset.done $0x0;
	p0 =	sne.s32 s14, $0x4F000  }
.Ltmp1:
0x22: {  	s15 =	sadd.s32 s15, s5;
	[sflag:s11] =	ssyncadd.s32 $0xFFFFFC00;
	(pc) =	sbr.rel @p0 .LBB2_4-.Ltmp1, $3  }
0x23: {  	[spmem:s15] =	stream.linear.scatter [tilespmem:s10], [sflag:$0x2], $0x400, $0x38;
	[tilespmem:$0x18080] =	vst v63  }
0x24: {  	s14 =	sadd.s32 $0x1000, s14;
	_ =	sdelay $0x1  }
0x25: {  	_ =	swait.ge [sflag:s11], $0x400  }
0x26: {  	[sflag:s11] =	ssyncset.done $0x0;
	s14 =	sadd.s32 $0x2800, s8  }
0x27: {  	[sflag:s11] =	ssyncadd.s32 $0xFFFFFC00;
	s14 =	sshrl.u32 s14, $0x3  }
0x28: {  	[bflag:$0x0] =	sbarrier.arrive $0xFFFF;
	s14 =	sadd.s32 s2, s14  }
0x29: {  	[tilespmem:s4], [sflag:$0x2] =	stream.linear.gather [hbm4b:s14+s4], $0x80, $0x38;
	[tilespmem:$0x18080] =	vst v63  }
0x2a: {  	_ =	swait.ge [sflag:s11], $0x80  }
0x2b: {  	[sflag:s11] =	ssyncset.done $0x0  }
0x2c: {  	[sflag:s11] =	ssyncadd.s32 $0xFFFFFF80  }
0x2d: {  	[tilespmem:s10], [sflag:$0x2] =	stream.linear.gather [hbm4b:s7+s4], $0x4000, $0x38;
	[tilespmem:$0x18080] =	vst v63  }
0x2e: {  	_ =	swait.ge [sflag:s11], $0x4000  }
0x2f: {  	[sflag:s11] =	ssyncset.done $0x0  }
0x30: {  	[sflag:s11] =	ssyncadd.s32 $0xFFFFC000  }
0x31: {  	[spmem:s3] =	stream.indirect.scatter.add.f32 [tilespmem:s10], [sflag:$0x1], $0x80, s4, s10, $0xb8;
	[tilespmem:$0x18080] =	vst v63  }
0x32: {  	s15 =	simm.s32 $0x2700;
	s31 =	sadd.s32 $0x2780, s8;
	_ =	swait.ge [sflag:s12], $0x4000  }
0x33: {  	s16 =	sshrl.u32 s31, $0x3;
	s14 =	sadd.s32 $0xFFFFF800, s7;
	[sflag:s12] =	ssyncset.done $0x0  }
.LBB2_6:
0x34: {  	s16 =	sadd.s32 s2, s16  }
0x35: {  	[sflag:s12] =	ssyncadd.s32 $0xFFFFC000;
	s17 =	smov.u32 s15;
	s18 =	sadd.s32 $0xFFFFFF80, s15  }
0x36: {  	[tilespmem:s4], [sflag:$0x2] =	stream.linear.gather [hbm4b:s16+s4], $0x80, $0x38;
	[tilespmem:$0x18080] =	vst v63  }
0x37: {  	p0 =	sne.s32 s15, $0x0;
	_ =	swait.ge [sflag:s11], $0x80  }
0x38: {  	[sflag:s11] =	ssyncset.done $0x0  }
0x39: {  	[sflag:s11] =	ssyncadd.s32 $0xFFFFFF80  }
0x3a: {  	[tilespmem:s10], [sflag:$0x2] =	stream.linear.gather [hbm4b:s14+s4], $0x4000, $0x38;
	[tilespmem:$0x18080] =	vst v63  }
0x3b: {  	_ =	swait.ge [sflag:s11], $0x4000  }
.Ltmp2:
0x3c: {  	[sflag:s11] =	ssyncset.done $0x0;
	(pc) =	sbr.rel @p0 .LBB2_6-.Ltmp2, $4  }
0x3d: {  	s15 =	sadd.s32 s17, s8;
	[sflag:s11] =	ssyncadd.s32 $0xFFFFC000  }
0x3e: {  	[spmem:s3] =	stream.indirect.scatter.add.f32 [tilespmem:s10], [sflag:$0x1], $0x80, s4, s10, $0xb8;
	[tilespmem:$0x18080] =	vst v63  }
0x3f: {  	s16 =	sshrl.u32 s15, $0x3;
	_ =	swait.ge [sflag:s12], $0x4000  }
0x40: {  	s15 =	smov.u32 s18;
	s14 =	sadd.s32 $0xFFFFF800, s14;
	[sflag:s12] =	ssyncset.done $0x0  }
0x41: {  	s15 =	sadd.s32 s2, s16;
	[sflag:s12] =	ssyncadd.s32 $0xFFFFC000  }
0x42: {  	[tilespmem:s4], [sflag:$0x2] =	stream.linear.gather [hbm4b:s15+s4], $0x80, $0x38;
	[tilespmem:$0x18080] =	vst v63  }
0x43: {  	_ =	swait.ge [sflag:s11], $0x80  }
0x44: {  	[sflag:s11] =	ssyncset.done $0x0  }
0x45: {  	[sflag:s11] =	ssyncadd.s32 $0xFFFFFF80  }
0x46: {  	[tilespmem:s10], [sflag:$0x2] =	stream.linear.gather [hbm4b:s14+s4], $0x4000, $0x38;
	[tilespmem:$0x18080] =	vst v63  }
0x47: {  	_ =	swait.ge [sflag:s11], $0x4000  }
0x48: {  	[sflag:s11] =	ssyncset.done $0x0  }
0x49: {  	[sflag:s11] =	ssyncadd.s32 $0xFFFFC000  }
0x4a: {  	[spmem:s3] =	stream.indirect.scatter.add.f32 [tilespmem:s10], [sflag:$0x1], $0x80, s4, s10, $0xb8;
	[tilespmem:$0x18080] =	vst v63  }
0x4b: {  	_ =	swait.ge [sflag:s12], $0x4000  }
0x4c: {  	[sflag:s12] =	ssyncset.done $0x0  }
0x4d: {  	[sflag:s12] =	ssyncadd.s32 $0xFFFFC000  }
0x4e: {  	[bflag:$0x0] =	sbarrier.arrive $0xFFFF  }
0x4f: {  	[tilespmem:s10], [sflag:$0x2] =	stream.linear.gather [spmem:s5], $0x400, $0x38;
	[tilespmem:$0x18080] =	vst v63  }
0x50: {  	_ =	swait.ge [sflag:s11], $0x400  }
0x51: {  	[sflag:s11] =	ssyncset.done $0x0  }
0x52: {  	s31 =	sadd.s32 $0x0, s9;
	[sflag:s11] =	ssyncadd.s32 $0xFFFFFC00  }
0x53: {  	[hbm4b:s31+s4] =	stream.linear.scatter [tilespmem:s10], [sflag:$0x2], $0x400, $0x38;
	[tilespmem:$0x18080] =	vst v63  }
0x54: {  	_ =	swait.ge [sflag:s11], $0x400  }
0x55: {  	s15 =	smov.u32 s5;
	s14 =	simm.s32 $0x80;
	[sflag:s11] =	ssyncset.done $0x0  }
.LBB2_8:
0x56: {  	p0 =	sne.s32 s14, $0x2780;
	[sflag:s11] =	ssyncadd.s32 $0xFFFFFC00;
	s15 =	sadd.s32 $0x400, s15  }
0x57: {  	[tilespmem:s10], [sflag:$0x2] =	stream.linear.gather [spmem:s15], $0x400, $0x38;
	[tilespmem:$0x18080] =	vst v63  }
0x58: {  	s16 =	smov.u32 s14;
	s14 =	sadd.s32 $0x80, s14;
	_ =	swait.ge [sflag:s11], $0x400  }
.Ltmp3:
0x59: {  	[sflag:s11] =	ssyncset.done $0x0;
	(pc) =	sbr.rel @p0 .LBB2_8-.Ltmp3, $4  }
0x5a: {  	s16 =	sadd.s32 s16, s9;
	[sflag:s11] =	ssyncadd.s32 $0xFFFFFC00  }
0x5b: {  	[hbm4b:s16+s4] =	stream.linear.scatter [tilespmem:s10], [sflag:$0x2], $0x400, $0x38;
	[tilespmem:$0x18080] =	vst v63  }
0x5c: {  	_ =	swait.ge [sflag:s11], $0x400  }
0x5d: {  	[sflag:s11] =	ssyncset.done $0x0  }
0x5e: {  	s13 =	sadd.s32 $0x1, s13  }
0x5f: {  	p0 =	sne.s32 s13, s6  }
.Ltmp4:
0x60: {  	_ = 	snop;
	(pc) =	sbr.rel @p0 .LBB2_1-.Ltmp4, $2  }
0x61: {  	_ =	sdelay $0x2  }
0x62: {  	[sflag:s11] =	ssyncadd.s32 $0xFFFFFC00  }
0x63: {  	_ =	sfence.sel $0x180000  }
0x64: {  	[bflag:$0x0] =	sbarrier.arrive $0xFFFF  }
0x65: {  	p0 =	sne.s32 s1, $0x0;
	_ =	strace $0x90000053  }
0x66: {  	s0 =	sadd.s32 @!p0 $0x100000, s0;
	[bflag:$0x2] =	sbarrier.arrive $0xFFFF  }
0x67: {  	[sflag:s0] =	ssyncadd.tile.s32 @!p0 $0x1;
	_ =	shalt  }
.Lfunc_end2:
_tile_overlayer_lowered:
.L_overlay_start_2:
0x68: {  	(tag) =	ssettag $0x2  }
0x69: {  	s0 =	rddreg [dreg:$0x0];
	s2 =	stileid.u32  }
0x6a: {  	s1 =	rddreg [dreg:$0x1];
	p0 =	sne.s32 s2, $0x0  }
0x6b: {  	s3 =	rddreg [dreg:$0x2];
	[bflag:$0x3] =	sbarrier.arrive $0xFFFF;
	s2 =	simm.s32 @!p0 $0x1C02  }
0x6c: {  	[timem:s3], [sflag:s2] =	dma.local @!p0 [hbm:s0], s1  }
0x6d: {  	s0 =	simm.s32 @!p0 $0x2  }
0x6e: {  	_ =	swait.ge @!p0 [sflag:s0], s1  }
0x6f: {  	s1 =	ssub.s32 @!p0 $0x0, s1;
	[sflag:s0] =	ssyncset.done @!p0 $0x0  }
0x70: {  	[sflag:s0] =	ssyncadd.s32 @!p0 s1  }
0x71: {  	[bflag:$0x3] =	sbarrier.arrive $0xFFFF  }
0x72: {  	_ =	shalt  }

// kernel: kernel.8.cloned.1.call-start
scs
__scs_entry_jumppad:
0x0: {  	(pc) =	sbr.rel $0x88, $3  }
0x1: {  	(tag) =	ssettag $0x0;
	lr =	simm.s32 $0x1  }
0x2: {  	[smem:$0x3F91] =	sst lr;
	_ =	strace $0xD0000000  }
0x3: {  	_ = 	snop  }
0x4: {  	_ = 	snop  }
0x5: {  	_ = 	snop  }
0x6: {  	_ = 	snop  }
0x7: {  	_ = 	snop  }
__scs_overlays_trampoline_lowered:
0x8: {  	[smem:$0x3FA0] =	sst s0  }
0x9: {  	[smem:$0x3FA1] =	sst s1  }
0xa: {  	[smem:$0x3FA2] =	sst s2  }
0xb: {  	[smem:$0x3FA3] =	sst s3  }
0xc: {  	[smem:$0x3FA4] =	sst s4  }
0xd: {  	[smem:$0x3FA5] =	sst s5  }
0xe: {  	[smem:$0x3FA6] =	sst s6  }
0xf: {  	[smem:$0x3FA7] =	sst s7  }
0x10: {  	[smem:$0x3FA8] =	sst s8  }
0x11: {  	[smem:$0x3FA9] =	sst s9;
	s0 =	simm.s32 @!p0 $0x0  }
0x12: {  	s1 =	sld [smem:$0x3F8F];
	s0 =	simm.s32 @p0 $0x1  }
0x13: {  	[smem:$0x3FAA] =	sst s0;
	s0 =	simm.s32 @!p1 $0x0  }
0x14: {  	s2 =	sld [smem:$0x3F8E];
	s0 =	simm.s32 @p1 $0x1  }
0x15: {  	[smem:$0x3FAB] =	sst s0;
	s0 =	simm.s32 @!p2 $0x0  }
0x16: {  	s3 =	sld [smem:$0x3FDB];
	s0 =	simm.s32 @p2 $0x1  }
0x17: {  	s4 =	simm.s32 $0x1BF5;
	[smem:$0x3FAD] =	sst s0  }
0x18: {  	s0 =	sld [smem:$0x3F90];
	_ =	swait.ge [sflag:s4], $0x0  }
0x19: {  	s7 =	sld [smem:$0x3F91]  }
0x1a: {  	s8 =	sadd.s32 $0xFFFFE003, lr  }
0x1b: {  	s9 =	sadd.s32 $0xFFFFFEF7, lr;
	s5 =	simm.s32 $0xFFFFFFFF;
	p2 =	slt.u32 s8, $0xFFFFF086  }
0x1c: {  	p1 =	slt.u32 s9, $0xF7A;
	s5 =	simm.s32 @!p2 $0x0  }
0x1d: {  	s5 =	simm.s32 @p1 $0x1;
	p0 =	seq.s32 s7, s2  }
0x1e: {  	s7 =	smul.u32 @!p0 $0xF7A, s2;
	p2 =	seq.s32 @!p0 s5, $0x0  }
0x1f: {  	s9 =	smul.u32 $0xF7A, s1;
	s8 =	simm.s32 @!p0 $0x1BF5;
	p2 =	por !p2, p0  }
0x20: {  	[sflag:s8] =	ssyncset.s32 @!p0 $0xFFFFF086;
	s6 =	sadd.s32 @!p0 s3, s7;
	s7 =	simm.s32 @!p0 $0x108  }
0x21: {  	s3 =	sadd.s32 s3, s9;
	s6 =	sadd.s32 @!p0 $0x88, s6;
	s7 =	simm.s32 @p2 $0x1082  }
0x22: {  	[simem:s7], [sflag:s8] =	dma.local @!p0 [hbm:s6], $0xF7A  }
0x23: {  	s9 =	sor.u32 $0xD0000000, s2;
	s6 =	simm.s32 $0x108;
	_ =	swait.ge @!p0 [sflag:s8], $0x0  }
0x24: {  	s3 =	sadd.s32 $0x88, s3;
	s6 =	simm.s32 @!p1 $0x1082;
	[sflag:s4] =	ssyncset.s32 $0xFFFFF086  }
0x25: {  	[simem:s6], [sflag:s4] =	dma.local [hbm:s3], $0xF7A  }
0x26: {  	[smem:$0x3F91] =	sst s1;
	(tag) =	ssettag s2;
	_ =	strace s9  }
0x27: {  	s1 =	sld [smem:$0x3FA1]  }
0x28: {  	s2 =	sld [smem:$0x3FA2]  }
0x29: {  	s4 =	sld [smem:$0x3FA4]  }
0x2a: {  	p0 =	seq.s32 s5, $0x0;
	s5 =	sld [smem:$0x3FA5]  }
0x2b: {  	s6 =	sld [smem:$0x3FA6]  }
0x2c: {  	s7 =	sld [smem:$0x3FA7]  }
0x2d: {  	s3 =	simm.s32 $0x108;
	s8 =	sld [smem:$0x3FA8]  }
0x2e: {  	s3 =	simm.s32 @!p0 $0x1082;
	s9 =	sld [smem:$0x3FA9]  }
0x2f: {  	lr =	sadd.s32 s0, s3;
	s0 =	sld [smem:$0x3FA0]  }
0x30: {  	s3 =	sld [smem:$0x3FA3]  }
0x31: {  	[smem:$0x3FAC] =	sst s10  }
0x32: {  	s10 =	sld [smem:$0x3FAA];
	_ =	sdelay $0x3  }
0x33: {  	p0 =	seq.s32 s10, $0x1;
	s10 =	sld [smem:$0x3FAC];
	_ =	sdelay $0x3  }
0x34: {  	[smem:$0x3FAC] =	sst s10  }
0x35: {  	s10 =	sld [smem:$0x3FAB];
	_ =	sdelay $0x3  }
0x36: {  	p1 =	seq.s32 s10, $0x1;
	s10 =	sld [smem:$0x3FAC];
	_ =	sdelay $0x3  }
0x37: {  	[smem:$0x3FAC] =	sst s10  }
0x38: {  	s10 =	sld [smem:$0x3FAD]  }
0x39: {  	_ = 	snop;
	(pc) =	sbr.ind lr, $3  }
0x3a: {  	_ = 	snop  }
0x3b: {  	_ = 	snop  }
0x3c: {  	p2 =	seq.s32 s10, $0x1;
	s10 =	sld [smem:$0x3FAC]  }
0x3d: {  	_ =	shalt  }
0x3e: {  	_ =	shalt  }
0x3f: {  	_ =	shalt  }
0x40: {  	_ =	shalt  }
0x41: {  	_ =	shalt  }
0x42: {  	_ =	shalt  }
0x43: {  	_ =	shalt  }
0x44: {  	_ =	shalt  }
0x45: {  	_ =	shalt  }
0x46: {  	_ =	shalt  }
0x47: {  	_ =	shalt  }
0x48: {  	_ =	shalt  }
0x49: {  	_ =	shalt  }
0x4a: {  	_ =	shalt  }
0x4b: {  	_ =	shalt  }
0x4c: {  	_ =	shalt  }
0x4d: {  	_ =	shalt  }
0x4e: {  	_ =	shalt  }
0x4f: {  	_ =	shalt  }
0x50: {  	_ =	shalt  }
0x51: {  	_ =	shalt  }
0x52: {  	_ =	shalt  }
0x53: {  	_ =	shalt  }
0x54: {  	_ =	shalt  }
0x55: {  	_ =	shalt  }
0x56: {  	_ =	shalt  }
0x57: {  	_ =	shalt  }
0x58: {  	_ =	shalt  }
0x59: {  	_ =	shalt  }
0x5a: {  	_ =	shalt  }
0x5b: {  	_ =	shalt  }
0x5c: {  	_ =	shalt  }
0x5d: {  	_ =	shalt  }
0x5e: {  	_ =	shalt  }
0x5f: {  	_ =	shalt  }
0x60: {  	_ =	shalt  }
0x61: {  	_ =	shalt  }
0x62: {  	_ =	shalt  }
0x63: {  	_ =	shalt  }
0x64: {  	_ =	shalt  }
0x65: {  	_ =	shalt  }
0x66: {  	_ =	shalt  }
0x67: {  	_ =	shalt  }
0x68: {  	_ =	shalt  }
0x69: {  	_ =	shalt  }
0x6a: {  	_ =	shalt  }
0x6b: {  	_ =	shalt  }
0x6c: {  	_ =	shalt  }
0x6d: {  	_ =	shalt  }
0x6e: {  	_ =	shalt  }
0x6f: {  	_ =	shalt  }
0x70: {  	_ =	shalt  }
0x71: {  	_ =	shalt  }
0x72: {  	_ =	shalt  }
0x73: {  	_ =	shalt  }
0x74: {  	_ =	shalt  }
0x75: {  	_ =	shalt  }
0x76: {  	_ =	shalt  }
0x77: {  	_ =	shalt  }
0x78: {  	_ =	shalt  }
0x79: {  	_ =	shalt  }
0x7a: {  	_ =	shalt  }
0x7b: {  	_ =	shalt  }
0x7c: {  	_ =	shalt  }
0x7d: {  	_ =	shalt  }
0x7e: {  	_ =	shalt  }
0x7f: {  	_ =	shalt  }
0x80: {  	_ =	shalt  }
0x81: {  	_ =	shalt  }
0x82: {  	_ =	shalt  }
0x83: {  	_ =	shalt  }
0x84: {  	_ =	shalt  }
0x85: {  	_ =	shalt  }
0x86: {  	_ =	shalt  }
0x87: {  	_ =	shalt  }
.Lfunc_end0:
.L_simem_size_0:
called_computation_lowered:
.L_overlay_start_0:
0x88: {  	s2 =	sld [smem:$0x3FD9]  }
0x89: {  	s3 =	sld [smem:$0x3FFE];
	_ =	sdelay $0x1  }
0x8a: {  	s1 =	srdreg.scid  }
0x8b: {  	s0 =	sand.u32 $0x1, s1  }
0x8c: {  	s17 =	sshll.u32 s0, $0xA;
	s2 =	sadd.s32 s3, s2  }
0x8d: {  	s2 =	sadd.s32 s2, s17  }
0x8e: {  	[smem:$0x3FB8] =	sst s2  }
0x8f: {  	_ = 	snop  }
0x90: {  	s2 =	sld [smem:$0x3FD0];
	(tm) =	ssettm $0x1  }
0x91: {  	s18 =	sld [smem:$0x3FFB];
	_ =	sdelay $0x3  }
0x92: {  	_ =	strace s18  }
0x93: {  	s3 =	sld [smem:$0x3FFC];
	_ =	sdelay $0x3  }
0x94: {  	_ =	strace s3  }
0x95: {  	s3 =	sld [smem:$0x3FFD];
	_ =	sdelay $0x3  }
0x96: {  	_ =	strace s3  }
0x97: {  	_ =	strace $0x8FFFFFFF  }
0x98: {  	s19 =	sld [smem:$0x3FDB];
	_ =	sdelay $0x1  }
0x99: {  	s4 =	simm.s32 $_scs_section_size  }
0x9a: {  	s5 =	simm.s32 $_size__tile_overlayer_lowered;
	s6 =	simm.s32 $_tile_overlayer_lowered  }
0x9b: {  	s22 =	simm.s32 $0x1BFF;
	s21 =	sshll.u32 s6, $0x1;
	s3 =	sadd.s32 s4, s19  }
0x9c: {  	s7 =	simm.s32 $0x0;
	s20 =	sshll.u32 s5, $0x1;
	s5 =	sadd.s32 s21, s3  }
0x9d: {  	[timem:s7], [sflag:s22] =	dma.local [hbm:s5], s20  }
0x9e: {  	_ =	swait.ge [sflag:s22], s20  }
0x9f: {  	s4 =	ssub.s32 $0x0, s20;
	[sflag:s22] =	ssyncset.done $0x0  }
0xa0: {  	[sflag:s22] =	ssyncadd.s32 s4;
	_ =	sdelay $0x1  }
0xa1: {  	s23 =	simm.s32 $0x1B8B  }
0xa2: {  	_ =	swait.ge [sflag:s23], $0x1  }
0xa3: {  	[sflag:s23] =	ssyncset.done $0x0  }
0xa4: {  	s25 =	simm.s32 $0x1B8E;
	s24 =	sld [smem:$0x3FFE];
	[sflag:s23] =	ssyncadd.s32 $0xFFFFFFFF  }
0xa5: {  	s26 =	simm.s32 $execute0_lowered;
	[smem:$0x3FD2] =	sst s25  }
0xa6: {  	s5 =	sshll.u32 s26, $0x1;
	_ =	strace $0x80000046;
	[dreg:$0x1] =	wrdreg $0xFFFFFFFF  }
0xa7: {  	s28 =	simm.s32 $_size_execute0_lowered;
	s3 =	sadd.s32 s3, s5;
	[dreg:$0x0] =	wrdreg $0x0  }
0xa8: {  	s5 =	sshll.u32 s28, $0x1;
	[dreg:$0x2] =	wrdreg s3  }
0xa9: {  	[dreg:$0x3] =	wrdreg s5  }
0xaa: {  	[dreg:$0x4] =	wrdreg $0xC0  }
0xab: {  	_ =	task [dreg:s7], $0x5FFFF  }
0xac: {  	[dreg:$0x1] =	wrdreg $0xFFFFFFFF  }
0xad: {  	[dreg:$0x0] =	wrdreg $0x60  }
0xae: {  	[dreg:$0x2] =	wrdreg s2  }
0xaf: {  	[dreg:$0x3] =	wrdreg s24  }
0xb0: {  	[dreg:$0x4] =	wrdreg $0x80800  }
0xb1: {  	[dreg:$0x5] =	wrdreg $0x9  }
0xb2: {  	_ =	task.clear_ibuf [dreg:s7], $0x6FFFF;
	_ =	strace $0x90000046  }
0xb3: {  	s29 =	simm.s32 $0x9;
	_ =	strace $0x80000048  }
0xb4: {  	_ =	swait.ge [sflag:s29], $0x1  }
0xb5: {  	[sflag:s29] =	ssyncadd.s32 $0xFFFFFFFF  }
0xb6: {  	_ =	strace $0x90000048  }
0xb7: {  	_ =	sfence  }
0xb8: {  	s30 =	sld [smem:$0x0];
	_ =	sdelay $0x2  }
0xb9: {  	s31 =	sshll.u32 s1, $0xD;
	s1 =	sshrl.u32 s1, $0x2  }
0xba: {  	s3 =	sand.u32 $0x4000, s31;
	s1 =	sadd.s32 s1, s30  }
0xbb: {  	s0 =	sor.u32 s3, s0;
	s1 =	sshll.u32 s1, $0x11  }
0xbc: {  	s0 =	sor.u32 s1, s0  }
0xbd: {  	s0 =	sadd.s32 $0x8F2B, s0  }
0xbe: {  	[sflag:s0] =	ssyncadd.remote.s32 $0x1  }
0xbf: {  	_ =	sfence.sel $0xFFFF  }
0xc0: {  	[dreg:$0x0] =	wrdreg $0xFFFFFFFF;
	(pc) =	sbr.abs _section_cstart, $3  }
0xc1: {  	[dreg:$0x1] =	wrdreg $0xFFFFFFFF  }
0xc2: {  	_ =	task.clear_ibuf [dreg:s7], $0x2FFFF;
	_ =	strace $0x9FFFFFFF  }
0xc3: {  	(tm) =	ssettm $0x7FFFFFFF  }
tec
execute0_lowered:
.L_overlay_start_1:
0x0: {  	(tag) =	ssettag $0x1  }
0x1: {  	s5 =	rddreg [dreg:$0x0]  }
0x2: {  	s4 =	rddreg [dreg:$0x1];
	s2 =	srdreg.scid  }
0x3: {  	s1 =	rddreg [dreg:$0x2];
	s6 =	sand.u32 $0x1, s2  }
0x4: {  	s2 =	stileid.u32;
	s7 =	smul.u32 $0x28000, s6  }
0x5: {  	s0 =	rddreg [dreg:$0x3];
	s3 =	simm.s32 $0x0;
	s8 =	smul.u32 $0x50000, s2  }
0x6: {  	s12 =	simm.s32 $0x0;
	[smem:$0x7FF] =	sst s3;
	s9 =	smul.u32 $0xA20, s2  }
0x7: {  	_ =	strace $0x80000047;
	s30 =	ssub.s32 $0x2, s6;
	s6 =	smul.u32 $0x510, s6  }
0x8: {  	s11 =	smul.u32 $0x2800, s2;
	s10 =	sshrl.u32 s30, $0x1;
	s7 =	sadd.s32 s7, s4  }
0x9: {  	s8 =	sshrl.u32 s8, $0x2;
	s10 =	ssub.s32 s30, s10;
	s31 =	sadd.s32 s9, s5  }
0xa: {  	s9 =	simm.s32 $0x2;
	s4 =	sadd.s32 s8, s1;
	s5 =	smax.u32 s10, $0x1  }
0xb: {  	s6 =	sadd.s32 s6, s31;
	s7 =	sadd.s32 s11, s7;
	s8 =	simm.s32 $0x4080  }
0xc: {  	v0 =	vimm.f32 $0.0e+00;
	v1 =	vimm.f32 $1.000000000e+00;
	s10 =	simm.s32 $0x80;
	s11 =	simm.s32 $0x1;
	s7 =	sadd.s32 $0x3E00, s7  }
.LBB2_1:
0xd: {  	s13 =	simm.s32 $0x200;
	s14 =	simm.s32 $0x0  }
.LBB2_2:
0xe: {  	p0 =	sne.s32 s13, $0xFE00;
	[tilespmem:s14+$0x4080] =	vst v0;
	s14 =	smov.u32 s13;
	s13 =	sadd.s32 $0x200, s13  }
.Ltmp0:
0xf: {  	(pc) =	sbr.rel @p0 .LBB2_2-.Ltmp0, $2  }
0x10: {  	_ =	sdelay $0x2  }
0x11: {  	s14 =	sshra.s32 s14, $0x2  }
0x12: {  	[tilespmem:s14+$0x4080] =	vst v0;
	s13 =	sadd.s32 $0x0, s4  }
0x13: {  	[spmem:s13] =	stream.linear.scatter [tilespmem:s8], [sflag:$0x2], $0x400, $0x38;
	[tilespmem:$0xA880] =	vst v63  }
0x14: {  	s13 =	simm.s32 $0x1000;
	_ =	swait.ge [sflag:s9], $0x400  }
.LBB2_4:
0x15: {  	s14 =	sshra.s32 s13, $0x2;
	[sflag:s9] =	ssyncset.done $0x0;
	p0 =	sne.s32 s13, $0x4F000  }
.Ltmp1:
0x16: {  	s14 =	sadd.s32 s14, s4;
	[sflag:s9] =	ssyncadd.s32 $0xFFFFFC00;
	(pc) =	sbr.rel @p0 .LBB2_4-.Ltmp1, $3  }
0x17: {  	[spmem:s14] =	stream.linear.scatter [tilespmem:s8], [sflag:$0x2], $0x400, $0x38;
	[tilespmem:$0xA880] =	vst v63  }
0x18: {  	s13 =	sadd.s32 $0x1000, s13;
	_ =	sdelay $0x1  }
0x19: {  	_ =	swait.ge [sflag:s9], $0x400  }
0x1a: {  	[sflag:s9] =	ssyncset.done $0x0  }
0x1b: {  	s13 =	simm.s32 $0x200;
	s14 =	simm.s32 $0x0;
	[sflag:s9] =	ssyncadd.s32 $0xFFFFFC00  }
.LBB2_6:
0x1c: {  	p0 =	sne.s32 s13, $0xFE00;
	[tilespmem:s14+$0x80] =	vst v1;
	s14 =	smov.u32 s13;
	s13 =	sadd.s32 $0x200, s13  }
.Ltmp2:
0x1d: {  	(pc) =	sbr.rel @p0 .LBB2_6-.Ltmp2, $2  }
0x1e: {  	_ =	sdelay $0x2  }
0x1f: {  	s14 =	sshra.s32 s14, $0x2  }
0x20: {  	[tilespmem:s14+$0x80] =	vst v1  }
0x21: {  	s13 =	sadd.s32 $0x0, s6;
	[bflag:$0x0] =	sbarrier.arrive $0xFFFF  }
0x22: {  	[tilespmem:s3], [sflag:$0x2] =	stream.linear.gather [hbm4b:s13+s3], $0x80, $0x38;
	[tilespmem:$0xA880] =	vst v63  }
0x23: {  	_ =	swait.ge [sflag:s9], $0x80  }
0x24: {  	[sflag:s9] =	ssyncset.done $0x0  }
0x25: {  	[sflag:s9] =	ssyncadd.s32 $0xFFFFFF80  }
0x26: {  	[spmem:s1] =	stream.indirect.scatter.add.f32 [tilespmem:s10], [sflag:$0x1], $0x10, s3, s10, $0xb8;
	[tilespmem:$0xA880] =	vst v63  }
0x27: {  	_ =	swait.ge [sflag:s11], $0x800  }
0x28: {  	s14 =	simm.s32 $0x20;
	s13 =	simm.s32 $0x10;
	[sflag:s11] =	ssyncset.done $0x0  }
.LBB2_8:
0x29: {  	s15 =	sadd.s32 s13, s6  }
0x2a: {  	[sflag:s11] =	ssyncadd.s32 $0xFFFFF800;
	s13 =	smov.u32 s14;
	s16 =	sadd.s32 $0x10, s14  }
0x2b: {  	[tilespmem:s3], [sflag:$0x2] =	stream.linear.gather [hbm4b:s15+s3], $0x80, $0x38;
	[tilespmem:$0xA880] =	vst v63  }
0x2c: {  	p0 =	sne.s32 s14, $0x500;
	_ =	swait.ge [sflag:s9], $0x80  }
.Ltmp3:
0x2d: {  	[sflag:s9] =	ssyncset.done $0x0;
	(pc) =	sbr.rel @p0 .LBB2_8-.Ltmp3, $4  }
0x2e: {  	[sflag:s9] =	ssyncadd.s32 $0xFFFFFF80  }
0x2f: {  	[spmem:s1] =	stream.indirect.scatter.add.f32 [tilespmem:s10], [sflag:$0x1], $0x10, s3, s10, $0xb8;
	[tilespmem:$0xA880] =	vst v63  }
0x30: {  	_ =	swait.ge [sflag:s11], $0x800  }
0x31: {  	s14 =	smov.u32 s16;
	[sflag:s11] =	ssyncset.done $0x0  }
0x32: {  	s13 =	sadd.s32 s13, s6;
	[sflag:s11] =	ssyncadd.s32 $0xFFFFF800  }
0x33: {  	[tilespmem:s3], [sflag:$0x2] =	stream.linear.gather [hbm4b:s13+s3], $0x80, $0x38;
	[tilespmem:$0xA880] =	vst v63  }
0x34: {  	_ =	swait.ge [sflag:s9], $0x80  }
0x35: {  	[sflag:s9] =	ssyncset.done $0x0  }
0x36: {  	[sflag:s9] =	ssyncadd.s32 $0xFFFFFF80  }
0x37: {  	[spmem:s1] =	stream.indirect.scatter.add.f32 [tilespmem:s10], [sflag:$0x1], $0x10, s3, s10, $0xb8;
	[tilespmem:$0xA880] =	vst v63  }
0x38: {  	_ =	swait.ge [sflag:s11], $0x800  }
0x39: {  	[sflag:s11] =	ssyncset.done $0x0  }
0x3a: {  	[sflag:s11] =	ssyncadd.s32 $0xFFFFF800  }
0x3b: {  	[bflag:$0x0] =	sbarrier.arrive $0xFFFF  }
0x3c: {  	[tilespmem:s8], [sflag:$0x2] =	stream.linear.gather [spmem:s4], $0x400, $0x38;
	[tilespmem:$0xA880] =	vst v63  }
0x3d: {  	_ =	swait.ge [sflag:s9], $0x400  }
0x3e: {  	[sflag:s9] =	ssyncset.done $0x0  }
0x3f: {  	s31 =	sadd.s32 $0x0, s7;
	[sflag:s9] =	ssyncadd.s32 $0xFFFFFC00  }
0x40: {  	[hbm4b:s31+s3] =	stream.linear.scatter [tilespmem:s8], [sflag:$0x2], $0x400, $0x38;
	[tilespmem:$0xA880] =	vst v63  }
0x41: {  	_ =	swait.ge [sflag:s9], $0x400  }
0x42: {  	s14 =	smov.u32 s4;
	s13 =	simm.s32 $0x80;
	[sflag:s9] =	ssyncset.done $0x0  }
.LBB2_10:
0x43: {  	p0 =	sne.s32 s13, $0x2780;
	[sflag:s9] =	ssyncadd.s32 $0xFFFFFC00;
	s14 =	sadd.s32 $0x400, s14  }
0x44: {  	[tilespmem:s8], [sflag:$0x2] =	stream.linear.gather [spmem:s14], $0x400, $0x38;
	[tilespmem:$0xA880] =	vst v63  }
0x45: {  	s15 =	smov.u32 s13;
	s13 =	sadd.s32 $0x80, s13;
	_ =	swait.ge [sflag:s9], $0x400  }
.Ltmp4:
0x46: {  	[sflag:s9] =	ssyncset.done $0x0;
	(pc) =	sbr.rel @p0 .LBB2_10-.Ltmp4, $4  }
0x47: {  	s15 =	sadd.s32 s15, s7;
	[sflag:s9] =	ssyncadd.s32 $0xFFFFFC00  }
0x48: {  	[hbm4b:s15+s3] =	stream.linear.scatter [tilespmem:s8], [sflag:$0x2], $0x400, $0x38;
	[tilespmem:$0xA880] =	vst v63  }
0x49: {  	_ =	swait.ge [sflag:s9], $0x400  }
0x4a: {  	[sflag:s9] =	ssyncset.done $0x0  }
0x4b: {  	s12 =	sadd.s32 $0x1, s12  }
0x4c: {  	p0 =	sne.s32 s12, s5  }
.Ltmp5:
0x4d: {  	_ = 	snop;
	(pc) =	sbr.rel @p0 .LBB2_1-.Ltmp5, $2  }
0x4e: {  	_ =	sdelay $0x2  }
0x4f: {  	[sflag:s9] =	ssyncadd.s32 $0xFFFFFC00  }
0x50: {  	_ =	sfence.sel $0x180000  }
0x51: {  	[bflag:$0x0] =	sbarrier.arrive $0xFFFF  }
0x52: {  	p0 =	sne.s32 s2, $0x0;
	_ =	strace $0x90000047  }
0x53: {  	s0 =	sadd.s32 @!p0 $0x100000, s0;
	[bflag:$0x2] =	sbarrier.arrive $0xFFFF  }
0x54: {  	[sflag:s0] =	ssyncadd.tile.s32 @!p0 $0x1;
	_ =	shalt  }
.Lfunc_end2:
_tile_overlayer_lowered:
.L_overlay_start_2:
0x55: {  	(tag) =	ssettag $0x2  }
0x56: {  	s0 =	rddreg [dreg:$0x0];
	s2 =	stileid.u32  }
0x57: {  	s1 =	rddreg [dreg:$0x1];
	p0 =	sne.s32 s2, $0x0  }
0x58: {  	s3 =	rddreg [dreg:$0x2];
	[bflag:$0x3] =	sbarrier.arrive $0xFFFF;
	s2 =	simm.s32 @!p0 $0x1C02  }
0x59: {  	[timem:s3], [sflag:s2] =	dma.local @!p0 [hbm:s0], s1  }
0x5a: {  	s0 =	simm.s32 @!p0 $0x2  }
0x5b: {  	_ =	swait.ge @!p0 [sflag:s0], s1  }
0x5c: {  	s1 =	ssub.s32 @!p0 $0x0, s1;
	[sflag:s0] =	ssyncset.done @!p0 $0x0  }
0x5d: {  	[sflag:s0] =	ssyncadd.s32 @!p0 s1  }
0x5e: {  	[bflag:$0x3] =	sbarrier.arrive $0xFFFF  }
0x5f: {  	_ =	shalt  }

</sc_bundles>
